<compile_context>
chip_gen: v7x
topology: tpu7x:2x2x1
jax: 0.10.2.dev20260603
libtpu: 0.0.44.dev20260713+nightly
codegen_flags: <defaults>
</compile_context>

<pallas_src>
import functools

import jax
import jax.numpy as jnp
from jax import lax
from jax.experimental import pallas as pl
from jax.experimental.pallas import tpu as pltpu
from jax.experimental.pallas import tpu_sc as plsc

N = 10000
E = 320000
D = 128
G = 400
EP = 20
NC = 5
NQ = 10

NCORE = 2
NSUB = 16
NW = NCORE * NSUB
CH = 128
EPW = E // NW
NQT = 4
QCH = 20
CHUNKS = NQT * QCH
PPW = CHUNKS * CH - EPW
RPT = 640
R = NSUB * RPT

BN = 2000
NB = N // BN


def _sc_edge_agg(x, src3, dst3, zrows):
    @functools.partial(
        pl.kernel,
        out_type=jax.ShapeDtypeStruct((NCORE, R, D), jnp.float32),
        mesh=plsc.VectorSubcoreMesh(core_axis_name="c", subcore_axis_name="s"),
        scratch_types=[
            pltpu.VMEM((2, QCH, CH), jnp.int32),
            pltpu.VMEM((2, QCH, CH), jnp.int32),
            pltpu.VMEM((2, CH, D), jnp.float32),
            pltpu.VMEM_SHARED((R, D), jnp.float32),
            pltpu.SemaphoreType.DMA,
            pltpu.SemaphoreType.DMA,
            pltpu.SemaphoreType.DMA,
        ],
    )
    def body(x_hbm, src_hbm, dst_hbm, z_hbm, out_hbm, sidx_v, didx_v, rows_v,
             agg_sh, sem_i, sem_g, sem_s):
        c = lax.axis_index("c")
        s = lax.axis_index("s")
        wid = c * NSUB + s

        def stage(q, b):
            pltpu.async_copy(src_hbm.at[wid, q], sidx_v.at[b], sem_i)
            pltpu.async_copy(dst_hbm.at[wid, q], didx_v.at[b], sem_i)

        def stage_wait(q, b):
            pltpu.make_async_copy(src_hbm.at[wid, q], sidx_v.at[b],
                                  sem_i).wait()
            pltpu.make_async_copy(dst_hbm.at[wid, q], didx_v.at[b],
                                  sem_i).wait()

        stage(0, 0)
        pltpu.sync_copy(z_hbm, agg_sh.at[pl.ds(s * RPT, RPT)])
        plsc.subcore_barrier()
        stage_wait(0, 0)

        for q in range(NQT):
            b = q % 2
            if q + 1 < NQT:
                stage(q + 1, 1 - b)

            def pair(j, carry):
                g0 = 2 * j
                g1 = g0 + 1
                dg0 = pltpu.async_copy(x_hbm.at[sidx_v.at[b, g0]],
                                       rows_v.at[0], sem_g)
                dg1 = pltpu.async_copy(x_hbm.at[sidx_v.at[b, g1]],
                                       rows_v.at[1], sem_g)
                dg0.wait()
                ds0 = pltpu.async_copy(rows_v.at[0],
                                       agg_sh.at[didx_v.at[b, g0]],
                                       sem_s, add=True)
                dg1.wait()
                ds1 = pltpu.async_copy(rows_v.at[1],
                                       agg_sh.at[didx_v.at[b, g1]],
                                       sem_s, add=True)
                ds0.wait()
                ds1.wait()
                return carry

            lax.fori_loop(0, QCH // 2, pair, 0, unroll=2)
            if q + 1 < NQT:
                stage_wait(q + 1, 1 - b)

        plsc.subcore_barrier()

        pltpu.sync_copy(agg_sh.at[pl.ds(s * RPT, RPT)],
                        out_hbm.at[c, pl.ds(s * RPT, RPT)])

    return body(x, src3, dst3, zrows)


def _tc_body(parts_ref, x_ref, wm_ref, ws_ref, gid_ref, pidx_ref,
             qidx_ref, out_ref, sums, counts):
    i = pl.program_id(0)

    @pl.when(i == 0)
    def _init():
        sums[...] = jnp.zeros_like(sums)
        counts[...] = jnp.zeros_like(counts)

    agg = parts_ref[0] + parts_ref[1]
    z = lax.dot_general(agg, wm_ref[...], (((1,), (0,)), ((), ())),
                        preferred_element_type=jnp.float32)
    z = z + lax.dot_general(x_ref[...], ws_ref[...], (((1,), (0,)), ((), ())),
                            preferred_element_type=jnp.float32)
    h = jnp.maximum(z, 0.0)

    gid = gid_ref[0]
    ohT = (lax.broadcasted_iota(jnp.int32, (G, BN), 0) == gid
           ).astype(jnp.float32)
    sums[...] += lax.dot_general(ohT, h, (((1,), (0,)), ((), ())),
                                 preferred_element_type=jnp.float32)
    counts[...] += jnp.sum(ohT, axis=1, keepdims=True)

    @pl.when(i == NB - 1)
    def _finish():
        ge = sums[...] / jnp.maximum(counts[...], 1.0)
        pidx = pidx_ref[...]
        qidx = qidx_ref[...]
        ohp = (pidx == lax.broadcasted_iota(jnp.int32, (EP * 8, G), 1)
               ).astype(jnp.float32)
        ohq = (qidx == lax.broadcasted_iota(jnp.int32, (EP * 16, G), 1)
               ).astype(jnp.float32)
        P = lax.dot_general(ohp, ge, (((1,), (0,)), ((), ())),
                            preferred_element_type=jnp.float32)
        Q = lax.dot_general(ohq, ge, (((1,), (0,)), ((), ())),
                            preferred_element_type=jnp.float32)
        pnrm = jnp.sqrt(jnp.sum(P * P, axis=1, keepdims=True))
        qnrm = jnp.sqrt(jnp.sum(Q * Q, axis=1, keepdims=True))
        pn = P / (pnrm + 1e-8)
        qn = Q / (qnrm + 1e-8)
        for e in range(EP):
            qe = lax.slice(qn, (e * 16, 0), (e * 16 + 16, D))
            pe = lax.slice(pn, (e * 8, 0), (e * 8 + 8, D))
            se = lax.dot_general(qe, pe, (((1,), (1,)), ((), ())),
                                 preferred_element_type=jnp.float32)
            out_ref[e] = lax.slice(se, (0, 0), (NQ, NC))


def _make_tc(interpret=False):
    return pl.pallas_call(
        _tc_body,
        grid=(NB,),
        in_specs=[
            pl.BlockSpec((NCORE, BN, D), lambda i: (0, i, 0)),
            pl.BlockSpec((BN, D), lambda i: (i, 0)),
            pl.BlockSpec((D, D), lambda i: (0, 0)),
            pl.BlockSpec((D, D), lambda i: (0, 0)),
            pl.BlockSpec((1, 1, BN), lambda i: (i, 0, 0)),
            pl.BlockSpec((EP * 8, 1), lambda i: (0, 0)),
            pl.BlockSpec((EP * 16, 1), lambda i: (0, 0)),
        ],
        out_specs=pl.BlockSpec((EP, NQ, NC), lambda i: (0, 0, 0)),
        out_shape=jax.ShapeDtypeStruct((EP, NQ, NC), jnp.float32),
        scratch_shapes=[
            pltpu.VMEM((G, D), jnp.float32),
            pltpu.VMEM((G, 1), jnp.float32),
        ],
        interpret=interpret,
    )


def kernel(x, W_msg, W_self, edge_index, graph_ids, prototype_indices,
           query_indices):
    src = edge_index[0]
    dst = edge_index[1]
    pad_iota = jnp.arange(PPW, dtype=jnp.int32)
    pad_src = jnp.broadcast_to(pad_iota[None, :], (NW, PPW))
    pad_dst = jnp.broadcast_to((N + pad_iota)[None, :], (NW, PPW))
    src3 = jnp.concatenate([src.reshape(NW, EPW), pad_src],
                           axis=1).reshape(NW, NQT, QCH, CH)
    dst3 = jnp.concatenate([dst.reshape(NW, EPW), pad_dst],
                           axis=1).reshape(NW, NQT, QCH, CH)
    zrows = jnp.zeros((RPT, D), jnp.float32)
    parts = _sc_edge_agg(x, src3, dst3, zrows)

    gid3 = graph_ids.reshape(NB, 1, BN)
    pidx = jnp.pad(prototype_indices.reshape(EP, NC),
                   ((0, 0), (0, 3))).reshape(EP * 8, 1)
    qidx = jnp.pad(query_indices.reshape(EP, NQ),
                   ((0, 0), (0, 6))).reshape(EP * 16, 1)
    return _make_tc()(parts, x, W_msg, W_self, gid3, pidx, qidx)

# --- scband reference (transcript-rebuilt; emitter-appended) ---
"""Pipeline reference for scband-fully-graphical-module-36326833389840 (READ-ONLY COPY).

The authoritative reference and input builder live on the scoring server;
editing this copy changes nothing except your own understanding.
"""

import jax, jax.numpy as jnp
import numpy as np

N = 10000      # total nodes across all graphs in the episodic batch
E = 320000     # edges
D = 128        # feature_dim
G = 400        # total graphs (20 episodes x (5 classes x 2 supports + 10 queries))
EP = 20        # num_episodes
NC = 5         # num_classes (prototypes per episode)
NQ = 10        # queries per episode


def setup_inputs(seed: int = 0) -> dict:
    key = jax.random.key(seed)
    k1, k2, k3, k4, k5, k6, k7 = jax.random.split(key, 7)
    x = jax.random.normal(k1, (N, D), dtype=jnp.float32)
    edge_index = jax.random.randint(k2, (2, E), 0, N, dtype=jnp.int32)
    graph_ids = jnp.sort(jax.random.randint(k3, (N,), 0, G, dtype=jnp.int32))
    prototype_indices = jax.random.randint(k4, (EP * NC,), 0, G, dtype=jnp.int32)
    query_indices = jax.random.randint(k5, (EP * NQ,), 0, G, dtype=jnp.int32)
    # learned params of the GNN embedder (single message-passing layer)
    W_msg = jax.random.normal(k6, (D, D), dtype=jnp.float32) * (1.0 / np.sqrt(D))
    W_self = jax.random.normal(k7, (D, D), dtype=jnp.float32) * (1.0 / np.sqrt(D))
    return {"x": x, "W_msg": W_msg, "W_self": W_self,
            "edge_index": edge_index, "graph_ids": graph_ids,
            "prototype_indices": prototype_indices, "query_indices": query_indices}


def reference(x, W_msg, W_self, edge_index, graph_ids, prototype_indices, query_indices):
    # ---- embedder: one GCN-style message passing layer (embed_supports / embed_queries) ----
    src = edge_index[0]
    dst = edge_index[1]
    msgs = jnp.take(x, src, axis=0)                       # gather  [E, D]
    agg = jnp.zeros((N, D), x.dtype).at[dst].add(msgs)    # scatter-add [N, D]
    h = jax.nn.relu(agg @ W_msg + x @ W_self)             # node embeddings [N, D]

    # ---- graph-level pooling (mean over nodes of each graph) ----
    sums = jax.ops.segment_sum(h, graph_ids, num_segments=G)
    counts = jax.ops.segment_sum(jnp.ones((N,), h.dtype), graph_ids, num_segments=G)
    graph_emb = sums / jnp.clip(counts, 1.0)[:, None]     # [G, D]

    # ---- get_class_prototypes: gather prototype graph embeddings per episode ----
    protos = jnp.take(graph_emb, prototype_indices, axis=0).reshape(EP, NC, D)
    # ---- get_query_aggregators: gather query embeddings ----
    queries = jnp.take(graph_emb, query_indices, axis=0).reshape(EP, NQ, D)

    # ---- align_queries_prototypes + cosine similarities ----
    qn = queries / (jnp.linalg.norm(queries, axis=-1, keepdims=True) + 1e-8)
    pn = protos / (jnp.linalg.norm(protos, axis=-1, keepdims=True) + 1e-8)
    similarities = jnp.einsum('eqd,epd->eqp', qn, pn)     # [EP, NQ, NC]
    return similarities

if __name__ == "__main__":
    import jax
    _d = setup_inputs()
    print(jax.jit(kernel)(*tuple(_d.values())))

</pallas_src>

<mosaic_0001>
#map = affine_map<(d0, d1) -> (0, 0)>
#map1 = affine_map<(d0, d1) -> (0, 0, 0, 0)>
#map2 = affine_map<(d0, d1) -> (0, 0, 0)>
module attributes {stable_mosaic.version = 14 : i64} {
  func.func @body(%arg0: i32, %arg1: i32, %arg2: memref<10000x128xf32, #tpu.memory_space<hbm>>, %arg3: memref<32x4x20x128xi32, #tpu.memory_space<hbm>>, %arg4: memref<32x4x20x128xi32, #tpu.memory_space<hbm>>, %arg5: memref<640x128xf32, #tpu.memory_space<hbm>>, %arg6: memref<2x10240x128xf32, #tpu.memory_space<hbm>>, %arg7: memref<2x20x128xi32, #tpu.memory_space<vmem>>, %arg8: memref<2x20x128xi32, #tpu.memory_space<vmem>>, %arg9: memref<2x128x128xf32, #tpu.memory_space<vmem>>, %arg10: memref<10240x128xf32, #tpu.memory_space<vmem_shared>>, %arg11: memref<!tpu.dma_semaphore, #tpu.memory_space<semaphore_mem>>, %arg12: memref<!tpu.dma_semaphore, #tpu.memory_space<semaphore_mem>>, %arg13: memref<!tpu.dma_semaphore, #tpu.memory_space<semaphore_mem>>) attributes {dimension_semantics = [#tpu.dimension_semantics<core_parallel>, #tpu.dimension_semantics<subcore_parallel>], iteration_bounds = array<i64: 2, 16>, scalar_prefetch = 0 : i64, scratch_operands = 7 : i64, tpu.core_type = #tpu.core_type<sc_vector_subcore>, window_params = [{transform_indices = #map}, {transform_indices = #map1}, {transform_indices = #map1}, {transform_indices = #map}, {transform_indices = #map2}]} {
    %mul3A = arith.constant 16 : i32
    %mul3A_0 = arith.muli %arg0, %mul3A : i32
    %add3A = arith.addi %mul3A_0, %arg1 : i32
    %dma_start3A = arith.constant 0 : i32
    %dma_start3A_1 = arith.constant 0 : i32
    %dma_start3A_2 = arith.constant 0 : i32
    %dma_start3A_3 = arith.constant 0 : i32
    %dma_start3A_4 = tpu.memref_slice %arg7[%dma_start3A_1, %dma_start3A_2, %dma_start3A_3] : memref<2x20x128xi32, #tpu.memory_space<vmem>> -> memref<1x20x128xi32, #tpu.memory_space<vmem>>
    %dma_start3A_5 = tpu.memref_squeeze %dma_start3A_4 : memref<1x20x128xi32, #tpu.memory_space<vmem>> -> memref<20x128xi32, #tpu.memory_space<vmem>>
    %dma_start3A_6 = arith.constant 0 : i32
    %dma_start3A_7 = arith.constant 0 : i32
    %dma_start3A_8 = tpu.memref_slice %arg3[%add3A, %dma_start3A, %dma_start3A_6, %dma_start3A_7] : memref<32x4x20x128xi32, #tpu.memory_space<hbm>> -> memref<1x1x20x128xi32, #tpu.memory_space<hbm>>
    %dma_start3A_9 = tpu.memref_squeeze %dma_start3A_8 : memref<1x1x20x128xi32, #tpu.memory_space<hbm>> -> memref<20x128xi32, #tpu.memory_space<hbm>>
    %dma_start3A_10 = arith.constant 0 : i32
    %dma_start3A_11 = arith.constant 0 : i32
    %dma_start3A_12 = tpu.memref_slice %arg7[%dma_start3A_1, %dma_start3A_10, %dma_start3A_11] : memref<2x20x128xi32, #tpu.memory_space<vmem>> -> memref<1x20x128xi32, #tpu.memory_space<vmem>>
    %dma_start3A_13 = tpu.memref_squeeze %dma_start3A_12 : memref<1x20x128xi32, #tpu.memory_space<vmem>> -> memref<20x128xi32, #tpu.memory_space<vmem>>
    %dma_start3A_14 = arith.constant 0 : i32
    %dma_start3A_15 = arith.constant 0 : i32
    %dma_start3A_16 = tpu.memref_slice %arg3[%add3A, %dma_start3A, %dma_start3A_14, %dma_start3A_15] : memref<32x4x20x128xi32, #tpu.memory_space<hbm>> -> memref<1x1x20x128xi32, #tpu.memory_space<hbm>>
    %dma_start3A_17 = tpu.memref_squeeze %dma_start3A_16 : memref<1x1x20x128xi32, #tpu.memory_space<hbm>> -> memref<20x128xi32, #tpu.memory_space<hbm>>
    tpu.enqueue_dma source(%dma_start3A_17 : memref<20x128xi32, #tpu.memory_space<hbm>>) target(%dma_start3A_13 : memref<20x128xi32, #tpu.memory_space<vmem>>) target_semaphore(%arg11 : memref<!tpu.dma_semaphore, #tpu.memory_space<semaphore_mem>>)
    %dma_start3A_18 = arith.constant 0 : i32
    %dma_start3A_19 = arith.constant 0 : i32
    %dma_start3A_20 = arith.constant 0 : i32
    %dma_start3A_21 = arith.constant 0 : i32
    %dma_start3A_22 = tpu.memref_slice %arg8[%dma_start3A_19, %dma_start3A_20, %dma_start3A_21] : memref<2x20x128xi32, #tpu.memory_space<vmem>> -> memref<1x20x128xi32, #tpu.memory_space<vmem>>
    %dma_start3A_23 = tpu.memref_squeeze %dma_start3A_22 : memref<1x20x128xi32, #tpu.memory_space<vmem>> -> memref<20x128xi32, #tpu.memory_space<vmem>>
    %dma_start3A_24 = arith.constant 0 : i32
    %dma_start3A_25 = arith.constant 0 : i32
    %dma_start3A_26 = tpu.memref_slice %arg4[%add3A, %dma_start3A_18, %dma_start3A_24, %dma_start3A_25] : memref<32x4x20x128xi32, #tpu.memory_space<hbm>> -> memref<1x1x20x128xi32, #tpu.memory_space<hbm>>
    %dma_start3A_27 = tpu.memref_squeeze %dma_start3A_26 : memref<1x1x20x128xi32, #tpu.memory_space<hbm>> -> memref<20x128xi32, #tpu.memory_space<hbm>>
    %dma_start3A_28 = arith.constant 0 : i32
    %dma_start3A_29 = arith.constant 0 : i32
    %dma_start3A_30 = tpu.memref_slice %arg8[%dma_start3A_19, %dma_start3A_28, %dma_start3A_29] : memref<2x20x128xi32, #tpu.memory_space<vmem>> -> memref<1x20x128xi32, #tpu.memory_space<vmem>>
    %dma_start3A_31 = tpu.memref_squeeze %dma_start3A_30 : memref<1x20x128xi32, #tpu.memory_space<vmem>> -> memref<20x128xi32, #tpu.memory_space<vmem>>
    %dma_start3A_32 = arith.constant 0 : i32
    %dma_start3A_33 = arith.constant 0 : i32
    %dma_start3A_34 = tpu.memref_slice %arg4[%add3A, %dma_start3A_18, %dma_start3A_32, %dma_start3A_33] : memref<32x4x20x128xi32, #tpu.memory_space<hbm>> -> memref<1x1x20x128xi32, #tpu.memory_space<hbm>>
    %dma_start3A_35 = tpu.memref_squeeze %dma_start3A_34 : memref<1x1x20x128xi32, #tpu.memory_space<hbm>> -> memref<20x128xi32, #tpu.memory_space<hbm>>
    tpu.enqueue_dma source(%dma_start3A_35 : memref<20x128xi32, #tpu.memory_space<hbm>>) target(%dma_start3A_31 : memref<20x128xi32, #tpu.memory_space<vmem>>) target_semaphore(%arg11 : memref<!tpu.dma_semaphore, #tpu.memory_space<semaphore_mem>>)
    %mul3A_36 = arith.constant 640 : i32
    %mul3A_37 = arith.muli %arg1, %mul3A_36 : i32
    "tpu.region"() ({
      %run_scoped3A = tpu.sem_alloc : memref<!tpu.dma_semaphore, #tpu.memory_space<semaphore_mem>>
      %dma_start3A_317 = arith.constant 0 : i32
      %dma_start3A_318 = tpu.memref_slice %arg10[%mul3A_37, %dma_start3A_317] : memref<10240x128xf32, #tpu.memory_space<vmem_shared>> -> memref<640x128xf32, #tpu.memory_space<vmem_shared>>
      tpu.enqueue_dma source(%arg5 : memref<640x128xf32, #tpu.memory_space<hbm>>) target(%dma_start3A_318 : memref<640x128xf32, #tpu.memory_space<vmem_shared>>) target_semaphore(%run_scoped3A : memref<!tpu.dma_semaphore, #tpu.memory_space<semaphore_mem>>)
      %dma_wait3A_319 = arith.constant 0 : i32
      %dma_wait3A_320 = tpu.memref_slice %arg10[%mul3A_37, %dma_wait3A_319] : memref<10240x128xf32, #tpu.memory_space<vmem_shared>> -> memref<640x128xf32, #tpu.memory_space<vmem_shared>>
      tpu.wait_dma2 semaphore(%run_scoped3A : memref<!tpu.dma_semaphore, #tpu.memory_space<semaphore_mem>>) src(%arg5 : memref<640x128xf32, #tpu.memory_space<hbm>>) dst(%dma_wait3A_320 : memref<640x128xf32, #tpu.memory_space<vmem_shared>>)
      tpu.yield
    }) : () -> ()
    %barrier3A = arith.constant 0 : index
    tpu.barrier barrier_id(%barrier3A)
    %dma_wait3A = arith.constant 0 : i32
    %dma_wait3A_38 = arith.constant 0 : i32
    %dma_wait3A_39 = arith.constant 0 : i32
    %dma_wait3A_40 = arith.constant 0 : i32
    %dma_wait3A_41 = tpu.memref_slice %arg7[%dma_wait3A_38, %dma_wait3A_39, %dma_wait3A_40] : memref<2x20x128xi32, #tpu.memory_space<vmem>> -> memref<1x20x128xi32, #tpu.memory_space<vmem>>
    %dma_wait3A_42 = tpu.memref_squeeze %dma_wait3A_41 : memref<1x20x128xi32, #tpu.memory_space<vmem>> -> memref<20x128xi32, #tpu.memory_space<vmem>>
    %dma_wait3A_43 = arith.constant 0 : i32
    %dma_wait3A_44 = arith.constant 0 : i32
    %dma_wait3A_45 = tpu.memref_slice %arg3[%add3A, %dma_wait3A, %dma_wait3A_43, %dma_wait3A_44] : memref<32x4x20x128xi32, #tpu.memory_space<hbm>> -> memref<1x1x20x128xi32, #tpu.memory_space<hbm>>
    %dma_wait3A_46 = tpu.memref_squeeze %dma_wait3A_45 : memref<1x1x20x128xi32, #tpu.memory_space<hbm>> -> memref<20x128xi32, #tpu.memory_space<hbm>>
    %dma_wait3A_47 = arith.constant 0 : i32
    %dma_wait3A_48 = arith.constant 0 : i32
    %dma_wait3A_49 = tpu.memref_slice %arg7[%dma_wait3A_38, %dma_wait3A_47, %dma_wait3A_48] : memref<2x20x128xi32, #tpu.memory_space<vmem>> -> memref<1x20x128xi32, #tpu.memory_space<vmem>>
    %dma_wait3A_50 = tpu.memref_squeeze %dma_wait3A_49 : memref<1x20x128xi32, #tpu.memory_space<vmem>> -> memref<20x128xi32, #tpu.memory_space<vmem>>
    %dma_wait3A_51 = arith.constant 0 : i32
    %dma_wait3A_52 = arith.constant 0 : i32
    %dma_wait3A_53 = tpu.memref_slice %arg3[%add3A, %dma_wait3A, %dma_wait3A_51, %dma_wait3A_52] : memref<32x4x20x128xi32, #tpu.memory_space<hbm>> -> memref<1x1x20x128xi32, #tpu.memory_space<hbm>>
    %dma_wait3A_54 = tpu.memref_squeeze %dma_wait3A_53 : memref<1x1x20x128xi32, #tpu.memory_space<hbm>> -> memref<20x128xi32, #tpu.memory_space<hbm>>
    tpu.wait_dma2 semaphore(%arg11 : memref<!tpu.dma_semaphore, #tpu.memory_space<semaphore_mem>>) src(%dma_wait3A_54 : memref<20x128xi32, #tpu.memory_space<hbm>>) dst(%dma_wait3A_50 : memref<20x128xi32, #tpu.memory_space<vmem>>)
    %dma_wait3A_55 = arith.constant 0 : i32
    %dma_wait3A_56 = arith.constant 0 : i32
    %dma_wait3A_57 = arith.constant 0 : i32
    %dma_wait3A_58 = arith.constant 0 : i32
    %dma_wait3A_59 = tpu.memref_slice %arg8[%dma_wait3A_56, %dma_wait3A_57, %dma_wait3A_58] : memref<2x20x128xi32, #tpu.memory_space<vmem>> -> memref<1x20x128xi32, #tpu.memory_space<vmem>>
    %dma_wait3A_60 = tpu.memref_squeeze %dma_wait3A_59 : memref<1x20x128xi32, #tpu.memory_space<vmem>> -> memref<20x128xi32, #tpu.memory_space<vmem>>
    %dma_wait3A_61 = arith.constant 0 : i32
    %dma_wait3A_62 = arith.constant 0 : i32
    %dma_wait3A_63 = tpu.memref_slice %arg4[%add3A, %dma_wait3A_55, %dma_wait3A_61, %dma_wait3A_62] : memref<32x4x20x128xi32, #tpu.memory_space<hbm>> -> memref<1x1x20x128xi32, #tpu.memory_space<hbm>>
    %dma_wait3A_64 = tpu.memref_squeeze %dma_wait3A_63 : memref<1x1x20x128xi32, #tpu.memory_space<hbm>> -> memref<20x128xi32, #tpu.memory_space<hbm>>
    %dma_wait3A_65 = arith.constant 0 : i32
    %dma_wait3A_66 = arith.constant 0 : i32
    %dma_wait3A_67 = tpu.memref_slice %arg8[%dma_wait3A_56, %dma_wait3A_65, %dma_wait3A_66] : memref<2x20x128xi32, #tpu.memory_space<vmem>> -> memref<1x20x128xi32, #tpu.memory_space<vmem>>
    %dma_wait3A_68 = tpu.memref_squeeze %dma_wait3A_67 : memref<1x20x128xi32, #tpu.memory_space<vmem>> -> memref<20x128xi32, #tpu.memory_space<vmem>>
    %dma_wait3A_69 = arith.constant 0 : i32
    %dma_wait3A_70 = arith.constant 0 : i32
    %dma_wait3A_71 = tpu.memref_slice %arg4[%add3A, %dma_wait3A_55, %dma_wait3A_69, %dma_wait3A_70] : memref<32x4x20x128xi32, #tpu.memory_space<hbm>> -> memref<1x1x20x128xi32, #tpu.memory_space<hbm>>
    %dma_wait3A_72 = tpu.memref_squeeze %dma_wait3A_71 : memref<1x1x20x128xi32, #tpu.memory_space<hbm>> -> memref<20x128xi32, #tpu.memory_space<hbm>>
    tpu.wait_dma2 semaphore(%arg11 : memref<!tpu.dma_semaphore, #tpu.memory_space<semaphore_mem>>) src(%dma_wait3A_72 : memref<20x128xi32, #tpu.memory_space<hbm>>) dst(%dma_wait3A_68 : memref<20x128xi32, #tpu.memory_space<vmem>>)
    %dma_start3A_73 = arith.constant 1 : i32
    %dma_start3A_74 = arith.constant 1 : i32
    %dma_start3A_75 = arith.constant 0 : i32
    %dma_start3A_76 = arith.constant 0 : i32
    %dma_start3A_77 = tpu.memref_slice %arg7[%dma_start3A_74, %dma_start3A_75, %dma_start3A_76] : memref<2x20x128xi32, #tpu.memory_space<vmem>> -> memref<1x20x128xi32, #tpu.memory_space<vmem>>
    %dma_start3A_78 = tpu.memref_squeeze %dma_start3A_77 : memref<1x20x128xi32, #tpu.memory_space<vmem>> -> memref<20x128xi32, #tpu.memory_space<vmem>>
    %dma_start3A_79 = arith.constant 0 : i32
    %dma_start3A_80 = arith.constant 0 : i32
    %dma_start3A_81 = tpu.memref_slice %arg3[%add3A, %dma_start3A_73, %dma_start3A_79, %dma_start3A_80] : memref<32x4x20x128xi32, #tpu.memory_space<hbm>> -> memref<1x1x20x128xi32, #tpu.memory_space<hbm>>
    %dma_start3A_82 = tpu.memref_squeeze %dma_start3A_81 : memref<1x1x20x128xi32, #tpu.memory_space<hbm>> -> memref<20x128xi32, #tpu.memory_space<hbm>>
    %dma_start3A_83 = arith.constant 0 : i32
    %dma_start3A_84 = arith.constant 0 : i32
    %dma_start3A_85 = tpu.memref_slice %arg7[%dma_start3A_74, %dma_start3A_83, %dma_start3A_84] : memref<2x20x128xi32, #tpu.memory_space<vmem>> -> memref<1x20x128xi32, #tpu.memory_space<vmem>>
    %dma_start3A_86 = tpu.memref_squeeze %dma_start3A_85 : memref<1x20x128xi32, #tpu.memory_space<vmem>> -> memref<20x128xi32, #tpu.memory_space<vmem>>
    %dma_start3A_87 = arith.constant 0 : i32
    %dma_start3A_88 = arith.constant 0 : i32
    %dma_start3A_89 = tpu.memref_slice %arg3[%add3A, %dma_start3A_73, %dma_start3A_87, %dma_start3A_88] : memref<32x4x20x128xi32, #tpu.memory_space<hbm>> -> memref<1x1x20x128xi32, #tpu.memory_space<hbm>>
    %dma_start3A_90 = tpu.memref_squeeze %dma_start3A_89 : memref<1x1x20x128xi32, #tpu.memory_space<hbm>> -> memref<20x128xi32, #tpu.memory_space<hbm>>
    tpu.enqueue_dma source(%dma_start3A_90 : memref<20x128xi32, #tpu.memory_space<hbm>>) target(%dma_start3A_86 : memref<20x128xi32, #tpu.memory_space<vmem>>) target_semaphore(%arg11 : memref<!tpu.dma_semaphore, #tpu.memory_space<semaphore_mem>>)
    %dma_start3A_91 = arith.constant 1 : i32
    %dma_start3A_92 = arith.constant 1 : i32
    %dma_start3A_93 = arith.constant 0 : i32
    %dma_start3A_94 = arith.constant 0 : i32
    %dma_start3A_95 = tpu.memref_slice %arg8[%dma_start3A_92, %dma_start3A_93, %dma_start3A_94] : memref<2x20x128xi32, #tpu.memory_space<vmem>> -> memref<1x20x128xi32, #tpu.memory_space<vmem>>
    %dma_start3A_96 = tpu.memref_squeeze %dma_start3A_95 : memref<1x20x128xi32, #tpu.memory_space<vmem>> -> memref<20x128xi32, #tpu.memory_space<vmem>>
    %dma_start3A_97 = arith.constant 0 : i32
    %dma_start3A_98 = arith.constant 0 : i32
    %dma_start3A_99 = tpu.memref_slice %arg4[%add3A, %dma_start3A_91, %dma_start3A_97, %dma_start3A_98] : memref<32x4x20x128xi32, #tpu.memory_space<hbm>> -> memref<1x1x20x128xi32, #tpu.memory_space<hbm>>
    %dma_start3A_100 = tpu.memref_squeeze %dma_start3A_99 : memref<1x1x20x128xi32, #tpu.memory_space<hbm>> -> memref<20x128xi32, #tpu.memory_space<hbm>>
    %dma_start3A_101 = arith.constant 0 : i32
    %dma_start3A_102 = arith.constant 0 : i32
    %dma_start3A_103 = tpu.memref_slice %arg8[%dma_start3A_92, %dma_start3A_101, %dma_start3A_102] : memref<2x20x128xi32, #tpu.memory_space<vmem>> -> memref<1x20x128xi32, #tpu.memory_space<vmem>>
    %dma_start3A_104 = tpu.memref_squeeze %dma_start3A_103 : memref<1x20x128xi32, #tpu.memory_space<vmem>> -> memref<20x128xi32, #tpu.memory_space<vmem>>
    %dma_start3A_105 = arith.constant 0 : i32
    %dma_start3A_106 = arith.constant 0 : i32
    %dma_start3A_107 = tpu.memref_slice %arg4[%add3A, %dma_start3A_91, %dma_start3A_105, %dma_start3A_106] : memref<32x4x20x128xi32, #tpu.memory_space<hbm>> -> memref<1x1x20x128xi32, #tpu.memory_space<hbm>>
    %dma_start3A_108 = tpu.memref_squeeze %dma_start3A_107 : memref<1x1x20x128xi32, #tpu.memory_space<hbm>> -> memref<20x128xi32, #tpu.memory_space<hbm>>
    tpu.enqueue_dma source(%dma_start3A_108 : memref<20x128xi32, #tpu.memory_space<hbm>>) target(%dma_start3A_104 : memref<20x128xi32, #tpu.memory_space<vmem>>) target_semaphore(%arg11 : memref<!tpu.dma_semaphore, #tpu.memory_space<semaphore_mem>>)
    %scan3A = arith.constant 0 : i32
    %scan3A_109 = arith.constant 0 : i32
    %scan3A_110 = arith.constant 10 : i32
    %scan3A_111 = arith.addi %scan3A_109, %scan3A_110 : i32
    %scan3A_112 = arith.constant 2 : i32
    scf.for %scan3A_317 = %scan3A_109 to %scan3A_111 step %scan3A_112  : i32 {
      %mul3A_318 = arith.constant 2 : i32
      %mul3A_319 = arith.muli %mul3A_318, %scan3A_317 : i32
      %add3A_320 = arith.constant 1 : i32
      %add3A_321 = arith.addi %mul3A_319, %add3A_320 : i32
      %dma_start3A_322 = arith.constant 0 : i32
      %dma_start3A_323 = arith.constant 0 : i32
      %dma_start3A_324 = arith.constant 0 : i32
      %dma_start3A_325 = arith.constant 0 : i32
      %dma_start3A_326 = tpu.memref_slice %arg9[%dma_start3A_323, %dma_start3A_324, %dma_start3A_325] : memref<2x128x128xf32, #tpu.memory_space<vmem>> -> memref<1x128x128xf32, #tpu.memory_space<vmem>>
      %dma_start3A_327 = tpu.memref_squeeze %dma_start3A_326 : memref<1x128x128xf32, #tpu.memory_space<vmem>> -> memref<128x128xf32, #tpu.memory_space<vmem>>
      %dma_start3A_328 = arith.constant 0 : i32
      %dma_start3A_329 = tpu.memref_slice %arg7[%dma_start3A_322, %mul3A_319, %dma_start3A_328] : memref<2x20x128xi32, #tpu.memory_space<vmem>> -> memref<1x1x128xi32, #tpu.memory_space<vmem>>
      %dma_start3A_330 = tpu.memref_squeeze %dma_start3A_329 : memref<1x1x128xi32, #tpu.memory_space<vmem>> -> memref<128xi32, #tpu.memory_space<vmem>>
      %dma_start3A_331 = arith.constant 0 : i32
      %dma_start3A_332 = arith.constant 0 : i32
      %dma_start3A_333 = tpu.memref_slice %arg2[%dma_start3A_331, %dma_start3A_332] : memref<10000x128xf32, #tpu.memory_space<hbm>> -> memref<10000x128xf32, #tpu.memory_space<hbm>>
      tpu.enqueue_indirect_dma source(%dma_start3A_333 : memref<10000x128xf32, #tpu.memory_space<hbm>>) target(%dma_start3A_327 : memref<128x128xf32, #tpu.memory_space<vmem>>) offsets(%dma_start3A_330 : memref<128xi32, #tpu.memory_space<vmem>>) semaphore(%arg12 : memref<!tpu.dma_semaphore, #tpu.memory_space<semaphore_mem>>)
      %dma_start3A_334 = arith.constant 0 : i32
      %dma_start3A_335 = arith.constant 1 : i32
      %dma_start3A_336 = arith.constant 0 : i32
      %dma_start3A_337 = arith.constant 0 : i32
      %dma_start3A_338 = tpu.memref_slice %arg9[%dma_start3A_335, %dma_start3A_336, %dma_start3A_337] : memref<2x128x128xf32, #tpu.memory_space<vmem>> -> memref<1x128x128xf32, #tpu.memory_space<vmem>>
      %dma_start3A_339 = tpu.memref_squeeze %dma_start3A_338 : memref<1x128x128xf32, #tpu.memory_space<vmem>> -> memref<128x128xf32, #tpu.memory_space<vmem>>
      %dma_start3A_340 = arith.constant 0 : i32
      %dma_start3A_341 = tpu.memref_slice %arg7[%dma_start3A_334, %add3A_321, %dma_start3A_340] : memref<2x20x128xi32, #tpu.memory_space<vmem>> -> memref<1x1x128xi32, #tpu.memory_space<vmem>>
      %dma_start3A_342 = tpu.memref_squeeze %dma_start3A_341 : memref<1x1x128xi32, #tpu.memory_space<vmem>> -> memref<128xi32, #tpu.memory_space<vmem>>
      %dma_start3A_343 = arith.constant 0 : i32
      %dma_start3A_344 = arith.constant 0 : i32
      %dma_start3A_345 = tpu.memref_slice %arg2[%dma_start3A_343, %dma_start3A_344] : memref<10000x128xf32, #tpu.memory_space<hbm>> -> memref<10000x128xf32, #tpu.memory_space<hbm>>
      tpu.enqueue_indirect_dma source(%dma_start3A_345 : memref<10000x128xf32, #tpu.memory_space<hbm>>) target(%dma_start3A_339 : memref<128x128xf32, #tpu.memory_space<vmem>>) offsets(%dma_start3A_342 : memref<128xi32, #tpu.memory_space<vmem>>) semaphore(%arg12 : memref<!tpu.dma_semaphore, #tpu.memory_space<semaphore_mem>>)
      %dma_wait3A_346 = arith.constant 0 : i32
      %dma_wait3A_347 = arith.constant 0 : i32
      %dma_wait3A_348 = arith.constant 0 : i32
      %dma_wait3A_349 = arith.constant 0 : i32
      %dma_wait3A_350 = tpu.memref_slice %arg9[%dma_wait3A_347, %dma_wait3A_348, %dma_wait3A_349] : memref<2x128x128xf32, #tpu.memory_space<vmem>> -> memref<1x128x128xf32, #tpu.memory_space<vmem>>
      %dma_wait3A_351 = tpu.memref_squeeze %dma_wait3A_350 : memref<1x128x128xf32, #tpu.memory_space<vmem>> -> memref<128x128xf32, #tpu.memory_space<vmem>>
      %dma_wait3A_352 = arith.constant 0 : i32
      %dma_wait3A_353 = tpu.memref_slice %arg7[%dma_wait3A_346, %mul3A_319, %dma_wait3A_352] : memref<2x20x128xi32, #tpu.memory_space<vmem>> -> memref<1x1x128xi32, #tpu.memory_space<vmem>>
      %dma_wait3A_354 = tpu.memref_squeeze %dma_wait3A_353 : memref<1x1x128xi32, #tpu.memory_space<vmem>> -> memref<128xi32, #tpu.memory_space<vmem>>
      %dma_wait3A_355 = arith.constant 0 : i32
      %dma_wait3A_356 = arith.constant 0 : i32
      %dma_wait3A_357 = tpu.memref_slice %arg2[%dma_wait3A_355, %dma_wait3A_356] : memref<10000x128xf32, #tpu.memory_space<hbm>> -> memref<10000x128xf32, #tpu.memory_space<hbm>>
      tpu.wait_indirect_dma semaphore(%arg12 : memref<!tpu.dma_semaphore, #tpu.memory_space<semaphore_mem>>) src(%dma_wait3A_357 : memref<10000x128xf32, #tpu.memory_space<hbm>>) dst(%dma_wait3A_351 : memref<128x128xf32, #tpu.memory_space<vmem>>)
      %dma_start3A_358 = arith.constant 0 : i32
      %dma_start3A_359 = arith.constant 0 : i32
      %dma_start3A_360 = arith.constant 0 : i32
      %dma_start3A_361 = arith.constant 0 : i32
      %dma_start3A_362 = tpu.memref_slice %arg9[%dma_start3A_358, %dma_start3A_360, %dma_start3A_361] : memref<2x128x128xf32, #tpu.memory_space<vmem>> -> memref<1x128x128xf32, #tpu.memory_space<vmem>>
      %dma_start3A_363 = tpu.memref_squeeze %dma_start3A_362 : memref<1x128x128xf32, #tpu.memory_space<vmem>> -> memref<128x128xf32, #tpu.memory_space<vmem>>
      %dma_start3A_364 = arith.constant 0 : i32
      %dma_start3A_365 = tpu.memref_slice %arg8[%dma_start3A_359, %mul3A_319, %dma_start3A_364] : memref<2x20x128xi32, #tpu.memory_space<vmem>> -> memref<1x1x128xi32, #tpu.memory_space<vmem>>
      %dma_start3A_366 = tpu.memref_squeeze %dma_start3A_365 : memref<1x1x128xi32, #tpu.memory_space<vmem>> -> memref<128xi32, #tpu.memory_space<vmem>>
      %dma_start3A_367 = arith.constant 0 : i32
      %dma_start3A_368 = arith.constant 0 : i32
      %dma_start3A_369 = tpu.memref_slice %arg10[%dma_start3A_367, %dma_start3A_368] : memref<10240x128xf32, #tpu.memory_space<vmem_shared>> -> memref<10240x128xf32, #tpu.memory_space<vmem_shared>>
      tpu.enqueue_indirect_dma source(%dma_start3A_363 : memref<128x128xf32, #tpu.memory_space<vmem>>) target(%dma_start3A_369 : memref<10240x128xf32, #tpu.memory_space<vmem_shared>>) offsets(%dma_start3A_366 : memref<128xi32, #tpu.memory_space<vmem>>) semaphore(%arg13 : memref<!tpu.dma_semaphore, #tpu.memory_space<semaphore_mem>>) {add = true}
      %dma_wait3A_370 = arith.constant 0 : i32
      %dma_wait3A_371 = arith.constant 1 : i32
      %dma_wait3A_372 = arith.constant 0 : i32
      %dma_wait3A_373 = arith.constant 0 : i32
      %dma_wait3A_374 = tpu.memref_slice %arg9[%dma_wait3A_371, %dma_wait3A_372, %dma_wait3A_373] : memref<2x128x128xf32, #tpu.memory_space<vmem>> -> memref<1x128x128xf32, #tpu.memory_space<vmem>>
      %dma_wait3A_375 = tpu.memref_squeeze %dma_wait3A_374 : memref<1x128x128xf32, #tpu.memory_space<vmem>> -> memref<128x128xf32, #tpu.memory_space<vmem>>
      %dma_wait3A_376 = arith.constant 0 : i32
      %dma_wait3A_377 = tpu.memref_slice %arg7[%dma_wait3A_370, %add3A_321, %dma_wait3A_376] : memref<2x20x128xi32, #tpu.memory_space<vmem>> -> memref<1x1x128xi32, #tpu.memory_space<vmem>>
      %dma_wait3A_378 = tpu.memref_squeeze %dma_wait3A_377 : memref<1x1x128xi32, #tpu.memory_space<vmem>> -> memref<128xi32, #tpu.memory_space<vmem>>
      %dma_wait3A_379 = arith.constant 0 : i32
      %dma_wait3A_380 = arith.constant 0 : i32
      %dma_wait3A_381 = tpu.memref_slice %arg2[%dma_wait3A_379, %dma_wait3A_380] : memref<10000x128xf32, #tpu.memory_space<hbm>> -> memref<10000x128xf32, #tpu.memory_space<hbm>>
      tpu.wait_indirect_dma semaphore(%arg12 : memref<!tpu.dma_semaphore, #tpu.memory_space<semaphore_mem>>) src(%dma_wait3A_381 : memref<10000x128xf32, #tpu.memory_space<hbm>>) dst(%dma_wait3A_375 : memref<128x128xf32, #tpu.memory_space<vmem>>)
      %dma_start3A_382 = arith.constant 1 : i32
      %dma_start3A_383 = arith.constant 0 : i32
      %dma_start3A_384 = arith.constant 0 : i32
      %dma_start3A_385 = arith.constant 0 : i32
      %dma_start3A_386 = tpu.memref_slice %arg9[%dma_start3A_382, %dma_start3A_384, %dma_start3A_385] : memref<2x128x128xf32, #tpu.memory_space<vmem>> -> memref<1x128x128xf32, #tpu.memory_space<vmem>>
      %dma_start3A_387 = tpu.memref_squeeze %dma_start3A_386 : memref<1x128x128xf32, #tpu.memory_space<vmem>> -> memref<128x128xf32, #tpu.memory_space<vmem>>
      %dma_start3A_388 = arith.constant 0 : i32
      %dma_start3A_389 = tpu.memref_slice %arg8[%dma_start3A_383, %add3A_321, %dma_start3A_388] : memref<2x20x128xi32, #tpu.memory_space<vmem>> -> memref<1x1x128xi32, #tpu.memory_space<vmem>>
      %dma_start3A_390 = tpu.memref_squeeze %dma_start3A_389 : memref<1x1x128xi32, #tpu.memory_space<vmem>> -> memref<128xi32, #tpu.memory_space<vmem>>
      %dma_start3A_391 = arith.constant 0 : i32
      %dma_start3A_392 = arith.constant 0 : i32
      %dma_start3A_393 = tpu.memref_slice %arg10[%dma_start3A_391, %dma_start3A_392] : memref<10240x128xf32, #tpu.memory_space<vmem_shared>> -> memref<10240x128xf32, #tpu.memory_space<vmem_shared>>
      tpu.enqueue_indirect_dma source(%dma_start3A_387 : memref<128x128xf32, #tpu.memory_space<vmem>>) target(%dma_start3A_393 : memref<10240x128xf32, #tpu.memory_space<vmem_shared>>) offsets(%dma_start3A_390 : memref<128xi32, #tpu.memory_space<vmem>>) semaphore(%arg13 : memref<!tpu.dma_semaphore, #tpu.memory_space<semaphore_mem>>) {add = true}
      %dma_wait3A_394 = arith.constant 0 : i32
      %dma_wait3A_395 = arith.constant 0 : i32
      %dma_wait3A_396 = arith.constant 0 : i32
      %dma_wait3A_397 = arith.constant 0 : i32
      %dma_wait3A_398 = tpu.memref_slice %arg9[%dma_wait3A_394, %dma_wait3A_396, %dma_wait3A_397] : memref<2x128x128xf32, #tpu.memory_space<vmem>> -> memref<1x128x128xf32, #tpu.memory_space<vmem>>
      %dma_wait3A_399 = tpu.memref_squeeze %dma_wait3A_398 : memref<1x128x128xf32, #tpu.memory_space<vmem>> -> memref<128x128xf32, #tpu.memory_space<vmem>>
      %dma_wait3A_400 = arith.constant 0 : i32
      %dma_wait3A_401 = tpu.memref_slice %arg8[%dma_wait3A_395, %mul3A_319, %dma_wait3A_400] : memref<2x20x128xi32, #tpu.memory_space<vmem>> -> memref<1x1x128xi32, #tpu.memory_space<vmem>>
      %dma_wait3A_402 = tpu.memref_squeeze %dma_wait3A_401 : memref<1x1x128xi32, #tpu.memory_space<vmem>> -> memref<128xi32, #tpu.memory_space<vmem>>
      %dma_wait3A_403 = arith.constant 0 : i32
      %dma_wait3A_404 = arith.constant 0 : i32
      %dma_wait3A_405 = tpu.memref_slice %arg10[%dma_wait3A_403, %dma_wait3A_404] : memref<10240x128xf32, #tpu.memory_space<vmem_shared>> -> memref<10240x128xf32, #tpu.memory_space<vmem_shared>>
      tpu.wait_indirect_dma semaphore(%arg13 : memref<!tpu.dma_semaphore, #tpu.memory_space<semaphore_mem>>) src(%dma_wait3A_399 : memref<128x128xf32, #tpu.memory_space<vmem>>) dst(%dma_wait3A_405 : memref<10240x128xf32, #tpu.memory_space<vmem_shared>>)
      %dma_wait3A_406 = arith.constant 1 : i32
      %dma_wait3A_407 = arith.constant 0 : i32
      %dma_wait3A_408 = arith.constant 0 : i32
      %dma_wait3A_409 = arith.constant 0 : i32
      %dma_wait3A_410 = tpu.memref_slice %arg9[%dma_wait3A_406, %dma_wait3A_408, %dma_wait3A_409] : memref<2x128x128xf32, #tpu.memory_space<vmem>> -> memref<1x128x128xf32, #tpu.memory_space<vmem>>
      %dma_wait3A_411 = tpu.memref_squeeze %dma_wait3A_410 : memref<1x128x128xf32, #tpu.memory_space<vmem>> -> memref<128x128xf32, #tpu.memory_space<vmem>>
      %dma_wait3A_412 = arith.constant 0 : i32
      %dma_wait3A_413 = tpu.memref_slice %arg8[%dma_wait3A_407, %add3A_321, %dma_wait3A_412] : memref<2x20x128xi32, #tpu.memory_space<vmem>> -> memref<1x1x128xi32, #tpu.memory_space<vmem>>
      %dma_wait3A_414 = tpu.memref_squeeze %dma_wait3A_413 : memref<1x1x128xi32, #tpu.memory_space<vmem>> -> memref<128xi32, #tpu.memory_space<vmem>>
      %dma_wait3A_415 = arith.constant 0 : i32
      %dma_wait3A_416 = arith.constant 0 : i32
      %dma_wait3A_417 = tpu.memref_slice %arg10[%dma_wait3A_415, %dma_wait3A_416] : memref<10240x128xf32, #tpu.memory_space<vmem_shared>> -> memref<10240x128xf32, #tpu.memory_space<vmem_shared>>
      tpu.wait_indirect_dma semaphore(%arg13 : memref<!tpu.dma_semaphore, #tpu.memory_space<semaphore_mem>>) src(%dma_wait3A_411 : memref<128x128xf32, #tpu.memory_space<vmem>>) dst(%dma_wait3A_417 : memref<10240x128xf32, #tpu.memory_space<vmem_shared>>)
      %scan3A_418 = arith.constant 1 : i32
      %scan3A_419 = arith.addi %scan3A_317, %scan3A_418 : i32
      %mul3A_420 = arith.constant 2 : i32
      %mul3A_421 = arith.muli %mul3A_420, %scan3A_419 : i32
      %add3A_422 = arith.constant 1 : i32
      %add3A_423 = arith.addi %mul3A_421, %add3A_422 : i32
      %dma_start3A_424 = arith.constant 0 : i32
      %dma_start3A_425 = arith.constant 0 : i32
      %dma_start3A_426 = arith.constant 0 : i32
      %dma_start3A_427 = arith.constant 0 : i32
      %dma_start3A_428 = tpu.memref_slice %arg9[%dma_start3A_425, %dma_start3A_426, %dma_start3A_427] : memref<2x128x128xf32, #tpu.memory_space<vmem>> -> memref<1x128x128xf32, #tpu.memory_space<vmem>>
      %dma_start3A_429 = tpu.memref_squeeze %dma_start3A_428 : memref<1x128x128xf32, #tpu.memory_space<vmem>> -> memref<128x128xf32, #tpu.memory_space<vmem>>
      %dma_start3A_430 = arith.constant 0 : i32
      %dma_start3A_431 = tpu.memref_slice %arg7[%dma_start3A_424, %mul3A_421, %dma_start3A_430] : memref<2x20x128xi32, #tpu.memory_space<vmem>> -> memref<1x1x128xi32, #tpu.memory_space<vmem>>
      %dma_start3A_432 = tpu.memref_squeeze %dma_start3A_431 : memref<1x1x128xi32, #tpu.memory_space<vmem>> -> memref<128xi32, #tpu.memory_space<vmem>>
      %dma_start3A_433 = arith.constant 0 : i32
      %dma_start3A_434 = arith.constant 0 : i32
      %dma_start3A_435 = tpu.memref_slice %arg2[%dma_start3A_433, %dma_start3A_434] : memref<10000x128xf32, #tpu.memory_space<hbm>> -> memref<10000x128xf32, #tpu.memory_space<hbm>>
      tpu.enqueue_indirect_dma source(%dma_start3A_435 : memref<10000x128xf32, #tpu.memory_space<hbm>>) target(%dma_start3A_429 : memref<128x128xf32, #tpu.memory_space<vmem>>) offsets(%dma_start3A_432 : memref<128xi32, #tpu.memory_space<vmem>>) semaphore(%arg12 : memref<!tpu.dma_semaphore, #tpu.memory_space<semaphore_mem>>)
      %dma_start3A_436 = arith.constant 0 : i32
      %dma_start3A_437 = arith.constant 1 : i32
      %dma_start3A_438 = arith.constant 0 : i32
      %dma_start3A_439 = arith.constant 0 : i32
      %dma_start3A_440 = tpu.memref_slice %arg9[%dma_start3A_437, %dma_start3A_438, %dma_start3A_439] : memref<2x128x128xf32, #tpu.memory_space<vmem>> -> memref<1x128x128xf32, #tpu.memory_space<vmem>>
      %dma_start3A_441 = tpu.memref_squeeze %dma_start3A_440 : memref<1x128x128xf32, #tpu.memory_space<vmem>> -> memref<128x128xf32, #tpu.memory_space<vmem>>
      %dma_start3A_442 = arith.constant 0 : i32
      %dma_start3A_443 = tpu.memref_slice %arg7[%dma_start3A_436, %add3A_423, %dma_start3A_442] : memref<2x20x128xi32, #tpu.memory_space<vmem>> -> memref<1x1x128xi32, #tpu.memory_space<vmem>>
      %dma_start3A_444 = tpu.memref_squeeze %dma_start3A_443 : memref<1x1x128xi32, #tpu.memory_space<vmem>> -> memref<128xi32, #tpu.memory_space<vmem>>
      %dma_start3A_445 = arith.constant 0 : i32
      %dma_start3A_446 = arith.constant 0 : i32
      %dma_start3A_447 = tpu.memref_slice %arg2[%dma_start3A_445, %dma_start3A_446] : memref<10000x128xf32, #tpu.memory_space<hbm>> -> memref<10000x128xf32, #tpu.memory_space<hbm>>
      tpu.enqueue_indirect_dma source(%dma_start3A_447 : memref<10000x128xf32, #tpu.memory_space<hbm>>) target(%dma_start3A_441 : memref<128x128xf32, #tpu.memory_space<vmem>>) offsets(%dma_start3A_444 : memref<128xi32, #tpu.memory_space<vmem>>) semaphore(%arg12 : memref<!tpu.dma_semaphore, #tpu.memory_space<semaphore_mem>>)
      %dma_wait3A_448 = arith.constant 0 : i32
      %dma_wait3A_449 = arith.constant 0 : i32
      %dma_wait3A_450 = arith.constant 0 : i32
      %dma_wait3A_451 = arith.constant 0 : i32
      %dma_wait3A_452 = tpu.memref_slice %arg9[%dma_wait3A_449, %dma_wait3A_450, %dma_wait3A_451] : memref<2x128x128xf32, #tpu.memory_space<vmem>> -> memref<1x128x128xf32, #tpu.memory_space<vmem>>
      %dma_wait3A_453 = tpu.memref_squeeze %dma_wait3A_452 : memref<1x128x128xf32, #tpu.memory_space<vmem>> -> memref<128x128xf32, #tpu.memory_space<vmem>>
      %dma_wait3A_454 = arith.constant 0 : i32
      %dma_wait3A_455 = tpu.memref_slice %arg7[%dma_wait3A_448, %mul3A_421, %dma_wait3A_454] : memref<2x20x128xi32, #tpu.memory_space<vmem>> -> memref<1x1x128xi32, #tpu.memory_space<vmem>>
      %dma_wait3A_456 = tpu.memref_squeeze %dma_wait3A_455 : memref<1x1x128xi32, #tpu.memory_space<vmem>> -> memref<128xi32, #tpu.memory_space<vmem>>
      %dma_wait3A_457 = arith.constant 0 : i32
      %dma_wait3A_458 = arith.constant 0 : i32
      %dma_wait3A_459 = tpu.memref_slice %arg2[%dma_wait3A_457, %dma_wait3A_458] : memref<10000x128xf32, #tpu.memory_space<hbm>> -> memref<10000x128xf32, #tpu.memory_space<hbm>>
      tpu.wait_indirect_dma semaphore(%arg12 : memref<!tpu.dma_semaphore, #tpu.memory_space<semaphore_mem>>) src(%dma_wait3A_459 : memref<10000x128xf32, #tpu.memory_space<hbm>>) dst(%dma_wait3A_453 : memref<128x128xf32, #tpu.memory_space<vmem>>)
      %dma_start3A_460 = arith.constant 0 : i32
      %dma_start3A_461 = arith.constant 0 : i32
      %dma_start3A_462 = arith.constant 0 : i32
      %dma_start3A_463 = arith.constant 0 : i32
      %dma_start3A_464 = tpu.memref_slice %arg9[%dma_start3A_460, %dma_start3A_462, %dma_start3A_463] : memref<2x128x128xf32, #tpu.memory_space<vmem>> -> memref<1x128x128xf32, #tpu.memory_space<vmem>>
      %dma_start3A_465 = tpu.memref_squeeze %dma_start3A_464 : memref<1x128x128xf32, #tpu.memory_space<vmem>> -> memref<128x128xf32, #tpu.memory_space<vmem>>
      %dma_start3A_466 = arith.constant 0 : i32
      %dma_start3A_467 = tpu.memref_slice %arg8[%dma_start3A_461, %mul3A_421, %dma_start3A_466] : memref<2x20x128xi32, #tpu.memory_space<vmem>> -> memref<1x1x128xi32, #tpu.memory_space<vmem>>
      %dma_start3A_468 = tpu.memref_squeeze %dma_start3A_467 : memref<1x1x128xi32, #tpu.memory_space<vmem>> -> memref<128xi32, #tpu.memory_space<vmem>>
      %dma_start3A_469 = arith.constant 0 : i32
      %dma_start3A_470 = arith.constant 0 : i32
      %dma_start3A_471 = tpu.memref_slice %arg10[%dma_start3A_469, %dma_start3A_470] : memref<10240x128xf32, #tpu.memory_space<vmem_shared>> -> memref<10240x128xf32, #tpu.memory_space<vmem_shared>>
      tpu.enqueue_indirect_dma source(%dma_start3A_465 : memref<128x128xf32, #tpu.memory_space<vmem>>) target(%dma_start3A_471 : memref<10240x128xf32, #tpu.memory_space<vmem_shared>>) offsets(%dma_start3A_468 : memref<128xi32, #tpu.memory_space<vmem>>) semaphore(%arg13 : memref<!tpu.dma_semaphore, #tpu.memory_space<semaphore_mem>>) {add = true}
      %dma_wait3A_472 = arith.constant 0 : i32
      %dma_wait3A_473 = arith.constant 1 : i32
      %dma_wait3A_474 = arith.constant 0 : i32
      %dma_wait3A_475 = arith.constant 0 : i32
      %dma_wait3A_476 = tpu.memref_slice %arg9[%dma_wait3A_473, %dma_wait3A_474, %dma_wait3A_475] : memref<2x128x128xf32, #tpu.memory_space<vmem>> -> memref<1x128x128xf32, #tpu.memory_space<vmem>>
      %dma_wait3A_477 = tpu.memref_squeeze %dma_wait3A_476 : memref<1x128x128xf32, #tpu.memory_space<vmem>> -> memref<128x128xf32, #tpu.memory_space<vmem>>
      %dma_wait3A_478 = arith.constant 0 : i32
      %dma_wait3A_479 = tpu.memref_slice %arg7[%dma_wait3A_472, %add3A_423, %dma_wait3A_478] : memref<2x20x128xi32, #tpu.memory_space<vmem>> -> memref<1x1x128xi32, #tpu.memory_space<vmem>>
      %dma_wait3A_480 = tpu.memref_squeeze %dma_wait3A_479 : memref<1x1x128xi32, #tpu.memory_space<vmem>> -> memref<128xi32, #tpu.memory_space<vmem>>
      %dma_wait3A_481 = arith.constant 0 : i32
      %dma_wait3A_482 = arith.constant 0 : i32
      %dma_wait3A_483 = tpu.memref_slice %arg2[%dma_wait3A_481, %dma_wait3A_482] : memref<10000x128xf32, #tpu.memory_space<hbm>> -> memref<10000x128xf32, #tpu.memory_space<hbm>>
      tpu.wait_indirect_dma semaphore(%arg12 : memref<!tpu.dma_semaphore, #tpu.memory_space<semaphore_mem>>) src(%dma_wait3A_483 : memref<10000x128xf32, #tpu.memory_space<hbm>>) dst(%dma_wait3A_477 : memref<128x128xf32, #tpu.memory_space<vmem>>)
      %dma_start3A_484 = arith.constant 1 : i32
      %dma_start3A_485 = arith.constant 0 : i32
      %dma_start3A_486 = arith.constant 0 : i32
      %dma_start3A_487 = arith.constant 0 : i32
      %dma_start3A_488 = tpu.memref_slice %arg9[%dma_start3A_484, %dma_start3A_486, %dma_start3A_487] : memref<2x128x128xf32, #tpu.memory_space<vmem>> -> memref<1x128x128xf32, #tpu.memory_space<vmem>>
      %dma_start3A_489 = tpu.memref_squeeze %dma_start3A_488 : memref<1x128x128xf32, #tpu.memory_space<vmem>> -> memref<128x128xf32, #tpu.memory_space<vmem>>
      %dma_start3A_490 = arith.constant 0 : i32
      %dma_start3A_491 = tpu.memref_slice %arg8[%dma_start3A_485, %add3A_423, %dma_start3A_490] : memref<2x20x128xi32, #tpu.memory_space<vmem>> -> memref<1x1x128xi32, #tpu.memory_space<vmem>>
      %dma_start3A_492 = tpu.memref_squeeze %dma_start3A_491 : memref<1x1x128xi32, #tpu.memory_space<vmem>> -> memref<128xi32, #tpu.memory_space<vmem>>
      %dma_start3A_493 = arith.constant 0 : i32
      %dma_start3A_494 = arith.constant 0 : i32
      %dma_start3A_495 = tpu.memref_slice %arg10[%dma_start3A_493, %dma_start3A_494] : memref<10240x128xf32, #tpu.memory_space<vmem_shared>> -> memref<10240x128xf32, #tpu.memory_space<vmem_shared>>
      tpu.enqueue_indirect_dma source(%dma_start3A_489 : memref<128x128xf32, #tpu.memory_space<vmem>>) target(%dma_start3A_495 : memref<10240x128xf32, #tpu.memory_space<vmem_shared>>) offsets(%dma_start3A_492 : memref<128xi32, #tpu.memory_space<vmem>>) semaphore(%arg13 : memref<!tpu.dma_semaphore, #tpu.memory_space<semaphore_mem>>) {add = true}
      %dma_wait3A_496 = arith.constant 0 : i32
      %dma_wait3A_497 = arith.constant 0 : i32
      %dma_wait3A_498 = arith.constant 0 : i32
      %dma_wait3A_499 = arith.constant 0 : i32
      %dma_wait3A_500 = tpu.memref_slice %arg9[%dma_wait3A_496, %dma_wait3A_498, %dma_wait3A_499] : memref<2x128x128xf32, #tpu.memory_space<vmem>> -> memref<1x128x128xf32, #tpu.memory_space<vmem>>
      %dma_wait3A_501 = tpu.memref_squeeze %dma_wait3A_500 : memref<1x128x128xf32, #tpu.memory_space<vmem>> -> memref<128x128xf32, #tpu.memory_space<vmem>>
      %dma_wait3A_502 = arith.constant 0 : i32
      %dma_wait3A_503 = tpu.memref_slice %arg8[%dma_wait3A_497, %mul3A_421, %dma_wait3A_502] : memref<2x20x128xi32, #tpu.memory_space<vmem>> -> memref<1x1x128xi32, #tpu.memory_space<vmem>>
      %dma_wait3A_504 = tpu.memref_squeeze %dma_wait3A_503 : memref<1x1x128xi32, #tpu.memory_space<vmem>> -> memref<128xi32, #tpu.memory_space<vmem>>
      %dma_wait3A_505 = arith.constant 0 : i32
      %dma_wait3A_506 = arith.constant 0 : i32
      %dma_wait3A_507 = tpu.memref_slice %arg10[%dma_wait3A_505, %dma_wait3A_506] : memref<10240x128xf32, #tpu.memory_space<vmem_shared>> -> memref<10240x128xf32, #tpu.memory_space<vmem_shared>>
      tpu.wait_indirect_dma semaphore(%arg13 : memref<!tpu.dma_semaphore, #tpu.memory_space<semaphore_mem>>) src(%dma_wait3A_501 : memref<128x128xf32, #tpu.memory_space<vmem>>) dst(%dma_wait3A_507 : memref<10240x128xf32, #tpu.memory_space<vmem_shared>>)
      %dma_wait3A_508 = arith.constant 1 : i32
      %dma_wait3A_509 = arith.constant 0 : i32
      %dma_wait3A_510 = arith.constant 0 : i32
      %dma_wait3A_511 = arith.constant 0 : i32
      %dma_wait3A_512 = tpu.memref_slice %arg9[%dma_wait3A_508, %dma_wait3A_510, %dma_wait3A_511] : memref<2x128x128xf32, #tpu.memory_space<vmem>> -> memref<1x128x128xf32, #tpu.memory_space<vmem>>
      %dma_wait3A_513 = tpu.memref_squeeze %dma_wait3A_512 : memref<1x128x128xf32, #tpu.memory_space<vmem>> -> memref<128x128xf32, #tpu.memory_space<vmem>>
      %dma_wait3A_514 = arith.constant 0 : i32
      %dma_wait3A_515 = tpu.memref_slice %arg8[%dma_wait3A_509, %add3A_423, %dma_wait3A_514] : memref<2x20x128xi32, #tpu.memory_space<vmem>> -> memref<1x1x128xi32, #tpu.memory_space<vmem>>
      %dma_wait3A_516 = tpu.memref_squeeze %dma_wait3A_515 : memref<1x1x128xi32, #tpu.memory_space<vmem>> -> memref<128xi32, #tpu.memory_space<vmem>>
      %dma_wait3A_517 = arith.constant 0 : i32
      %dma_wait3A_518 = arith.constant 0 : i32
      %dma_wait3A_519 = tpu.memref_slice %arg10[%dma_wait3A_517, %dma_wait3A_518] : memref<10240x128xf32, #tpu.memory_space<vmem_shared>> -> memref<10240x128xf32, #tpu.memory_space<vmem_shared>>
      tpu.wait_indirect_dma semaphore(%arg13 : memref<!tpu.dma_semaphore, #tpu.memory_space<semaphore_mem>>) src(%dma_wait3A_513 : memref<128x128xf32, #tpu.memory_space<vmem>>) dst(%dma_wait3A_519 : memref<10240x128xf32, #tpu.memory_space<vmem_shared>>)
    }
    %scan3A_113 = arith.constant 10 : i32
    %dma_wait3A_114 = arith.constant 1 : i32
    %dma_wait3A_115 = arith.constant 1 : i32
    %dma_wait3A_116 = arith.constant 0 : i32
    %dma_wait3A_117 = arith.constant 0 : i32
    %dma_wait3A_118 = tpu.memref_slice %arg7[%dma_wait3A_115, %dma_wait3A_116, %dma_wait3A_117] : memref<2x20x128xi32, #tpu.memory_space<vmem>> -> memref<1x20x128xi32, #tpu.memory_space<vmem>>
    %dma_wait3A_119 = tpu.memref_squeeze %dma_wait3A_118 : memref<1x20x128xi32, #tpu.memory_space<vmem>> -> memref<20x128xi32, #tpu.memory_space<vmem>>
    %dma_wait3A_120 = arith.constant 0 : i32
    %dma_wait3A_121 = arith.constant 0 : i32
    %dma_wait3A_122 = tpu.memref_slice %arg3[%add3A, %dma_wait3A_114, %dma_wait3A_120, %dma_wait3A_121] : memref<32x4x20x128xi32, #tpu.memory_space<hbm>> -> memref<1x1x20x128xi32, #tpu.memory_space<hbm>>
    %dma_wait3A_123 = tpu.memref_squeeze %dma_wait3A_122 : memref<1x1x20x128xi32, #tpu.memory_space<hbm>> -> memref<20x128xi32, #tpu.memory_space<hbm>>
    %dma_wait3A_124 = arith.constant 0 : i32
    %dma_wait3A_125 = arith.constant 0 : i32
    %dma_wait3A_126 = tpu.memref_slice %arg7[%dma_wait3A_115, %dma_wait3A_124, %dma_wait3A_125] : memref<2x20x128xi32, #tpu.memory_space<vmem>> -> memref<1x20x128xi32, #tpu.memory_space<vmem>>
    %dma_wait3A_127 = tpu.memref_squeeze %dma_wait3A_126 : memref<1x20x128xi32, #tpu.memory_space<vmem>> -> memref<20x128xi32, #tpu.memory_space<vmem>>
    %dma_wait3A_128 = arith.constant 0 : i32
    %dma_wait3A_129 = arith.constant 0 : i32
    %dma_wait3A_130 = tpu.memref_slice %arg3[%add3A, %dma_wait3A_114, %dma_wait3A_128, %dma_wait3A_129] : memref<32x4x20x128xi32, #tpu.memory_space<hbm>> -> memref<1x1x20x128xi32, #tpu.memory_space<hbm>>
    %dma_wait3A_131 = tpu.memref_squeeze %dma_wait3A_130 : memref<1x1x20x128xi32, #tpu.memory_space<hbm>> -> memref<20x128xi32, #tpu.memory_space<hbm>>
    tpu.wait_dma2 semaphore(%arg11 : memref<!tpu.dma_semaphore, #tpu.memory_space<semaphore_mem>>) src(%dma_wait3A_131 : memref<20x128xi32, #tpu.memory_space<hbm>>) dst(%dma_wait3A_127 : memref<20x128xi32, #tpu.memory_space<vmem>>)
    %dma_wait3A_132 = arith.constant 1 : i32
    %dma_wait3A_133 = arith.constant 1 : i32
    %dma_wait3A_134 = arith.constant 0 : i32
    %dma_wait3A_135 = arith.constant 0 : i32
    %dma_wait3A_136 = tpu.memref_slice %arg8[%dma_wait3A_133, %dma_wait3A_134, %dma_wait3A_135] : memref<2x20x128xi32, #tpu.memory_space<vmem>> -> memref<1x20x128xi32, #tpu.memory_space<vmem>>
    %dma_wait3A_137 = tpu.memref_squeeze %dma_wait3A_136 : memref<1x20x128xi32, #tpu.memory_space<vmem>> -> memref<20x128xi32, #tpu.memory_space<vmem>>
    %dma_wait3A_138 = arith.constant 0 : i32
    %dma_wait3A_139 = arith.constant 0 : i32
    %dma_wait3A_140 = tpu.memref_slice %arg4[%add3A, %dma_wait3A_132, %dma_wait3A_138, %dma_wait3A_139] : memref<32x4x20x128xi32, #tpu.memory_space<hbm>> -> memref<1x1x20x128xi32, #tpu.memory_space<hbm>>
    %dma_wait3A_141 = tpu.memref_squeeze %dma_wait3A_140 : memref<1x1x20x128xi32, #tpu.memory_space<hbm>> -> memref<20x128xi32, #tpu.memory_space<hbm>>
    %dma_wait3A_142 = arith.constant 0 : i32
    %dma_wait3A_143 = arith.constant 0 : i32
    %dma_wait3A_144 = tpu.memref_slice %arg8[%dma_wait3A_133, %dma_wait3A_142, %dma_wait3A_143] : memref<2x20x128xi32, #tpu.memory_space<vmem>> -> memref<1x20x128xi32, #tpu.memory_space<vmem>>
    %dma_wait3A_145 = tpu.memref_squeeze %dma_wait3A_144 : memref<1x20x128xi32, #tpu.memory_space<vmem>> -> memref<20x128xi32, #tpu.memory_space<vmem>>
    %dma_wait3A_146 = arith.constant 0 : i32
    %dma_wait3A_147 = arith.constant 0 : i32
    %dma_wait3A_148 = tpu.memref_slice %arg4[%add3A, %dma_wait3A_132, %dma_wait3A_146, %dma_wait3A_147] : memref<32x4x20x128xi32, #tpu.memory_space<hbm>> -> memref<1x1x20x128xi32, #tpu.memory_space<hbm>>
    %dma_wait3A_149 = tpu.memref_squeeze %dma_wait3A_148 : memref<1x1x20x128xi32, #tpu.memory_space<hbm>> -> memref<20x128xi32, #tpu.memory_space<hbm>>
    tpu.wait_dma2 semaphore(%arg11 : memref<!tpu.dma_semaphore, #tpu.memory_space<semaphore_mem>>) src(%dma_wait3A_149 : memref<20x128xi32, #tpu.memory_space<hbm>>) dst(%dma_wait3A_145 : memref<20x128xi32, #tpu.memory_space<vmem>>)
    %dma_start3A_150 = arith.constant 2 : i32
    %dma_start3A_151 = arith.constant 0 : i32
    %dma_start3A_152 = arith.constant 0 : i32
    %dma_start3A_153 = arith.constant 0 : i32
    %dma_start3A_154 = tpu.memref_slice %arg7[%dma_start3A_151, %dma_start3A_152, %dma_start3A_153] : memref<2x20x128xi32, #tpu.memory_space<vmem>> -> memref<1x20x128xi32, #tpu.memory_space<vmem>>
    %dma_start3A_155 = tpu.memref_squeeze %dma_start3A_154 : memref<1x20x128xi32, #tpu.memory_space<vmem>> -> memref<20x128xi32, #tpu.memory_space<vmem>>
    %dma_start3A_156 = arith.constant 0 : i32
    %dma_start3A_157 = arith.constant 0 : i32
    %dma_start3A_158 = tpu.memref_slice %arg3[%add3A, %dma_start3A_150, %dma_start3A_156, %dma_start3A_157] : memref<32x4x20x128xi32, #tpu.memory_space<hbm>> -> memref<1x1x20x128xi32, #tpu.memory_space<hbm>>
    %dma_start3A_159 = tpu.memref_squeeze %dma_start3A_158 : memref<1x1x20x128xi32, #tpu.memory_space<hbm>> -> memref<20x128xi32, #tpu.memory_space<hbm>>
    %dma_start3A_160 = arith.constant 0 : i32
    %dma_start3A_161 = arith.constant 0 : i32
    %dma_start3A_162 = tpu.memref_slice %arg7[%dma_start3A_151, %dma_start3A_160, %dma_start3A_161] : memref<2x20x128xi32, #tpu.memory_space<vmem>> -> memref<1x20x128xi32, #tpu.memory_space<vmem>>
    %dma_start3A_163 = tpu.memref_squeeze %dma_start3A_162 : memref<1x20x128xi32, #tpu.memory_space<vmem>> -> memref<20x128xi32, #tpu.memory_space<vmem>>
    %dma_start3A_164 = arith.constant 0 : i32
    %dma_start3A_165 = arith.constant 0 : i32
    %dma_start3A_166 = tpu.memref_slice %arg3[%add3A, %dma_start3A_150, %dma_start3A_164, %dma_start3A_165] : memref<32x4x20x128xi32, #tpu.memory_space<hbm>> -> memref<1x1x20x128xi32, #tpu.memory_space<hbm>>
    %dma_start3A_167 = tpu.memref_squeeze %dma_start3A_166 : memref<1x1x20x128xi32, #tpu.memory_space<hbm>> -> memref<20x128xi32, #tpu.memory_space<hbm>>
    tpu.enqueue_dma source(%dma_start3A_167 : memref<20x128xi32, #tpu.memory_space<hbm>>) target(%dma_start3A_163 : memref<20x128xi32, #tpu.memory_space<vmem>>) target_semaphore(%arg11 : memref<!tpu.dma_semaphore, #tpu.memory_space<semaphore_mem>>)
    %dma_start3A_168 = arith.constant 2 : i32
    %dma_start3A_169 = arith.constant 0 : i32
    %dma_start3A_170 = arith.constant 0 : i32
    %dma_start3A_171 = arith.constant 0 : i32
    %dma_start3A_172 = tpu.memref_slice %arg8[%dma_start3A_169, %dma_start3A_170, %dma_start3A_171] : memref<2x20x128xi32, #tpu.memory_space<vmem>> -> memref<1x20x128xi32, #tpu.memory_space<vmem>>
    %dma_start3A_173 = tpu.memref_squeeze %dma_start3A_172 : memref<1x20x128xi32, #tpu.memory_space<vmem>> -> memref<20x128xi32, #tpu.memory_space<vmem>>
    %dma_start3A_174 = arith.constant 0 : i32
    %dma_start3A_175 = arith.constant 0 : i32
    %dma_start3A_176 = tpu.memref_slice %arg4[%add3A, %dma_start3A_168, %dma_start3A_174, %dma_start3A_175] : memref<32x4x20x128xi32, #tpu.memory_space<hbm>> -> memref<1x1x20x128xi32, #tpu.memory_space<hbm>>
    %dma_start3A_177 = tpu.memref_squeeze %dma_start3A_176 : memref<1x1x20x128xi32, #tpu.memory_space<hbm>> -> memref<20x128xi32, #tpu.memory_space<hbm>>
    %dma_start3A_178 = arith.constant 0 : i32
    %dma_start3A_179 = arith.constant 0 : i32
    %dma_start3A_180 = tpu.memref_slice %arg8[%dma_start3A_169, %dma_start3A_178, %dma_start3A_179] : memref<2x20x128xi32, #tpu.memory_space<vmem>> -> memref<1x20x128xi32, #tpu.memory_space<vmem>>
    %dma_start3A_181 = tpu.memref_squeeze %dma_start3A_180 : memref<1x20x128xi32, #tpu.memory_space<vmem>> -> memref<20x128xi32, #tpu.memory_space<vmem>>
    %dma_start3A_182 = arith.constant 0 : i32
    %dma_start3A_183 = arith.constant 0 : i32
    %dma_start3A_184 = tpu.memref_slice %arg4[%add3A, %dma_start3A_168, %dma_start3A_182, %dma_start3A_183] : memref<32x4x20x128xi32, #tpu.memory_space<hbm>> -> memref<1x1x20x128xi32, #tpu.memory_space<hbm>>
    %dma_start3A_185 = tpu.memref_squeeze %dma_start3A_184 : memref<1x1x20x128xi32, #tpu.memory_space<hbm>> -> memref<20x128xi32, #tpu.memory_space<hbm>>
    tpu.enqueue_dma source(%dma_start3A_185 : memref<20x128xi32, #tpu.memory_space<hbm>>) target(%dma_start3A_181 : memref<20x128xi32, #tpu.memory_space<vmem>>) target_semaphore(%arg11 : memref<!tpu.dma_semaphore, #tpu.memory_space<semaphore_mem>>)
    %scan3A_186 = arith.constant 0 : i32
    %scan3A_187 = arith.constant 0 : i32
    %scan3A_188 = arith.constant 10 : i32
    %scan3A_189 = arith.addi %scan3A_187, %scan3A_188 : i32
    %scan3A_190 = arith.constant 2 : i32
    scf.for %scan3A_317 = %scan3A_187 to %scan3A_189 step %scan3A_190  : i32 {
      %mul3A_318 = arith.constant 2 : i32
      %mul3A_319 = arith.muli %mul3A_318, %scan3A_317 : i32
      %add3A_320 = arith.constant 1 : i32
      %add3A_321 = arith.addi %mul3A_319, %add3A_320 : i32
      %dma_start3A_322 = arith.constant 1 : i32
      %dma_start3A_323 = arith.constant 0 : i32
      %dma_start3A_324 = arith.constant 0 : i32
      %dma_start3A_325 = arith.constant 0 : i32
      %dma_start3A_326 = tpu.memref_slice %arg9[%dma_start3A_323, %dma_start3A_324, %dma_start3A_325] : memref<2x128x128xf32, #tpu.memory_space<vmem>> -> memref<1x128x128xf32, #tpu.memory_space<vmem>>
      %dma_start3A_327 = tpu.memref_squeeze %dma_start3A_326 : memref<1x128x128xf32, #tpu.memory_space<vmem>> -> memref<128x128xf32, #tpu.memory_space<vmem>>
      %dma_start3A_328 = arith.constant 0 : i32
      %dma_start3A_329 = tpu.memref_slice %arg7[%dma_start3A_322, %mul3A_319, %dma_start3A_328] : memref<2x20x128xi32, #tpu.memory_space<vmem>> -> memref<1x1x128xi32, #tpu.memory_space<vmem>>
      %dma_start3A_330 = tpu.memref_squeeze %dma_start3A_329 : memref<1x1x128xi32, #tpu.memory_space<vmem>> -> memref<128xi32, #tpu.memory_space<vmem>>
      %dma_start3A_331 = arith.constant 0 : i32
      %dma_start3A_332 = arith.constant 0 : i32
      %dma_start3A_333 = tpu.memref_slice %arg2[%dma_start3A_331, %dma_start3A_332] : memref<10000x128xf32, #tpu.memory_space<hbm>> -> memref<10000x128xf32, #tpu.memory_space<hbm>>
      tpu.enqueue_indirect_dma source(%dma_start3A_333 : memref<10000x128xf32, #tpu.memory_space<hbm>>) target(%dma_start3A_327 : memref<128x128xf32, #tpu.memory_space<vmem>>) offsets(%dma_start3A_330 : memref<128xi32, #tpu.memory_space<vmem>>) semaphore(%arg12 : memref<!tpu.dma_semaphore, #tpu.memory_space<semaphore_mem>>)
      %dma_start3A_334 = arith.constant 1 : i32
      %dma_start3A_335 = arith.constant 1 : i32
      %dma_start3A_336 = arith.constant 0 : i32
      %dma_start3A_337 = arith.constant 0 : i32
      %dma_start3A_338 = tpu.memref_slice %arg9[%dma_start3A_335, %dma_start3A_336, %dma_start3A_337] : memref<2x128x128xf32, #tpu.memory_space<vmem>> -> memref<1x128x128xf32, #tpu.memory_space<vmem>>
      %dma_start3A_339 = tpu.memref_squeeze %dma_start3A_338 : memref<1x128x128xf32, #tpu.memory_space<vmem>> -> memref<128x128xf32, #tpu.memory_space<vmem>>
      %dma_start3A_340 = arith.constant 0 : i32
      %dma_start3A_341 = tpu.memref_slice %arg7[%dma_start3A_334, %add3A_321, %dma_start3A_340] : memref<2x20x128xi32, #tpu.memory_space<vmem>> -> memref<1x1x128xi32, #tpu.memory_space<vmem>>
      %dma_start3A_342 = tpu.memref_squeeze %dma_start3A_341 : memref<1x1x128xi32, #tpu.memory_space<vmem>> -> memref<128xi32, #tpu.memory_space<vmem>>
      %dma_start3A_343 = arith.constant 0 : i32
      %dma_start3A_344 = arith.constant 0 : i32
      %dma_start3A_345 = tpu.memref_slice %arg2[%dma_start3A_343, %dma_start3A_344] : memref<10000x128xf32, #tpu.memory_space<hbm>> -> memref<10000x128xf32, #tpu.memory_space<hbm>>
      tpu.enqueue_indirect_dma source(%dma_start3A_345 : memref<10000x128xf32, #tpu.memory_space<hbm>>) target(%dma_start3A_339 : memref<128x128xf32, #tpu.memory_space<vmem>>) offsets(%dma_start3A_342 : memref<128xi32, #tpu.memory_space<vmem>>) semaphore(%arg12 : memref<!tpu.dma_semaphore, #tpu.memory_space<semaphore_mem>>)
      %dma_wait3A_346 = arith.constant 1 : i32
      %dma_wait3A_347 = arith.constant 0 : i32
      %dma_wait3A_348 = arith.constant 0 : i32
      %dma_wait3A_349 = arith.constant 0 : i32
      %dma_wait3A_350 = tpu.memref_slice %arg9[%dma_wait3A_347, %dma_wait3A_348, %dma_wait3A_349] : memref<2x128x128xf32, #tpu.memory_space<vmem>> -> memref<1x128x128xf32, #tpu.memory_space<vmem>>
      %dma_wait3A_351 = tpu.memref_squeeze %dma_wait3A_350 : memref<1x128x128xf32, #tpu.memory_space<vmem>> -> memref<128x128xf32, #tpu.memory_space<vmem>>
      %dma_wait3A_352 = arith.constant 0 : i32
      %dma_wait3A_353 = tpu.memref_slice %arg7[%dma_wait3A_346, %mul3A_319, %dma_wait3A_352] : memref<2x20x128xi32, #tpu.memory_space<vmem>> -> memref<1x1x128xi32, #tpu.memory_space<vmem>>
      %dma_wait3A_354 = tpu.memref_squeeze %dma_wait3A_353 : memref<1x1x128xi32, #tpu.memory_space<vmem>> -> memref<128xi32, #tpu.memory_space<vmem>>
      %dma_wait3A_355 = arith.constant 0 : i32
      %dma_wait3A_356 = arith.constant 0 : i32
      %dma_wait3A_357 = tpu.memref_slice %arg2[%dma_wait3A_355, %dma_wait3A_356] : memref<10000x128xf32, #tpu.memory_space<hbm>> -> memref<10000x128xf32, #tpu.memory_space<hbm>>
      tpu.wait_indirect_dma semaphore(%arg12 : memref<!tpu.dma_semaphore, #tpu.memory_space<semaphore_mem>>) src(%dma_wait3A_357 : memref<10000x128xf32, #tpu.memory_space<hbm>>) dst(%dma_wait3A_351 : memref<128x128xf32, #tpu.memory_space<vmem>>)
      %dma_start3A_358 = arith.constant 0 : i32
      %dma_start3A_359 = arith.constant 1 : i32
      %dma_start3A_360 = arith.constant 0 : i32
      %dma_start3A_361 = arith.constant 0 : i32
      %dma_start3A_362 = tpu.memref_slice %arg9[%dma_start3A_358, %dma_start3A_360, %dma_start3A_361] : memref<2x128x128xf32, #tpu.memory_space<vmem>> -> memref<1x128x128xf32, #tpu.memory_space<vmem>>
      %dma_start3A_363 = tpu.memref_squeeze %dma_start3A_362 : memref<1x128x128xf32, #tpu.memory_space<vmem>> -> memref<128x128xf32, #tpu.memory_space<vmem>>
      %dma_start3A_364 = arith.constant 0 : i32
      %dma_start3A_365 = tpu.memref_slice %arg8[%dma_start3A_359, %mul3A_319, %dma_start3A_364] : memref<2x20x128xi32, #tpu.memory_space<vmem>> -> memref<1x1x128xi32, #tpu.memory_space<vmem>>
      %dma_start3A_366 = tpu.memref_squeeze %dma_start3A_365 : memref<1x1x128xi32, #tpu.memory_space<vmem>> -> memref<128xi32, #tpu.memory_space<vmem>>
      %dma_start3A_367 = arith.constant 0 : i32
      %dma_start3A_368 = arith.constant 0 : i32
      %dma_start3A_369 = tpu.memref_slice %arg10[%dma_start3A_367, %dma_start3A_368] : memref<10240x128xf32, #tpu.memory_space<vmem_shared>> -> memref<10240x128xf32, #tpu.memory_space<vmem_shared>>
      tpu.enqueue_indirect_dma source(%dma_start3A_363 : memref<128x128xf32, #tpu.memory_space<vmem>>) target(%dma_start3A_369 : memref<10240x128xf32, #tpu.memory_space<vmem_shared>>) offsets(%dma_start3A_366 : memref<128xi32, #tpu.memory_space<vmem>>) semaphore(%arg13 : memref<!tpu.dma_semaphore, #tpu.memory_space<semaphore_mem>>) {add = true}
      %dma_wait3A_370 = arith.constant 1 : i32
      %dma_wait3A_371 = arith.constant 1 : i32
      %dma_wait3A_372 = arith.constant 0 : i32
      %dma_wait3A_373 = arith.constant 0 : i32
      %dma_wait3A_374 = tpu.memref_slice %arg9[%dma_wait3A_371, %dma_wait3A_372, %dma_wait3A_373] : memref<2x128x128xf32, #tpu.memory_space<vmem>> -> memref<1x128x128xf32, #tpu.memory_space<vmem>>
      %dma_wait3A_375 = tpu.memref_squeeze %dma_wait3A_374 : memref<1x128x128xf32, #tpu.memory_space<vmem>> -> memref<128x128xf32, #tpu.memory_space<vmem>>
      %dma_wait3A_376 = arith.constant 0 : i32
      %dma_wait3A_377 = tpu.memref_slice %arg7[%dma_wait3A_370, %add3A_321, %dma_wait3A_376] : memref<2x20x128xi32, #tpu.memory_space<vmem>> -> memref<1x1x128xi32, #tpu.memory_space<vmem>>
      %dma_wait3A_378 = tpu.memref_squeeze %dma_wait3A_377 : memref<1x1x128xi32, #tpu.memory_space<vmem>> -> memref<128xi32, #tpu.memory_space<vmem>>
      %dma_wait3A_379 = arith.constant 0 : i32
      %dma_wait3A_380 = arith.constant 0 : i32
      %dma_wait3A_381 = tpu.memref_slice %arg2[%dma_wait3A_379, %dma_wait3A_380] : memref<10000x128xf32, #tpu.memory_space<hbm>> -> memref<10000x128xf32, #tpu.memory_space<hbm>>
      tpu.wait_indirect_dma semaphore(%arg12 : memref<!tpu.dma_semaphore, #tpu.memory_space<semaphore_mem>>) src(%dma_wait3A_381 : memref<10000x128xf32, #tpu.memory_space<hbm>>) dst(%dma_wait3A_375 : memref<128x128xf32, #tpu.memory_space<vmem>>)
      %dma_start3A_382 = arith.constant 1 : i32
      %dma_start3A_383 = arith.constant 1 : i32
      %dma_start3A_384 = arith.constant 0 : i32
      %dma_start3A_385 = arith.constant 0 : i32
      %dma_start3A_386 = tpu.memref_slice %arg9[%dma_start3A_382, %dma_start3A_384, %dma_start3A_385] : memref<2x128x128xf32, #tpu.memory_space<vmem>> -> memref<1x128x128xf32, #tpu.memory_space<vmem>>
      %dma_start3A_387 = tpu.memref_squeeze %dma_start3A_386 : memref<1x128x128xf32, #tpu.memory_space<vmem>> -> memref<128x128xf32, #tpu.memory_space<vmem>>
      %dma_start3A_388 = arith.constant 0 : i32
      %dma_start3A_389 = tpu.memref_slice %arg8[%dma_start3A_383, %add3A_321, %dma_start3A_388] : memref<2x20x128xi32, #tpu.memory_space<vmem>> -> memref<1x1x128xi32, #tpu.memory_space<vmem>>
      %dma_start3A_390 = tpu.memref_squeeze %dma_start3A_389 : memref<1x1x128xi32, #tpu.memory_space<vmem>> -> memref<128xi32, #tpu.memory_space<vmem>>
      %dma_start3A_391 = arith.constant 0 : i32
      %dma_start3A_392 = arith.constant 0 : i32
      %dma_start3A_393 = tpu.memref_slice %arg10[%dma_start3A_391, %dma_start3A_392] : memref<10240x128xf32, #tpu.memory_space<vmem_shared>> -> memref<10240x128xf32, #tpu.memory_space<vmem_shared>>
      tpu.enqueue_indirect_dma source(%dma_start3A_387 : memref<128x128xf32, #tpu.memory_space<vmem>>) target(%dma_start3A_393 : memref<10240x128xf32, #tpu.memory_space<vmem_shared>>) offsets(%dma_start3A_390 : memref<128xi32, #tpu.memory_space<vmem>>) semaphore(%arg13 : memref<!tpu.dma_semaphore, #tpu.memory_space<semaphore_mem>>) {add = true}
      %dma_wait3A_394 = arith.constant 0 : i32
      %dma_wait3A_395 = arith.constant 1 : i32
      %dma_wait3A_396 = arith.constant 0 : i32
      %dma_wait3A_397 = arith.constant 0 : i32
      %dma_wait3A_398 = tpu.memref_slice %arg9[%dma_wait3A_394, %dma_wait3A_396, %dma_wait3A_397] : memref<2x128x128xf32, #tpu.memory_space<vmem>> -> memref<1x128x128xf32, #tpu.memory_space<vmem>>
      %dma_wait3A_399 = tpu.memref_squeeze %dma_wait3A_398 : memref<1x128x128xf32, #tpu.memory_space<vmem>> -> memref<128x128xf32, #tpu.memory_space<vmem>>
      %dma_wait3A_400 = arith.constant 0 : i32
      %dma_wait3A_401 = tpu.memref_slice %arg8[%dma_wait3A_395, %mul3A_319, %dma_wait3A_400] : memref<2x20x128xi32, #tpu.memory_space<vmem>> -> memref<1x1x128xi32, #tpu.memory_space<vmem>>
      %dma_wait3A_402 = tpu.memref_squeeze %dma_wait3A_401 : memref<1x1x128xi32, #tpu.memory_space<vmem>> -> memref<128xi32, #tpu.memory_space<vmem>>
      %dma_wait3A_403 = arith.constant 0 : i32
      %dma_wait3A_404 = arith.constant 0 : i32
      %dma_wait3A_405 = tpu.memref_slice %arg10[%dma_wait3A_403, %dma_wait3A_404] : memref<10240x128xf32, #tpu.memory_space<vmem_shared>> -> memref<10240x128xf32, #tpu.memory_space<vmem_shared>>
      tpu.wait_indirect_dma semaphore(%arg13 : memref<!tpu.dma_semaphore, #tpu.memory_space<semaphore_mem>>) src(%dma_wait3A_399 : memref<128x128xf32, #tpu.memory_space<vmem>>) dst(%dma_wait3A_405 : memref<10240x128xf32, #tpu.memory_space<vmem_shared>>)
      %dma_wait3A_406 = arith.constant 1 : i32
      %dma_wait3A_407 = arith.constant 1 : i32
      %dma_wait3A_408 = arith.constant 0 : i32
      %dma_wait3A_409 = arith.constant 0 : i32
      %dma_wait3A_410 = tpu.memref_slice %arg9[%dma_wait3A_406, %dma_wait3A_408, %dma_wait3A_409] : memref<2x128x128xf32, #tpu.memory_space<vmem>> -> memref<1x128x128xf32, #tpu.memory_space<vmem>>
      %dma_wait3A_411 = tpu.memref_squeeze %dma_wait3A_410 : memref<1x128x128xf32, #tpu.memory_space<vmem>> -> memref<128x128xf32, #tpu.memory_space<vmem>>
      %dma_wait3A_412 = arith.constant 0 : i32
      %dma_wait3A_413 = tpu.memref_slice %arg8[%dma_wait3A_407, %add3A_321, %dma_wait3A_412] : memref<2x20x128xi32, #tpu.memory_space<vmem>> -> memref<1x1x128xi32, #tpu.memory_space<vmem>>
      %dma_wait3A_414 = tpu.memref_squeeze %dma_wait3A_413 : memref<1x1x128xi32, #tpu.memory_space<vmem>> -> memref<128xi32, #tpu.memory_space<vmem>>
      %dma_wait3A_415 = arith.constant 0 : i32
      %dma_wait3A_416 = arith.constant 0 : i32
      %dma_wait3A_417 = tpu.memref_slice %arg10[%dma_wait3A_415, %dma_wait3A_416] : memref<10240x128xf32, #tpu.memory_space<vmem_shared>> -> memref<10240x128xf32, #tpu.memory_space<vmem_shared>>
      tpu.wait_indirect_dma semaphore(%arg13 : memref<!tpu.dma_semaphore, #tpu.memory_space<semaphore_mem>>) src(%dma_wait3A_411 : memref<128x128xf32, #tpu.memory_space<vmem>>) dst(%dma_wait3A_417 : memref<10240x128xf32, #tpu.memory_space<vmem_shared>>)
      %scan3A_418 = arith.constant 1 : i32
      %scan3A_419 = arith.addi %scan3A_317, %scan3A_418 : i32
      %mul3A_420 = arith.constant 2 : i32
      %mul3A_421 = arith.muli %mul3A_420, %scan3A_419 : i32
      %add3A_422 = arith.constant 1 : i32
      %add3A_423 = arith.addi %mul3A_421, %add3A_422 : i32
      %dma_start3A_424 = arith.constant 1 : i32
      %dma_start3A_425 = arith.constant 0 : i32
      %dma_start3A_426 = arith.constant 0 : i32
      %dma_start3A_427 = arith.constant 0 : i32
      %dma_start3A_428 = tpu.memref_slice %arg9[%dma_start3A_425, %dma_start3A_426, %dma_start3A_427] : memref<2x128x128xf32, #tpu.memory_space<vmem>> -> memref<1x128x128xf32, #tpu.memory_space<vmem>>
      %dma_start3A_429 = tpu.memref_squeeze %dma_start3A_428 : memref<1x128x128xf32, #tpu.memory_space<vmem>> -> memref<128x128xf32, #tpu.memory_space<vmem>>
      %dma_start3A_430 = arith.constant 0 : i32
      %dma_start3A_431 = tpu.memref_slice %arg7[%dma_start3A_424, %mul3A_421, %dma_start3A_430] : memref<2x20x128xi32, #tpu.memory_space<vmem>> -> memref<1x1x128xi32, #tpu.memory_space<vmem>>
      %dma_start3A_432 = tpu.memref_squeeze %dma_start3A_431 : memref<1x1x128xi32, #tpu.memory_space<vmem>> -> memref<128xi32, #tpu.memory_space<vmem>>
      %dma_start3A_433 = arith.constant 0 : i32
      %dma_start3A_434 = arith.constant 0 : i32
      %dma_start3A_435 = tpu.memref_slice %arg2[%dma_start3A_433, %dma_start3A_434] : memref<10000x128xf32, #tpu.memory_space<hbm>> -> memref<10000x128xf32, #tpu.memory_space<hbm>>
      tpu.enqueue_indirect_dma source(%dma_start3A_435 : memref<10000x128xf32, #tpu.memory_space<hbm>>) target(%dma_start3A_429 : memref<128x128xf32, #tpu.memory_space<vmem>>) offsets(%dma_start3A_432 : memref<128xi32, #tpu.memory_space<vmem>>) semaphore(%arg12 : memref<!tpu.dma_semaphore, #tpu.memory_space<semaphore_mem>>)
      %dma_start3A_436 = arith.constant 1 : i32
      %dma_start3A_437 = arith.constant 1 : i32
      %dma_start3A_438 = arith.constant 0 : i32
      %dma_start3A_439 = arith.constant 0 : i32
      %dma_start3A_440 = tpu.memref_slice %arg9[%dma_start3A_437, %dma_start3A_438, %dma_start3A_439] : memref<2x128x128xf32, #tpu.memory_space<vmem>> -> memref<1x128x128xf32, #tpu.memory_space<vmem>>
      %dma_start3A_441 = tpu.memref_squeeze %dma_start3A_440 : memref<1x128x128xf32, #tpu.memory_space<vmem>> -> memref<128x128xf32, #tpu.memory_space<vmem>>
      %dma_start3A_442 = arith.constant 0 : i32
      %dma_start3A_443 = tpu.memref_slice %arg7[%dma_start3A_436, %add3A_423, %dma_start3A_442] : memref<2x20x128xi32, #tpu.memory_space<vmem>> -> memref<1x1x128xi32, #tpu.memory_space<vmem>>
      %dma_start3A_444 = tpu.memref_squeeze %dma_start3A_443 : memref<1x1x128xi32, #tpu.memory_space<vmem>> -> memref<128xi32, #tpu.memory_space<vmem>>
      %dma_start3A_445 = arith.constant 0 : i32
      %dma_start3A_446 = arith.constant 0 : i32
      %dma_start3A_447 = tpu.memref_slice %arg2[%dma_start3A_445, %dma_start3A_446] : memref<10000x128xf32, #tpu.memory_space<hbm>> -> memref<10000x128xf32, #tpu.memory_space<hbm>>
      tpu.enqueue_indirect_dma source(%dma_start3A_447 : memref<10000x128xf32, #tpu.memory_space<hbm>>) target(%dma_start3A_441 : memref<128x128xf32, #tpu.memory_space<vmem>>) offsets(%dma_start3A_444 : memref<128xi32, #tpu.memory_space<vmem>>) semaphore(%arg12 : memref<!tpu.dma_semaphore, #tpu.memory_space<semaphore_mem>>)
      %dma_wait3A_448 = arith.constant 1 : i32
      %dma_wait3A_449 = arith.constant 0 : i32
      %dma_wait3A_450 = arith.constant 0 : i32
      %dma_wait3A_451 = arith.constant 0 : i32
      %dma_wait3A_452 = tpu.memref_slice %arg9[%dma_wait3A_449, %dma_wait3A_450, %dma_wait3A_451] : memref<2x128x128xf32, #tpu.memory_space<vmem>> -> memref<1x128x128xf32, #tpu.memory_space<vmem>>
      %dma_wait3A_453 = tpu.memref_squeeze %dma_wait3A_452 : memref<1x128x128xf32, #tpu.memory_space<vmem>> -> memref<128x128xf32, #tpu.memory_space<vmem>>
      %dma_wait3A_454 = arith.constant 0 : i32
      %dma_wait3A_455 = tpu.memref_slice %arg7[%dma_wait3A_448, %mul3A_421, %dma_wait3A_454] : memref<2x20x128xi32, #tpu.memory_space<vmem>> -> memref<1x1x128xi32, #tpu.memory_space<vmem>>
      %dma_wait3A_456 = tpu.memref_squeeze %dma_wait3A_455 : memref<1x1x128xi32, #tpu.memory_space<vmem>> -> memref<128xi32, #tpu.memory_space<vmem>>
      %dma_wait3A_457 = arith.constant 0 : i32
      %dma_wait3A_458 = arith.constant 0 : i32
      %dma_wait3A_459 = tpu.memref_slice %arg2[%dma_wait3A_457, %dma_wait3A_458] : memref<10000x128xf32, #tpu.memory_space<hbm>> -> memref<10000x128xf32, #tpu.memory_space<hbm>>
      tpu.wait_indirect_dma semaphore(%arg12 : memref<!tpu.dma_semaphore, #tpu.memory_space<semaphore_mem>>) src(%dma_wait3A_459 : memref<10000x128xf32, #tpu.memory_space<hbm>>) dst(%dma_wait3A_453 : memref<128x128xf32, #tpu.memory_space<vmem>>)
      %dma_start3A_460 = arith.constant 0 : i32
      %dma_start3A_461 = arith.constant 1 : i32
      %dma_start3A_462 = arith.constant 0 : i32
      %dma_start3A_463 = arith.constant 0 : i32
      %dma_start3A_464 = tpu.memref_slice %arg9[%dma_start3A_460, %dma_start3A_462, %dma_start3A_463] : memref<2x128x128xf32, #tpu.memory_space<vmem>> -> memref<1x128x128xf32, #tpu.memory_space<vmem>>
      %dma_start3A_465 = tpu.memref_squeeze %dma_start3A_464 : memref<1x128x128xf32, #tpu.memory_space<vmem>> -> memref<128x128xf32, #tpu.memory_space<vmem>>
      %dma_start3A_466 = arith.constant 0 : i32
      %dma_start3A_467 = tpu.memref_slice %arg8[%dma_start3A_461, %mul3A_421, %dma_start3A_466] : memref<2x20x128xi32, #tpu.memory_space<vmem>> -> memref<1x1x128xi32, #tpu.memory_space<vmem>>
      %dma_start3A_468 = tpu.memref_squeeze %dma_start3A_467 : memref<1x1x128xi32, #tpu.memory_space<vmem>> -> memref<128xi32, #tpu.memory_space<vmem>>
      %dma_start3A_469 = arith.constant 0 : i32
      %dma_start3A_470 = arith.constant 0 : i32
      %dma_start3A_471 = tpu.memref_slice %arg10[%dma_start3A_469, %dma_start3A_470] : memref<10240x128xf32, #tpu.memory_space<vmem_shared>> -> memref<10240x128xf32, #tpu.memory_space<vmem_shared>>
      tpu.enqueue_indirect_dma source(%dma_start3A_465 : memref<128x128xf32, #tpu.memory_space<vmem>>) target(%dma_start3A_471 : memref<10240x128xf32, #tpu.memory_space<vmem_shared>>) offsets(%dma_start3A_468 : memref<128xi32, #tpu.memory_space<vmem>>) semaphore(%arg13 : memref<!tpu.dma_semaphore, #tpu.memory_space<semaphore_mem>>) {add = true}
      %dma_wait3A_472 = arith.constant 1 : i32
      %dma_wait3A_473 = arith.constant 1 : i32
      %dma_wait3A_474 = arith.constant 0 : i32
      %dma_wait3A_475 = arith.constant 0 : i32
      %dma_wait3A_476 = tpu.memref_slice %arg9[%dma_wait3A_473, %dma_wait3A_474, %dma_wait3A_475] : memref<2x128x128xf32, #tpu.memory_space<vmem>> -> memref<1x128x128xf32, #tpu.memory_space<vmem>>
      %dma_wait3A_477 = tpu.memref_squeeze %dma_wait3A_476 : memref<1x128x128xf32, #tpu.memory_space<vmem>> -> memref<128x128xf32, #tpu.memory_space<vmem>>
      %dma_wait3A_478 = arith.constant 0 : i32
      %dma_wait3A_479 = tpu.memref_slice %arg7[%dma_wait3A_472, %add3A_423, %dma_wait3A_478] : memref<2x20x128xi32, #tpu.memory_space<vmem>> -> memref<1x1x128xi32, #tpu.memory_space<vmem>>
      %dma_wait3A_480 = tpu.memref_squeeze %dma_wait3A_479 : memref<1x1x128xi32, #tpu.memory_space<vmem>> -> memref<128xi32, #tpu.memory_space<vmem>>
      %dma_wait3A_481 = arith.constant 0 : i32
      %dma_wait3A_482 = arith.constant 0 : i32
      %dma_wait3A_483 = tpu.memref_slice %arg2[%dma_wait3A_481, %dma_wait3A_482] : memref<10000x128xf32, #tpu.memory_space<hbm>> -> memref<10000x128xf32, #tpu.memory_space<hbm>>
      tpu.wait_indirect_dma semaphore(%arg12 : memref<!tpu.dma_semaphore, #tpu.memory_space<semaphore_mem>>) src(%dma_wait3A_483 : memref<10000x128xf32, #tpu.memory_space<hbm>>) dst(%dma_wait3A_477 : memref<128x128xf32, #tpu.memory_space<vmem>>)
      %dma_start3A_484 = arith.constant 1 : i32
      %dma_start3A_485 = arith.constant 1 : i32
      %dma_start3A_486 = arith.constant 0 : i32
      %dma_start3A_487 = arith.constant 0 : i32
      %dma_start3A_488 = tpu.memref_slice %arg9[%dma_start3A_484, %dma_start3A_486, %dma_start3A_487] : memref<2x128x128xf32, #tpu.memory_space<vmem>> -> memref<1x128x128xf32, #tpu.memory_space<vmem>>
      %dma_start3A_489 = tpu.memref_squeeze %dma_start3A_488 : memref<1x128x128xf32, #tpu.memory_space<vmem>> -> memref<128x128xf32, #tpu.memory_space<vmem>>
      %dma_start3A_490 = arith.constant 0 : i32
      %dma_start3A_491 = tpu.memref_slice %arg8[%dma_start3A_485, %add3A_423, %dma_start3A_490] : memref<2x20x128xi32, #tpu.memory_space<vmem>> -> memref<1x1x128xi32, #tpu.memory_space<vmem>>
      %dma_start3A_492 = tpu.memref_squeeze %dma_start3A_491 : memref<1x1x128xi32, #tpu.memory_space<vmem>> -> memref<128xi32, #tpu.memory_space<vmem>>
      %dma_start3A_493 = arith.constant 0 : i32
      %dma_start3A_494 = arith.constant 0 : i32
      %dma_start3A_495 = tpu.memref_slice %arg10[%dma_start3A_493, %dma_start3A_494] : memref<10240x128xf32, #tpu.memory_space<vmem_shared>> -> memref<10240x128xf32, #tpu.memory_space<vmem_shared>>
      tpu.enqueue_indirect_dma source(%dma_start3A_489 : memref<128x128xf32, #tpu.memory_space<vmem>>) target(%dma_start3A_495 : memref<10240x128xf32, #tpu.memory_space<vmem_shared>>) offsets(%dma_start3A_492 : memref<128xi32, #tpu.memory_space<vmem>>) semaphore(%arg13 : memref<!tpu.dma_semaphore, #tpu.memory_space<semaphore_mem>>) {add = true}
      %dma_wait3A_496 = arith.constant 0 : i32
      %dma_wait3A_497 = arith.constant 1 : i32
      %dma_wait3A_498 = arith.constant 0 : i32
      %dma_wait3A_499 = arith.constant 0 : i32
      %dma_wait3A_500 = tpu.memref_slice %arg9[%dma_wait3A_496, %dma_wait3A_498, %dma_wait3A_499] : memref<2x128x128xf32, #tpu.memory_space<vmem>> -> memref<1x128x128xf32, #tpu.memory_space<vmem>>
      %dma_wait3A_501 = tpu.memref_squeeze %dma_wait3A_500 : memref<1x128x128xf32, #tpu.memory_space<vmem>> -> memref<128x128xf32, #tpu.memory_space<vmem>>
      %dma_wait3A_502 = arith.constant 0 : i32
      %dma_wait3A_503 = tpu.memref_slice %arg8[%dma_wait3A_497, %mul3A_421, %dma_wait3A_502] : memref<2x20x128xi32, #tpu.memory_space<vmem>> -> memref<1x1x128xi32, #tpu.memory_space<vmem>>
      %dma_wait3A_504 = tpu.memref_squeeze %dma_wait3A_503 : memref<1x1x128xi32, #tpu.memory_space<vmem>> -> memref<128xi32, #tpu.memory_space<vmem>>
      %dma_wait3A_505 = arith.constant 0 : i32
      %dma_wait3A_506 = arith.constant 0 : i32
      %dma_wait3A_507 = tpu.memref_slice %arg10[%dma_wait3A_505, %dma_wait3A_506] : memref<10240x128xf32, #tpu.memory_space<vmem_shared>> -> memref<10240x128xf32, #tpu.memory_space<vmem_shared>>
      tpu.wait_indirect_dma semaphore(%arg13 : memref<!tpu.dma_semaphore, #tpu.memory_space<semaphore_mem>>) src(%dma_wait3A_501 : memref<128x128xf32, #tpu.memory_space<vmem>>) dst(%dma_wait3A_507 : memref<10240x128xf32, #tpu.memory_space<vmem_shared>>)
      %dma_wait3A_508 = arith.constant 1 : i32
      %dma_wait3A_509 = arith.constant 1 : i32
      %dma_wait3A_510 = arith.constant 0 : i32
      %dma_wait3A_511 = arith.constant 0 : i32
      %dma_wait3A_512 = tpu.memref_slice %arg9[%dma_wait3A_508, %dma_wait3A_510, %dma_wait3A_511] : memref<2x128x128xf32, #tpu.memory_space<vmem>> -> memref<1x128x128xf32, #tpu.memory_space<vmem>>
      %dma_wait3A_513 = tpu.memref_squeeze %dma_wait3A_512 : memref<1x128x128xf32, #tpu.memory_space<vmem>> -> memref<128x128xf32, #tpu.memory_space<vmem>>
      %dma_wait3A_514 = arith.constant 0 : i32
      %dma_wait3A_515 = tpu.memref_slice %arg8[%dma_wait3A_509, %add3A_423, %dma_wait3A_514] : memref<2x20x128xi32, #tpu.memory_space<vmem>> -> memref<1x1x128xi32, #tpu.memory_space<vmem>>
      %dma_wait3A_516 = tpu.memref_squeeze %dma_wait3A_515 : memref<1x1x128xi32, #tpu.memory_space<vmem>> -> memref<128xi32, #tpu.memory_space<vmem>>
      %dma_wait3A_517 = arith.constant 0 : i32
      %dma_wait3A_518 = arith.constant 0 : i32
      %dma_wait3A_519 = tpu.memref_slice %arg10[%dma_wait3A_517, %dma_wait3A_518] : memref<10240x128xf32, #tpu.memory_space<vmem_shared>> -> memref<10240x128xf32, #tpu.memory_space<vmem_shared>>
      tpu.wait_indirect_dma semaphore(%arg13 : memref<!tpu.dma_semaphore, #tpu.memory_space<semaphore_mem>>) src(%dma_wait3A_513 : memref<128x128xf32, #tpu.memory_space<vmem>>) dst(%dma_wait3A_519 : memref<10240x128xf32, #tpu.memory_space<vmem_shared>>)
    }
    %scan3A_191 = arith.constant 10 : i32
    %dma_wait3A_192 = arith.constant 2 : i32
    %dma_wait3A_193 = arith.constant 0 : i32
    %dma_wait3A_194 = arith.constant 0 : i32
    %dma_wait3A_195 = arith.constant 0 : i32
    %dma_wait3A_196 = tpu.memref_slice %arg7[%dma_wait3A_193, %dma_wait3A_194, %dma_wait3A_195] : memref<2x20x128xi32, #tpu.memory_space<vmem>> -> memref<1x20x128xi32, #tpu.memory_space<vmem>>
    %dma_wait3A_197 = tpu.memref_squeeze %dma_wait3A_196 : memref<1x20x128xi32, #tpu.memory_space<vmem>> -> memref<20x128xi32, #tpu.memory_space<vmem>>
    %dma_wait3A_198 = arith.constant 0 : i32
    %dma_wait3A_199 = arith.constant 0 : i32
    %dma_wait3A_200 = tpu.memref_slice %arg3[%add3A, %dma_wait3A_192, %dma_wait3A_198, %dma_wait3A_199] : memref<32x4x20x128xi32, #tpu.memory_space<hbm>> -> memref<1x1x20x128xi32, #tpu.memory_space<hbm>>
    %dma_wait3A_201 = tpu.memref_squeeze %dma_wait3A_200 : memref<1x1x20x128xi32, #tpu.memory_space<hbm>> -> memref<20x128xi32, #tpu.memory_space<hbm>>
    %dma_wait3A_202 = arith.constant 0 : i32
    %dma_wait3A_203 = arith.constant 0 : i32
    %dma_wait3A_204 = tpu.memref_slice %arg7[%dma_wait3A_193, %dma_wait3A_202, %dma_wait3A_203] : memref<2x20x128xi32, #tpu.memory_space<vmem>> -> memref<1x20x128xi32, #tpu.memory_space<vmem>>
    %dma_wait3A_205 = tpu.memref_squeeze %dma_wait3A_204 : memref<1x20x128xi32, #tpu.memory_space<vmem>> -> memref<20x128xi32, #tpu.memory_space<vmem>>
    %dma_wait3A_206 = arith.constant 0 : i32
    %dma_wait3A_207 = arith.constant 0 : i32
    %dma_wait3A_208 = tpu.memref_slice %arg3[%add3A, %dma_wait3A_192, %dma_wait3A_206, %dma_wait3A_207] : memref<32x4x20x128xi32, #tpu.memory_space<hbm>> -> memref<1x1x20x128xi32, #tpu.memory_space<hbm>>
    %dma_wait3A_209 = tpu.memref_squeeze %dma_wait3A_208 : memref<1x1x20x128xi32, #tpu.memory_space<hbm>> -> memref<20x128xi32, #tpu.memory_space<hbm>>
    tpu.wait_dma2 semaphore(%arg11 : memref<!tpu.dma_semaphore, #tpu.memory_space<semaphore_mem>>) src(%dma_wait3A_209 : memref<20x128xi32, #tpu.memory_space<hbm>>) dst(%dma_wait3A_205 : memref<20x128xi32, #tpu.memory_space<vmem>>)
    %dma_wait3A_210 = arith.constant 2 : i32
    %dma_wait3A_211 = arith.constant 0 : i32
    %dma_wait3A_212 = arith.constant 0 : i32
    %dma_wait3A_213 = arith.constant 0 : i32
    %dma_wait3A_214 = tpu.memref_slice %arg8[%dma_wait3A_211, %dma_wait3A_212, %dma_wait3A_213] : memref<2x20x128xi32, #tpu.memory_space<vmem>> -> memref<1x20x128xi32, #tpu.memory_space<vmem>>
    %dma_wait3A_215 = tpu.memref_squeeze %dma_wait3A_214 : memref<1x20x128xi32, #tpu.memory_space<vmem>> -> memref<20x128xi32, #tpu.memory_space<vmem>>
    %dma_wait3A_216 = arith.constant 0 : i32
    %dma_wait3A_217 = arith.constant 0 : i32
    %dma_wait3A_218 = tpu.memref_slice %arg4[%add3A, %dma_wait3A_210, %dma_wait3A_216, %dma_wait3A_217] : memref<32x4x20x128xi32, #tpu.memory_space<hbm>> -> memref<1x1x20x128xi32, #tpu.memory_space<hbm>>
    %dma_wait3A_219 = tpu.memref_squeeze %dma_wait3A_218 : memref<1x1x20x128xi32, #tpu.memory_space<hbm>> -> memref<20x128xi32, #tpu.memory_space<hbm>>
    %dma_wait3A_220 = arith.constant 0 : i32
    %dma_wait3A_221 = arith.constant 0 : i32
    %dma_wait3A_222 = tpu.memref_slice %arg8[%dma_wait3A_211, %dma_wait3A_220, %dma_wait3A_221] : memref<2x20x128xi32, #tpu.memory_space<vmem>> -> memref<1x20x128xi32, #tpu.memory_space<vmem>>
    %dma_wait3A_223 = tpu.memref_squeeze %dma_wait3A_222 : memref<1x20x128xi32, #tpu.memory_space<vmem>> -> memref<20x128xi32, #tpu.memory_space<vmem>>
    %dma_wait3A_224 = arith.constant 0 : i32
    %dma_wait3A_225 = arith.constant 0 : i32
    %dma_wait3A_226 = tpu.memref_slice %arg4[%add3A, %dma_wait3A_210, %dma_wait3A_224, %dma_wait3A_225] : memref<32x4x20x128xi32, #tpu.memory_space<hbm>> -> memref<1x1x20x128xi32, #tpu.memory_space<hbm>>
    %dma_wait3A_227 = tpu.memref_squeeze %dma_wait3A_226 : memref<1x1x20x128xi32, #tpu.memory_space<hbm>> -> memref<20x128xi32, #tpu.memory_space<hbm>>
    tpu.wait_dma2 semaphore(%arg11 : memref<!tpu.dma_semaphore, #tpu.memory_space<semaphore_mem>>) src(%dma_wait3A_227 : memref<20x128xi32, #tpu.memory_space<hbm>>) dst(%dma_wait3A_223 : memref<20x128xi32, #tpu.memory_space<vmem>>)
    %dma_start3A_228 = arith.constant 3 : i32
    %dma_start3A_229 = arith.constant 1 : i32
    %dma_start3A_230 = arith.constant 0 : i32
    %dma_start3A_231 = arith.constant 0 : i32
    %dma_start3A_232 = tpu.memref_slice %arg7[%dma_start3A_229, %dma_start3A_230, %dma_start3A_231] : memref<2x20x128xi32, #tpu.memory_space<vmem>> -> memref<1x20x128xi32, #tpu.memory_space<vmem>>
    %dma_start3A_233 = tpu.memref_squeeze %dma_start3A_232 : memref<1x20x128xi32, #tpu.memory_space<vmem>> -> memref<20x128xi32, #tpu.memory_space<vmem>>
    %dma_start3A_234 = arith.constant 0 : i32
    %dma_start3A_235 = arith.constant 0 : i32
    %dma_start3A_236 = tpu.memref_slice %arg3[%add3A, %dma_start3A_228, %dma_start3A_234, %dma_start3A_235] : memref<32x4x20x128xi32, #tpu.memory_space<hbm>> -> memref<1x1x20x128xi32, #tpu.memory_space<hbm>>
    %dma_start3A_237 = tpu.memref_squeeze %dma_start3A_236 : memref<1x1x20x128xi32, #tpu.memory_space<hbm>> -> memref<20x128xi32, #tpu.memory_space<hbm>>
    %dma_start3A_238 = arith.constant 0 : i32
    %dma_start3A_239 = arith.constant 0 : i32
    %dma_start3A_240 = tpu.memref_slice %arg7[%dma_start3A_229, %dma_start3A_238, %dma_start3A_239] : memref<2x20x128xi32, #tpu.memory_space<vmem>> -> memref<1x20x128xi32, #tpu.memory_space<vmem>>
    %dma_start3A_241 = tpu.memref_squeeze %dma_start3A_240 : memref<1x20x128xi32, #tpu.memory_space<vmem>> -> memref<20x128xi32, #tpu.memory_space<vmem>>
    %dma_start3A_242 = arith.constant 0 : i32
    %dma_start3A_243 = arith.constant 0 : i32
    %dma_start3A_244 = tpu.memref_slice %arg3[%add3A, %dma_start3A_228, %dma_start3A_242, %dma_start3A_243] : memref<32x4x20x128xi32, #tpu.memory_space<hbm>> -> memref<1x1x20x128xi32, #tpu.memory_space<hbm>>
    %dma_start3A_245 = tpu.memref_squeeze %dma_start3A_244 : memref<1x1x20x128xi32, #tpu.memory_space<hbm>> -> memref<20x128xi32, #tpu.memory_space<hbm>>
    tpu.enqueue_dma source(%dma_start3A_245 : memref<20x128xi32, #tpu.memory_space<hbm>>) target(%dma_start3A_241 : memref<20x128xi32, #tpu.memory_space<vmem>>) target_semaphore(%arg11 : memref<!tpu.dma_semaphore, #tpu.memory_space<semaphore_mem>>)
    %dma_start3A_246 = arith.constant 3 : i32
    %dma_start3A_247 = arith.constant 1 : i32
    %dma_start3A_248 = arith.constant 0 : i32
    %dma_start3A_249 = arith.constant 0 : i32
    %dma_start3A_250 = tpu.memref_slice %arg8[%dma_start3A_247, %dma_start3A_248, %dma_start3A_249] : memref<2x20x128xi32, #tpu.memory_space<vmem>> -> memref<1x20x128xi32, #tpu.memory_space<vmem>>
    %dma_start3A_251 = tpu.memref_squeeze %dma_start3A_250 : memref<1x20x128xi32, #tpu.memory_space<vmem>> -> memref<20x128xi32, #tpu.memory_space<vmem>>
    %dma_start3A_252 = arith.constant 0 : i32
    %dma_start3A_253 = arith.constant 0 : i32
    %dma_start3A_254 = tpu.memref_slice %arg4[%add3A, %dma_start3A_246, %dma_start3A_252, %dma_start3A_253] : memref<32x4x20x128xi32, #tpu.memory_space<hbm>> -> memref<1x1x20x128xi32, #tpu.memory_space<hbm>>
    %dma_start3A_255 = tpu.memref_squeeze %dma_start3A_254 : memref<1x1x20x128xi32, #tpu.memory_space<hbm>> -> memref<20x128xi32, #tpu.memory_space<hbm>>
    %dma_start3A_256 = arith.constant 0 : i32
    %dma_start3A_257 = arith.constant 0 : i32
    %dma_start3A_258 = tpu.memref_slice %arg8[%dma_start3A_247, %dma_start3A_256, %dma_start3A_257] : memref<2x20x128xi32, #tpu.memory_space<vmem>> -> memref<1x20x128xi32, #tpu.memory_space<vmem>>
    %dma_start3A_259 = tpu.memref_squeeze %dma_start3A_258 : memref<1x20x128xi32, #tpu.memory_space<vmem>> -> memref<20x128xi32, #tpu.memory_space<vmem>>
    %dma_start3A_260 = arith.constant 0 : i32
    %dma_start3A_261 = arith.constant 0 : i32
    %dma_start3A_262 = tpu.memref_slice %arg4[%add3A, %dma_start3A_246, %dma_start3A_260, %dma_start3A_261] : memref<32x4x20x128xi32, #tpu.memory_space<hbm>> -> memref<1x1x20x128xi32, #tpu.memory_space<hbm>>
    %dma_start3A_263 = tpu.memref_squeeze %dma_start3A_262 : memref<1x1x20x128xi32, #tpu.memory_space<hbm>> -> memref<20x128xi32, #tpu.memory_space<hbm>>
    tpu.enqueue_dma source(%dma_start3A_263 : memref<20x128xi32, #tpu.memory_space<hbm>>) target(%dma_start3A_259 : memref<20x128xi32, #tpu.memory_space<vmem>>) target_semaphore(%arg11 : memref<!tpu.dma_semaphore, #tpu.memory_space<semaphore_mem>>)
    %scan3A_264 = arith.constant 0 : i32
    %scan3A_265 = arith.constant 0 : i32
    %scan3A_266 = arith.constant 10 : i32
    %scan3A_267 = arith.addi %scan3A_265, %scan3A_266 : i32
    %scan3A_268 = arith.constant 2 : i32
    scf.for %scan3A_317 = %scan3A_265 to %scan3A_267 step %scan3A_268  : i32 {
      %mul3A_318 = arith.constant 2 : i32
      %mul3A_319 = arith.muli %mul3A_318, %scan3A_317 : i32
      %add3A_320 = arith.constant 1 : i32
      %add3A_321 = arith.addi %mul3A_319, %add3A_320 : i32
      %dma_start3A_322 = arith.constant 0 : i32
      %dma_start3A_323 = arith.constant 0 : i32
      %dma_start3A_324 = arith.constant 0 : i32
      %dma_start3A_325 = arith.constant 0 : i32
      %dma_start3A_326 = tpu.memref_slice %arg9[%dma_start3A_323, %dma_start3A_324, %dma_start3A_325] : memref<2x128x128xf32, #tpu.memory_space<vmem>> -> memref<1x128x128xf32, #tpu.memory_space<vmem>>
      %dma_start3A_327 = tpu.memref_squeeze %dma_start3A_326 : memref<1x128x128xf32, #tpu.memory_space<vmem>> -> memref<128x128xf32, #tpu.memory_space<vmem>>
      %dma_start3A_328 = arith.constant 0 : i32
      %dma_start3A_329 = tpu.memref_slice %arg7[%dma_start3A_322, %mul3A_319, %dma_start3A_328] : memref<2x20x128xi32, #tpu.memory_space<vmem>> -> memref<1x1x128xi32, #tpu.memory_space<vmem>>
      %dma_start3A_330 = tpu.memref_squeeze %dma_start3A_329 : memref<1x1x128xi32, #tpu.memory_space<vmem>> -> memref<128xi32, #tpu.memory_space<vmem>>
      %dma_start3A_331 = arith.constant 0 : i32
      %dma_start3A_332 = arith.constant 0 : i32
      %dma_start3A_333 = tpu.memref_slice %arg2[%dma_start3A_331, %dma_start3A_332] : memref<10000x128xf32, #tpu.memory_space<hbm>> -> memref<10000x128xf32, #tpu.memory_space<hbm>>
      tpu.enqueue_indirect_dma source(%dma_start3A_333 : memref<10000x128xf32, #tpu.memory_space<hbm>>) target(%dma_start3A_327 : memref<128x128xf32, #tpu.memory_space<vmem>>) offsets(%dma_start3A_330 : memref<128xi32, #tpu.memory_space<vmem>>) semaphore(%arg12 : memref<!tpu.dma_semaphore, #tpu.memory_space<semaphore_mem>>)
      %dma_start3A_334 = arith.constant 0 : i32
      %dma_start3A_335 = arith.constant 1 : i32
      %dma_start3A_336 = arith.constant 0 : i32
      %dma_start3A_337 = arith.constant 0 : i32
      %dma_start3A_338 = tpu.memref_slice %arg9[%dma_start3A_335, %dma_start3A_336, %dma_start3A_337] : memref<2x128x128xf32, #tpu.memory_space<vmem>> -> memref<1x128x128xf32, #tpu.memory_space<vmem>>
      %dma_start3A_339 = tpu.memref_squeeze %dma_start3A_338 : memref<1x128x128xf32, #tpu.memory_space<vmem>> -> memref<128x128xf32, #tpu.memory_space<vmem>>
      %dma_start3A_340 = arith.constant 0 : i32
      %dma_start3A_341 = tpu.memref_slice %arg7[%dma_start3A_334, %add3A_321, %dma_start3A_340] : memref<2x20x128xi32, #tpu.memory_space<vmem>> -> memref<1x1x128xi32, #tpu.memory_space<vmem>>
      %dma_start3A_342 = tpu.memref_squeeze %dma_start3A_341 : memref<1x1x128xi32, #tpu.memory_space<vmem>> -> memref<128xi32, #tpu.memory_space<vmem>>
      %dma_start3A_343 = arith.constant 0 : i32
      %dma_start3A_344 = arith.constant 0 : i32
      %dma_start3A_345 = tpu.memref_slice %arg2[%dma_start3A_343, %dma_start3A_344] : memref<10000x128xf32, #tpu.memory_space<hbm>> -> memref<10000x128xf32, #tpu.memory_space<hbm>>
      tpu.enqueue_indirect_dma source(%dma_start3A_345 : memref<10000x128xf32, #tpu.memory_space<hbm>>) target(%dma_start3A_339 : memref<128x128xf32, #tpu.memory_space<vmem>>) offsets(%dma_start3A_342 : memref<128xi32, #tpu.memory_space<vmem>>) semaphore(%arg12 : memref<!tpu.dma_semaphore, #tpu.memory_space<semaphore_mem>>)
      %dma_wait3A_346 = arith.constant 0 : i32
      %dma_wait3A_347 = arith.constant 0 : i32
      %dma_wait3A_348 = arith.constant 0 : i32
      %dma_wait3A_349 = arith.constant 0 : i32
      %dma_wait3A_350 = tpu.memref_slice %arg9[%dma_wait3A_347, %dma_wait3A_348, %dma_wait3A_349] : memref<2x128x128xf32, #tpu.memory_space<vmem>> -> memref<1x128x128xf32, #tpu.memory_space<vmem>>
      %dma_wait3A_351 = tpu.memref_squeeze %dma_wait3A_350 : memref<1x128x128xf32, #tpu.memory_space<vmem>> -> memref<128x128xf32, #tpu.memory_space<vmem>>
      %dma_wait3A_352 = arith.constant 0 : i32
      %dma_wait3A_353 = tpu.memref_slice %arg7[%dma_wait3A_346, %mul3A_319, %dma_wait3A_352] : memref<2x20x128xi32, #tpu.memory_space<vmem>> -> memref<1x1x128xi32, #tpu.memory_space<vmem>>
      %dma_wait3A_354 = tpu.memref_squeeze %dma_wait3A_353 : memref<1x1x128xi32, #tpu.memory_space<vmem>> -> memref<128xi32, #tpu.memory_space<vmem>>
      %dma_wait3A_355 = arith.constant 0 : i32
      %dma_wait3A_356 = arith.constant 0 : i32
      %dma_wait3A_357 = tpu.memref_slice %arg2[%dma_wait3A_355, %dma_wait3A_356] : memref<10000x128xf32, #tpu.memory_space<hbm>> -> memref<10000x128xf32, #tpu.memory_space<hbm>>
      tpu.wait_indirect_dma semaphore(%arg12 : memref<!tpu.dma_semaphore, #tpu.memory_space<semaphore_mem>>) src(%dma_wait3A_357 : memref<10000x128xf32, #tpu.memory_space<hbm>>) dst(%dma_wait3A_351 : memref<128x128xf32, #tpu.memory_space<vmem>>)
      %dma_start3A_358 = arith.constant 0 : i32
      %dma_start3A_359 = arith.constant 0 : i32
      %dma_start3A_360 = arith.constant 0 : i32
      %dma_start3A_361 = arith.constant 0 : i32
      %dma_start3A_362 = tpu.memref_slice %arg9[%dma_start3A_358, %dma_start3A_360, %dma_start3A_361] : memref<2x128x128xf32, #tpu.memory_space<vmem>> -> memref<1x128x128xf32, #tpu.memory_space<vmem>>
      %dma_start3A_363 = tpu.memref_squeeze %dma_start3A_362 : memref<1x128x128xf32, #tpu.memory_space<vmem>> -> memref<128x128xf32, #tpu.memory_space<vmem>>
      %dma_start3A_364 = arith.constant 0 : i32
      %dma_start3A_365 = tpu.memref_slice %arg8[%dma_start3A_359, %mul3A_319, %dma_start3A_364] : memref<2x20x128xi32, #tpu.memory_space<vmem>> -> memref<1x1x128xi32, #tpu.memory_space<vmem>>
      %dma_start3A_366 = tpu.memref_squeeze %dma_start3A_365 : memref<1x1x128xi32, #tpu.memory_space<vmem>> -> memref<128xi32, #tpu.memory_space<vmem>>
      %dma_start3A_367 = arith.constant 0 : i32
      %dma_start3A_368 = arith.constant 0 : i32
      %dma_start3A_369 = tpu.memref_slice %arg10[%dma_start3A_367, %dma_start3A_368] : memref<10240x128xf32, #tpu.memory_space<vmem_shared>> -> memref<10240x128xf32, #tpu.memory_space<vmem_shared>>
      tpu.enqueue_indirect_dma source(%dma_start3A_363 : memref<128x128xf32, #tpu.memory_space<vmem>>) target(%dma_start3A_369 : memref<10240x128xf32, #tpu.memory_space<vmem_shared>>) offsets(%dma_start3A_366 : memref<128xi32, #tpu.memory_space<vmem>>) semaphore(%arg13 : memref<!tpu.dma_semaphore, #tpu.memory_space<semaphore_mem>>) {add = true}
      %dma_wait3A_370 = arith.constant 0 : i32
      %dma_wait3A_371 = arith.constant 1 : i32
      %dma_wait3A_372 = arith.constant 0 : i32
      %dma_wait3A_373 = arith.constant 0 : i32
      %dma_wait3A_374 = tpu.memref_slice %arg9[%dma_wait3A_371, %dma_wait3A_372, %dma_wait3A_373] : memref<2x128x128xf32, #tpu.memory_space<vmem>> -> memref<1x128x128xf32, #tpu.memory_space<vmem>>
      %dma_wait3A_375 = tpu.memref_squeeze %dma_wait3A_374 : memref<1x128x128xf32, #tpu.memory_space<vmem>> -> memref<128x128xf32, #tpu.memory_space<vmem>>
      %dma_wait3A_376 = arith.constant 0 : i32
      %dma_wait3A_377 = tpu.memref_slice %arg7[%dma_wait3A_370, %add3A_321, %dma_wait3A_376] : memref<2x20x128xi32, #tpu.memory_space<vmem>> -> memref<1x1x128xi32, #tpu.memory_space<vmem>>
      %dma_wait3A_378 = tpu.memref_squeeze %dma_wait3A_377 : memref<1x1x128xi32, #tpu.memory_space<vmem>> -> memref<128xi32, #tpu.memory_space<vmem>>
      %dma_wait3A_379 = arith.constant 0 : i32
      %dma_wait3A_380 = arith.constant 0 : i32
      %dma_wait3A_381 = tpu.memref_slice %arg2[%dma_wait3A_379, %dma_wait3A_380] : memref<10000x128xf32, #tpu.memory_space<hbm>> -> memref<10000x128xf32, #tpu.memory_space<hbm>>
      tpu.wait_indirect_dma semaphore(%arg12 : memref<!tpu.dma_semaphore, #tpu.memory_space<semaphore_mem>>) src(%dma_wait3A_381 : memref<10000x128xf32, #tpu.memory_space<hbm>>) dst(%dma_wait3A_375 : memref<128x128xf32, #tpu.memory_space<vmem>>)
      %dma_start3A_382 = arith.constant 1 : i32
      %dma_start3A_383 = arith.constant 0 : i32
      %dma_start3A_384 = arith.constant 0 : i32
      %dma_start3A_385 = arith.constant 0 : i32
      %dma_start3A_386 = tpu.memref_slice %arg9[%dma_start3A_382, %dma_start3A_384, %dma_start3A_385] : memref<2x128x128xf32, #tpu.memory_space<vmem>> -> memref<1x128x128xf32, #tpu.memory_space<vmem>>
      %dma_start3A_387 = tpu.memref_squeeze %dma_start3A_386 : memref<1x128x128xf32, #tpu.memory_space<vmem>> -> memref<128x128xf32, #tpu.memory_space<vmem>>
      %dma_start3A_388 = arith.constant 0 : i32
      %dma_start3A_389 = tpu.memref_slice %arg8[%dma_start3A_383, %add3A_321, %dma_start3A_388] : memref<2x20x128xi32, #tpu.memory_space<vmem>> -> memref<1x1x128xi32, #tpu.memory_space<vmem>>
      %dma_start3A_390 = tpu.memref_squeeze %dma_start3A_389 : memref<1x1x128xi32, #tpu.memory_space<vmem>> -> memref<128xi32, #tpu.memory_space<vmem>>
      %dma_start3A_391 = arith.constant 0 : i32
      %dma_start3A_392 = arith.constant 0 : i32
      %dma_start3A_393 = tpu.memref_slice %arg10[%dma_start3A_391, %dma_start3A_392] : memref<10240x128xf32, #tpu.memory_space<vmem_shared>> -> memref<10240x128xf32, #tpu.memory_space<vmem_shared>>
      tpu.enqueue_indirect_dma source(%dma_start3A_387 : memref<128x128xf32, #tpu.memory_space<vmem>>) target(%dma_start3A_393 : memref<10240x128xf32, #tpu.memory_space<vmem_shared>>) offsets(%dma_start3A_390 : memref<128xi32, #tpu.memory_space<vmem>>) semaphore(%arg13 : memref<!tpu.dma_semaphore, #tpu.memory_space<semaphore_mem>>) {add = true}
      %dma_wait3A_394 = arith.constant 0 : i32
      %dma_wait3A_395 = arith.constant 0 : i32
      %dma_wait3A_396 = arith.constant 0 : i32
      %dma_wait3A_397 = arith.constant 0 : i32
      %dma_wait3A_398 = tpu.memref_slice %arg9[%dma_wait3A_394, %dma_wait3A_396, %dma_wait3A_397] : memref<2x128x128xf32, #tpu.memory_space<vmem>> -> memref<1x128x128xf32, #tpu.memory_space<vmem>>
      %dma_wait3A_399 = tpu.memref_squeeze %dma_wait3A_398 : memref<1x128x128xf32, #tpu.memory_space<vmem>> -> memref<128x128xf32, #tpu.memory_space<vmem>>
      %dma_wait3A_400 = arith.constant 0 : i32
      %dma_wait3A_401 = tpu.memref_slice %arg8[%dma_wait3A_395, %mul3A_319, %dma_wait3A_400] : memref<2x20x128xi32, #tpu.memory_space<vmem>> -> memref<1x1x128xi32, #tpu.memory_space<vmem>>
      %dma_wait3A_402 = tpu.memref_squeeze %dma_wait3A_401 : memref<1x1x128xi32, #tpu.memory_space<vmem>> -> memref<128xi32, #tpu.memory_space<vmem>>
      %dma_wait3A_403 = arith.constant 0 : i32
      %dma_wait3A_404 = arith.constant 0 : i32
      %dma_wait3A_405 = tpu.memref_slice %arg10[%dma_wait3A_403, %dma_wait3A_404] : memref<10240x128xf32, #tpu.memory_space<vmem_shared>> -> memref<10240x128xf32, #tpu.memory_space<vmem_shared>>
      tpu.wait_indirect_dma semaphore(%arg13 : memref<!tpu.dma_semaphore, #tpu.memory_space<semaphore_mem>>) src(%dma_wait3A_399 : memref<128x128xf32, #tpu.memory_space<vmem>>) dst(%dma_wait3A_405 : memref<10240x128xf32, #tpu.memory_space<vmem_shared>>)
      %dma_wait3A_406 = arith.constant 1 : i32
      %dma_wait3A_407 = arith.constant 0 : i32
      %dma_wait3A_408 = arith.constant 0 : i32
      %dma_wait3A_409 = arith.constant 0 : i32
      %dma_wait3A_410 = tpu.memref_slice %arg9[%dma_wait3A_406, %dma_wait3A_408, %dma_wait3A_409] : memref<2x128x128xf32, #tpu.memory_space<vmem>> -> memref<1x128x128xf32, #tpu.memory_space<vmem>>
      %dma_wait3A_411 = tpu.memref_squeeze %dma_wait3A_410 : memref<1x128x128xf32, #tpu.memory_space<vmem>> -> memref<128x128xf32, #tpu.memory_space<vmem>>
      %dma_wait3A_412 = arith.constant 0 : i32
      %dma_wait3A_413 = tpu.memref_slice %arg8[%dma_wait3A_407, %add3A_321, %dma_wait3A_412] : memref<2x20x128xi32, #tpu.memory_space<vmem>> -> memref<1x1x128xi32, #tpu.memory_space<vmem>>
      %dma_wait3A_414 = tpu.memref_squeeze %dma_wait3A_413 : memref<1x1x128xi32, #tpu.memory_space<vmem>> -> memref<128xi32, #tpu.memory_space<vmem>>
      %dma_wait3A_415 = arith.constant 0 : i32
      %dma_wait3A_416 = arith.constant 0 : i32
      %dma_wait3A_417 = tpu.memref_slice %arg10[%dma_wait3A_415, %dma_wait3A_416] : memref<10240x128xf32, #tpu.memory_space<vmem_shared>> -> memref<10240x128xf32, #tpu.memory_space<vmem_shared>>
      tpu.wait_indirect_dma semaphore(%arg13 : memref<!tpu.dma_semaphore, #tpu.memory_space<semaphore_mem>>) src(%dma_wait3A_411 : memref<128x128xf32, #tpu.memory_space<vmem>>) dst(%dma_wait3A_417 : memref<10240x128xf32, #tpu.memory_space<vmem_shared>>)
      %scan3A_418 = arith.constant 1 : i32
      %scan3A_419 = arith.addi %scan3A_317, %scan3A_418 : i32
      %mul3A_420 = arith.constant 2 : i32
      %mul3A_421 = arith.muli %mul3A_420, %scan3A_419 : i32
      %add3A_422 = arith.constant 1 : i32
      %add3A_423 = arith.addi %mul3A_421, %add3A_422 : i32
      %dma_start3A_424 = arith.constant 0 : i32
      %dma_start3A_425 = arith.constant 0 : i32
      %dma_start3A_426 = arith.constant 0 : i32
      %dma_start3A_427 = arith.constant 0 : i32
      %dma_start3A_428 = tpu.memref_slice %arg9[%dma_start3A_425, %dma_start3A_426, %dma_start3A_427] : memref<2x128x128xf32, #tpu.memory_space<vmem>> -> memref<1x128x128xf32, #tpu.memory_space<vmem>>
      %dma_start3A_429 = tpu.memref_squeeze %dma_start3A_428 : memref<1x128x128xf32, #tpu.memory_space<vmem>> -> memref<128x128xf32, #tpu.memory_space<vmem>>
      %dma_start3A_430 = arith.constant 0 : i32
      %dma_start3A_431 = tpu.memref_slice %arg7[%dma_start3A_424, %mul3A_421, %dma_start3A_430] : memref<2x20x128xi32, #tpu.memory_space<vmem>> -> memref<1x1x128xi32, #tpu.memory_space<vmem>>
      %dma_start3A_432 = tpu.memref_squeeze %dma_start3A_431 : memref<1x1x128xi32, #tpu.memory_space<vmem>> -> memref<128xi32, #tpu.memory_space<vmem>>
      %dma_start3A_433 = arith.constant 0 : i32
      %dma_start3A_434 = arith.constant 0 : i32
      %dma_start3A_435 = tpu.memref_slice %arg2[%dma_start3A_433, %dma_start3A_434] : memref<10000x128xf32, #tpu.memory_space<hbm>> -> memref<10000x128xf32, #tpu.memory_space<hbm>>
      tpu.enqueue_indirect_dma source(%dma_start3A_435 : memref<10000x128xf32, #tpu.memory_space<hbm>>) target(%dma_start3A_429 : memref<128x128xf32, #tpu.memory_space<vmem>>) offsets(%dma_start3A_432 : memref<128xi32, #tpu.memory_space<vmem>>) semaphore(%arg12 : memref<!tpu.dma_semaphore, #tpu.memory_space<semaphore_mem>>)
      %dma_start3A_436 = arith.constant 0 : i32
      %dma_start3A_437 = arith.constant 1 : i32
      %dma_start3A_438 = arith.constant 0 : i32
      %dma_start3A_439 = arith.constant 0 : i32
      %dma_start3A_440 = tpu.memref_slice %arg9[%dma_start3A_437, %dma_start3A_438, %dma_start3A_439] : memref<2x128x128xf32, #tpu.memory_space<vmem>> -> memref<1x128x128xf32, #tpu.memory_space<vmem>>
      %dma_start3A_441 = tpu.memref_squeeze %dma_start3A_440 : memref<1x128x128xf32, #tpu.memory_space<vmem>> -> memref<128x128xf32, #tpu.memory_space<vmem>>
      %dma_start3A_442 = arith.constant 0 : i32
      %dma_start3A_443 = tpu.memref_slice %arg7[%dma_start3A_436, %add3A_423, %dma_start3A_442] : memref<2x20x128xi32, #tpu.memory_space<vmem>> -> memref<1x1x128xi32, #tpu.memory_space<vmem>>
      %dma_start3A_444 = tpu.memref_squeeze %dma_start3A_443 : memref<1x1x128xi32, #tpu.memory_space<vmem>> -> memref<128xi32, #tpu.memory_space<vmem>>
      %dma_start3A_445 = arith.constant 0 : i32
      %dma_start3A_446 = arith.constant 0 : i32
      %dma_start3A_447 = tpu.memref_slice %arg2[%dma_start3A_445, %dma_start3A_446] : memref<10000x128xf32, #tpu.memory_space<hbm>> -> memref<10000x128xf32, #tpu.memory_space<hbm>>
      tpu.enqueue_indirect_dma source(%dma_start3A_447 : memref<10000x128xf32, #tpu.memory_space<hbm>>) target(%dma_start3A_441 : memref<128x128xf32, #tpu.memory_space<vmem>>) offsets(%dma_start3A_444 : memref<128xi32, #tpu.memory_space<vmem>>) semaphore(%arg12 : memref<!tpu.dma_semaphore, #tpu.memory_space<semaphore_mem>>)
      %dma_wait3A_448 = arith.constant 0 : i32
      %dma_wait3A_449 = arith.constant 0 : i32
      %dma_wait3A_450 = arith.constant 0 : i32
      %dma_wait3A_451 = arith.constant 0 : i32
      %dma_wait3A_452 = tpu.memref_slice %arg9[%dma_wait3A_449, %dma_wait3A_450, %dma_wait3A_451] : memref<2x128x128xf32, #tpu.memory_space<vmem>> -> memref<1x128x128xf32, #tpu.memory_space<vmem>>
      %dma_wait3A_453 = tpu.memref_squeeze %dma_wait3A_452 : memref<1x128x128xf32, #tpu.memory_space<vmem>> -> memref<128x128xf32, #tpu.memory_space<vmem>>
      %dma_wait3A_454 = arith.constant 0 : i32
      %dma_wait3A_455 = tpu.memref_slice %arg7[%dma_wait3A_448, %mul3A_421, %dma_wait3A_454] : memref<2x20x128xi32, #tpu.memory_space<vmem>> -> memref<1x1x128xi32, #tpu.memory_space<vmem>>
      %dma_wait3A_456 = tpu.memref_squeeze %dma_wait3A_455 : memref<1x1x128xi32, #tpu.memory_space<vmem>> -> memref<128xi32, #tpu.memory_space<vmem>>
      %dma_wait3A_457 = arith.constant 0 : i32
      %dma_wait3A_458 = arith.constant 0 : i32
      %dma_wait3A_459 = tpu.memref_slice %arg2[%dma_wait3A_457, %dma_wait3A_458] : memref<10000x128xf32, #tpu.memory_space<hbm>> -> memref<10000x128xf32, #tpu.memory_space<hbm>>
      tpu.wait_indirect_dma semaphore(%arg12 : memref<!tpu.dma_semaphore, #tpu.memory_space<semaphore_mem>>) src(%dma_wait3A_459 : memref<10000x128xf32, #tpu.memory_space<hbm>>) dst(%dma_wait3A_453 : memref<128x128xf32, #tpu.memory_space<vmem>>)
      %dma_start3A_460 = arith.constant 0 : i32
      %dma_start3A_461 = arith.constant 0 : i32
      %dma_start3A_462 = arith.constant 0 : i32
      %dma_start3A_463 = arith.constant 0 : i32
      %dma_start3A_464 = tpu.memref_slice %arg9[%dma_start3A_460, %dma_start3A_462, %dma_start3A_463] : memref<2x128x128xf32, #tpu.memory_space<vmem>> -> memref<1x128x128xf32, #tpu.memory_space<vmem>>
      %dma_start3A_465 = tpu.memref_squeeze %dma_start3A_464 : memref<1x128x128xf32, #tpu.memory_space<vmem>> -> memref<128x128xf32, #tpu.memory_space<vmem>>
      %dma_start3A_466 = arith.constant 0 : i32
      %dma_start3A_467 = tpu.memref_slice %arg8[%dma_start3A_461, %mul3A_421, %dma_start3A_466] : memref<2x20x128xi32, #tpu.memory_space<vmem>> -> memref<1x1x128xi32, #tpu.memory_space<vmem>>
      %dma_start3A_468 = tpu.memref_squeeze %dma_start3A_467 : memref<1x1x128xi32, #tpu.memory_space<vmem>> -> memref<128xi32, #tpu.memory_space<vmem>>
      %dma_start3A_469 = arith.constant 0 : i32
      %dma_start3A_470 = arith.constant 0 : i32
      %dma_start3A_471 = tpu.memref_slice %arg10[%dma_start3A_469, %dma_start3A_470] : memref<10240x128xf32, #tpu.memory_space<vmem_shared>> -> memref<10240x128xf32, #tpu.memory_space<vmem_shared>>
      tpu.enqueue_indirect_dma source(%dma_start3A_465 : memref<128x128xf32, #tpu.memory_space<vmem>>) target(%dma_start3A_471 : memref<10240x128xf32, #tpu.memory_space<vmem_shared>>) offsets(%dma_start3A_468 : memref<128xi32, #tpu.memory_space<vmem>>) semaphore(%arg13 : memref<!tpu.dma_semaphore, #tpu.memory_space<semaphore_mem>>) {add = true}
      %dma_wait3A_472 = arith.constant 0 : i32
      %dma_wait3A_473 = arith.constant 1 : i32
      %dma_wait3A_474 = arith.constant 0 : i32
      %dma_wait3A_475 = arith.constant 0 : i32
      %dma_wait3A_476 = tpu.memref_slice %arg9[%dma_wait3A_473, %dma_wait3A_474, %dma_wait3A_475] : memref<2x128x128xf32, #tpu.memory_space<vmem>> -> memref<1x128x128xf32, #tpu.memory_space<vmem>>
      %dma_wait3A_477 = tpu.memref_squeeze %dma_wait3A_476 : memref<1x128x128xf32, #tpu.memory_space<vmem>> -> memref<128x128xf32, #tpu.memory_space<vmem>>
      %dma_wait3A_478 = arith.constant 0 : i32
      %dma_wait3A_479 = tpu.memref_slice %arg7[%dma_wait3A_472, %add3A_423, %dma_wait3A_478] : memref<2x20x128xi32, #tpu.memory_space<vmem>> -> memref<1x1x128xi32, #tpu.memory_space<vmem>>
      %dma_wait3A_480 = tpu.memref_squeeze %dma_wait3A_479 : memref<1x1x128xi32, #tpu.memory_space<vmem>> -> memref<128xi32, #tpu.memory_space<vmem>>
      %dma_wait3A_481 = arith.constant 0 : i32
      %dma_wait3A_482 = arith.constant 0 : i32
      %dma_wait3A_483 = tpu.memref_slice %arg2[%dma_wait3A_481, %dma_wait3A_482] : memref<10000x128xf32, #tpu.memory_space<hbm>> -> memref<10000x128xf32, #tpu.memory_space<hbm>>
      tpu.wait_indirect_dma semaphore(%arg12 : memref<!tpu.dma_semaphore, #tpu.memory_space<semaphore_mem>>) src(%dma_wait3A_483 : memref<10000x128xf32, #tpu.memory_space<hbm>>) dst(%dma_wait3A_477 : memref<128x128xf32, #tpu.memory_space<vmem>>)
      %dma_start3A_484 = arith.constant 1 : i32
      %dma_start3A_485 = arith.constant 0 : i32
      %dma_start3A_486 = arith.constant 0 : i32
      %dma_start3A_487 = arith.constant 0 : i32
      %dma_start3A_488 = tpu.memref_slice %arg9[%dma_start3A_484, %dma_start3A_486, %dma_start3A_487] : memref<2x128x128xf32, #tpu.memory_space<vmem>> -> memref<1x128x128xf32, #tpu.memory_space<vmem>>
      %dma_start3A_489 = tpu.memref_squeeze %dma_start3A_488 : memref<1x128x128xf32, #tpu.memory_space<vmem>> -> memref<128x128xf32, #tpu.memory_space<vmem>>
      %dma_start3A_490 = arith.constant 0 : i32
      %dma_start3A_491 = tpu.memref_slice %arg8[%dma_start3A_485, %add3A_423, %dma_start3A_490] : memref<2x20x128xi32, #tpu.memory_space<vmem>> -> memref<1x1x128xi32, #tpu.memory_space<vmem>>
      %dma_start3A_492 = tpu.memref_squeeze %dma_start3A_491 : memref<1x1x128xi32, #tpu.memory_space<vmem>> -> memref<128xi32, #tpu.memory_space<vmem>>
      %dma_start3A_493 = arith.constant 0 : i32
      %dma_start3A_494 = arith.constant 0 : i32
      %dma_start3A_495 = tpu.memref_slice %arg10[%dma_start3A_493, %dma_start3A_494] : memref<10240x128xf32, #tpu.memory_space<vmem_shared>> -> memref<10240x128xf32, #tpu.memory_space<vmem_shared>>
      tpu.enqueue_indirect_dma source(%dma_start3A_489 : memref<128x128xf32, #tpu.memory_space<vmem>>) target(%dma_start3A_495 : memref<10240x128xf32, #tpu.memory_space<vmem_shared>>) offsets(%dma_start3A_492 : memref<128xi32, #tpu.memory_space<vmem>>) semaphore(%arg13 : memref<!tpu.dma_semaphore, #tpu.memory_space<semaphore_mem>>) {add = true}
      %dma_wait3A_496 = arith.constant 0 : i32
      %dma_wait3A_497 = arith.constant 0 : i32
      %dma_wait3A_498 = arith.constant 0 : i32
      %dma_wait3A_499 = arith.constant 0 : i32
      %dma_wait3A_500 = tpu.memref_slice %arg9[%dma_wait3A_496, %dma_wait3A_498, %dma_wait3A_499] : memref<2x128x128xf32, #tpu.memory_space<vmem>> -> memref<1x128x128xf32, #tpu.memory_space<vmem>>
      %dma_wait3A_501 = tpu.memref_squeeze %dma_wait3A_500 : memref<1x128x128xf32, #tpu.memory_space<vmem>> -> memref<128x128xf32, #tpu.memory_space<vmem>>
      %dma_wait3A_502 = arith.constant 0 : i32
      %dma_wait3A_503 = tpu.memref_slice %arg8[%dma_wait3A_497, %mul3A_421, %dma_wait3A_502] : memref<2x20x128xi32, #tpu.memory_space<vmem>> -> memref<1x1x128xi32, #tpu.memory_space<vmem>>
      %dma_wait3A_504 = tpu.memref_squeeze %dma_wait3A_503 : memref<1x1x128xi32, #tpu.memory_space<vmem>> -> memref<128xi32, #tpu.memory_space<vmem>>
      %dma_wait3A_505 = arith.constant 0 : i32
      %dma_wait3A_506 = arith.constant 0 : i32
      %dma_wait3A_507 = tpu.memref_slice %arg10[%dma_wait3A_505, %dma_wait3A_506] : memref<10240x128xf32, #tpu.memory_space<vmem_shared>> -> memref<10240x128xf32, #tpu.memory_space<vmem_shared>>
      tpu.wait_indirect_dma semaphore(%arg13 : memref<!tpu.dma_semaphore, #tpu.memory_space<semaphore_mem>>) src(%dma_wait3A_501 : memref<128x128xf32, #tpu.memory_space<vmem>>) dst(%dma_wait3A_507 : memref<10240x128xf32, #tpu.memory_space<vmem_shared>>)
      %dma_wait3A_508 = arith.constant 1 : i32
      %dma_wait3A_509 = arith.constant 0 : i32
      %dma_wait3A_510 = arith.constant 0 : i32
      %dma_wait3A_511 = arith.constant 0 : i32
      %dma_wait3A_512 = tpu.memref_slice %arg9[%dma_wait3A_508, %dma_wait3A_510, %dma_wait3A_511] : memref<2x128x128xf32, #tpu.memory_space<vmem>> -> memref<1x128x128xf32, #tpu.memory_space<vmem>>
      %dma_wait3A_513 = tpu.memref_squeeze %dma_wait3A_512 : memref<1x128x128xf32, #tpu.memory_space<vmem>> -> memref<128x128xf32, #tpu.memory_space<vmem>>
      %dma_wait3A_514 = arith.constant 0 : i32
      %dma_wait3A_515 = tpu.memref_slice %arg8[%dma_wait3A_509, %add3A_423, %dma_wait3A_514] : memref<2x20x128xi32, #tpu.memory_space<vmem>> -> memref<1x1x128xi32, #tpu.memory_space<vmem>>
      %dma_wait3A_516 = tpu.memref_squeeze %dma_wait3A_515 : memref<1x1x128xi32, #tpu.memory_space<vmem>> -> memref<128xi32, #tpu.memory_space<vmem>>
      %dma_wait3A_517 = arith.constant 0 : i32
      %dma_wait3A_518 = arith.constant 0 : i32
      %dma_wait3A_519 = tpu.memref_slice %arg10[%dma_wait3A_517, %dma_wait3A_518] : memref<10240x128xf32, #tpu.memory_space<vmem_shared>> -> memref<10240x128xf32, #tpu.memory_space<vmem_shared>>
      tpu.wait_indirect_dma semaphore(%arg13 : memref<!tpu.dma_semaphore, #tpu.memory_space<semaphore_mem>>) src(%dma_wait3A_513 : memref<128x128xf32, #tpu.memory_space<vmem>>) dst(%dma_wait3A_519 : memref<10240x128xf32, #tpu.memory_space<vmem_shared>>)
    }
    %scan3A_269 = arith.constant 10 : i32
    %dma_wait3A_270 = arith.constant 3 : i32
    %dma_wait3A_271 = arith.constant 1 : i32
    %dma_wait3A_272 = arith.constant 0 : i32
    %dma_wait3A_273 = arith.constant 0 : i32
    %dma_wait3A_274 = tpu.memref_slice %arg7[%dma_wait3A_271, %dma_wait3A_272, %dma_wait3A_273] : memref<2x20x128xi32, #tpu.memory_space<vmem>> -> memref<1x20x128xi32, #tpu.memory_space<vmem>>
    %dma_wait3A_275 = tpu.memref_squeeze %dma_wait3A_274 : memref<1x20x128xi32, #tpu.memory_space<vmem>> -> memref<20x128xi32, #tpu.memory_space<vmem>>
    %dma_wait3A_276 = arith.constant 0 : i32
    %dma_wait3A_277 = arith.constant 0 : i32
    %dma_wait3A_278 = tpu.memref_slice %arg3[%add3A, %dma_wait3A_270, %dma_wait3A_276, %dma_wait3A_277] : memref<32x4x20x128xi32, #tpu.memory_space<hbm>> -> memref<1x1x20x128xi32, #tpu.memory_space<hbm>>
    %dma_wait3A_279 = tpu.memref_squeeze %dma_wait3A_278 : memref<1x1x20x128xi32, #tpu.memory_space<hbm>> -> memref<20x128xi32, #tpu.memory_space<hbm>>
    %dma_wait3A_280 = arith.constant 0 : i32
    %dma_wait3A_281 = arith.constant 0 : i32
    %dma_wait3A_282 = tpu.memref_slice %arg7[%dma_wait3A_271, %dma_wait3A_280, %dma_wait3A_281] : memref<2x20x128xi32, #tpu.memory_space<vmem>> -> memref<1x20x128xi32, #tpu.memory_space<vmem>>
    %dma_wait3A_283 = tpu.memref_squeeze %dma_wait3A_282 : memref<1x20x128xi32, #tpu.memory_space<vmem>> -> memref<20x128xi32, #tpu.memory_space<vmem>>
    %dma_wait3A_284 = arith.constant 0 : i32
    %dma_wait3A_285 = arith.constant 0 : i32
    %dma_wait3A_286 = tpu.memref_slice %arg3[%add3A, %dma_wait3A_270, %dma_wait3A_284, %dma_wait3A_285] : memref<32x4x20x128xi32, #tpu.memory_space<hbm>> -> memref<1x1x20x128xi32, #tpu.memory_space<hbm>>
    %dma_wait3A_287 = tpu.memref_squeeze %dma_wait3A_286 : memref<1x1x20x128xi32, #tpu.memory_space<hbm>> -> memref<20x128xi32, #tpu.memory_space<hbm>>
    tpu.wait_dma2 semaphore(%arg11 : memref<!tpu.dma_semaphore, #tpu.memory_space<semaphore_mem>>) src(%dma_wait3A_287 : memref<20x128xi32, #tpu.memory_space<hbm>>) dst(%dma_wait3A_283 : memref<20x128xi32, #tpu.memory_space<vmem>>)
    %dma_wait3A_288 = arith.constant 3 : i32
    %dma_wait3A_289 = arith.constant 1 : i32
    %dma_wait3A_290 = arith.constant 0 : i32
    %dma_wait3A_291 = arith.constant 0 : i32
    %dma_wait3A_292 = tpu.memref_slice %arg8[%dma_wait3A_289, %dma_wait3A_290, %dma_wait3A_291] : memref<2x20x128xi32, #tpu.memory_space<vmem>> -> memref<1x20x128xi32, #tpu.memory_space<vmem>>
    %dma_wait3A_293 = tpu.memref_squeeze %dma_wait3A_292 : memref<1x20x128xi32, #tpu.memory_space<vmem>> -> memref<20x128xi32, #tpu.memory_space<vmem>>
    %dma_wait3A_294 = arith.constant 0 : i32
    %dma_wait3A_295 = arith.constant 0 : i32
    %dma_wait3A_296 = tpu.memref_slice %arg4[%add3A, %dma_wait3A_288, %dma_wait3A_294, %dma_wait3A_295] : memref<32x4x20x128xi32, #tpu.memory_space<hbm>> -> memref<1x1x20x128xi32, #tpu.memory_space<hbm>>
    %dma_wait3A_297 = tpu.memref_squeeze %dma_wait3A_296 : memref<1x1x20x128xi32, #tpu.memory_space<hbm>> -> memref<20x128xi32, #tpu.memory_space<hbm>>
    %dma_wait3A_298 = arith.constant 0 : i32
    %dma_wait3A_299 = arith.constant 0 : i32
    %dma_wait3A_300 = tpu.memref_slice %arg8[%dma_wait3A_289, %dma_wait3A_298, %dma_wait3A_299] : memref<2x20x128xi32, #tpu.memory_space<vmem>> -> memref<1x20x128xi32, #tpu.memory_space<vmem>>
    %dma_wait3A_301 = tpu.memref_squeeze %dma_wait3A_300 : memref<1x20x128xi32, #tpu.memory_space<vmem>> -> memref<20x128xi32, #tpu.memory_space<vmem>>
    %dma_wait3A_302 = arith.constant 0 : i32
    %dma_wait3A_303 = arith.constant 0 : i32
    %dma_wait3A_304 = tpu.memref_slice %arg4[%add3A, %dma_wait3A_288, %dma_wait3A_302, %dma_wait3A_303] : memref<32x4x20x128xi32, #tpu.memory_space<hbm>> -> memref<1x1x20x128xi32, #tpu.memory_space<hbm>>
    %dma_wait3A_305 = tpu.memref_squeeze %dma_wait3A_304 : memref<1x1x20x128xi32, #tpu.memory_space<hbm>> -> memref<20x128xi32, #tpu.memory_space<hbm>>
    tpu.wait_dma2 semaphore(%arg11 : memref<!tpu.dma_semaphore, #tpu.memory_space<semaphore_mem>>) src(%dma_wait3A_305 : memref<20x128xi32, #tpu.memory_space<hbm>>) dst(%dma_wait3A_301 : memref<20x128xi32, #tpu.memory_space<vmem>>)
    %scan3A_306 = arith.constant 0 : i32
    %scan3A_307 = arith.constant 0 : i32
    %scan3A_308 = arith.constant 10 : i32
    %scan3A_309 = arith.addi %scan3A_307, %scan3A_308 : i32
    %scan3A_310 = arith.constant 2 : i32
    scf.for %scan3A_317 = %scan3A_307 to %scan3A_309 step %scan3A_310  : i32 {
      %mul3A_318 = arith.constant 2 : i32
      %mul3A_319 = arith.muli %mul3A_318, %scan3A_317 : i32
      %add3A_320 = arith.constant 1 : i32
      %add3A_321 = arith.addi %mul3A_319, %add3A_320 : i32
      %dma_start3A_322 = arith.constant 1 : i32
      %dma_start3A_323 = arith.constant 0 : i32
      %dma_start3A_324 = arith.constant 0 : i32
      %dma_start3A_325 = arith.constant 0 : i32
      %dma_start3A_326 = tpu.memref_slice %arg9[%dma_start3A_323, %dma_start3A_324, %dma_start3A_325] : memref<2x128x128xf32, #tpu.memory_space<vmem>> -> memref<1x128x128xf32, #tpu.memory_space<vmem>>
      %dma_start3A_327 = tpu.memref_squeeze %dma_start3A_326 : memref<1x128x128xf32, #tpu.memory_space<vmem>> -> memref<128x128xf32, #tpu.memory_space<vmem>>
      %dma_start3A_328 = arith.constant 0 : i32
      %dma_start3A_329 = tpu.memref_slice %arg7[%dma_start3A_322, %mul3A_319, %dma_start3A_328] : memref<2x20x128xi32, #tpu.memory_space<vmem>> -> memref<1x1x128xi32, #tpu.memory_space<vmem>>
      %dma_start3A_330 = tpu.memref_squeeze %dma_start3A_329 : memref<1x1x128xi32, #tpu.memory_space<vmem>> -> memref<128xi32, #tpu.memory_space<vmem>>
      %dma_start3A_331 = arith.constant 0 : i32
      %dma_start3A_332 = arith.constant 0 : i32
      %dma_start3A_333 = tpu.memref_slice %arg2[%dma_start3A_331, %dma_start3A_332] : memref<10000x128xf32, #tpu.memory_space<hbm>> -> memref<10000x128xf32, #tpu.memory_space<hbm>>
      tpu.enqueue_indirect_dma source(%dma_start3A_333 : memref<10000x128xf32, #tpu.memory_space<hbm>>) target(%dma_start3A_327 : memref<128x128xf32, #tpu.memory_space<vmem>>) offsets(%dma_start3A_330 : memref<128xi32, #tpu.memory_space<vmem>>) semaphore(%arg12 : memref<!tpu.dma_semaphore, #tpu.memory_space<semaphore_mem>>)
      %dma_start3A_334 = arith.constant 1 : i32
      %dma_start3A_335 = arith.constant 1 : i32
      %dma_start3A_336 = arith.constant 0 : i32
      %dma_start3A_337 = arith.constant 0 : i32
      %dma_start3A_338 = tpu.memref_slice %arg9[%dma_start3A_335, %dma_start3A_336, %dma_start3A_337] : memref<2x128x128xf32, #tpu.memory_space<vmem>> -> memref<1x128x128xf32, #tpu.memory_space<vmem>>
      %dma_start3A_339 = tpu.memref_squeeze %dma_start3A_338 : memref<1x128x128xf32, #tpu.memory_space<vmem>> -> memref<128x128xf32, #tpu.memory_space<vmem>>
      %dma_start3A_340 = arith.constant 0 : i32
      %dma_start3A_341 = tpu.memref_slice %arg7[%dma_start3A_334, %add3A_321, %dma_start3A_340] : memref<2x20x128xi32, #tpu.memory_space<vmem>> -> memref<1x1x128xi32, #tpu.memory_space<vmem>>
      %dma_start3A_342 = tpu.memref_squeeze %dma_start3A_341 : memref<1x1x128xi32, #tpu.memory_space<vmem>> -> memref<128xi32, #tpu.memory_space<vmem>>
      %dma_start3A_343 = arith.constant 0 : i32
      %dma_start3A_344 = arith.constant 0 : i32
      %dma_start3A_345 = tpu.memref_slice %arg2[%dma_start3A_343, %dma_start3A_344] : memref<10000x128xf32, #tpu.memory_space<hbm>> -> memref<10000x128xf32, #tpu.memory_space<hbm>>
      tpu.enqueue_indirect_dma source(%dma_start3A_345 : memref<10000x128xf32, #tpu.memory_space<hbm>>) target(%dma_start3A_339 : memref<128x128xf32, #tpu.memory_space<vmem>>) offsets(%dma_start3A_342 : memref<128xi32, #tpu.memory_space<vmem>>) semaphore(%arg12 : memref<!tpu.dma_semaphore, #tpu.memory_space<semaphore_mem>>)
      %dma_wait3A_346 = arith.constant 1 : i32
      %dma_wait3A_347 = arith.constant 0 : i32
      %dma_wait3A_348 = arith.constant 0 : i32
      %dma_wait3A_349 = arith.constant 0 : i32
      %dma_wait3A_350 = tpu.memref_slice %arg9[%dma_wait3A_347, %dma_wait3A_348, %dma_wait3A_349] : memref<2x128x128xf32, #tpu.memory_space<vmem>> -> memref<1x128x128xf32, #tpu.memory_space<vmem>>
      %dma_wait3A_351 = tpu.memref_squeeze %dma_wait3A_350 : memref<1x128x128xf32, #tpu.memory_space<vmem>> -> memref<128x128xf32, #tpu.memory_space<vmem>>
      %dma_wait3A_352 = arith.constant 0 : i32
      %dma_wait3A_353 = tpu.memref_slice %arg7[%dma_wait3A_346, %mul3A_319, %dma_wait3A_352] : memref<2x20x128xi32, #tpu.memory_space<vmem>> -> memref<1x1x128xi32, #tpu.memory_space<vmem>>
      %dma_wait3A_354 = tpu.memref_squeeze %dma_wait3A_353 : memref<1x1x128xi32, #tpu.memory_space<vmem>> -> memref<128xi32, #tpu.memory_space<vmem>>
      %dma_wait3A_355 = arith.constant 0 : i32
      %dma_wait3A_356 = arith.constant 0 : i32
      %dma_wait3A_357 = tpu.memref_slice %arg2[%dma_wait3A_355, %dma_wait3A_356] : memref<10000x128xf32, #tpu.memory_space<hbm>> -> memref<10000x128xf32, #tpu.memory_space<hbm>>
      tpu.wait_indirect_dma semaphore(%arg12 : memref<!tpu.dma_semaphore, #tpu.memory_space<semaphore_mem>>) src(%dma_wait3A_357 : memref<10000x128xf32, #tpu.memory_space<hbm>>) dst(%dma_wait3A_351 : memref<128x128xf32, #tpu.memory_space<vmem>>)
      %dma_start3A_358 = arith.constant 0 : i32
      %dma_start3A_359 = arith.constant 1 : i32
      %dma_start3A_360 = arith.constant 0 : i32
      %dma_start3A_361 = arith.constant 0 : i32
      %dma_start3A_362 = tpu.memref_slice %arg9[%dma_start3A_358, %dma_start3A_360, %dma_start3A_361] : memref<2x128x128xf32, #tpu.memory_space<vmem>> -> memref<1x128x128xf32, #tpu.memory_space<vmem>>
      %dma_start3A_363 = tpu.memref_squeeze %dma_start3A_362 : memref<1x128x128xf32, #tpu.memory_space<vmem>> -> memref<128x128xf32, #tpu.memory_space<vmem>>
      %dma_start3A_364 = arith.constant 0 : i32
      %dma_start3A_365 = tpu.memref_slice %arg8[%dma_start3A_359, %mul3A_319, %dma_start3A_364] : memref<2x20x128xi32, #tpu.memory_space<vmem>> -> memref<1x1x128xi32, #tpu.memory_space<vmem>>
      %dma_start3A_366 = tpu.memref_squeeze %dma_start3A_365 : memref<1x1x128xi32, #tpu.memory_space<vmem>> -> memref<128xi32, #tpu.memory_space<vmem>>
      %dma_start3A_367 = arith.constant 0 : i32
      %dma_start3A_368 = arith.constant 0 : i32
      %dma_start3A_369 = tpu.memref_slice %arg10[%dma_start3A_367, %dma_start3A_368] : memref<10240x128xf32, #tpu.memory_space<vmem_shared>> -> memref<10240x128xf32, #tpu.memory_space<vmem_shared>>
      tpu.enqueue_indirect_dma source(%dma_start3A_363 : memref<128x128xf32, #tpu.memory_space<vmem>>) target(%dma_start3A_369 : memref<10240x128xf32, #tpu.memory_space<vmem_shared>>) offsets(%dma_start3A_366 : memref<128xi32, #tpu.memory_space<vmem>>) semaphore(%arg13 : memref<!tpu.dma_semaphore, #tpu.memory_space<semaphore_mem>>) {add = true}
      %dma_wait3A_370 = arith.constant 1 : i32
      %dma_wait3A_371 = arith.constant 1 : i32
      %dma_wait3A_372 = arith.constant 0 : i32
      %dma_wait3A_373 = arith.constant 0 : i32
      %dma_wait3A_374 = tpu.memref_slice %arg9[%dma_wait3A_371, %dma_wait3A_372, %dma_wait3A_373] : memref<2x128x128xf32, #tpu.memory_space<vmem>> -> memref<1x128x128xf32, #tpu.memory_space<vmem>>
      %dma_wait3A_375 = tpu.memref_squeeze %dma_wait3A_374 : memref<1x128x128xf32, #tpu.memory_space<vmem>> -> memref<128x128xf32, #tpu.memory_space<vmem>>
      %dma_wait3A_376 = arith.constant 0 : i32
      %dma_wait3A_377 = tpu.memref_slice %arg7[%dma_wait3A_370, %add3A_321, %dma_wait3A_376] : memref<2x20x128xi32, #tpu.memory_space<vmem>> -> memref<1x1x128xi32, #tpu.memory_space<vmem>>
      %dma_wait3A_378 = tpu.memref_squeeze %dma_wait3A_377 : memref<1x1x128xi32, #tpu.memory_space<vmem>> -> memref<128xi32, #tpu.memory_space<vmem>>
      %dma_wait3A_379 = arith.constant 0 : i32
      %dma_wait3A_380 = arith.constant 0 : i32
      %dma_wait3A_381 = tpu.memref_slice %arg2[%dma_wait3A_379, %dma_wait3A_380] : memref<10000x128xf32, #tpu.memory_space<hbm>> -> memref<10000x128xf32, #tpu.memory_space<hbm>>
      tpu.wait_indirect_dma semaphore(%arg12 : memref<!tpu.dma_semaphore, #tpu.memory_space<semaphore_mem>>) src(%dma_wait3A_381 : memref<10000x128xf32, #tpu.memory_space<hbm>>) dst(%dma_wait3A_375 : memref<128x128xf32, #tpu.memory_space<vmem>>)
      %dma_start3A_382 = arith.constant 1 : i32
      %dma_start3A_383 = arith.constant 1 : i32
      %dma_start3A_384 = arith.constant 0 : i32
      %dma_start3A_385 = arith.constant 0 : i32
      %dma_start3A_386 = tpu.memref_slice %arg9[%dma_start3A_382, %dma_start3A_384, %dma_start3A_385] : memref<2x128x128xf32, #tpu.memory_space<vmem>> -> memref<1x128x128xf32, #tpu.memory_space<vmem>>
      %dma_start3A_387 = tpu.memref_squeeze %dma_start3A_386 : memref<1x128x128xf32, #tpu.memory_space<vmem>> -> memref<128x128xf32, #tpu.memory_space<vmem>>
      %dma_start3A_388 = arith.constant 0 : i32
      %dma_start3A_389 = tpu.memref_slice %arg8[%dma_start3A_383, %add3A_321, %dma_start3A_388] : memref<2x20x128xi32, #tpu.memory_space<vmem>> -> memref<1x1x128xi32, #tpu.memory_space<vmem>>
      %dma_start3A_390 = tpu.memref_squeeze %dma_start3A_389 : memref<1x1x128xi32, #tpu.memory_space<vmem>> -> memref<128xi32, #tpu.memory_space<vmem>>
      %dma_start3A_391 = arith.constant 0 : i32
      %dma_start3A_392 = arith.constant 0 : i32
      %dma_start3A_393 = tpu.memref_slice %arg10[%dma_start3A_391, %dma_start3A_392] : memref<10240x128xf32, #tpu.memory_space<vmem_shared>> -> memref<10240x128xf32, #tpu.memory_space<vmem_shared>>
      tpu.enqueue_indirect_dma source(%dma_start3A_387 : memref<128x128xf32, #tpu.memory_space<vmem>>) target(%dma_start3A_393 : memref<10240x128xf32, #tpu.memory_space<vmem_shared>>) offsets(%dma_start3A_390 : memref<128xi32, #tpu.memory_space<vmem>>) semaphore(%arg13 : memref<!tpu.dma_semaphore, #tpu.memory_space<semaphore_mem>>) {add = true}
      %dma_wait3A_394 = arith.constant 0 : i32
      %dma_wait3A_395 = arith.constant 1 : i32
      %dma_wait3A_396 = arith.constant 0 : i32
      %dma_wait3A_397 = arith.constant 0 : i32
      %dma_wait3A_398 = tpu.memref_slice %arg9[%dma_wait3A_394, %dma_wait3A_396, %dma_wait3A_397] : memref<2x128x128xf32, #tpu.memory_space<vmem>> -> memref<1x128x128xf32, #tpu.memory_space<vmem>>
      %dma_wait3A_399 = tpu.memref_squeeze %dma_wait3A_398 : memref<1x128x128xf32, #tpu.memory_space<vmem>> -> memref<128x128xf32, #tpu.memory_space<vmem>>
      %dma_wait3A_400 = arith.constant 0 : i32
      %dma_wait3A_401 = tpu.memref_slice %arg8[%dma_wait3A_395, %mul3A_319, %dma_wait3A_400] : memref<2x20x128xi32, #tpu.memory_space<vmem>> -> memref<1x1x128xi32, #tpu.memory_space<vmem>>
      %dma_wait3A_402 = tpu.memref_squeeze %dma_wait3A_401 : memref<1x1x128xi32, #tpu.memory_space<vmem>> -> memref<128xi32, #tpu.memory_space<vmem>>
      %dma_wait3A_403 = arith.constant 0 : i32
      %dma_wait3A_404 = arith.constant 0 : i32
      %dma_wait3A_405 = tpu.memref_slice %arg10[%dma_wait3A_403, %dma_wait3A_404] : memref<10240x128xf32, #tpu.memory_space<vmem_shared>> -> memref<10240x128xf32, #tpu.memory_space<vmem_shared>>
      tpu.wait_indirect_dma semaphore(%arg13 : memref<!tpu.dma_semaphore, #tpu.memory_space<semaphore_mem>>) src(%dma_wait3A_399 : memref<128x128xf32, #tpu.memory_space<vmem>>) dst(%dma_wait3A_405 : memref<10240x128xf32, #tpu.memory_space<vmem_shared>>)
      %dma_wait3A_406 = arith.constant 1 : i32
      %dma_wait3A_407 = arith.constant 1 : i32
      %dma_wait3A_408 = arith.constant 0 : i32
      %dma_wait3A_409 = arith.constant 0 : i32
      %dma_wait3A_410 = tpu.memref_slice %arg9[%dma_wait3A_406, %dma_wait3A_408, %dma_wait3A_409] : memref<2x128x128xf32, #tpu.memory_space<vmem>> -> memref<1x128x128xf32, #tpu.memory_space<vmem>>
      %dma_wait3A_411 = tpu.memref_squeeze %dma_wait3A_410 : memref<1x128x128xf32, #tpu.memory_space<vmem>> -> memref<128x128xf32, #tpu.memory_space<vmem>>
      %dma_wait3A_412 = arith.constant 0 : i32
      %dma_wait3A_413 = tpu.memref_slice %arg8[%dma_wait3A_407, %add3A_321, %dma_wait3A_412] : memref<2x20x128xi32, #tpu.memory_space<vmem>> -> memref<1x1x128xi32, #tpu.memory_space<vmem>>
      %dma_wait3A_414 = tpu.memref_squeeze %dma_wait3A_413 : memref<1x1x128xi32, #tpu.memory_space<vmem>> -> memref<128xi32, #tpu.memory_space<vmem>>
      %dma_wait3A_415 = arith.constant 0 : i32
      %dma_wait3A_416 = arith.constant 0 : i32
      %dma_wait3A_417 = tpu.memref_slice %arg10[%dma_wait3A_415, %dma_wait3A_416] : memref<10240x128xf32, #tpu.memory_space<vmem_shared>> -> memref<10240x128xf32, #tpu.memory_space<vmem_shared>>
      tpu.wait_indirect_dma semaphore(%arg13 : memref<!tpu.dma_semaphore, #tpu.memory_space<semaphore_mem>>) src(%dma_wait3A_411 : memref<128x128xf32, #tpu.memory_space<vmem>>) dst(%dma_wait3A_417 : memref<10240x128xf32, #tpu.memory_space<vmem_shared>>)
      %scan3A_418 = arith.constant 1 : i32
      %scan3A_419 = arith.addi %scan3A_317, %scan3A_418 : i32
      %mul3A_420 = arith.constant 2 : i32
      %mul3A_421 = arith.muli %mul3A_420, %scan3A_419 : i32
      %add3A_422 = arith.constant 1 : i32
      %add3A_423 = arith.addi %mul3A_421, %add3A_422 : i32
      %dma_start3A_424 = arith.constant 1 : i32
      %dma_start3A_425 = arith.constant 0 : i32
      %dma_start3A_426 = arith.constant 0 : i32
      %dma_start3A_427 = arith.constant 0 : i32
      %dma_start3A_428 = tpu.memref_slice %arg9[%dma_start3A_425, %dma_start3A_426, %dma_start3A_427] : memref<2x128x128xf32, #tpu.memory_space<vmem>> -> memref<1x128x128xf32, #tpu.memory_space<vmem>>
      %dma_start3A_429 = tpu.memref_squeeze %dma_start3A_428 : memref<1x128x128xf32, #tpu.memory_space<vmem>> -> memref<128x128xf32, #tpu.memory_space<vmem>>
      %dma_start3A_430 = arith.constant 0 : i32
      %dma_start3A_431 = tpu.memref_slice %arg7[%dma_start3A_424, %mul3A_421, %dma_start3A_430] : memref<2x20x128xi32, #tpu.memory_space<vmem>> -> memref<1x1x128xi32, #tpu.memory_space<vmem>>
      %dma_start3A_432 = tpu.memref_squeeze %dma_start3A_431 : memref<1x1x128xi32, #tpu.memory_space<vmem>> -> memref<128xi32, #tpu.memory_space<vmem>>
      %dma_start3A_433 = arith.constant 0 : i32
      %dma_start3A_434 = arith.constant 0 : i32
      %dma_start3A_435 = tpu.memref_slice %arg2[%dma_start3A_433, %dma_start3A_434] : memref<10000x128xf32, #tpu.memory_space<hbm>> -> memref<10000x128xf32, #tpu.memory_space<hbm>>
      tpu.enqueue_indirect_dma source(%dma_start3A_435 : memref<10000x128xf32, #tpu.memory_space<hbm>>) target(%dma_start3A_429 : memref<128x128xf32, #tpu.memory_space<vmem>>) offsets(%dma_start3A_432 : memref<128xi32, #tpu.memory_space<vmem>>) semaphore(%arg12 : memref<!tpu.dma_semaphore, #tpu.memory_space<semaphore_mem>>)
      %dma_start3A_436 = arith.constant 1 : i32
      %dma_start3A_437 = arith.constant 1 : i32
      %dma_start3A_438 = arith.constant 0 : i32
      %dma_start3A_439 = arith.constant 0 : i32
      %dma_start3A_440 = tpu.memref_slice %arg9[%dma_start3A_437, %dma_start3A_438, %dma_start3A_439] : memref<2x128x128xf32, #tpu.memory_space<vmem>> -> memref<1x128x128xf32, #tpu.memory_space<vmem>>
      %dma_start3A_441 = tpu.memref_squeeze %dma_start3A_440 : memref<1x128x128xf32, #tpu.memory_space<vmem>> -> memref<128x128xf32, #tpu.memory_space<vmem>>
      %dma_start3A_442 = arith.constant 0 : i32
      %dma_start3A_443 = tpu.memref_slice %arg7[%dma_start3A_436, %add3A_423, %dma_start3A_442] : memref<2x20x128xi32, #tpu.memory_space<vmem>> -> memref<1x1x128xi32, #tpu.memory_space<vmem>>
      %dma_start3A_444 = tpu.memref_squeeze %dma_start3A_443 : memref<1x1x128xi32, #tpu.memory_space<vmem>> -> memref<128xi32, #tpu.memory_space<vmem>>
      %dma_start3A_445 = arith.constant 0 : i32
      %dma_start3A_446 = arith.constant 0 : i32
      %dma_start3A_447 = tpu.memref_slice %arg2[%dma_start3A_445, %dma_start3A_446] : memref<10000x128xf32, #tpu.memory_space<hbm>> -> memref<10000x128xf32, #tpu.memory_space<hbm>>
      tpu.enqueue_indirect_dma source(%dma_start3A_447 : memref<10000x128xf32, #tpu.memory_space<hbm>>) target(%dma_start3A_441 : memref<128x128xf32, #tpu.memory_space<vmem>>) offsets(%dma_start3A_444 : memref<128xi32, #tpu.memory_space<vmem>>) semaphore(%arg12 : memref<!tpu.dma_semaphore, #tpu.memory_space<semaphore_mem>>)
      %dma_wait3A_448 = arith.constant 1 : i32
      %dma_wait3A_449 = arith.constant 0 : i32
      %dma_wait3A_450 = arith.constant 0 : i32
      %dma_wait3A_451 = arith.constant 0 : i32
      %dma_wait3A_452 = tpu.memref_slice %arg9[%dma_wait3A_449, %dma_wait3A_450, %dma_wait3A_451] : memref<2x128x128xf32, #tpu.memory_space<vmem>> -> memref<1x128x128xf32, #tpu.memory_space<vmem>>
      %dma_wait3A_453 = tpu.memref_squeeze %dma_wait3A_452 : memref<1x128x128xf32, #tpu.memory_space<vmem>> -> memref<128x128xf32, #tpu.memory_space<vmem>>
      %dma_wait3A_454 = arith.constant 0 : i32
      %dma_wait3A_455 = tpu.memref_slice %arg7[%dma_wait3A_448, %mul3A_421, %dma_wait3A_454] : memref<2x20x128xi32, #tpu.memory_space<vmem>> -> memref<1x1x128xi32, #tpu.memory_space<vmem>>
      %dma_wait3A_456 = tpu.memref_squeeze %dma_wait3A_455 : memref<1x1x128xi32, #tpu.memory_space<vmem>> -> memref<128xi32, #tpu.memory_space<vmem>>
      %dma_wait3A_457 = arith.constant 0 : i32
      %dma_wait3A_458 = arith.constant 0 : i32
      %dma_wait3A_459 = tpu.memref_slice %arg2[%dma_wait3A_457, %dma_wait3A_458] : memref<10000x128xf32, #tpu.memory_space<hbm>> -> memref<10000x128xf32, #tpu.memory_space<hbm>>
      tpu.wait_indirect_dma semaphore(%arg12 : memref<!tpu.dma_semaphore, #tpu.memory_space<semaphore_mem>>) src(%dma_wait3A_459 : memref<10000x128xf32, #tpu.memory_space<hbm>>) dst(%dma_wait3A_453 : memref<128x128xf32, #tpu.memory_space<vmem>>)
      %dma_start3A_460 = arith.constant 0 : i32
      %dma_start3A_461 = arith.constant 1 : i32
      %dma_start3A_462 = arith.constant 0 : i32
      %dma_start3A_463 = arith.constant 0 : i32
      %dma_start3A_464 = tpu.memref_slice %arg9[%dma_start3A_460, %dma_start3A_462, %dma_start3A_463] : memref<2x128x128xf32, #tpu.memory_space<vmem>> -> memref<1x128x128xf32, #tpu.memory_space<vmem>>
      %dma_start3A_465 = tpu.memref_squeeze %dma_start3A_464 : memref<1x128x128xf32, #tpu.memory_space<vmem>> -> memref<128x128xf32, #tpu.memory_space<vmem>>
      %dma_start3A_466 = arith.constant 0 : i32
      %dma_start3A_467 = tpu.memref_slice %arg8[%dma_start3A_461, %mul3A_421, %dma_start3A_466] : memref<2x20x128xi32, #tpu.memory_space<vmem>> -> memref<1x1x128xi32, #tpu.memory_space<vmem>>
      %dma_start3A_468 = tpu.memref_squeeze %dma_start3A_467 : memref<1x1x128xi32, #tpu.memory_space<vmem>> -> memref<128xi32, #tpu.memory_space<vmem>>
      %dma_start3A_469 = arith.constant 0 : i32
      %dma_start3A_470 = arith.constant 0 : i32
      %dma_start3A_471 = tpu.memref_slice %arg10[%dma_start3A_469, %dma_start3A_470] : memref<10240x128xf32, #tpu.memory_space<vmem_shared>> -> memref<10240x128xf32, #tpu.memory_space<vmem_shared>>
      tpu.enqueue_indirect_dma source(%dma_start3A_465 : memref<128x128xf32, #tpu.memory_space<vmem>>) target(%dma_start3A_471 : memref<10240x128xf32, #tpu.memory_space<vmem_shared>>) offsets(%dma_start3A_468 : memref<128xi32, #tpu.memory_space<vmem>>) semaphore(%arg13 : memref<!tpu.dma_semaphore, #tpu.memory_space<semaphore_mem>>) {add = true}
      %dma_wait3A_472 = arith.constant 1 : i32
      %dma_wait3A_473 = arith.constant 1 : i32
      %dma_wait3A_474 = arith.constant 0 : i32
      %dma_wait3A_475 = arith.constant 0 : i32
      %dma_wait3A_476 = tpu.memref_slice %arg9[%dma_wait3A_473, %dma_wait3A_474, %dma_wait3A_475] : memref<2x128x128xf32, #tpu.memory_space<vmem>> -> memref<1x128x128xf32, #tpu.memory_space<vmem>>
      %dma_wait3A_477 = tpu.memref_squeeze %dma_wait3A_476 : memref<1x128x128xf32, #tpu.memory_space<vmem>> -> memref<128x128xf32, #tpu.memory_space<vmem>>
      %dma_wait3A_478 = arith.constant 0 : i32
      %dma_wait3A_479 = tpu.memref_slice %arg7[%dma_wait3A_472, %add3A_423, %dma_wait3A_478] : memref<2x20x128xi32, #tpu.memory_space<vmem>> -> memref<1x1x128xi32, #tpu.memory_space<vmem>>
      %dma_wait3A_480 = tpu.memref_squeeze %dma_wait3A_479 : memref<1x1x128xi32, #tpu.memory_space<vmem>> -> memref<128xi32, #tpu.memory_space<vmem>>
      %dma_wait3A_481 = arith.constant 0 : i32
      %dma_wait3A_482 = arith.constant 0 : i32
      %dma_wait3A_483 = tpu.memref_slice %arg2[%dma_wait3A_481, %dma_wait3A_482] : memref<10000x128xf32, #tpu.memory_space<hbm>> -> memref<10000x128xf32, #tpu.memory_space<hbm>>
      tpu.wait_indirect_dma semaphore(%arg12 : memref<!tpu.dma_semaphore, #tpu.memory_space<semaphore_mem>>) src(%dma_wait3A_483 : memref<10000x128xf32, #tpu.memory_space<hbm>>) dst(%dma_wait3A_477 : memref<128x128xf32, #tpu.memory_space<vmem>>)
      %dma_start3A_484 = arith.constant 1 : i32
      %dma_start3A_485 = arith.constant 1 : i32
      %dma_start3A_486 = arith.constant 0 : i32
      %dma_start3A_487 = arith.constant 0 : i32
      %dma_start3A_488 = tpu.memref_slice %arg9[%dma_start3A_484, %dma_start3A_486, %dma_start3A_487] : memref<2x128x128xf32, #tpu.memory_space<vmem>> -> memref<1x128x128xf32, #tpu.memory_space<vmem>>
      %dma_start3A_489 = tpu.memref_squeeze %dma_start3A_488 : memref<1x128x128xf32, #tpu.memory_space<vmem>> -> memref<128x128xf32, #tpu.memory_space<vmem>>
      %dma_start3A_490 = arith.constant 0 : i32
      %dma_start3A_491 = tpu.memref_slice %arg8[%dma_start3A_485, %add3A_423, %dma_start3A_490] : memref<2x20x128xi32, #tpu.memory_space<vmem>> -> memref<1x1x128xi32, #tpu.memory_space<vmem>>
      %dma_start3A_492 = tpu.memref_squeeze %dma_start3A_491 : memref<1x1x128xi32, #tpu.memory_space<vmem>> -> memref<128xi32, #tpu.memory_space<vmem>>
      %dma_start3A_493 = arith.constant 0 : i32
      %dma_start3A_494 = arith.constant 0 : i32
      %dma_start3A_495 = tpu.memref_slice %arg10[%dma_start3A_493, %dma_start3A_494] : memref<10240x128xf32, #tpu.memory_space<vmem_shared>> -> memref<10240x128xf32, #tpu.memory_space<vmem_shared>>
      tpu.enqueue_indirect_dma source(%dma_start3A_489 : memref<128x128xf32, #tpu.memory_space<vmem>>) target(%dma_start3A_495 : memref<10240x128xf32, #tpu.memory_space<vmem_shared>>) offsets(%dma_start3A_492 : memref<128xi32, #tpu.memory_space<vmem>>) semaphore(%arg13 : memref<!tpu.dma_semaphore, #tpu.memory_space<semaphore_mem>>) {add = true}
      %dma_wait3A_496 = arith.constant 0 : i32
      %dma_wait3A_497 = arith.constant 1 : i32
      %dma_wait3A_498 = arith.constant 0 : i32
      %dma_wait3A_499 = arith.constant 0 : i32
      %dma_wait3A_500 = tpu.memref_slice %arg9[%dma_wait3A_496, %dma_wait3A_498, %dma_wait3A_499] : memref<2x128x128xf32, #tpu.memory_space<vmem>> -> memref<1x128x128xf32, #tpu.memory_space<vmem>>
      %dma_wait3A_501 = tpu.memref_squeeze %dma_wait3A_500 : memref<1x128x128xf32, #tpu.memory_space<vmem>> -> memref<128x128xf32, #tpu.memory_space<vmem>>
      %dma_wait3A_502 = arith.constant 0 : i32
      %dma_wait3A_503 = tpu.memref_slice %arg8[%dma_wait3A_497, %mul3A_421, %dma_wait3A_502] : memref<2x20x128xi32, #tpu.memory_space<vmem>> -> memref<1x1x128xi32, #tpu.memory_space<vmem>>
      %dma_wait3A_504 = tpu.memref_squeeze %dma_wait3A_503 : memref<1x1x128xi32, #tpu.memory_space<vmem>> -> memref<128xi32, #tpu.memory_space<vmem>>
      %dma_wait3A_505 = arith.constant 0 : i32
      %dma_wait3A_506 = arith.constant 0 : i32
      %dma_wait3A_507 = tpu.memref_slice %arg10[%dma_wait3A_505, %dma_wait3A_506] : memref<10240x128xf32, #tpu.memory_space<vmem_shared>> -> memref<10240x128xf32, #tpu.memory_space<vmem_shared>>
      tpu.wait_indirect_dma semaphore(%arg13 : memref<!tpu.dma_semaphore, #tpu.memory_space<semaphore_mem>>) src(%dma_wait3A_501 : memref<128x128xf32, #tpu.memory_space<vmem>>) dst(%dma_wait3A_507 : memref<10240x128xf32, #tpu.memory_space<vmem_shared>>)
      %dma_wait3A_508 = arith.constant 1 : i32
      %dma_wait3A_509 = arith.constant 1 : i32
      %dma_wait3A_510 = arith.constant 0 : i32
      %dma_wait3A_511 = arith.constant 0 : i32
      %dma_wait3A_512 = tpu.memref_slice %arg9[%dma_wait3A_508, %dma_wait3A_510, %dma_wait3A_511] : memref<2x128x128xf32, #tpu.memory_space<vmem>> -> memref<1x128x128xf32, #tpu.memory_space<vmem>>
      %dma_wait3A_513 = tpu.memref_squeeze %dma_wait3A_512 : memref<1x128x128xf32, #tpu.memory_space<vmem>> -> memref<128x128xf32, #tpu.memory_space<vmem>>
      %dma_wait3A_514 = arith.constant 0 : i32
      %dma_wait3A_515 = tpu.memref_slice %arg8[%dma_wait3A_509, %add3A_423, %dma_wait3A_514] : memref<2x20x128xi32, #tpu.memory_space<vmem>> -> memref<1x1x128xi32, #tpu.memory_space<vmem>>
      %dma_wait3A_516 = tpu.memref_squeeze %dma_wait3A_515 : memref<1x1x128xi32, #tpu.memory_space<vmem>> -> memref<128xi32, #tpu.memory_space<vmem>>
      %dma_wait3A_517 = arith.constant 0 : i32
      %dma_wait3A_518 = arith.constant 0 : i32
      %dma_wait3A_519 = tpu.memref_slice %arg10[%dma_wait3A_517, %dma_wait3A_518] : memref<10240x128xf32, #tpu.memory_space<vmem_shared>> -> memref<10240x128xf32, #tpu.memory_space<vmem_shared>>
      tpu.wait_indirect_dma semaphore(%arg13 : memref<!tpu.dma_semaphore, #tpu.memory_space<semaphore_mem>>) src(%dma_wait3A_513 : memref<128x128xf32, #tpu.memory_space<vmem>>) dst(%dma_wait3A_519 : memref<10240x128xf32, #tpu.memory_space<vmem_shared>>)
    }
    %scan3A_311 = arith.constant 10 : i32
    %barrier3A_312 = arith.constant 0 : index
    tpu.barrier barrier_id(%barrier3A_312)
    %mul3A_313 = arith.constant 640 : i32
    %mul3A_314 = arith.muli %arg1, %mul3A_313 : i32
    %mul3A_315 = arith.constant 640 : i32
    %mul3A_316 = arith.muli %arg1, %mul3A_315 : i32
    "tpu.region"() ({
      %run_scoped3A = tpu.sem_alloc : memref<!tpu.dma_semaphore, #tpu.memory_space<semaphore_mem>>
      %dma_start3A_317 = arith.constant 0 : i32
      %dma_start3A_318 = tpu.memref_slice %arg6[%arg0, %mul3A_316, %dma_start3A_317] : memref<2x10240x128xf32, #tpu.memory_space<hbm>> -> memref<1x640x128xf32, #tpu.memory_space<hbm>>
      %dma_start3A_319 = tpu.memref_squeeze %dma_start3A_318 : memref<1x640x128xf32, #tpu.memory_space<hbm>> -> memref<640x128xf32, #tpu.memory_space<hbm>>
      %dma_start3A_320 = arith.constant 0 : i32
      %dma_start3A_321 = tpu.memref_slice %arg10[%mul3A_314, %dma_start3A_320] : memref<10240x128xf32, #tpu.memory_space<vmem_shared>> -> memref<640x128xf32, #tpu.memory_space<vmem_shared>>
      tpu.enqueue_dma source(%dma_start3A_321 : memref<640x128xf32, #tpu.memory_space<vmem_shared>>) target(%dma_start3A_319 : memref<640x128xf32, #tpu.memory_space<hbm>>) target_semaphore(%run_scoped3A : memref<!tpu.dma_semaphore, #tpu.memory_space<semaphore_mem>>)
      %dma_wait3A_322 = arith.constant 0 : i32
      %dma_wait3A_323 = tpu.memref_slice %arg6[%arg0, %mul3A_316, %dma_wait3A_322] : memref<2x10240x128xf32, #tpu.memory_space<hbm>> -> memref<1x640x128xf32, #tpu.memory_space<hbm>>
      %dma_wait3A_324 = tpu.memref_squeeze %dma_wait3A_323 : memref<1x640x128xf32, #tpu.memory_space<hbm>> -> memref<640x128xf32, #tpu.memory_space<hbm>>
      %dma_wait3A_325 = arith.constant 0 : i32
      %dma_wait3A_326 = tpu.memref_slice %arg10[%mul3A_314, %dma_wait3A_325] : memref<10240x128xf32, #tpu.memory_space<vmem_shared>> -> memref<640x128xf32, #tpu.memory_space<vmem_shared>>
      tpu.wait_dma2 semaphore(%run_scoped3A : memref<!tpu.dma_semaphore, #tpu.memory_space<semaphore_mem>>) src(%dma_wait3A_326 : memref<640x128xf32, #tpu.memory_space<vmem_shared>>) dst(%dma_wait3A_324 : memref<640x128xf32, #tpu.memory_space<hbm>>)
      tpu.yield
    }) : () -> ()
    return
  }
}

module attributes {stable_mosaic.version = 14 : i64} {
  func.func @_tc_body(%arg0: i32, %arg1: memref<2x2000x128xf32, #tpu.memory_space<vmem>>, %arg2: memref<2000x128xf32, #tpu.memory_space<vmem>>, %arg3: memref<128x128xf32, #tpu.memory_space<vmem>>, %arg4: memref<128x128xf32, #tpu.memory_space<vmem>>, %arg5: memref<1x1x2000xi32, #tpu.memory_space<vmem>>, %arg6: memref<160x1xi32, #tpu.memory_space<vmem>>, %arg7: memref<320x1xi32, #tpu.memory_space<vmem>>, %arg8: memref<20x10x5xf32, #tpu.memory_space<vmem>>, %arg9: memref<400x128xf32, #tpu.memory_space<vmem>>, %arg10: memref<400x1xf32, #tpu.memory_space<vmem>>) attributes {dimension_semantics = [#tpu.dimension_semantics<arbitrary>], iteration_bounds = array<i64: 5>, scalar_prefetch = 0 : i64, scratch_operands = 2 : i64, tpu.core_type = #tpu.core_type<tc>, window_params = [{transform_indices = @transform_0, window_bounds = array<i64: 2, 2000, 128>}, {transform_indices = @transform_1, window_bounds = array<i64: 2000, 128>}, {pipeline_mode = #tpu.pipeline_mode<synchronous>, transform_indices = @transform_2, window_bounds = array<i64: 128, 128>}, {pipeline_mode = #tpu.pipeline_mode<synchronous>, transform_indices = @transform_3, window_bounds = array<i64: 128, 128>}, {transform_indices = @transform_4, window_bounds = array<i64: 1, 1, 2000>}, {pipeline_mode = #tpu.pipeline_mode<synchronous>, transform_indices = @transform_5, window_bounds = array<i64: 160, 1>}, {pipeline_mode = #tpu.pipeline_mode<synchronous>, transform_indices = @transform_6, window_bounds = array<i64: 320, 1>}, {pipeline_mode = #tpu.pipeline_mode<synchronous>, transform_indices = @transform_7, window_bounds = array<i64: 20, 10, 5>}]} {
    %eq3A = arith.constant 0 : i32
    %eq3A_0 = arith.cmpi eq, %arg0, %eq3A : i32
    %convert_element_type3A = arith.extui %eq3A_0 : i1 to i32
    %cond3A = arith.constant 0 : i32
    %cond3A_1 = arith.cmpi ne, %convert_element_type3A, %cond3A : i32
    scf.if %cond3A_1 {
      %broadcast_in_dim3A_56 = arith.constant 0.000000e+00 : f32
      %broadcast_in_dim3A_57 = vector.broadcast %broadcast_in_dim3A_56 : f32 to vector<400x128xf32>
      %swap3A_58 = arith.constant 0 : index
      %swap3A_59 = arith.constant 0 : index
      %swap3A_60 = vector.load %arg9[%swap3A_58, %swap3A_59] : memref<400x128xf32, #tpu.memory_space<vmem>>, vector<400x128xf32>
      tpu.vector_store %arg9[%swap3A_58, %swap3A_59], %broadcast_in_dim3A_57 {strides = array<i32>} : memref<400x128xf32, #tpu.memory_space<vmem>>, vector<400x128xf32>,
      %broadcast_in_dim3A_61 = arith.constant 0.000000e+00 : f32
      %broadcast_in_dim3A_62 = vector.broadcast %broadcast_in_dim3A_61 : f32 to vector<400x1xf32>
      %swap3A_63 = arith.constant 0 : index
      %swap3A_64 = arith.constant 0 : index
      %swap3A_65 = vector.load %arg10[%swap3A_63, %swap3A_64] : memref<400x1xf32, #tpu.memory_space<vmem>>, vector<400x1xf32>
      tpu.vector_store %arg10[%swap3A_63, %swap3A_64], %broadcast_in_dim3A_62 {strides = array<i32>} : memref<400x1xf32, #tpu.memory_space<vmem>>, vector<400x1xf32>,
    } else {
    }
    %get3A = arith.constant 0 : index
    %get3A_2 = arith.constant 0 : index
    %get3A_3 = arith.constant 0 : index
    %get3A_4 = vector.load %arg1[%get3A, %get3A_2, %get3A_3] : memref<2x2000x128xf32, #tpu.memory_space<vmem>>, vector<1x2000x128xf32>
    %get3A_5 = vector.shape_cast %get3A_4 : vector<1x2000x128xf32> to vector<2000x128xf32>
    %get3A_6 = arith.constant 1 : index
    %get3A_7 = arith.constant 0 : index
    %get3A_8 = arith.constant 0 : index
    %get3A_9 = vector.load %arg1[%get3A_6, %get3A_7, %get3A_8] : memref<2x2000x128xf32, #tpu.memory_space<vmem>>, vector<1x2000x128xf32>
    %get3A_10 = vector.shape_cast %get3A_9 : vector<1x2000x128xf32> to vector<2000x128xf32>
    %add3A = arith.addf %get3A_5, %get3A_10 : vector<2000x128xf32>
    %get3A_11 = arith.constant 0 : index
    %get3A_12 = arith.constant 0 : index
    %get3A_13 = vector.load %arg3[%get3A_11, %get3A_12] : memref<128x128xf32, #tpu.memory_space<vmem>>, vector<128x128xf32>
    %dot_general3A = arith.constant dense<0.000000e+00> : vector<2000x128xf32>
    %dot_general3A_14 = tpu.matmul %add3A, %get3A_13, %dot_general3A {dimension_numbers = #tpu.dot_dimension_numbers<[1], [0], [0], [1], [0, 0, 1, 1], [], []>, transpose_lhs_hint = false} : vector<2000x128xf32>, vector<128x128xf32>, vector<2000x128xf32> -> vector<2000x128xf32>
    %get3A_15 = arith.constant 0 : index
    %get3A_16 = arith.constant 0 : index
    %get3A_17 = vector.load %arg2[%get3A_15, %get3A_16] : memref<2000x128xf32, #tpu.memory_space<vmem>>, vector<2000x128xf32>
    %get3A_18 = arith.constant 0 : index
    %get3A_19 = arith.constant 0 : index
    %get3A_20 = vector.load %arg4[%get3A_18, %get3A_19] : memref<128x128xf32, #tpu.memory_space<vmem>>, vector<128x128xf32>
    %dot_general3A_21 = arith.constant dense<0.000000e+00> : vector<2000x128xf32>
    %dot_general3A_22 = tpu.matmul %get3A_17, %get3A_20, %dot_general3A_21 {dimension_numbers = #tpu.dot_dimension_numbers<[1], [0], [0], [1], [0, 0, 1, 1], [], []>, transpose_lhs_hint = false} : vector<2000x128xf32>, vector<128x128xf32>, vector<2000x128xf32> -> vector<2000x128xf32>
    %add3A_23 = arith.addf %dot_general3A_14, %dot_general3A_22 : vector<2000x128xf32>
    %max3A = arith.constant 0.000000e+00 : f32
    %max3A_24 = vector.broadcast %max3A : f32 to vector<2000x128xf32>
    %max3A_25 = arith.maximumf %add3A_23, %max3A_24 : vector<2000x128xf32>
    %get3A_26 = arith.constant 0 : index
    %get3A_27 = arith.constant 0 : index
    %get3A_28 = arith.constant 0 : index
    %get3A_29 = vector.load %arg5[%get3A_26, %get3A_27, %get3A_28] : memref<1x1x2000xi32, #tpu.memory_space<vmem>>, vector<1x1x2000xi32>
    %get3A_30 = vector.shape_cast %get3A_29 : vector<1x1x2000xi32> to vector<1x2000xi32>
    %iota3A = tpu.iota {dimensions = array<i32: 0>} : vector<400x2000xi32>
    %eq3A_31 = vector.broadcast %get3A_30 : vector<1x2000xi32> to vector<400x2000xi32>
    %eq3A_32 = arith.cmpi eq, %iota3A, %eq3A_31 : vector<400x2000xi32>
    %convert_element_type3A_33 = arith.extui %eq3A_32 : vector<400x2000xi1> to vector<400x2000xi32>
    %convert_element_type3A_34 = arith.sitofp %convert_element_type3A_33 : vector<400x2000xi32> to vector<400x2000xf32>
    %get3A_35 = arith.constant 0 : index
    %get3A_36 = arith.constant 0 : index
    %get3A_37 = vector.load %arg9[%get3A_35, %get3A_36] : memref<400x128xf32, #tpu.memory_space<vmem>>, vector<400x128xf32>
    %dot_general3A_38 = arith.constant dense<0.000000e+00> : vector<400x128xf32>
    %dot_general3A_39 = tpu.matmul %convert_element_type3A_34, %max3A_25, %dot_general3A_38 {dimension_numbers = #tpu.dot_dimension_numbers<[1], [0], [0], [1], [0, 0, 1, 1], [], []>, transpose_lhs_hint = false} : vector<400x2000xf32>, vector<2000x128xf32>, vector<400x128xf32> -> vector<400x128xf32>
    %add3A_40 = arith.addf %get3A_37, %dot_general3A_39 : vector<400x128xf32>
    %swap3A = arith.constant 0 : index
    %swap3A_41 = arith.constant 0 : index
    %swap3A_42 = vector.load %arg9[%swap3A, %swap3A_41] : memref<400x128xf32, #tpu.memory_space<vmem>>, vector<400x128xf32>
    tpu.vector_store %arg9[%swap3A, %swap3A_41], %add3A_40 {strides = array<i32>} : memref<400x128xf32, #tpu.memory_space<vmem>>, vector<400x128xf32>,
    %get3A_43 = arith.constant 0 : index
    %get3A_44 = arith.constant 0 : index
    %get3A_45 = vector.load %arg10[%get3A_43, %get3A_44] : memref<400x1xf32, #tpu.memory_space<vmem>>, vector<400x1xf32>
    %reduce_sum3A = arith.constant dense<0.000000e+00> : vector<400xf32>
    %reduce_sum3A_46 = vector.multi_reduction <add>, %convert_element_type3A_34, %reduce_sum3A [1] : vector<400x2000xf32> to vector<400xf32>
    %broadcast_in_dim3A = vector.shape_cast %reduce_sum3A_46 : vector<400xf32> to vector<400x1xf32>
    %add3A_47 = arith.addf %get3A_45, %broadcast_in_dim3A : vector<400x1xf32>
    %swap3A_48 = arith.constant 0 : index
    %swap3A_49 = arith.constant 0 : index
    %swap3A_50 = vector.load %arg10[%swap3A_48, %swap3A_49] : memref<400x1xf32, #tpu.memory_space<vmem>>, vector<400x1xf32>
    tpu.vector_store %arg10[%swap3A_48, %swap3A_49], %add3A_47 {strides = array<i32>} : memref<400x1xf32, #tpu.memory_space<vmem>>, vector<400x1xf32>,
    %eq3A_51 = arith.constant 4 : i32
    %eq3A_52 = arith.cmpi eq, %arg0, %eq3A_51 : i32
    %convert_element_type3A_53 = arith.extui %eq3A_52 : i1 to i32
    %cond3A_54 = arith.constant 0 : i32
    %cond3A_55 = arith.cmpi ne, %convert_element_type3A_53, %cond3A_54 : i32
    scf.if %cond3A_55 {
      %get3A_56 = arith.constant 0 : index
      %get3A_57 = arith.constant 0 : index
      %get3A_58 = vector.load %arg9[%get3A_56, %get3A_57] : memref<400x128xf32, #tpu.memory_space<vmem>>, vector<400x128xf32>
      %get3A_59 = arith.constant 0 : index
      %get3A_60 = arith.constant 0 : index
      %get3A_61 = vector.load %arg10[%get3A_59, %get3A_60] : memref<400x1xf32, #tpu.memory_space<vmem>>, vector<400x1xf32>
      %max3A_62 = arith.constant 1.000000e+00 : f32
      %max3A_63 = vector.broadcast %max3A_62 : f32 to vector<400x1xf32>
      %max3A_64 = arith.maximumf %get3A_61, %max3A_63 : vector<400x1xf32>
      %div3A = vector.broadcast %max3A_64 : vector<400x1xf32> to vector<400x128xf32>
      %div3A_65 = arith.divf %get3A_58, %div3A : vector<400x128xf32>
      %get3A_66 = arith.constant 0 : index
      %get3A_67 = arith.constant 0 : index
      %get3A_68 = vector.load %arg6[%get3A_66, %get3A_67] : memref<160x1xi32, #tpu.memory_space<vmem>>, vector<160x1xi32>
      %get3A_69 = arith.constant 0 : index
      %get3A_70 = arith.constant 0 : index
      %get3A_71 = vector.load %arg7[%get3A_69, %get3A_70] : memref<320x1xi32, #tpu.memory_space<vmem>>, vector<320x1xi32>
      %iota3A_72 = tpu.iota {dimensions = array<i32: 1>} : vector<160x400xi32>
      %eq3A_73 = vector.broadcast %get3A_68 : vector<160x1xi32> to vector<160x400xi32>
      %eq3A_74 = arith.cmpi eq, %eq3A_73, %iota3A_72 : vector<160x400xi32>
      %convert_element_type3A_75 = arith.extui %eq3A_74 : vector<160x400xi1> to vector<160x400xi32>
      %convert_element_type3A_76 = arith.sitofp %convert_element_type3A_75 : vector<160x400xi32> to vector<160x400xf32>
      %iota3A_77 = tpu.iota {dimensions = array<i32: 1>} : vector<320x400xi32>
      %eq3A_78 = vector.broadcast %get3A_71 : vector<320x1xi32> to vector<320x400xi32>
      %eq3A_79 = arith.cmpi eq, %eq3A_78, %iota3A_77 : vector<320x400xi32>
      %convert_element_type3A_80 = arith.extui %eq3A_79 : vector<320x400xi1> to vector<320x400xi32>
      %convert_element_type3A_81 = arith.sitofp %convert_element_type3A_80 : vector<320x400xi32> to vector<320x400xf32>
      %dot_general3A_82 = arith.constant dense<0.000000e+00> : vector<160x128xf32>
      %dot_general3A_83 = tpu.matmul %convert_element_type3A_76, %div3A_65, %dot_general3A_82 {dimension_numbers = #tpu.dot_dimension_numbers<[1], [0], [0], [1], [0, 0, 1, 1], [], []>, transpose_lhs_hint = false} : vector<160x400xf32>, vector<400x128xf32>, vector<160x128xf32> -> vector<160x128xf32>
      %dot_general3A_84 = arith.constant dense<0.000000e+00> : vector<320x128xf32>
      %dot_general3A_85 = tpu.matmul %convert_element_type3A_81, %div3A_65, %dot_general3A_84 {dimension_numbers = #tpu.dot_dimension_numbers<[1], [0], [0], [1], [0, 0, 1, 1], [], []>, transpose_lhs_hint = false} : vector<320x400xf32>, vector<400x128xf32>, vector<320x128xf32> -> vector<320x128xf32>
      %mul3A = arith.mulf %dot_general3A_83, %dot_general3A_83 : vector<160x128xf32>
      %reduce_sum3A_86 = arith.constant dense<0.000000e+00> : vector<160xf32>
      %reduce_sum3A_87 = vector.multi_reduction <add>, %mul3A, %reduce_sum3A_86 [1] : vector<160x128xf32> to vector<160xf32>
      %broadcast_in_dim3A_88 = vector.shape_cast %reduce_sum3A_87 : vector<160xf32> to vector<160x1xf32>
      %sqrt3A = math.sqrt %broadcast_in_dim3A_88 : vector<160x1xf32>
      %mul3A_89 = arith.mulf %dot_general3A_85, %dot_general3A_85 : vector<320x128xf32>
      %reduce_sum3A_90 = arith.constant dense<0.000000e+00> : vector<320xf32>
      %reduce_sum3A_91 = vector.multi_reduction <add>, %mul3A_89, %reduce_sum3A_90 [1] : vector<320x128xf32> to vector<320xf32>
      %broadcast_in_dim3A_92 = vector.shape_cast %reduce_sum3A_91 : vector<320xf32> to vector<320x1xf32>
      %sqrt3A_93 = math.sqrt %broadcast_in_dim3A_92 : vector<320x1xf32>
      %add3A_94 = arith.constant 9.99999993E-9 : f32
      %add3A_95 = vector.broadcast %add3A_94 : f32 to vector<160x1xf32>
      %add3A_96 = arith.addf %sqrt3A, %add3A_95 : vector<160x1xf32>
      %div3A_97 = vector.broadcast %add3A_96 : vector<160x1xf32> to vector<160x128xf32>
      %div3A_98 = arith.divf %dot_general3A_83, %div3A_97 : vector<160x128xf32>
      %add3A_99 = arith.constant 9.99999993E-9 : f32
      %add3A_100 = vector.broadcast %add3A_99 : f32 to vector<320x1xf32>
      %add3A_101 = arith.addf %sqrt3A_93, %add3A_100 : vector<320x1xf32>
      %div3A_102 = vector.broadcast %add3A_101 : vector<320x1xf32> to vector<320x128xf32>
      %div3A_103 = arith.divf %dot_general3A_85, %div3A_102 : vector<320x128xf32>
      %slice3A = vector.extract_strided_slice %div3A_103 {offsets = [0, 0], sizes = [16, 128], strides = [1, 1]} : vector<320x128xf32> to vector<16x128xf32>
      %slice3A_104 = vector.extract_strided_slice %div3A_98 {offsets = [0, 0], sizes = [8, 128], strides = [1, 1]} : vector<160x128xf32> to vector<8x128xf32>
      %dot_general3A_105 = arith.constant dense<0.000000e+00> : vector<16x8xf32>
      %dot_general3A_106 = tpu.matmul %slice3A, %slice3A_104, %dot_general3A_105 {dimension_numbers = #tpu.dot_dimension_numbers<[1], [1], [0], [0], [0, 0, 1, 0], [], []>, transpose_lhs_hint = false} : vector<16x128xf32>, vector<8x128xf32>, vector<16x8xf32> -> vector<16x8xf32>
      %slice3A_107 = vector.extract_strided_slice %dot_general3A_106 {offsets = [0, 0], sizes = [10, 5], strides = [1, 1]} : vector<16x8xf32> to vector<10x5xf32>
      %swap3A_108 = arith.constant 0 : index
      %swap3A_109 = arith.constant 0 : index
      %swap3A_110 = arith.constant 0 : index
      %swap3A_111 = vector.load %arg8[%swap3A_108, %swap3A_109, %swap3A_110] : memref<20x10x5xf32, #tpu.memory_space<vmem>>, vector<1x10x5xf32>
      %swap3A_112 = vector.shape_cast %swap3A_111 : vector<1x10x5xf32> to vector<10x5xf32>
      %swap3A_113 = vector.shape_cast %slice3A_107 : vector<10x5xf32> to vector<1x10x5xf32>
      tpu.vector_store %arg8[%swap3A_108, %swap3A_109, %swap3A_110], %swap3A_113 {strides = array<i32>} : memref<20x10x5xf32, #tpu.memory_space<vmem>>, vector<1x10x5xf32>,
      %slice3A_114 = vector.extract_strided_slice %div3A_103 {offsets = [16, 0], sizes = [16, 128], strides = [1, 1]} : vector<320x128xf32> to vector<16x128xf32>
      %slice3A_115 = vector.extract_strided_slice %div3A_98 {offsets = [8, 0], sizes = [8, 128], strides = [1, 1]} : vector<160x128xf32> to vector<8x128xf32>
      %dot_general3A_116 = arith.constant dense<0.000000e+00> : vector<16x8xf32>
      %dot_general3A_117 = tpu.matmul %slice3A_114, %slice3A_115, %dot_general3A_116 {dimension_numbers = #tpu.dot_dimension_numbers<[1], [1], [0], [0], [0, 0, 1, 0], [], []>, transpose_lhs_hint = false} : vector<16x128xf32>, vector<8x128xf32>, vector<16x8xf32> -> vector<16x8xf32>
      %slice3A_118 = vector.extract_strided_slice %dot_general3A_117 {offsets = [0, 0], sizes = [10, 5], strides = [1, 1]} : vector<16x8xf32> to vector<10x5xf32>
      %swap3A_119 = arith.constant 1 : index
      %swap3A_120 = arith.constant 0 : index
      %swap3A_121 = arith.constant 0 : index
      %swap3A_122 = vector.load %arg8[%swap3A_119, %swap3A_120, %swap3A_121] : memref<20x10x5xf32, #tpu.memory_space<vmem>>, vector<1x10x5xf32>
      %swap3A_123 = vector.shape_cast %swap3A_122 : vector<1x10x5xf32> to vector<10x5xf32>
      %swap3A_124 = vector.shape_cast %slice3A_118 : vector<10x5xf32> to vector<1x10x5xf32>
      tpu.vector_store %arg8[%swap3A_119, %swap3A_120, %swap3A_121], %swap3A_124 {strides = array<i32>} : memref<20x10x5xf32, #tpu.memory_space<vmem>>, vector<1x10x5xf32>,
      %slice3A_125 = vector.extract_strided_slice %div3A_103 {offsets = [32, 0], sizes = [16, 128], strides = [1, 1]} : vector<320x128xf32> to vector<16x128xf32>
      %slice3A_126 = vector.extract_strided_slice %div3A_98 {offsets = [16, 0], sizes = [8, 128], strides = [1, 1]} : vector<160x128xf32> to vector<8x128xf32>
      %dot_general3A_127 = arith.constant dense<0.000000e+00> : vector<16x8xf32>
      %dot_general3A_128 = tpu.matmul %slice3A_125, %slice3A_126, %dot_general3A_127 {dimension_numbers = #tpu.dot_dimension_numbers<[1], [1], [0], [0], [0, 0, 1, 0], [], []>, transpose_lhs_hint = false} : vector<16x128xf32>, vector<8x128xf32>, vector<16x8xf32> -> vector<16x8xf32>
      %slice3A_129 = vector.extract_strided_slice %dot_general3A_128 {offsets = [0, 0], sizes = [10, 5], strides = [1, 1]} : vector<16x8xf32> to vector<10x5xf32>
      %swap3A_130 = arith.constant 2 : index
      %swap3A_131 = arith.constant 0 : index
      %swap3A_132 = arith.constant 0 : index
      %swap3A_133 = vector.load %arg8[%swap3A_130, %swap3A_131, %swap3A_132] : memref<20x10x5xf32, #tpu.memory_space<vmem>>, vector<1x10x5xf32>
      %swap3A_134 = vector.shape_cast %swap3A_133 : vector<1x10x5xf32> to vector<10x5xf32>
      %swap3A_135 = vector.shape_cast %slice3A_129 : vector<10x5xf32> to vector<1x10x5xf32>
      tpu.vector_store %arg8[%swap3A_130, %swap3A_131, %swap3A_132], %swap3A_135 {strides = array<i32>} : memref<20x10x5xf32, #tpu.memory_space<vmem>>, vector<1x10x5xf32>,
      %slice3A_136 = vector.extract_strided_slice %div3A_103 {offsets = [48, 0], sizes = [16, 128], strides = [1, 1]} : vector<320x128xf32> to vector<16x128xf32>
      %slice3A_137 = vector.extract_strided_slice %div3A_98 {offsets = [24, 0], sizes = [8, 128], strides = [1, 1]} : vector<160x128xf32> to vector<8x128xf32>
      %dot_general3A_138 = arith.constant dense<0.000000e+00> : vector<16x8xf32>
      %dot_general3A_139 = tpu.matmul %slice3A_136, %slice3A_137, %dot_general3A_138 {dimension_numbers = #tpu.dot_dimension_numbers<[1], [1], [0], [0], [0, 0, 1, 0], [], []>, transpose_lhs_hint = false} : vector<16x128xf32>, vector<8x128xf32>, vector<16x8xf32> -> vector<16x8xf32>
      %slice3A_140 = vector.extract_strided_slice %dot_general3A_139 {offsets = [0, 0], sizes = [10, 5], strides = [1, 1]} : vector<16x8xf32> to vector<10x5xf32>
      %swap3A_141 = arith.constant 3 : index
      %swap3A_142 = arith.constant 0 : index
      %swap3A_143 = arith.constant 0 : index
      %swap3A_144 = vector.load %arg8[%swap3A_141, %swap3A_142, %swap3A_143] : memref<20x10x5xf32, #tpu.memory_space<vmem>>, vector<1x10x5xf32>
      %swap3A_145 = vector.shape_cast %swap3A_144 : vector<1x10x5xf32> to vector<10x5xf32>
      %swap3A_146 = vector.shape_cast %slice3A_140 : vector<10x5xf32> to vector<1x10x5xf32>
      tpu.vector_store %arg8[%swap3A_141, %swap3A_142, %swap3A_143], %swap3A_146 {strides = array<i32>} : memref<20x10x5xf32, #tpu.memory_space<vmem>>, vector<1x10x5xf32>,
      %slice3A_147 = vector.extract_strided_slice %div3A_103 {offsets = [64, 0], sizes = [16, 128], strides = [1, 1]} : vector<320x128xf32> to vector<16x128xf32>
      %slice3A_148 = vector.extract_strided_slice %div3A_98 {offsets = [32, 0], sizes = [8, 128], strides = [1, 1]} : vector<160x128xf32> to vector<8x128xf32>
      %dot_general3A_149 = arith.constant dense<0.000000e+00> : vector<16x8xf32>
      %dot_general3A_150 = tpu.matmul %slice3A_147, %slice3A_148, %dot_general3A_149 {dimension_numbers = #tpu.dot_dimension_numbers<[1], [1], [0], [0], [0, 0, 1, 0], [], []>, transpose_lhs_hint = false} : vector<16x128xf32>, vector<8x128xf32>, vector<16x8xf32> -> vector<16x8xf32>
      %slice3A_151 = vector.extract_strided_slice %dot_general3A_150 {offsets = [0, 0], sizes = [10, 5], strides = [1, 1]} : vector<16x8xf32> to vector<10x5xf32>
      %swap3A_152 = arith.constant 4 : index
      %swap3A_153 = arith.constant 0 : index
      %swap3A_154 = arith.constant 0 : index
      %swap3A_155 = vector.load %arg8[%swap3A_152, %swap3A_153, %swap3A_154] : memref<20x10x5xf32, #tpu.memory_space<vmem>>, vector<1x10x5xf32>
      %swap3A_156 = vector.shape_cast %swap3A_155 : vector<1x10x5xf32> to vector<10x5xf32>
      %swap3A_157 = vector.shape_cast %slice3A_151 : vector<10x5xf32> to vector<1x10x5xf32>
      tpu.vector_store %arg8[%swap3A_152, %swap3A_153, %swap3A_154], %swap3A_157 {strides = array<i32>} : memref<20x10x5xf32, #tpu.memory_space<vmem>>, vector<1x10x5xf32>,
      %slice3A_158 = vector.extract_strided_slice %div3A_103 {offsets = [80, 0], sizes = [16, 128], strides = [1, 1]} : vector<320x128xf32> to vector<16x128xf32>
      %slice3A_159 = vector.extract_strided_slice %div3A_98 {offsets = [40, 0], sizes = [8, 128], strides = [1, 1]} : vector<160x128xf32> to vector<8x128xf32>
      %dot_general3A_160 = arith.constant dense<0.000000e+00> : vector<16x8xf32>
      %dot_general3A_161 = tpu.matmul %slice3A_158, %slice3A_159, %dot_general3A_160 {dimension_numbers = #tpu.dot_dimension_numbers<[1], [1], [0], [0], [0, 0, 1, 0], [], []>, transpose_lhs_hint = false} : vector<16x128xf32>, vector<8x128xf32>, vector<16x8xf32> -> vector<16x8xf32>
      %slice3A_162 = vector.extract_strided_slice %dot_general3A_161 {offsets = [0, 0], sizes = [10, 5], strides = [1, 1]} : vector<16x8xf32> to vector<10x5xf32>
      %swap3A_163 = arith.constant 5 : index
      %swap3A_164 = arith.constant 0 : index
      %swap3A_165 = arith.constant 0 : index
      %swap3A_166 = vector.load %arg8[%swap3A_163, %swap3A_164, %swap3A_165] : memref<20x10x5xf32, #tpu.memory_space<vmem>>, vector<1x10x5xf32>
      %swap3A_167 = vector.shape_cast %swap3A_166 : vector<1x10x5xf32> to vector<10x5xf32>
      %swap3A_168 = vector.shape_cast %slice3A_162 : vector<10x5xf32> to vector<1x10x5xf32>
      tpu.vector_store %arg8[%swap3A_163, %swap3A_164, %swap3A_165], %swap3A_168 {strides = array<i32>} : memref<20x10x5xf32, #tpu.memory_space<vmem>>, vector<1x10x5xf32>,
      %slice3A_169 = vector.extract_strided_slice %div3A_103 {offsets = [96, 0], sizes = [16, 128], strides = [1, 1]} : vector<320x128xf32> to vector<16x128xf32>
      %slice3A_170 = vector.extract_strided_slice %div3A_98 {offsets = [48, 0], sizes = [8, 128], strides = [1, 1]} : vector<160x128xf32> to vector<8x128xf32>
      %dot_general3A_171 = arith.constant dense<0.000000e+00> : vector<16x8xf32>
      %dot_general3A_172 = tpu.matmul %slice3A_169, %slice3A_170, %dot_general3A_171 {dimension_numbers = #tpu.dot_dimension_numbers<[1], [1], [0], [0], [0, 0, 1, 0], [], []>, transpose_lhs_hint = false} : vector<16x128xf32>, vector<8x128xf32>, vector<16x8xf32> -> vector<16x8xf32>
      %slice3A_173 = vector.extract_strided_slice %dot_general3A_172 {offsets = [0, 0], sizes = [10, 5], strides = [1, 1]} : vector<16x8xf32> to vector<10x5xf32>
      %swap3A_174 = arith.constant 6 : index
      %swap3A_175 = arith.constant 0 : index
      %swap3A_176 = arith.constant 0 : index
      %swap3A_177 = vector.load %arg8[%swap3A_174, %swap3A_175, %swap3A_176] : memref<20x10x5xf32, #tpu.memory_space<vmem>>, vector<1x10x5xf32>
      %swap3A_178 = vector.shape_cast %swap3A_177 : vector<1x10x5xf32> to vector<10x5xf32>
      %swap3A_179 = vector.shape_cast %slice3A_173 : vector<10x5xf32> to vector<1x10x5xf32>
      tpu.vector_store %arg8[%swap3A_174, %swap3A_175, %swap3A_176], %swap3A_179 {strides = array<i32>} : memref<20x10x5xf32, #tpu.memory_space<vmem>>, vector<1x10x5xf32>,
      %slice3A_180 = vector.extract_strided_slice %div3A_103 {offsets = [112, 0], sizes = [16, 128], strides = [1, 1]} : vector<320x128xf32> to vector<16x128xf32>
      %slice3A_181 = vector.extract_strided_slice %div3A_98 {offsets = [56, 0], sizes = [8, 128], strides = [1, 1]} : vector<160x128xf32> to vector<8x128xf32>
      %dot_general3A_182 = arith.constant dense<0.000000e+00> : vector<16x8xf32>
      %dot_general3A_183 = tpu.matmul %slice3A_180, %slice3A_181, %dot_general3A_182 {dimension_numbers = #tpu.dot_dimension_numbers<[1], [1], [0], [0], [0, 0, 1, 0], [], []>, transpose_lhs_hint = false} : vector<16x128xf32>, vector<8x128xf32>, vector<16x8xf32> -> vector<16x8xf32>
      %slice3A_184 = vector.extract_strided_slice %dot_general3A_183 {offsets = [0, 0], sizes = [10, 5], strides = [1, 1]} : vector<16x8xf32> to vector<10x5xf32>
      %swap3A_185 = arith.constant 7 : index
      %swap3A_186 = arith.constant 0 : index
      %swap3A_187 = arith.constant 0 : index
      %swap3A_188 = vector.load %arg8[%swap3A_185, %swap3A_186, %swap3A_187] : memref<20x10x5xf32, #tpu.memory_space<vmem>>, vector<1x10x5xf32>
      %swap3A_189 = vector.shape_cast %swap3A_188 : vector<1x10x5xf32> to vector<10x5xf32>
      %swap3A_190 = vector.shape_cast %slice3A_184 : vector<10x5xf32> to vector<1x10x5xf32>
      tpu.vector_store %arg8[%swap3A_185, %swap3A_186, %swap3A_187], %swap3A_190 {strides = array<i32>} : memref<20x10x5xf32, #tpu.memory_space<vmem>>, vector<1x10x5xf32>,
      %slice3A_191 = vector.extract_strided_slice %div3A_103 {offsets = [128, 0], sizes = [16, 128], strides = [1, 1]} : vector<320x128xf32> to vector<16x128xf32>
      %slice3A_192 = vector.extract_strided_slice %div3A_98 {offsets = [64, 0], sizes = [8, 128], strides = [1, 1]} : vector<160x128xf32> to vector<8x128xf32>
      %dot_general3A_193 = arith.constant dense<0.000000e+00> : vector<16x8xf32>
      %dot_general3A_194 = tpu.matmul %slice3A_191, %slice3A_192, %dot_general3A_193 {dimension_numbers = #tpu.dot_dimension_numbers<[1], [1], [0], [0], [0, 0, 1, 0], [], []>, transpose_lhs_hint = false} : vector<16x128xf32>, vector<8x128xf32>, vector<16x8xf32> -> vector<16x8xf32>
      %slice3A_195 = vector.extract_strided_slice %dot_general3A_194 {offsets = [0, 0], sizes = [10, 5], strides = [1, 1]} : vector<16x8xf32> to vector<10x5xf32>
      %swap3A_196 = arith.constant 8 : index
      %swap3A_197 = arith.constant 0 : index
      %swap3A_198 = arith.constant 0 : index
      %swap3A_199 = vector.load %arg8[%swap3A_196, %swap3A_197, %swap3A_198] : memref<20x10x5xf32, #tpu.memory_space<vmem>>, vector<1x10x5xf32>
      %swap3A_200 = vector.shape_cast %swap3A_199 : vector<1x10x5xf32> to vector<10x5xf32>
      %swap3A_201 = vector.shape_cast %slice3A_195 : vector<10x5xf32> to vector<1x10x5xf32>
      tpu.vector_store %arg8[%swap3A_196, %swap3A_197, %swap3A_198], %swap3A_201 {strides = array<i32>} : memref<20x10x5xf32, #tpu.memory_space<vmem>>, vector<1x10x5xf32>,
      %slice3A_202 = vector.extract_strided_slice %div3A_103 {offsets = [144, 0], sizes = [16, 128], strides = [1, 1]} : vector<320x128xf32> to vector<16x128xf32>
      %slice3A_203 = vector.extract_strided_slice %div3A_98 {offsets = [72, 0], sizes = [8, 128], strides = [1, 1]} : vector<160x128xf32> to vector<8x128xf32>
      %dot_general3A_204 = arith.constant dense<0.000000e+00> : vector<16x8xf32>
      %dot_general3A_205 = tpu.matmul %slice3A_202, %slice3A_203, %dot_general3A_204 {dimension_numbers = #tpu.dot_dimension_numbers<[1], [1], [0], [0], [0, 0, 1, 0], [], []>, transpose_lhs_hint = false} : vector<16x128xf32>, vector<8x128xf32>, vector<16x8xf32> -> vector<16x8xf32>
      %slice3A_206 = vector.extract_strided_slice %dot_general3A_205 {offsets = [0, 0], sizes = [10, 5], strides = [1, 1]} : vector<16x8xf32> to vector<10x5xf32>
      %swap3A_207 = arith.constant 9 : index
      %swap3A_208 = arith.constant 0 : index
      %swap3A_209 = arith.constant 0 : index
      %swap3A_210 = vector.load %arg8[%swap3A_207, %swap3A_208, %swap3A_209] : memref<20x10x5xf32, #tpu.memory_space<vmem>>, vector<1x10x5xf32>
      %swap3A_211 = vector.shape_cast %swap3A_210 : vector<1x10x5xf32> to vector<10x5xf32>
      %swap3A_212 = vector.shape_cast %slice3A_206 : vector<10x5xf32> to vector<1x10x5xf32>
      tpu.vector_store %arg8[%swap3A_207, %swap3A_208, %swap3A_209], %swap3A_212 {strides = array<i32>} : memref<20x10x5xf32, #tpu.memory_space<vmem>>, vector<1x10x5xf32>,
      %slice3A_213 = vector.extract_strided_slice %div3A_103 {offsets = [160, 0], sizes = [16, 128], strides = [1, 1]} : vector<320x128xf32> to vector<16x128xf32>
      %slice3A_214 = vector.extract_strided_slice %div3A_98 {offsets = [80, 0], sizes = [8, 128], strides = [1, 1]} : vector<160x128xf32> to vector<8x128xf32>
      %dot_general3A_215 = arith.constant dense<0.000000e+00> : vector<16x8xf32>
      %dot_general3A_216 = tpu.matmul %slice3A_213, %slice3A_214, %dot_general3A_215 {dimension_numbers = #tpu.dot_dimension_numbers<[1], [1], [0], [0], [0, 0, 1, 0], [], []>, transpose_lhs_hint = false} : vector<16x128xf32>, vector<8x128xf32>, vector<16x8xf32> -> vector<16x8xf32>
      %slice3A_217 = vector.extract_strided_slice %dot_general3A_216 {offsets = [0, 0], sizes = [10, 5], strides = [1, 1]} : vector<16x8xf32> to vector<10x5xf32>
      %swap3A_218 = arith.constant 10 : index
      %swap3A_219 = arith.constant 0 : index
      %swap3A_220 = arith.constant 0 : index
      %swap3A_221 = vector.load %arg8[%swap3A_218, %swap3A_219, %swap3A_220] : memref<20x10x5xf32, #tpu.memory_space<vmem>>, vector<1x10x5xf32>
      %swap3A_222 = vector.shape_cast %swap3A_221 : vector<1x10x5xf32> to vector<10x5xf32>
      %swap3A_223 = vector.shape_cast %slice3A_217 : vector<10x5xf32> to vector<1x10x5xf32>
      tpu.vector_store %arg8[%swap3A_218, %swap3A_219, %swap3A_220], %swap3A_223 {strides = array<i32>} : memref<20x10x5xf32, #tpu.memory_space<vmem>>, vector<1x10x5xf32>,
      %slice3A_224 = vector.extract_strided_slice %div3A_103 {offsets = [176, 0], sizes = [16, 128], strides = [1, 1]} : vector<320x128xf32> to vector<16x128xf32>
      %slice3A_225 = vector.extract_strided_slice %div3A_98 {offsets = [88, 0], sizes = [8, 128], strides = [1, 1]} : vector<160x128xf32> to vector<8x128xf32>
      %dot_general3A_226 = arith.constant dense<0.000000e+00> : vector<16x8xf32>
      %dot_general3A_227 = tpu.matmul %slice3A_224, %slice3A_225, %dot_general3A_226 {dimension_numbers = #tpu.dot_dimension_numbers<[1], [1], [0], [0], [0, 0, 1, 0], [], []>, transpose_lhs_hint = false} : vector<16x128xf32>, vector<8x128xf32>, vector<16x8xf32> -> vector<16x8xf32>
      %slice3A_228 = vector.extract_strided_slice %dot_general3A_227 {offsets = [0, 0], sizes = [10, 5], strides = [1, 1]} : vector<16x8xf32> to vector<10x5xf32>
      %swap3A_229 = arith.constant 11 : index
      %swap3A_230 = arith.constant 0 : index
      %swap3A_231 = arith.constant 0 : index
      %swap3A_232 = vector.load %arg8[%swap3A_229, %swap3A_230, %swap3A_231] : memref<20x10x5xf32, #tpu.memory_space<vmem>>, vector<1x10x5xf32>
      %swap3A_233 = vector.shape_cast %swap3A_232 : vector<1x10x5xf32> to vector<10x5xf32>
      %swap3A_234 = vector.shape_cast %slice3A_228 : vector<10x5xf32> to vector<1x10x5xf32>
      tpu.vector_store %arg8[%swap3A_229, %swap3A_230, %swap3A_231], %swap3A_234 {strides = array<i32>} : memref<20x10x5xf32, #tpu.memory_space<vmem>>, vector<1x10x5xf32>,
      %slice3A_235 = vector.extract_strided_slice %div3A_103 {offsets = [192, 0], sizes = [16, 128], strides = [1, 1]} : vector<320x128xf32> to vector<16x128xf32>
      %slice3A_236 = vector.extract_strided_slice %div3A_98 {offsets = [96, 0], sizes = [8, 128], strides = [1, 1]} : vector<160x128xf32> to vector<8x128xf32>
      %dot_general3A_237 = arith.constant dense<0.000000e+00> : vector<16x8xf32>
      %dot_general3A_238 = tpu.matmul %slice3A_235, %slice3A_236, %dot_general3A_237 {dimension_numbers = #tpu.dot_dimension_numbers<[1], [1], [0], [0], [0, 0, 1, 0], [], []>, transpose_lhs_hint = false} : vector<16x128xf32>, vector<8x128xf32>, vector<16x8xf32> -> vector<16x8xf32>
      %slice3A_239 = vector.extract_strided_slice %dot_general3A_238 {offsets = [0, 0], sizes = [10, 5], strides = [1, 1]} : vector<16x8xf32> to vector<10x5xf32>
      %swap3A_240 = arith.constant 12 : index
      %swap3A_241 = arith.constant 0 : index
      %swap3A_242 = arith.constant 0 : index
      %swap3A_243 = vector.load %arg8[%swap3A_240, %swap3A_241, %swap3A_242] : memref<20x10x5xf32, #tpu.memory_space<vmem>>, vector<1x10x5xf32>
      %swap3A_244 = vector.shape_cast %swap3A_243 : vector<1x10x5xf32> to vector<10x5xf32>
      %swap3A_245 = vector.shape_cast %slice3A_239 : vector<10x5xf32> to vector<1x10x5xf32>
      tpu.vector_store %arg8[%swap3A_240, %swap3A_241, %swap3A_242], %swap3A_245 {strides = array<i32>} : memref<20x10x5xf32, #tpu.memory_space<vmem>>, vector<1x10x5xf32>,
      %slice3A_246 = vector.extract_strided_slice %div3A_103 {offsets = [208, 0], sizes = [16, 128], strides = [1, 1]} : vector<320x128xf32> to vector<16x128xf32>
      %slice3A_247 = vector.extract_strided_slice %div3A_98 {offsets = [104, 0], sizes = [8, 128], strides = [1, 1]} : vector<160x128xf32> to vector<8x128xf32>
      %dot_general3A_248 = arith.constant dense<0.000000e+00> : vector<16x8xf32>
      %dot_general3A_249 = tpu.matmul %slice3A_246, %slice3A_247, %dot_general3A_248 {dimension_numbers = #tpu.dot_dimension_numbers<[1], [1], [0], [0], [0, 0, 1, 0], [], []>, transpose_lhs_hint = false} : vector<16x128xf32>, vector<8x128xf32>, vector<16x8xf32> -> vector<16x8xf32>
      %slice3A_250 = vector.extract_strided_slice %dot_general3A_249 {offsets = [0, 0], sizes = [10, 5], strides = [1, 1]} : vector<16x8xf32> to vector<10x5xf32>
      %swap3A_251 = arith.constant 13 : index
      %swap3A_252 = arith.constant 0 : index
      %swap3A_253 = arith.constant 0 : index
      %swap3A_254 = vector.load %arg8[%swap3A_251, %swap3A_252, %swap3A_253] : memref<20x10x5xf32, #tpu.memory_space<vmem>>, vector<1x10x5xf32>
      %swap3A_255 = vector.shape_cast %swap3A_254 : vector<1x10x5xf32> to vector<10x5xf32>
      %swap3A_256 = vector.shape_cast %slice3A_250 : vector<10x5xf32> to vector<1x10x5xf32>
      tpu.vector_store %arg8[%swap3A_251, %swap3A_252, %swap3A_253], %swap3A_256 {strides = array<i32>} : memref<20x10x5xf32, #tpu.memory_space<vmem>>, vector<1x10x5xf32>,
      %slice3A_257 = vector.extract_strided_slice %div3A_103 {offsets = [224, 0], sizes = [16, 128], strides = [1, 1]} : vector<320x128xf32> to vector<16x128xf32>
      %slice3A_258 = vector.extract_strided_slice %div3A_98 {offsets = [112, 0], sizes = [8, 128], strides = [1, 1]} : vector<160x128xf32> to vector<8x128xf32>
      %dot_general3A_259 = arith.constant dense<0.000000e+00> : vector<16x8xf32>
      %dot_general3A_260 = tpu.matmul %slice3A_257, %slice3A_258, %dot_general3A_259 {dimension_numbers = #tpu.dot_dimension_numbers<[1], [1], [0], [0], [0, 0, 1, 0], [], []>, transpose_lhs_hint = false} : vector<16x128xf32>, vector<8x128xf32>, vector<16x8xf32> -> vector<16x8xf32>
      %slice3A_261 = vector.extract_strided_slice %dot_general3A_260 {offsets = [0, 0], sizes = [10, 5], strides = [1, 1]} : vector<16x8xf32> to vector<10x5xf32>
      %swap3A_262 = arith.constant 14 : index
      %swap3A_263 = arith.constant 0 : index
      %swap3A_264 = arith.constant 0 : index
      %swap3A_265 = vector.load %arg8[%swap3A_262, %swap3A_263, %swap3A_264] : memref<20x10x5xf32, #tpu.memory_space<vmem>>, vector<1x10x5xf32>
      %swap3A_266 = vector.shape_cast %swap3A_265 : vector<1x10x5xf32> to vector<10x5xf32>
      %swap3A_267 = vector.shape_cast %slice3A_261 : vector<10x5xf32> to vector<1x10x5xf32>
      tpu.vector_store %arg8[%swap3A_262, %swap3A_263, %swap3A_264], %swap3A_267 {strides = array<i32>} : memref<20x10x5xf32, #tpu.memory_space<vmem>>, vector<1x10x5xf32>,
      %slice3A_268 = vector.extract_strided_slice %div3A_103 {offsets = [240, 0], sizes = [16, 128], strides = [1, 1]} : vector<320x128xf32> to vector<16x128xf32>
      %slice3A_269 = vector.extract_strided_slice %div3A_98 {offsets = [120, 0], sizes = [8, 128], strides = [1, 1]} : vector<160x128xf32> to vector<8x128xf32>
      %dot_general3A_270 = arith.constant dense<0.000000e+00> : vector<16x8xf32>
      %dot_general3A_271 = tpu.matmul %slice3A_268, %slice3A_269, %dot_general3A_270 {dimension_numbers = #tpu.dot_dimension_numbers<[1], [1], [0], [0], [0, 0, 1, 0], [], []>, transpose_lhs_hint = false} : vector<16x128xf32>, vector<8x128xf32>, vector<16x8xf32> -> vector<16x8xf32>
      %slice3A_272 = vector.extract_strided_slice %dot_general3A_271 {offsets = [0, 0], sizes = [10, 5], strides = [1, 1]} : vector<16x8xf32> to vector<10x5xf32>
      %swap3A_273 = arith.constant 15 : index
      %swap3A_274 = arith.constant 0 : index
      %swap3A_275 = arith.constant 0 : index
      %swap3A_276 = vector.load %arg8[%swap3A_273, %swap3A_274, %swap3A_275] : memref<20x10x5xf32, #tpu.memory_space<vmem>>, vector<1x10x5xf32>
      %swap3A_277 = vector.shape_cast %swap3A_276 : vector<1x10x5xf32> to vector<10x5xf32>
      %swap3A_278 = vector.shape_cast %slice3A_272 : vector<10x5xf32> to vector<1x10x5xf32>
      tpu.vector_store %arg8[%swap3A_273, %swap3A_274, %swap3A_275], %swap3A_278 {strides = array<i32>} : memref<20x10x5xf32, #tpu.memory_space<vmem>>, vector<1x10x5xf32>,
      %slice3A_279 = vector.extract_strided_slice %div3A_103 {offsets = [256, 0], sizes = [16, 128], strides = [1, 1]} : vector<320x128xf32> to vector<16x128xf32>
      %slice3A_280 = vector.extract_strided_slice %div3A_98 {offsets = [128, 0], sizes = [8, 128], strides = [1, 1]} : vector<160x128xf32> to vector<8x128xf32>
      %dot_general3A_281 = arith.constant dense<0.000000e+00> : vector<16x8xf32>
      %dot_general3A_282 = tpu.matmul %slice3A_279, %slice3A_280, %dot_general3A_281 {dimension_numbers = #tpu.dot_dimension_numbers<[1], [1], [0], [0], [0, 0, 1, 0], [], []>, transpose_lhs_hint = false} : vector<16x128xf32>, vector<8x128xf32>, vector<16x8xf32> -> vector<16x8xf32>
      %slice3A_283 = vector.extract_strided_slice %dot_general3A_282 {offsets = [0, 0], sizes = [10, 5], strides = [1, 1]} : vector<16x8xf32> to vector<10x5xf32>
      %swap3A_284 = arith.constant 16 : index
      %swap3A_285 = arith.constant 0 : index
      %swap3A_286 = arith.constant 0 : index
      %swap3A_287 = vector.load %arg8[%swap3A_284, %swap3A_285, %swap3A_286] : memref<20x10x5xf32, #tpu.memory_space<vmem>>, vector<1x10x5xf32>
      %swap3A_288 = vector.shape_cast %swap3A_287 : vector<1x10x5xf32> to vector<10x5xf32>
      %swap3A_289 = vector.shape_cast %slice3A_283 : vector<10x5xf32> to vector<1x10x5xf32>
      tpu.vector_store %arg8[%swap3A_284, %swap3A_285, %swap3A_286], %swap3A_289 {strides = array<i32>} : memref<20x10x5xf32, #tpu.memory_space<vmem>>, vector<1x10x5xf32>,
      %slice3A_290 = vector.extract_strided_slice %div3A_103 {offsets = [272, 0], sizes = [16, 128], strides = [1, 1]} : vector<320x128xf32> to vector<16x128xf32>
      %slice3A_291 = vector.extract_strided_slice %div3A_98 {offsets = [136, 0], sizes = [8, 128], strides = [1, 1]} : vector<160x128xf32> to vector<8x128xf32>
      %dot_general3A_292 = arith.constant dense<0.000000e+00> : vector<16x8xf32>
      %dot_general3A_293 = tpu.matmul %slice3A_290, %slice3A_291, %dot_general3A_292 {dimension_numbers = #tpu.dot_dimension_numbers<[1], [1], [0], [0], [0, 0, 1, 0], [], []>, transpose_lhs_hint = false} : vector<16x128xf32>, vector<8x128xf32>, vector<16x8xf32> -> vector<16x8xf32>
      %slice3A_294 = vector.extract_strided_slice %dot_general3A_293 {offsets = [0, 0], sizes = [10, 5], strides = [1, 1]} : vector<16x8xf32> to vector<10x5xf32>
      %swap3A_295 = arith.constant 17 : index
      %swap3A_296 = arith.constant 0 : index
      %swap3A_297 = arith.constant 0 : index
      %swap3A_298 = vector.load %arg8[%swap3A_295, %swap3A_296, %swap3A_297] : memref<20x10x5xf32, #tpu.memory_space<vmem>>, vector<1x10x5xf32>
      %swap3A_299 = vector.shape_cast %swap3A_298 : vector<1x10x5xf32> to vector<10x5xf32>
      %swap3A_300 = vector.shape_cast %slice3A_294 : vector<10x5xf32> to vector<1x10x5xf32>
      tpu.vector_store %arg8[%swap3A_295, %swap3A_296, %swap3A_297], %swap3A_300 {strides = array<i32>} : memref<20x10x5xf32, #tpu.memory_space<vmem>>, vector<1x10x5xf32>,
      %slice3A_301 = vector.extract_strided_slice %div3A_103 {offsets = [288, 0], sizes = [16, 128], strides = [1, 1]} : vector<320x128xf32> to vector<16x128xf32>
      %slice3A_302 = vector.extract_strided_slice %div3A_98 {offsets = [144, 0], sizes = [8, 128], strides = [1, 1]} : vector<160x128xf32> to vector<8x128xf32>
      %dot_general3A_303 = arith.constant dense<0.000000e+00> : vector<16x8xf32>
      %dot_general3A_304 = tpu.matmul %slice3A_301, %slice3A_302, %dot_general3A_303 {dimension_numbers = #tpu.dot_dimension_numbers<[1], [1], [0], [0], [0, 0, 1, 0], [], []>, transpose_lhs_hint = false} : vector<16x128xf32>, vector<8x128xf32>, vector<16x8xf32> -> vector<16x8xf32>
      %slice3A_305 = vector.extract_strided_slice %dot_general3A_304 {offsets = [0, 0], sizes = [10, 5], strides = [1, 1]} : vector<16x8xf32> to vector<10x5xf32>
      %swap3A_306 = arith.constant 18 : index
      %swap3A_307 = arith.constant 0 : index
      %swap3A_308 = arith.constant 0 : index
      %swap3A_309 = vector.load %arg8[%swap3A_306, %swap3A_307, %swap3A_308] : memref<20x10x5xf32, #tpu.memory_space<vmem>>, vector<1x10x5xf32>
      %swap3A_310 = vector.shape_cast %swap3A_309 : vector<1x10x5xf32> to vector<10x5xf32>
      %swap3A_311 = vector.shape_cast %slice3A_305 : vector<10x5xf32> to vector<1x10x5xf32>
      tpu.vector_store %arg8[%swap3A_306, %swap3A_307, %swap3A_308], %swap3A_311 {strides = array<i32>} : memref<20x10x5xf32, #tpu.memory_space<vmem>>, vector<1x10x5xf32>,
      %slice3A_312 = vector.extract_strided_slice %div3A_103 {offsets = [304, 0], sizes = [16, 128], strides = [1, 1]} : vector<320x128xf32> to vector<16x128xf32>
      %slice3A_313 = vector.extract_strided_slice %div3A_98 {offsets = [152, 0], sizes = [8, 128], strides = [1, 1]} : vector<160x128xf32> to vector<8x128xf32>
      %dot_general3A_314 = arith.constant dense<0.000000e+00> : vector<16x8xf32>
      %dot_general3A_315 = tpu.matmul %slice3A_312, %slice3A_313, %dot_general3A_314 {dimension_numbers = #tpu.dot_dimension_numbers<[1], [1], [0], [0], [0, 0, 1, 0], [], []>, transpose_lhs_hint = false} : vector<16x128xf32>, vector<8x128xf32>, vector<16x8xf32> -> vector<16x8xf32>
      %slice3A_316 = vector.extract_strided_slice %dot_general3A_315 {offsets = [0, 0], sizes = [10, 5], strides = [1, 1]} : vector<16x8xf32> to vector<10x5xf32>
      %swap3A_317 = arith.constant 19 : index
      %swap3A_318 = arith.constant 0 : index
      %swap3A_319 = arith.constant 0 : index
      %swap3A_320 = vector.load %arg8[%swap3A_317, %swap3A_318, %swap3A_319] : memref<20x10x5xf32, #tpu.memory_space<vmem>>, vector<1x10x5xf32>
      %swap3A_321 = vector.shape_cast %swap3A_320 : vector<1x10x5xf32> to vector<10x5xf32>
      %swap3A_322 = vector.shape_cast %slice3A_316 : vector<10x5xf32> to vector<1x10x5xf32>
      tpu.vector_store %arg8[%swap3A_317, %swap3A_318, %swap3A_319], %swap3A_322 {strides = array<i32>} : memref<20x10x5xf32, #tpu.memory_space<vmem>>, vector<1x10x5xf32>,
    } else {
    }
    return
  }
  func.func @transform_0(%arg0: i32) -> (i32, i32, i32) {
    %c0_i32 = arith.constant 0 : i32
    %c0_i32_0 = arith.constant 0 : i32
    %c0_i32_1 = arith.constant 0 : i32
    return %c0_i32, %arg0, %c0_i32_0 : i32, i32, i32
  }
  func.func @transform_1(%arg0: i32) -> (i32, i32) {
    %c0_i32 = arith.constant 0 : i32
    %c0_i32_0 = arith.constant 0 : i32
    return %arg0, %c0_i32 : i32, i32
  }
  func.func @transform_2(%arg0: i32) -> (i32, i32) {
    %c0_i32 = arith.constant 0 : i32
    %c0_i32_0 = arith.constant 0 : i32
    %c0_i32_1 = arith.constant 0 : i32
    return %c0_i32, %c0_i32_0 : i32, i32
  }
  func.func @transform_3(%arg0: i32) -> (i32, i32) {
    %c0_i32 = arith.constant 0 : i32
    %c0_i32_0 = arith.constant 0 : i32
    %c0_i32_1 = arith.constant 0 : i32
    return %c0_i32, %c0_i32_0 : i32, i32
  }
  func.func @transform_4(%arg0: i32) -> (i32, i32, i32) {
    %c0_i32 = arith.constant 0 : i32
    %c0_i32_0 = arith.constant 0 : i32
    %c0_i32_1 = arith.constant 0 : i32
    return %arg0, %c0_i32, %c0_i32_0 : i32, i32, i32
  }
  func.func @transform_5(%arg0: i32) -> (i32, i32) {
    %c0_i32 = arith.constant 0 : i32
    %c0_i32_0 = arith.constant 0 : i32
    %c0_i32_1 = arith.constant 0 : i32
    return %c0_i32, %c0_i32_0 : i32, i32
  }
  func.func @transform_6(%arg0: i32) -> (i32, i32) {
    %c0_i32 = arith.constant 0 : i32
    %c0_i32_0 = arith.constant 0 : i32
    %c0_i32_1 = arith.constant 0 : i32
    return %c0_i32, %c0_i32_0 : i32, i32
  }
  func.func @transform_7(%arg0: i32) -> (i32, i32, i32) {
    %c0_i32 = arith.constant 0 : i32
    %c0_i32_0 = arith.constant 0 : i32
    %c0_i32_1 = arith.constant 0 : i32
    %c0_i32_2 = arith.constant 0 : i32
    return %c0_i32, %c0_i32_0, %c0_i32_1 : i32, i32, i32
  }
}

</mosaic_0001>

<sc_bundles>
// kernel: kernel.4.cloned.1.call-start
scs
__scs_entry_jumppad:
0x0: {  	(pc) =	sbr.rel $0x88, $3  }
0x1: {  	(tag) =	ssettag $0x0;
	lr =	simm.s32 $0x1  }
0x2: {  	[smem:$0x3F9A] =	sst lr;
	_ =	strace $0xD0000000  }
0x3: {  	_ = 	snop  }
0x4: {  	_ = 	snop  }
0x5: {  	_ = 	snop  }
0x6: {  	_ = 	snop  }
0x7: {  	_ = 	snop  }
__scs_overlays_trampoline_lowered:
0x8: {  	[smem:$0x3FA9] =	sst s0  }
0x9: {  	[smem:$0x3FAA] =	sst s1  }
0xa: {  	[smem:$0x3FAB] =	sst s2  }
0xb: {  	[smem:$0x3FAC] =	sst s3  }
0xc: {  	[smem:$0x3FAD] =	sst s4  }
0xd: {  	[smem:$0x3FAE] =	sst s5  }
0xe: {  	[smem:$0x3FAF] =	sst s6  }
0xf: {  	[smem:$0x3FB0] =	sst s7  }
0x10: {  	[smem:$0x3FB1] =	sst s8  }
0x11: {  	[smem:$0x3FB2] =	sst s9;
	s0 =	simm.s32 @!p0 $0x0  }
0x12: {  	s1 =	sld [smem:$0x3F98];
	s0 =	simm.s32 @p0 $0x1  }
0x13: {  	[smem:$0x3FB3] =	sst s0;
	s0 =	simm.s32 @!p1 $0x0  }
0x14: {  	s2 =	sld [smem:$0x3F97];
	s0 =	simm.s32 @p1 $0x1  }
0x15: {  	[smem:$0x3FB4] =	sst s0;
	s0 =	simm.s32 @!p2 $0x0  }
0x16: {  	s3 =	sld [smem:$0x3FDB];
	s0 =	simm.s32 @p2 $0x1  }
0x17: {  	s4 =	simm.s32 $0x1BF5;
	[smem:$0x3FB6] =	sst s0  }
0x18: {  	s0 =	sld [smem:$0x3F99];
	_ =	swait.ge [sflag:s4], $0x0  }
0x19: {  	s7 =	sld [smem:$0x3F9A]  }
0x1a: {  	s8 =	sadd.s32 $0xFFFFE003, lr  }
0x1b: {  	s9 =	sadd.s32 $0xFFFFFEF7, lr;
	s5 =	simm.s32 $0xFFFFFFFF;
	p2 =	slt.u32 s8, $0xFFFFF086  }
0x1c: {  	p1 =	slt.u32 s9, $0xF7A;
	s5 =	simm.s32 @!p2 $0x0  }
0x1d: {  	s5 =	simm.s32 @p1 $0x1;
	p0 =	seq.s32 s7, s2  }
0x1e: {  	s7 =	smul.u32 @!p0 $0xF7A, s2;
	p2 =	seq.s32 @!p0 s5, $0x0  }
0x1f: {  	s9 =	smul.u32 $0xF7A, s1;
	s8 =	simm.s32 @!p0 $0x1BF5;
	p2 =	por !p2, p0  }
0x20: {  	[sflag:s8] =	ssyncset.s32 @!p0 $0xFFFFF086;
	s6 =	sadd.s32 @!p0 s3, s7;
	s7 =	simm.s32 @!p0 $0x108  }
0x21: {  	s3 =	sadd.s32 s3, s9;
	s6 =	sadd.s32 @!p0 $0x88, s6;
	s7 =	simm.s32 @p2 $0x1082  }
0x22: {  	[simem:s7], [sflag:s8] =	dma.local @!p0 [hbm:s6], $0xF7A  }
0x23: {  	s9 =	sor.u32 $0xD0000000, s2;
	s6 =	simm.s32 $0x108;
	_ =	swait.ge @!p0 [sflag:s8], $0x0  }
0x24: {  	s3 =	sadd.s32 $0x88, s3;
	s6 =	simm.s32 @!p1 $0x1082;
	[sflag:s4] =	ssyncset.s32 $0xFFFFF086  }
0x25: {  	[simem:s6], [sflag:s4] =	dma.local [hbm:s3], $0xF7A  }
0x26: {  	[smem:$0x3F9A] =	sst s1;
	(tag) =	ssettag s2;
	_ =	strace s9  }
0x27: {  	s1 =	sld [smem:$0x3FAA]  }
0x28: {  	s2 =	sld [smem:$0x3FAB]  }
0x29: {  	s4 =	sld [smem:$0x3FAD]  }
0x2a: {  	p0 =	seq.s32 s5, $0x0;
	s5 =	sld [smem:$0x3FAE]  }
0x2b: {  	s6 =	sld [smem:$0x3FAF]  }
0x2c: {  	s7 =	sld [smem:$0x3FB0]  }
0x2d: {  	s3 =	simm.s32 $0x108;
	s8 =	sld [smem:$0x3FB1]  }
0x2e: {  	s3 =	simm.s32 @!p0 $0x1082;
	s9 =	sld [smem:$0x3FB2]  }
0x2f: {  	lr =	sadd.s32 s0, s3;
	s0 =	sld [smem:$0x3FA9]  }
0x30: {  	s3 =	sld [smem:$0x3FAC]  }
0x31: {  	[smem:$0x3FB5] =	sst s10  }
0x32: {  	s10 =	sld [smem:$0x3FB3];
	_ =	sdelay $0x3  }
0x33: {  	p0 =	seq.s32 s10, $0x1;
	s10 =	sld [smem:$0x3FB5];
	_ =	sdelay $0x3  }
0x34: {  	[smem:$0x3FB5] =	sst s10  }
0x35: {  	s10 =	sld [smem:$0x3FB4];
	_ =	sdelay $0x3  }
0x36: {  	p1 =	seq.s32 s10, $0x1;
	s10 =	sld [smem:$0x3FB5];
	_ =	sdelay $0x3  }
0x37: {  	[smem:$0x3FB5] =	sst s10  }
0x38: {  	s10 =	sld [smem:$0x3FB6]  }
0x39: {  	_ = 	snop;
	(pc) =	sbr.ind lr, $3  }
0x3a: {  	_ = 	snop  }
0x3b: {  	_ = 	snop  }
0x3c: {  	p2 =	seq.s32 s10, $0x1;
	s10 =	sld [smem:$0x3FB5]  }
0x3d: {  	_ =	shalt  }
0x3e: {  	_ =	shalt  }
0x3f: {  	_ =	shalt  }
0x40: {  	_ =	shalt  }
0x41: {  	_ =	shalt  }
0x42: {  	_ =	shalt  }
0x43: {  	_ =	shalt  }
0x44: {  	_ =	shalt  }
0x45: {  	_ =	shalt  }
0x46: {  	_ =	shalt  }
0x47: {  	_ =	shalt  }
0x48: {  	_ =	shalt  }
0x49: {  	_ =	shalt  }
0x4a: {  	_ =	shalt  }
0x4b: {  	_ =	shalt  }
0x4c: {  	_ =	shalt  }
0x4d: {  	_ =	shalt  }
0x4e: {  	_ =	shalt  }
0x4f: {  	_ =	shalt  }
0x50: {  	_ =	shalt  }
0x51: {  	_ =	shalt  }
0x52: {  	_ =	shalt  }
0x53: {  	_ =	shalt  }
0x54: {  	_ =	shalt  }
0x55: {  	_ =	shalt  }
0x56: {  	_ =	shalt  }
0x57: {  	_ =	shalt  }
0x58: {  	_ =	shalt  }
0x59: {  	_ =	shalt  }
0x5a: {  	_ =	shalt  }
0x5b: {  	_ =	shalt  }
0x5c: {  	_ =	shalt  }
0x5d: {  	_ =	shalt  }
0x5e: {  	_ =	shalt  }
0x5f: {  	_ =	shalt  }
0x60: {  	_ =	shalt  }
0x61: {  	_ =	shalt  }
0x62: {  	_ =	shalt  }
0x63: {  	_ =	shalt  }
0x64: {  	_ =	shalt  }
0x65: {  	_ =	shalt  }
0x66: {  	_ =	shalt  }
0x67: {  	_ =	shalt  }
0x68: {  	_ =	shalt  }
0x69: {  	_ =	shalt  }
0x6a: {  	_ =	shalt  }
0x6b: {  	_ =	shalt  }
0x6c: {  	_ =	shalt  }
0x6d: {  	_ =	shalt  }
0x6e: {  	_ =	shalt  }
0x6f: {  	_ =	shalt  }
0x70: {  	_ =	shalt  }
0x71: {  	_ =	shalt  }
0x72: {  	_ =	shalt  }
0x73: {  	_ =	shalt  }
0x74: {  	_ =	shalt  }
0x75: {  	_ =	shalt  }
0x76: {  	_ =	shalt  }
0x77: {  	_ =	shalt  }
0x78: {  	_ =	shalt  }
0x79: {  	_ =	shalt  }
0x7a: {  	_ =	shalt  }
0x7b: {  	_ =	shalt  }
0x7c: {  	_ =	shalt  }
0x7d: {  	_ =	shalt  }
0x7e: {  	_ =	shalt  }
0x7f: {  	_ =	shalt  }
0x80: {  	_ =	shalt  }
0x81: {  	_ =	shalt  }
0x82: {  	_ =	shalt  }
0x83: {  	_ =	shalt  }
0x84: {  	_ =	shalt  }
0x85: {  	_ =	shalt  }
0x86: {  	_ =	shalt  }
0x87: {  	_ =	shalt  }
.Lfunc_end0:
.L_simem_size_0:
called_computation_lowered:
.L_overlay_start_0:
0x88: {  	s2 =	sld [smem:$0x3FD9]  }
0x89: {  	s3 =	sld [smem:$0x3FFE];
	_ =	sdelay $0x1  }
0x8a: {  	s1 =	srdreg.scid  }
0x8b: {  	s0 =	sand.u32 $0x1, s1  }
0x8c: {  	s17 =	sshll.u32 s0, $0xA;
	s2 =	sadd.s32 s3, s2  }
0x8d: {  	s2 =	sadd.s32 s2, s17  }
0x8e: {  	[smem:$0x3FC1] =	sst s2  }
0x8f: {  	_ = 	snop  }
0x90: {  	s2 =	sld [smem:$0x3FC9];
	(tm) =	ssettm $0x1  }
0x91: {  	s18 =	sld [smem:$0x3FFB];
	_ =	sdelay $0x3  }
0x92: {  	_ =	strace s18  }
0x93: {  	s3 =	sld [smem:$0x3FFC];
	_ =	sdelay $0x3  }
0x94: {  	_ =	strace s3  }
0x95: {  	s3 =	sld [smem:$0x3FFD];
	_ =	sdelay $0x3  }
0x96: {  	_ =	strace s3  }
0x97: {  	_ =	strace $0x8FFFFFFF  }
0x98: {  	s19 =	sld [smem:$0x3FDB];
	_ =	sdelay $0x1  }
0x99: {  	s4 =	simm.s32 $_scs_section_size  }
0x9a: {  	s5 =	simm.s32 $_size__tile_overlayer_lowered;
	s6 =	simm.s32 $_tile_overlayer_lowered  }
0x9b: {  	s22 =	simm.s32 $0x1BFF;
	s21 =	sshll.u32 s6, $0x1;
	s3 =	sadd.s32 s4, s19  }
0x9c: {  	s7 =	simm.s32 $0x0;
	s20 =	sshll.u32 s5, $0x1;
	s5 =	sadd.s32 s21, s3  }
0x9d: {  	[timem:s7], [sflag:s22] =	dma.local [hbm:s5], s20  }
0x9e: {  	_ =	swait.ge [sflag:s22], s20  }
0x9f: {  	s4 =	ssub.s32 $0x0, s20;
	[sflag:s22] =	ssyncset.done $0x0  }
0xa0: {  	[sflag:s22] =	ssyncadd.s32 s4;
	_ =	sdelay $0x1  }
0xa1: {  	s23 =	simm.s32 $0x1B8B  }
0xa2: {  	_ =	swait.ge [sflag:s23], $0x1  }
0xa3: {  	[sflag:s23] =	ssyncset.done $0x0  }
0xa4: {  	s25 =	simm.s32 $0x1B8E;
	s24 =	sld [smem:$0x3FFE];
	[sflag:s23] =	ssyncadd.s32 $0xFFFFFFFF  }
0xa5: {  	s26 =	simm.s32 $execute0_lowered;
	[smem:$0x3FD2] =	sst s25  }
0xa6: {  	s5 =	sshll.u32 s26, $0x1;
	_ =	strace $0x80000046;
	[dreg:$0x1] =	wrdreg $0xFFFFFFFF  }
0xa7: {  	s28 =	simm.s32 $_size_execute0_lowered;
	s3 =	sadd.s32 s3, s5;
	[dreg:$0x0] =	wrdreg $0x0  }
0xa8: {  	s5 =	sshll.u32 s28, $0x1;
	[dreg:$0x2] =	wrdreg s3  }
0xa9: {  	[dreg:$0x3] =	wrdreg s5  }
0xaa: {  	[dreg:$0x4] =	wrdreg $0xC0  }
0xab: {  	_ =	task [dreg:s7], $0x5FFFF  }
0xac: {  	[dreg:$0x1] =	wrdreg $0xFFFFFFFF  }
0xad: {  	[dreg:$0x0] =	wrdreg $0x60  }
0xae: {  	[dreg:$0x2] =	wrdreg s2  }
0xaf: {  	[dreg:$0x3] =	wrdreg s24  }
0xb0: {  	[dreg:$0x4] =	wrdreg $0xB0000  }
0xb1: {  	[dreg:$0x5] =	wrdreg $0x9  }
0xb2: {  	_ =	task.clear_ibuf [dreg:s7], $0x6FFFF;
	_ =	strace $0x90000046  }
0xb3: {  	s29 =	simm.s32 $0x9;
	_ =	strace $0x80000048  }
0xb4: {  	_ =	swait.ge [sflag:s29], $0x1  }
0xb5: {  	[sflag:s29] =	ssyncadd.s32 $0xFFFFFFFF  }
0xb6: {  	_ =	strace $0x90000048  }
0xb7: {  	_ =	sfence  }
0xb8: {  	s30 =	sld [smem:$0x0];
	_ =	sdelay $0x2  }
0xb9: {  	s31 =	sshll.u32 s1, $0xD;
	s1 =	sshrl.u32 s1, $0x2  }
0xba: {  	s3 =	sand.u32 $0x4000, s31;
	s1 =	sadd.s32 s1, s30  }
0xbb: {  	s0 =	sor.u32 s3, s0;
	s1 =	sshll.u32 s1, $0x11  }
0xbc: {  	s0 =	sor.u32 s1, s0  }
0xbd: {  	s0 =	sadd.s32 $0x8F2B, s0  }
0xbe: {  	[sflag:s0] =	ssyncadd.remote.s32 $0x1  }
0xbf: {  	_ =	sfence.sel $0xFFFF  }
0xc0: {  	[dreg:$0x0] =	wrdreg $0xFFFFFFFF;
	(pc) =	sbr.abs _section_cstart, $3  }
0xc1: {  	[dreg:$0x1] =	wrdreg $0xFFFFFFFF  }
0xc2: {  	_ =	task.clear_ibuf [dreg:s7], $0x2FFFF;
	_ =	strace $0x9FFFFFFF  }
0xc3: {  	(tm) =	ssettm $0x7FFFFFFF  }
tec
execute0_lowered:
.L_overlay_start_1:
0x0: {  	(tag) =	ssettag $0x1  }
0x1: {  	s2 =	rddreg [dreg:$0x0]  }
0x2: {  	s0 =	srdreg.scid;
	s1 =	rddreg [dreg:$0x1]  }
0x3: {  	s3 =	rddreg [dreg:$0x2];
	s11 =	stileid.u32;
	s8 =	sand.u32 $0x1, s0  }
0x4: {  	s4 =	simm.s32 $0x0;
	s10 =	smul.u32 $0x14000, s11;
	s0 =	sshll.u32 s8, $0x4  }
0x5: {  	[smem:$0x7FF] =	sst s4;
	s28 =	smul.u32 $0x140000, s8;
	s0 =	sor.u32 s11, s0  }
0x6: {  	s5 =	sadd.s32 $0xD000, s1;
	[dreg:$0x10] =	wrdreg s8;
	s0 =	smul.u32 $0x3000, s0  }
0x7: {  	s6 =	sadd.s32 $0x1000, s1;
	s7 =	sadd.s32 $0x19000, s1;
	_ =	strace $0x80000047  }
0x8: {  	[dreg:$0x4] =	wrdreg s7;
	s7 =	sadd.s32 s10, s28;
	s0 =	sshrl.u32 s0, $0x3  }
0x9: {  	s21 =	rddreg [dreg:$0x4];
	s7 =	sshrl.u32 s7, $0x3;
	s30 =	sadd.s32 s5, s0  }
0xa: {  	s1 =	sadd.s32 s7, s1;
	s31 =	sadd.s32 s6, s0;
	[dreg:$0x5] =	wrdreg s30  }
0xb: {  	s9 =	sor.u32 $0x180, s0;
	s17 =	sadd.s32 $0x1B800, s1;
	[dreg:$0x6] =	wrdreg s31  }
0xc: {  	s12 =	sadd.s32 s5, s9;
	[dreg:$0xd] =	wrdreg s17  }
0xd: {  	s14 =	sadd.s32 $0x300, s0;
	s13 =	sadd.s32 s6, s9;
	[dreg:$0x7] =	wrdreg s12  }
0xe: {  	s15 =	sadd.s32 s5, s14;
	[dreg:$0x8] =	wrdreg s13  }
0xf: {  	s0 =	sadd.s32 $0x480, s0;
	s16 =	sadd.s32 s6, s14;
	[dreg:$0x9] =	wrdreg s15  }
0x10: {  	s18 =	smul.u32 $0x50000, s11;
	s5 =	sadd.s32 s5, s0;
	[dreg:$0xa] =	wrdreg s16  }
0x11: {  	s23 =	simm.s32 $0x4;
	s0 =	sadd.s32 s6, s0;
	[dreg:$0xb] =	wrdreg s5  }
0x12: {  	s20 =	sshll.u32 s11, $0x6;
	s1 =	sshrl.u32 s18, $0x2;
	[dreg:$0xc] =	wrdreg s0  }
0x13: {  	s8 =	simm.s32 $0x1800;
	s1 =	sadd.s32 s1, s3;
	s19 =	rddreg [dreg:$0x5]  }
0x14: {  	[tilespmem:s4], [sflag:$0x1] =	stream.linear.gather [hbm4b:s19+s4], $0xA00, $0x38;
	[tilespmem:$0x1F000] =	vst v63  }
0x15: {  	s7 =	sor.u32 $0x1C04, s20;
	s22 =	rddreg [dreg:$0x6];
	s30 =	sshrl.u32 s1, $0x3  }
0x16: {  	[tilespmem:s8], [sflag:$0x1] =	stream.linear.gather [hbm4b:s22+s4], $0xA00, $0x38;
	[tilespmem:$0x1F000] =	vst v63  }
0x17: {  	[spmem:s30], [sflag:s7] =	dma.local [hbm:s21], $0x2800  }
0x18: {  	_ =	swait.ge [sflag:s23], $0x2800  }
0x19: {  	[sflag:s23] =	ssyncset.done $0x0  }
0x1a: {  	[sflag:s23] =	ssyncadd.s32 $0xFFFFD800  }
0x1b: {  	s9 =	simm.s32 $0x1;
	[bflag:$0x0] =	sbarrier.arrive $0xFFFF  }
0x1c: {  	_ =	swait.ge [sflag:s9], $0xA00  }
0x1d: {  	[sflag:s9] =	ssyncset.done $0x0  }
0x1e: {  	[sflag:s9] =	ssyncadd.s32 $0xFFFFF600  }
0x1f: {  	_ =	swait.ge [sflag:s9], $0xA00  }
0x20: {  	[sflag:s9] =	ssyncset.done $0x0  }
0x21: {  	s20 =	simm.s32 $0xC00;
	s24 =	rddreg [dreg:$0x7];
	[sflag:s9] =	ssyncadd.s32 $0xFFFFF600  }
0x22: {  	[tilespmem:s20], [sflag:$0x1] =	stream.linear.gather [hbm4b:s24+s4], $0xA00, $0x38;
	[tilespmem:$0x1F000] =	vst v63  }
0x23: {  	s21 =	simm.s32 $0x2400;
	s25 =	rddreg [dreg:$0x8]  }
0x24: {  	[tilespmem:s21], [sflag:$0x1] =	stream.linear.gather [hbm4b:s25+s4], $0xA00, $0x38;
	[tilespmem:$0x1F000] =	vst v63  }
0x25: {  	s12 =	simm.s32 $0x80;
	s13 =	simm.s32 $0x3000  }
0x26: {  	[tilespmem:s13], [sflag:$0x2] =	stream.indirect.gather [hbm4b:s2+s12], $0x80, s4, s12, $0xb8;
	[tilespmem:$0x1F000] =	vst v63  }
0x27: {  	s14 =	simm.s32 $0x7000;
	s15 =	simm.s32 $0x2  }
0x28: {  	[tilespmem:s14], [sflag:$0x2] =	stream.indirect.gather [hbm4b:s2+s12], $0x80, s12, s12, $0xb8;
	[tilespmem:$0x1F000] =	vst v63  }
0x29: {  	_ =	swait.ge [sflag:s15], $0x4000  }
0x2a: {  	[sflag:s15] =	ssyncset.done $0x0  }
0x2b: {  	[sflag:s15] =	ssyncadd.s32 $0xFFFFC000  }
0x2c: {  	[spmem:s3] =	stream.indirect.scatter.add.f32 [tilespmem:s13], [sflag:$0x3], $0x80, s8, s12, $0xb8;
	[tilespmem:$0x1F000] =	vst v63  }
0x2d: {  	_ =	swait.ge [sflag:s15], $0x4000  }
0x2e: {  	[sflag:s15] =	ssyncset.done $0x0  }
0x2f: {  	s26 =	simm.s32 $0x1880;
	s17 =	simm.s32 $0x3;
	[sflag:s15] =	ssyncadd.s32 $0xFFFFC000  }
0x30: {  	[spmem:s3] =	stream.indirect.scatter.add.f32 [tilespmem:s14], [sflag:$0x3], $0x80, s26, s12, $0xb8;
	[tilespmem:$0x1F000] =	vst v63  }
0x31: {  	_ =	swait.ge [sflag:s17], $0x4000  }
0x32: {  	[sflag:s17] =	ssyncset.done $0x0  }
0x33: {  	[sflag:s17] =	ssyncadd.s32 $0xFFFFC000  }
0x34: {  	_ =	swait.ge [sflag:s17], $0x4000  }
0x35: {  	[sflag:s17] =	ssyncset.done $0x0  }
0x36: {  	s28 =	simm.s32 $0x100;
	[sflag:s17] =	ssyncadd.s32 $0xFFFFC000  }
0x37: {  	[tilespmem:s13], [sflag:$0x2] =	stream.indirect.gather [hbm4b:s2+s12], $0x80, s28, s12, $0xb8;
	[tilespmem:$0x1F000] =	vst v63  }
0x38: {  	s31 =	simm.s32 $0x180  }
0x39: {  	[tilespmem:s14], [sflag:$0x2] =	stream.indirect.gather [hbm4b:s2+s12], $0x80, s31, s12, $0xb8;
	[tilespmem:$0x1F000] =	vst v63  }
0x3a: {  	_ =	swait.ge [sflag:s15], $0x4000  }
0x3b: {  	[sflag:s15] =	ssyncset.done $0x0  }
0x3c: {  	s1 =	simm.s32 $0x1900;
	[sflag:s15] =	ssyncadd.s32 $0xFFFFC000  }
0x3d: {  	[spmem:s3] =	stream.indirect.scatter.add.f32 [tilespmem:s13], [sflag:$0x3], $0x80, s1, s12, $0xb8;
	[tilespmem:$0x1F000] =	vst v63  }
0x3e: {  	_ =	swait.ge [sflag:s15], $0x4000  }
0x3f: {  	[sflag:s15] =	ssyncset.done $0x0  }
0x40: {  	s5 =	simm.s32 $0x1980;
	[sflag:s15] =	ssyncadd.s32 $0xFFFFC000  }
0x41: {  	[spmem:s3] =	stream.indirect.scatter.add.f32 [tilespmem:s14], [sflag:$0x3], $0x80, s5, s12, $0xb8;
	[tilespmem:$0x1F000] =	vst v63  }
0x42: {  	_ =	swait.ge [sflag:s17], $0x4000  }
0x43: {  	[sflag:s17] =	ssyncset.done $0x0  }
0x44: {  	[sflag:s17] =	ssyncadd.s32 $0xFFFFC000  }
0x45: {  	_ =	swait.ge [sflag:s17], $0x4000  }
0x46: {  	[sflag:s17] =	ssyncset.done $0x0  }
0x47: {  	s6 =	simm.s32 $0x200;
	[sflag:s17] =	ssyncadd.s32 $0xFFFFC000  }
0x48: {  	[tilespmem:s13], [sflag:$0x2] =	stream.indirect.gather [hbm4b:s2+s12], $0x80, s6, s12, $0xb8;
	[tilespmem:$0x1F000] =	vst v63  }
0x49: {  	s10 =	simm.s32 $0x280  }
0x4a: {  	[tilespmem:s14], [sflag:$0x2] =	stream.indirect.gather [hbm4b:s2+s12], $0x80, s10, s12, $0xb8;
	[tilespmem:$0x1F000] =	vst v63  }
0x4b: {  	_ =	swait.ge [sflag:s15], $0x4000  }
0x4c: {  	[sflag:s15] =	ssyncset.done $0x0  }
0x4d: {  	s11 =	simm.s32 $0x1A00;
	[sflag:s15] =	ssyncadd.s32 $0xFFFFC000  }
0x4e: {  	[spmem:s3] =	stream.indirect.scatter.add.f32 [tilespmem:s13], [sflag:$0x3], $0x80, s11, s12, $0xb8;
	[tilespmem:$0x1F000] =	vst v63  }
0x4f: {  	_ =	swait.ge [sflag:s15], $0x4000  }
0x50: {  	[sflag:s15] =	ssyncset.done $0x0  }
0x51: {  	s16 =	simm.s32 $0x1A80;
	[sflag:s15] =	ssyncadd.s32 $0xFFFFC000  }
0x52: {  	[spmem:s3] =	stream.indirect.scatter.add.f32 [tilespmem:s14], [sflag:$0x3], $0x80, s16, s12, $0xb8;
	[tilespmem:$0x1F000] =	vst v63  }
0x53: {  	_ =	swait.ge [sflag:s17], $0x4000  }
0x54: {  	[sflag:s17] =	ssyncset.done $0x0  }
0x55: {  	[sflag:s17] =	ssyncadd.s32 $0xFFFFC000  }
0x56: {  	_ =	swait.ge [sflag:s17], $0x4000  }
0x57: {  	[sflag:s17] =	ssyncset.done $0x0  }
0x58: {  	s18 =	simm.s32 $0x300;
	[sflag:s17] =	ssyncadd.s32 $0xFFFFC000  }
0x59: {  	[tilespmem:s13], [sflag:$0x2] =	stream.indirect.gather [hbm4b:s2+s12], $0x80, s18, s12, $0xb8;
	[tilespmem:$0x1F000] =	vst v63  }
0x5a: {  	s19 =	simm.s32 $0x380  }
0x5b: {  	[tilespmem:s14], [sflag:$0x2] =	stream.indirect.gather [hbm4b:s2+s12], $0x80, s19, s12, $0xb8;
	[tilespmem:$0x1F000] =	vst v63  }
0x5c: {  	_ =	swait.ge [sflag:s15], $0x4000  }
0x5d: {  	[sflag:s15] =	ssyncset.done $0x0  }
0x5e: {  	s22 =	simm.s32 $0x1B00;
	[sflag:s15] =	ssyncadd.s32 $0xFFFFC000  }
0x5f: {  	[spmem:s3] =	stream.indirect.scatter.add.f32 [tilespmem:s13], [sflag:$0x3], $0x80, s22, s12, $0xb8;
	[tilespmem:$0x1F000] =	vst v63  }
0x60: {  	_ =	swait.ge [sflag:s15], $0x4000  }
0x61: {  	[sflag:s15] =	ssyncset.done $0x0  }
0x62: {  	s23 =	simm.s32 $0x1B80;
	[sflag:s15] =	ssyncadd.s32 $0xFFFFC000  }
0x63: {  	[spmem:s3] =	stream.indirect.scatter.add.f32 [tilespmem:s14], [sflag:$0x3], $0x80, s23, s12, $0xb8;
	[tilespmem:$0x1F000] =	vst v63  }
0x64: {  	_ =	swait.ge [sflag:s17], $0x4000  }
0x65: {  	[sflag:s17] =	ssyncset.done $0x0  }
0x66: {  	[sflag:s17] =	ssyncadd.s32 $0xFFFFC000  }
0x67: {  	_ =	swait.ge [sflag:s17], $0x4000  }
0x68: {  	[sflag:s17] =	ssyncset.done $0x0  }
0x69: {  	s24 =	simm.s32 $0x400;
	[sflag:s17] =	ssyncadd.s32 $0xFFFFC000  }
0x6a: {  	[tilespmem:s13], [sflag:$0x2] =	stream.indirect.gather [hbm4b:s2+s12], $0x80, s24, s12, $0xb8;
	[tilespmem:$0x1F000] =	vst v63  }
0x6b: {  	s25 =	simm.s32 $0x480  }
0x6c: {  	[tilespmem:s14], [sflag:$0x2] =	stream.indirect.gather [hbm4b:s2+s12], $0x80, s25, s12, $0xb8;
	[tilespmem:$0x1F000] =	vst v63  }
0x6d: {  	_ =	swait.ge [sflag:s15], $0x4000  }
0x6e: {  	[sflag:s15] =	ssyncset.done $0x0  }
0x6f: {  	s26 =	simm.s32 $0x1C00;
	[sflag:s15] =	ssyncadd.s32 $0xFFFFC000  }
0x70: {  	[spmem:s3] =	stream.indirect.scatter.add.f32 [tilespmem:s13], [sflag:$0x3], $0x80, s26, s12, $0xb8;
	[tilespmem:$0x1F000] =	vst v63  }
0x71: {  	_ =	swait.ge [sflag:s15], $0x4000  }
0x72: {  	[sflag:s15] =	ssyncset.done $0x0  }
0x73: {  	s28 =	simm.s32 $0x1C80;
	[sflag:s15] =	ssyncadd.s32 $0xFFFFC000  }
0x74: {  	[spmem:s3] =	stream.indirect.scatter.add.f32 [tilespmem:s14], [sflag:$0x3], $0x80, s28, s12, $0xb8;
	[tilespmem:$0x1F000] =	vst v63  }
0x75: {  	_ =	swait.ge [sflag:s17], $0x4000  }
0x76: {  	[sflag:s17] =	ssyncset.done $0x0  }
0x77: {  	[sflag:s17] =	ssyncadd.s32 $0xFFFFC000  }
0x78: {  	_ =	swait.ge [sflag:s17], $0x4000  }
0x79: {  	[sflag:s17] =	ssyncset.done $0x0  }
0x7a: {  	s31 =	simm.s32 $0x500;
	[sflag:s17] =	ssyncadd.s32 $0xFFFFC000  }
0x7b: {  	[tilespmem:s13], [sflag:$0x2] =	stream.indirect.gather [hbm4b:s2+s12], $0x80, s31, s12, $0xb8;
	[tilespmem:$0x1F000] =	vst v63  }
0x7c: {  	s1 =	simm.s32 $0x580  }
0x7d: {  	[tilespmem:s14], [sflag:$0x2] =	stream.indirect.gather [hbm4b:s2+s12], $0x80, s1, s12, $0xb8;
	[tilespmem:$0x1F000] =	vst v63  }
0x7e: {  	_ =	swait.ge [sflag:s15], $0x4000  }
0x7f: {  	[sflag:s15] =	ssyncset.done $0x0  }
0x80: {  	s5 =	simm.s32 $0x1D00;
	[sflag:s15] =	ssyncadd.s32 $0xFFFFC000  }
0x81: {  	[spmem:s3] =	stream.indirect.scatter.add.f32 [tilespmem:s13], [sflag:$0x3], $0x80, s5, s12, $0xb8;
	[tilespmem:$0x1F000] =	vst v63  }
0x82: {  	_ =	swait.ge [sflag:s15], $0x4000  }
0x83: {  	[sflag:s15] =	ssyncset.done $0x0  }
0x84: {  	s6 =	simm.s32 $0x1D80;
	[sflag:s15] =	ssyncadd.s32 $0xFFFFC000  }
0x85: {  	[spmem:s3] =	stream.indirect.scatter.add.f32 [tilespmem:s14], [sflag:$0x3], $0x80, s6, s12, $0xb8;
	[tilespmem:$0x1F000] =	vst v63  }
0x86: {  	_ =	swait.ge [sflag:s17], $0x4000  }
0x87: {  	[sflag:s17] =	ssyncset.done $0x0  }
0x88: {  	[sflag:s17] =	ssyncadd.s32 $0xFFFFC000  }
0x89: {  	_ =	swait.ge [sflag:s17], $0x4000  }
0x8a: {  	[sflag:s17] =	ssyncset.done $0x0  }
0x8b: {  	s10 =	simm.s32 $0x600;
	[sflag:s17] =	ssyncadd.s32 $0xFFFFC000  }
0x8c: {  	[tilespmem:s13], [sflag:$0x2] =	stream.indirect.gather [hbm4b:s2+s12], $0x80, s10, s12, $0xb8;
	[tilespmem:$0x1F000] =	vst v63  }
0x8d: {  	s11 =	simm.s32 $0x680  }
0x8e: {  	[tilespmem:s14], [sflag:$0x2] =	stream.indirect.gather [hbm4b:s2+s12], $0x80, s11, s12, $0xb8;
	[tilespmem:$0x1F000] =	vst v63  }
0x8f: {  	_ =	swait.ge [sflag:s15], $0x4000  }
0x90: {  	[sflag:s15] =	ssyncset.done $0x0  }
0x91: {  	s16 =	simm.s32 $0x1E00;
	[sflag:s15] =	ssyncadd.s32 $0xFFFFC000  }
0x92: {  	[spmem:s3] =	stream.indirect.scatter.add.f32 [tilespmem:s13], [sflag:$0x3], $0x80, s16, s12, $0xb8;
	[tilespmem:$0x1F000] =	vst v63  }
0x93: {  	_ =	swait.ge [sflag:s15], $0x4000  }
0x94: {  	[sflag:s15] =	ssyncset.done $0x0  }
0x95: {  	s18 =	simm.s32 $0x1E80;
	[sflag:s15] =	ssyncadd.s32 $0xFFFFC000  }
0x96: {  	[spmem:s3] =	stream.indirect.scatter.add.f32 [tilespmem:s14], [sflag:$0x3], $0x80, s18, s12, $0xb8;
	[tilespmem:$0x1F000] =	vst v63  }
0x97: {  	_ =	swait.ge [sflag:s17], $0x4000  }
0x98: {  	[sflag:s17] =	ssyncset.done $0x0  }
0x99: {  	[sflag:s17] =	ssyncadd.s32 $0xFFFFC000  }
0x9a: {  	_ =	swait.ge [sflag:s17], $0x4000  }
0x9b: {  	[sflag:s17] =	ssyncset.done $0x0  }
0x9c: {  	s19 =	simm.s32 $0x700;
	[sflag:s17] =	ssyncadd.s32 $0xFFFFC000  }
0x9d: {  	[tilespmem:s13], [sflag:$0x2] =	stream.indirect.gather [hbm4b:s2+s12], $0x80, s19, s12, $0xb8;
	[tilespmem:$0x1F000] =	vst v63  }
0x9e: {  	s22 =	simm.s32 $0x780  }
0x9f: {  	[tilespmem:s14], [sflag:$0x2] =	stream.indirect.gather [hbm4b:s2+s12], $0x80, s22, s12, $0xb8;
	[tilespmem:$0x1F000] =	vst v63  }
0xa0: {  	_ =	swait.ge [sflag:s15], $0x4000  }
0xa1: {  	[sflag:s15] =	ssyncset.done $0x0  }
0xa2: {  	s23 =	simm.s32 $0x1F00;
	[sflag:s15] =	ssyncadd.s32 $0xFFFFC000  }
0xa3: {  	[spmem:s3] =	stream.indirect.scatter.add.f32 [tilespmem:s13], [sflag:$0x3], $0x80, s23, s12, $0xb8;
	[tilespmem:$0x1F000] =	vst v63  }
0xa4: {  	_ =	swait.ge [sflag:s15], $0x4000  }
0xa5: {  	[sflag:s15] =	ssyncset.done $0x0  }
0xa6: {  	s24 =	simm.s32 $0x1F80;
	[sflag:s15] =	ssyncadd.s32 $0xFFFFC000  }
0xa7: {  	[spmem:s3] =	stream.indirect.scatter.add.f32 [tilespmem:s14], [sflag:$0x3], $0x80, s24, s12, $0xb8;
	[tilespmem:$0x1F000] =	vst v63  }
0xa8: {  	_ =	swait.ge [sflag:s17], $0x4000  }
0xa9: {  	[sflag:s17] =	ssyncset.done $0x0  }
0xaa: {  	[sflag:s17] =	ssyncadd.s32 $0xFFFFC000  }
0xab: {  	_ =	swait.ge [sflag:s17], $0x4000  }
0xac: {  	[sflag:s17] =	ssyncset.done $0x0  }
0xad: {  	s25 =	simm.s32 $0x800;
	[sflag:s17] =	ssyncadd.s32 $0xFFFFC000  }
0xae: {  	[tilespmem:s13], [sflag:$0x2] =	stream.indirect.gather [hbm4b:s2+s12], $0x80, s25, s12, $0xb8;
	[tilespmem:$0x1F000] =	vst v63  }
0xaf: {  	s26 =	simm.s32 $0x880  }
0xb0: {  	[tilespmem:s14], [sflag:$0x2] =	stream.indirect.gather [hbm4b:s2+s12], $0x80, s26, s12, $0xb8;
	[tilespmem:$0x1F000] =	vst v63  }
0xb1: {  	_ =	swait.ge [sflag:s15], $0x4000  }
0xb2: {  	[sflag:s15] =	ssyncset.done $0x0  }
0xb3: {  	s28 =	simm.s32 $0x2000;
	[sflag:s15] =	ssyncadd.s32 $0xFFFFC000  }
0xb4: {  	[spmem:s3] =	stream.indirect.scatter.add.f32 [tilespmem:s13], [sflag:$0x3], $0x80, s28, s12, $0xb8;
	[tilespmem:$0x1F000] =	vst v63  }
0xb5: {  	_ =	swait.ge [sflag:s15], $0x4000  }
0xb6: {  	[sflag:s15] =	ssyncset.done $0x0  }
0xb7: {  	s31 =	simm.s32 $0x2080;
	[sflag:s15] =	ssyncadd.s32 $0xFFFFC000  }
0xb8: {  	[spmem:s3] =	stream.indirect.scatter.add.f32 [tilespmem:s14], [sflag:$0x3], $0x80, s31, s12, $0xb8;
	[tilespmem:$0x1F000] =	vst v63  }
0xb9: {  	_ =	swait.ge [sflag:s17], $0x4000  }
0xba: {  	[sflag:s17] =	ssyncset.done $0x0  }
0xbb: {  	[sflag:s17] =	ssyncadd.s32 $0xFFFFC000  }
0xbc: {  	_ =	swait.ge [sflag:s17], $0x4000  }
0xbd: {  	[sflag:s17] =	ssyncset.done $0x0  }
0xbe: {  	s1 =	simm.s32 $0x900;
	[sflag:s17] =	ssyncadd.s32 $0xFFFFC000  }
0xbf: {  	[tilespmem:s13], [sflag:$0x2] =	stream.indirect.gather [hbm4b:s2+s12], $0x80, s1, s12, $0xb8;
	[tilespmem:$0x1F000] =	vst v63  }
0xc0: {  	s5 =	simm.s32 $0x980  }
0xc1: {  	[tilespmem:s14], [sflag:$0x2] =	stream.indirect.gather [hbm4b:s2+s12], $0x80, s5, s12, $0xb8;
	[tilespmem:$0x1F000] =	vst v63  }
0xc2: {  	_ =	swait.ge [sflag:s15], $0x4000  }
0xc3: {  	[sflag:s15] =	ssyncset.done $0x0  }
0xc4: {  	s6 =	simm.s32 $0x2100;
	[sflag:s15] =	ssyncadd.s32 $0xFFFFC000  }
0xc5: {  	[spmem:s3] =	stream.indirect.scatter.add.f32 [tilespmem:s13], [sflag:$0x3], $0x80, s6, s12, $0xb8;
	[tilespmem:$0x1F000] =	vst v63  }
0xc6: {  	_ =	swait.ge [sflag:s15], $0x4000  }
0xc7: {  	[sflag:s15] =	ssyncset.done $0x0  }
0xc8: {  	s10 =	simm.s32 $0x2180;
	[sflag:s15] =	ssyncadd.s32 $0xFFFFC000  }
0xc9: {  	[spmem:s3] =	stream.indirect.scatter.add.f32 [tilespmem:s14], [sflag:$0x3], $0x80, s10, s12, $0xb8;
	[tilespmem:$0x1F000] =	vst v63  }
0xca: {  	_ =	swait.ge [sflag:s17], $0x4000  }
0xcb: {  	[sflag:s17] =	ssyncset.done $0x0  }
0xcc: {  	[sflag:s17] =	ssyncadd.s32 $0xFFFFC000  }
0xcd: {  	_ =	swait.ge [sflag:s17], $0x4000  }
0xce: {  	[sflag:s17] =	ssyncset.done $0x0  }
0xcf: {  	[sflag:s17] =	ssyncadd.s32 $0xFFFFC000  }
0xd0: {  	_ =	swait.ge [sflag:s9], $0xA00  }
0xd1: {  	[sflag:s9] =	ssyncset.done $0x0  }
0xd2: {  	[sflag:s9] =	ssyncadd.s32 $0xFFFFF600  }
0xd3: {  	_ =	swait.ge [sflag:s9], $0xA00  }
0xd4: {  	[sflag:s9] =	ssyncset.done $0x0  }
0xd5: {  	s11 =	rddreg [dreg:$0x9];
	[sflag:s9] =	ssyncadd.s32 $0xFFFFF600  }
0xd6: {  	[tilespmem:s4], [sflag:$0x1] =	stream.linear.gather [hbm4b:s11+s4], $0xA00, $0x38;
	[tilespmem:$0x1F000] =	vst v63  }
0xd7: {  	s16 =	rddreg [dreg:$0xa]  }
0xd8: {  	[tilespmem:s8], [sflag:$0x1] =	stream.linear.gather [hbm4b:s16+s4], $0xA00, $0x38;
	[tilespmem:$0x1F000] =	vst v63  }
0xd9: {  	_ = 	snop  }
0xda: {  	[tilespmem:s13], [sflag:$0x2] =	stream.indirect.gather [hbm4b:s2+s12], $0x80, s20, s12, $0xb8;
	[tilespmem:$0x1F000] =	vst v63  }
0xdb: {  	s18 =	simm.s32 $0xC80  }
0xdc: {  	[tilespmem:s14], [sflag:$0x2] =	stream.indirect.gather [hbm4b:s2+s12], $0x80, s18, s12, $0xb8;
	[tilespmem:$0x1F000] =	vst v63  }
0xdd: {  	_ =	swait.ge [sflag:s15], $0x4000  }
0xde: {  	[sflag:s15] =	ssyncset.done $0x0  }
0xdf: {  	[sflag:s15] =	ssyncadd.s32 $0xFFFFC000  }
0xe0: {  	[spmem:s3] =	stream.indirect.scatter.add.f32 [tilespmem:s13], [sflag:$0x3], $0x80, s21, s12, $0xb8;
	[tilespmem:$0x1F000] =	vst v63  }
0xe1: {  	_ =	swait.ge [sflag:s15], $0x4000  }
0xe2: {  	[sflag:s15] =	ssyncset.done $0x0  }
0xe3: {  	s19 =	simm.s32 $0x2480;
	[sflag:s15] =	ssyncadd.s32 $0xFFFFC000  }
0xe4: {  	[spmem:s3] =	stream.indirect.scatter.add.f32 [tilespmem:s14], [sflag:$0x3], $0x80, s19, s12, $0xb8;
	[tilespmem:$0x1F000] =	vst v63  }
0xe5: {  	_ =	swait.ge [sflag:s17], $0x4000  }
0xe6: {  	[sflag:s17] =	ssyncset.done $0x0  }
0xe7: {  	[sflag:s17] =	ssyncadd.s32 $0xFFFFC000  }
0xe8: {  	_ =	swait.ge [sflag:s17], $0x4000  }
0xe9: {  	[sflag:s17] =	ssyncset.done $0x0  }
0xea: {  	s22 =	simm.s32 $0xD00;
	[sflag:s17] =	ssyncadd.s32 $0xFFFFC000  }
0xeb: {  	[tilespmem:s13], [sflag:$0x2] =	stream.indirect.gather [hbm4b:s2+s12], $0x80, s22, s12, $0xb8;
	[tilespmem:$0x1F000] =	vst v63  }
0xec: {  	s23 =	simm.s32 $0xD80  }
0xed: {  	[tilespmem:s14], [sflag:$0x2] =	stream.indirect.gather [hbm4b:s2+s12], $0x80, s23, s12, $0xb8;
	[tilespmem:$0x1F000] =	vst v63  }
0xee: {  	_ =	swait.ge [sflag:s15], $0x4000  }
0xef: {  	[sflag:s15] =	ssyncset.done $0x0  }
0xf0: {  	s24 =	simm.s32 $0x2500;
	[sflag:s15] =	ssyncadd.s32 $0xFFFFC000  }
0xf1: {  	[spmem:s3] =	stream.indirect.scatter.add.f32 [tilespmem:s13], [sflag:$0x3], $0x80, s24, s12, $0xb8;
	[tilespmem:$0x1F000] =	vst v63  }
0xf2: {  	_ =	swait.ge [sflag:s15], $0x4000  }
0xf3: {  	[sflag:s15] =	ssyncset.done $0x0  }
0xf4: {  	s25 =	simm.s32 $0x2580;
	[sflag:s15] =	ssyncadd.s32 $0xFFFFC000  }
0xf5: {  	[spmem:s3] =	stream.indirect.scatter.add.f32 [tilespmem:s14], [sflag:$0x3], $0x80, s25, s12, $0xb8;
	[tilespmem:$0x1F000] =	vst v63  }
0xf6: {  	_ =	swait.ge [sflag:s17], $0x4000  }
0xf7: {  	[sflag:s17] =	ssyncset.done $0x0  }
0xf8: {  	[sflag:s17] =	ssyncadd.s32 $0xFFFFC000  }
0xf9: {  	_ =	swait.ge [sflag:s17], $0x4000  }
0xfa: {  	[sflag:s17] =	ssyncset.done $0x0  }
0xfb: {  	s26 =	simm.s32 $0xE00;
	[sflag:s17] =	ssyncadd.s32 $0xFFFFC000  }
0xfc: {  	[tilespmem:s13], [sflag:$0x2] =	stream.indirect.gather [hbm4b:s2+s12], $0x80, s26, s12, $0xb8;
	[tilespmem:$0x1F000] =	vst v63  }
0xfd: {  	s28 =	simm.s32 $0xE80  }
0xfe: {  	[tilespmem:s14], [sflag:$0x2] =	stream.indirect.gather [hbm4b:s2+s12], $0x80, s28, s12, $0xb8;
	[tilespmem:$0x1F000] =	vst v63  }
0xff: {  	_ =	swait.ge [sflag:s15], $0x4000  }
0x100: {  	[sflag:s15] =	ssyncset.done $0x0  }
0x101: {  	s31 =	simm.s32 $0x2600;
	[sflag:s15] =	ssyncadd.s32 $0xFFFFC000  }
0x102: {  	[spmem:s3] =	stream.indirect.scatter.add.f32 [tilespmem:s13], [sflag:$0x3], $0x80, s31, s12, $0xb8;
	[tilespmem:$0x1F000] =	vst v63  }
0x103: {  	_ =	swait.ge [sflag:s15], $0x4000  }
0x104: {  	[sflag:s15] =	ssyncset.done $0x0  }
0x105: {  	s1 =	simm.s32 $0x2680;
	[sflag:s15] =	ssyncadd.s32 $0xFFFFC000  }
0x106: {  	[spmem:s3] =	stream.indirect.scatter.add.f32 [tilespmem:s14], [sflag:$0x3], $0x80, s1, s12, $0xb8;
	[tilespmem:$0x1F000] =	vst v63  }
0x107: {  	_ =	swait.ge [sflag:s17], $0x4000  }
0x108: {  	[sflag:s17] =	ssyncset.done $0x0  }
0x109: {  	[sflag:s17] =	ssyncadd.s32 $0xFFFFC000  }
0x10a: {  	_ =	swait.ge [sflag:s17], $0x4000  }
0x10b: {  	[sflag:s17] =	ssyncset.done $0x0  }
0x10c: {  	s5 =	simm.s32 $0xF00;
	[sflag:s17] =	ssyncadd.s32 $0xFFFFC000  }
0x10d: {  	[tilespmem:s13], [sflag:$0x2] =	stream.indirect.gather [hbm4b:s2+s12], $0x80, s5, s12, $0xb8;
	[tilespmem:$0x1F000] =	vst v63  }
0x10e: {  	s6 =	simm.s32 $0xF80  }
0x10f: {  	[tilespmem:s14], [sflag:$0x2] =	stream.indirect.gather [hbm4b:s2+s12], $0x80, s6, s12, $0xb8;
	[tilespmem:$0x1F000] =	vst v63  }
0x110: {  	_ =	swait.ge [sflag:s15], $0x4000  }
0x111: {  	[sflag:s15] =	ssyncset.done $0x0  }
0x112: {  	s10 =	simm.s32 $0x2700;
	[sflag:s15] =	ssyncadd.s32 $0xFFFFC000  }
0x113: {  	[spmem:s3] =	stream.indirect.scatter.add.f32 [tilespmem:s13], [sflag:$0x3], $0x80, s10, s12, $0xb8;
	[tilespmem:$0x1F000] =	vst v63  }
0x114: {  	_ =	swait.ge [sflag:s15], $0x4000  }
0x115: {  	[sflag:s15] =	ssyncset.done $0x0  }
0x116: {  	s11 =	simm.s32 $0x2780;
	[sflag:s15] =	ssyncadd.s32 $0xFFFFC000  }
0x117: {  	[spmem:s3] =	stream.indirect.scatter.add.f32 [tilespmem:s14], [sflag:$0x3], $0x80, s11, s12, $0xb8;
	[tilespmem:$0x1F000] =	vst v63  }
0x118: {  	_ =	swait.ge [sflag:s17], $0x4000  }
0x119: {  	[sflag:s17] =	ssyncset.done $0x0  }
0x11a: {  	[sflag:s17] =	ssyncadd.s32 $0xFFFFC000  }
0x11b: {  	_ =	swait.ge [sflag:s17], $0x4000  }
0x11c: {  	[sflag:s17] =	ssyncset.done $0x0  }
0x11d: {  	s16 =	simm.s32 $0x1000;
	[sflag:s17] =	ssyncadd.s32 $0xFFFFC000  }
0x11e: {  	[tilespmem:s13], [sflag:$0x2] =	stream.indirect.gather [hbm4b:s2+s12], $0x80, s16, s12, $0xb8;
	[tilespmem:$0x1F000] =	vst v63  }
0x11f: {  	s18 =	simm.s32 $0x1080  }
0x120: {  	[tilespmem:s14], [sflag:$0x2] =	stream.indirect.gather [hbm4b:s2+s12], $0x80, s18, s12, $0xb8;
	[tilespmem:$0x1F000] =	vst v63  }
0x121: {  	_ =	swait.ge [sflag:s15], $0x4000  }
0x122: {  	[sflag:s15] =	ssyncset.done $0x0  }
0x123: {  	s19 =	simm.s32 $0x2800;
	[sflag:s15] =	ssyncadd.s32 $0xFFFFC000  }
0x124: {  	[spmem:s3] =	stream.indirect.scatter.add.f32 [tilespmem:s13], [sflag:$0x3], $0x80, s19, s12, $0xb8;
	[tilespmem:$0x1F000] =	vst v63  }
0x125: {  	_ =	swait.ge [sflag:s15], $0x4000  }
0x126: {  	[sflag:s15] =	ssyncset.done $0x0  }
0x127: {  	s22 =	simm.s32 $0x2880;
	[sflag:s15] =	ssyncadd.s32 $0xFFFFC000  }
0x128: {  	[spmem:s3] =	stream.indirect.scatter.add.f32 [tilespmem:s14], [sflag:$0x3], $0x80, s22, s12, $0xb8;
	[tilespmem:$0x1F000] =	vst v63  }
0x129: {  	_ =	swait.ge [sflag:s17], $0x4000  }
0x12a: {  	[sflag:s17] =	ssyncset.done $0x0  }
0x12b: {  	[sflag:s17] =	ssyncadd.s32 $0xFFFFC000  }
0x12c: {  	_ =	swait.ge [sflag:s17], $0x4000  }
0x12d: {  	[sflag:s17] =	ssyncset.done $0x0  }
0x12e: {  	s23 =	simm.s32 $0x1100;
	[sflag:s17] =	ssyncadd.s32 $0xFFFFC000  }
0x12f: {  	[tilespmem:s13], [sflag:$0x2] =	stream.indirect.gather [hbm4b:s2+s12], $0x80, s23, s12, $0xb8;
	[tilespmem:$0x1F000] =	vst v63  }
0x130: {  	s24 =	simm.s32 $0x1180  }
0x131: {  	[tilespmem:s14], [sflag:$0x2] =	stream.indirect.gather [hbm4b:s2+s12], $0x80, s24, s12, $0xb8;
	[tilespmem:$0x1F000] =	vst v63  }
0x132: {  	_ =	swait.ge [sflag:s15], $0x4000  }
0x133: {  	[sflag:s15] =	ssyncset.done $0x0  }
0x134: {  	s25 =	simm.s32 $0x2900;
	[sflag:s15] =	ssyncadd.s32 $0xFFFFC000  }
0x135: {  	[spmem:s3] =	stream.indirect.scatter.add.f32 [tilespmem:s13], [sflag:$0x3], $0x80, s25, s12, $0xb8;
	[tilespmem:$0x1F000] =	vst v63  }
0x136: {  	_ =	swait.ge [sflag:s15], $0x4000  }
0x137: {  	[sflag:s15] =	ssyncset.done $0x0  }
0x138: {  	s26 =	simm.s32 $0x2980;
	[sflag:s15] =	ssyncadd.s32 $0xFFFFC000  }
0x139: {  	[spmem:s3] =	stream.indirect.scatter.add.f32 [tilespmem:s14], [sflag:$0x3], $0x80, s26, s12, $0xb8;
	[tilespmem:$0x1F000] =	vst v63  }
0x13a: {  	_ =	swait.ge [sflag:s17], $0x4000  }
0x13b: {  	[sflag:s17] =	ssyncset.done $0x0  }
0x13c: {  	[sflag:s17] =	ssyncadd.s32 $0xFFFFC000  }
0x13d: {  	_ =	swait.ge [sflag:s17], $0x4000  }
0x13e: {  	[sflag:s17] =	ssyncset.done $0x0  }
0x13f: {  	s28 =	simm.s32 $0x1200;
	[sflag:s17] =	ssyncadd.s32 $0xFFFFC000  }
0x140: {  	[tilespmem:s13], [sflag:$0x2] =	stream.indirect.gather [hbm4b:s2+s12], $0x80, s28, s12, $0xb8;
	[tilespmem:$0x1F000] =	vst v63  }
0x141: {  	s28 =	simm.s32 $0x1280  }
0x142: {  	[tilespmem:s14], [sflag:$0x2] =	stream.indirect.gather [hbm4b:s2+s12], $0x80, s28, s12, $0xb8;
	[tilespmem:$0x1F000] =	vst v63  }
0x143: {  	_ =	swait.ge [sflag:s15], $0x4000  }
0x144: {  	[sflag:s15] =	ssyncset.done $0x0  }
0x145: {  	s26 =	simm.s32 $0x2A00;
	[sflag:s15] =	ssyncadd.s32 $0xFFFFC000  }
0x146: {  	[spmem:s3] =	stream.indirect.scatter.add.f32 [tilespmem:s13], [sflag:$0x3], $0x80, s26, s12, $0xb8;
	[tilespmem:$0x1F000] =	vst v63  }
0x147: {  	_ =	swait.ge [sflag:s15], $0x4000  }
0x148: {  	[sflag:s15] =	ssyncset.done $0x0  }
0x149: {  	s25 =	simm.s32 $0x2A80;
	[sflag:s15] =	ssyncadd.s32 $0xFFFFC000  }
0x14a: {  	[spmem:s3] =	stream.indirect.scatter.add.f32 [tilespmem:s14], [sflag:$0x3], $0x80, s25, s12, $0xb8;
	[tilespmem:$0x1F000] =	vst v63  }
0x14b: {  	_ =	swait.ge [sflag:s17], $0x4000  }
0x14c: {  	[sflag:s17] =	ssyncset.done $0x0  }
0x14d: {  	[sflag:s17] =	ssyncadd.s32 $0xFFFFC000  }
0x14e: {  	_ =	swait.ge [sflag:s17], $0x4000  }
0x14f: {  	[sflag:s17] =	ssyncset.done $0x0  }
0x150: {  	s24 =	simm.s32 $0x1300;
	[sflag:s17] =	ssyncadd.s32 $0xFFFFC000  }
0x151: {  	[tilespmem:s13], [sflag:$0x2] =	stream.indirect.gather [hbm4b:s2+s12], $0x80, s24, s12, $0xb8;
	[tilespmem:$0x1F000] =	vst v63  }
0x152: {  	s23 =	simm.s32 $0x1380  }
0x153: {  	[tilespmem:s14], [sflag:$0x2] =	stream.indirect.gather [hbm4b:s2+s12], $0x80, s23, s12, $0xb8;
	[tilespmem:$0x1F000] =	vst v63  }
0x154: {  	_ =	swait.ge [sflag:s15], $0x4000  }
0x155: {  	[sflag:s15] =	ssyncset.done $0x0  }
0x156: {  	s22 =	simm.s32 $0x2B00;
	[sflag:s15] =	ssyncadd.s32 $0xFFFFC000  }
0x157: {  	[spmem:s3] =	stream.indirect.scatter.add.f32 [tilespmem:s13], [sflag:$0x3], $0x80, s22, s12, $0xb8;
	[tilespmem:$0x1F000] =	vst v63  }
0x158: {  	_ =	swait.ge [sflag:s15], $0x4000  }
0x159: {  	[sflag:s15] =	ssyncset.done $0x0  }
0x15a: {  	s19 =	simm.s32 $0x2B80;
	[sflag:s15] =	ssyncadd.s32 $0xFFFFC000  }
0x15b: {  	[spmem:s3] =	stream.indirect.scatter.add.f32 [tilespmem:s14], [sflag:$0x3], $0x80, s19, s12, $0xb8;
	[tilespmem:$0x1F000] =	vst v63  }
0x15c: {  	_ =	swait.ge [sflag:s17], $0x4000  }
0x15d: {  	[sflag:s17] =	ssyncset.done $0x0  }
0x15e: {  	[sflag:s17] =	ssyncadd.s32 $0xFFFFC000  }
0x15f: {  	_ =	swait.ge [sflag:s17], $0x4000  }
0x160: {  	[sflag:s17] =	ssyncset.done $0x0  }
0x161: {  	s18 =	simm.s32 $0x1400;
	[sflag:s17] =	ssyncadd.s32 $0xFFFFC000  }
0x162: {  	[tilespmem:s13], [sflag:$0x2] =	stream.indirect.gather [hbm4b:s2+s12], $0x80, s18, s12, $0xb8;
	[tilespmem:$0x1F000] =	vst v63  }
0x163: {  	s16 =	simm.s32 $0x1480  }
0x164: {  	[tilespmem:s14], [sflag:$0x2] =	stream.indirect.gather [hbm4b:s2+s12], $0x80, s16, s12, $0xb8;
	[tilespmem:$0x1F000] =	vst v63  }
0x165: {  	_ =	swait.ge [sflag:s15], $0x4000  }
0x166: {  	[sflag:s15] =	ssyncset.done $0x0  }
0x167: {  	s11 =	simm.s32 $0x2C00;
	[sflag:s15] =	ssyncadd.s32 $0xFFFFC000  }
0x168: {  	[spmem:s3] =	stream.indirect.scatter.add.f32 [tilespmem:s13], [sflag:$0x3], $0x80, s11, s12, $0xb8;
	[tilespmem:$0x1F000] =	vst v63  }
0x169: {  	_ =	swait.ge [sflag:s15], $0x4000  }
0x16a: {  	[sflag:s15] =	ssyncset.done $0x0  }
0x16b: {  	s10 =	simm.s32 $0x2C80;
	[sflag:s15] =	ssyncadd.s32 $0xFFFFC000  }
0x16c: {  	[spmem:s3] =	stream.indirect.scatter.add.f32 [tilespmem:s14], [sflag:$0x3], $0x80, s10, s12, $0xb8;
	[tilespmem:$0x1F000] =	vst v63  }
0x16d: {  	_ =	swait.ge [sflag:s17], $0x4000  }
0x16e: {  	[sflag:s17] =	ssyncset.done $0x0  }
0x16f: {  	[sflag:s17] =	ssyncadd.s32 $0xFFFFC000  }
0x170: {  	_ =	swait.ge [sflag:s17], $0x4000  }
0x171: {  	[sflag:s17] =	ssyncset.done $0x0  }
0x172: {  	s6 =	simm.s32 $0x1500;
	[sflag:s17] =	ssyncadd.s32 $0xFFFFC000  }
0x173: {  	[tilespmem:s13], [sflag:$0x2] =	stream.indirect.gather [hbm4b:s2+s12], $0x80, s6, s12, $0xb8;
	[tilespmem:$0x1F000] =	vst v63  }
0x174: {  	s5 =	simm.s32 $0x1580  }
0x175: {  	[tilespmem:s14], [sflag:$0x2] =	stream.indirect.gather [hbm4b:s2+s12], $0x80, s5, s12, $0xb8;
	[tilespmem:$0x1F000] =	vst v63  }
0x176: {  	_ =	swait.ge [sflag:s15], $0x4000  }
0x177: {  	[sflag:s15] =	ssyncset.done $0x0  }
0x178: {  	s1 =	simm.s32 $0x2D00;
	[sflag:s15] =	ssyncadd.s32 $0xFFFFC000  }
0x179: {  	[spmem:s3] =	stream.indirect.scatter.add.f32 [tilespmem:s13], [sflag:$0x3], $0x80, s1, s12, $0xb8;
	[tilespmem:$0x1F000] =	vst v63  }
0x17a: {  	_ =	swait.ge [sflag:s15], $0x4000  }
0x17b: {  	[sflag:s15] =	ssyncset.done $0x0  }
0x17c: {  	s0 =	simm.s32 $0x2D80;
	[sflag:s15] =	ssyncadd.s32 $0xFFFFC000  }
0x17d: {  	[spmem:s3] =	stream.indirect.scatter.add.f32 [tilespmem:s14], [sflag:$0x3], $0x80, s0, s12, $0xb8;
	[tilespmem:$0x1F000] =	vst v63  }
0x17e: {  	_ =	swait.ge [sflag:s17], $0x4000  }
0x17f: {  	[sflag:s17] =	ssyncset.done $0x0  }
0x180: {  	[sflag:s17] =	ssyncadd.s32 $0xFFFFC000  }
0x181: {  	_ =	swait.ge [sflag:s17], $0x4000  }
0x182: {  	[sflag:s17] =	ssyncset.done $0x0  }
0x183: {  	[sflag:s17] =	ssyncadd.s32 $0xFFFFC000  }
0x184: {  	_ =	swait.ge [sflag:s9], $0xA00  }
0x185: {  	[sflag:s9] =	ssyncset.done $0x0  }
0x186: {  	[sflag:s9] =	ssyncadd.s32 $0xFFFFF600  }
0x187: {  	_ =	swait.ge [sflag:s9], $0xA00  }
0x188: {  	s29 =	rddreg [dreg:$0xb]  }
0x189: {  	[sflag:s9] =	ssyncset.done $0x0;
	[dreg:$0x11] =	wrdreg s29  }
0x18a: {  	[sflag:s9] =	ssyncadd.s32 $0xFFFFF600;
	s31 =	rddreg [dreg:$0x11]  }
0x18b: {  	[tilespmem:s20], [sflag:$0x1] =	stream.linear.gather [hbm4b:s31+s4], $0xA00, $0x38;
	[tilespmem:$0x1F000] =	vst v63  }
0x18c: {  	s29 =	rddreg [dreg:$0xc]  }
0x18d: {  	[tilespmem:s21], [sflag:$0x1] =	stream.linear.gather [hbm4b:s29+s4], $0xA00, $0x38;
	[tilespmem:$0x1F000] =	vst v63  }
0x18e: {  	_ = 	snop  }
0x18f: {  	[tilespmem:s13], [sflag:$0x2] =	stream.indirect.gather [hbm4b:s2+s12], $0x80, s4, s12, $0xb8;
	[tilespmem:$0x1F000] =	vst v63  }
0x190: {  	_ = 	snop  }
0x191: {  	[tilespmem:s14], [sflag:$0x2] =	stream.indirect.gather [hbm4b:s2+s12], $0x80, s12, s12, $0xb8;
	[tilespmem:$0x1F000] =	vst v63  }
0x192: {  	_ =	swait.ge [sflag:s15], $0x4000  }
0x193: {  	[sflag:s15] =	ssyncset.done $0x0  }
0x194: {  	[sflag:s15] =	ssyncadd.s32 $0xFFFFC000  }
0x195: {  	[spmem:s3] =	stream.indirect.scatter.add.f32 [tilespmem:s13], [sflag:$0x3], $0x80, s8, s12, $0xb8;
	[tilespmem:$0x1F000] =	vst v63  }
0x196: {  	_ =	swait.ge [sflag:s15], $0x4000  }
0x197: {  	[sflag:s15] =	ssyncset.done $0x0  }
0x198: {  	s31 =	simm.s32 $0x1880;
	[sflag:s15] =	ssyncadd.s32 $0xFFFFC000  }
0x199: {  	[spmem:s3] =	stream.indirect.scatter.add.f32 [tilespmem:s14], [sflag:$0x3], $0x80, s31, s12, $0xb8;
	[tilespmem:$0x1F000] =	vst v63  }
0x19a: {  	_ =	swait.ge [sflag:s17], $0x4000  }
0x19b: {  	[sflag:s17] =	ssyncset.done $0x0  }
0x19c: {  	[sflag:s17] =	ssyncadd.s32 $0xFFFFC000  }
0x19d: {  	_ =	swait.ge [sflag:s17], $0x4000  }
0x19e: {  	[sflag:s17] =	ssyncset.done $0x0  }
0x19f: {  	s31 =	simm.s32 $0x100;
	[sflag:s17] =	ssyncadd.s32 $0xFFFFC000  }
0x1a0: {  	[tilespmem:s13], [sflag:$0x2] =	stream.indirect.gather [hbm4b:s2+s12], $0x80, s31, s12, $0xb8;
	[tilespmem:$0x1F000] =	vst v63  }
0x1a1: {  	s31 =	simm.s32 $0x180  }
0x1a2: {  	[tilespmem:s14], [sflag:$0x2] =	stream.indirect.gather [hbm4b:s2+s12], $0x80, s31, s12, $0xb8;
	[tilespmem:$0x1F000] =	vst v63  }
0x1a3: {  	_ =	swait.ge [sflag:s15], $0x4000  }
0x1a4: {  	[sflag:s15] =	ssyncset.done $0x0  }
0x1a5: {  	s31 =	simm.s32 $0x1900;
	[sflag:s15] =	ssyncadd.s32 $0xFFFFC000  }
0x1a6: {  	[spmem:s3] =	stream.indirect.scatter.add.f32 [tilespmem:s13], [sflag:$0x3], $0x80, s31, s12, $0xb8;
	[tilespmem:$0x1F000] =	vst v63  }
0x1a7: {  	_ =	swait.ge [sflag:s15], $0x4000  }
0x1a8: {  	[sflag:s15] =	ssyncset.done $0x0  }
0x1a9: {  	s31 =	simm.s32 $0x1980;
	[sflag:s15] =	ssyncadd.s32 $0xFFFFC000  }
0x1aa: {  	[spmem:s3] =	stream.indirect.scatter.add.f32 [tilespmem:s14], [sflag:$0x3], $0x80, s31, s12, $0xb8;
	[tilespmem:$0x1F000] =	vst v63  }
0x1ab: {  	_ =	swait.ge [sflag:s17], $0x4000  }
0x1ac: {  	[sflag:s17] =	ssyncset.done $0x0  }
0x1ad: {  	[sflag:s17] =	ssyncadd.s32 $0xFFFFC000  }
0x1ae: {  	_ =	swait.ge [sflag:s17], $0x4000  }
0x1af: {  	[sflag:s17] =	ssyncset.done $0x0  }
0x1b0: {  	s31 =	simm.s32 $0x200;
	[sflag:s17] =	ssyncadd.s32 $0xFFFFC000  }
0x1b1: {  	[tilespmem:s13], [sflag:$0x2] =	stream.indirect.gather [hbm4b:s2+s12], $0x80, s31, s12, $0xb8;
	[tilespmem:$0x1F000] =	vst v63  }
0x1b2: {  	s31 =	simm.s32 $0x280  }
0x1b3: {  	[tilespmem:s14], [sflag:$0x2] =	stream.indirect.gather [hbm4b:s2+s12], $0x80, s31, s12, $0xb8;
	[tilespmem:$0x1F000] =	vst v63  }
0x1b4: {  	_ =	swait.ge [sflag:s15], $0x4000  }
0x1b5: {  	[sflag:s15] =	ssyncset.done $0x0  }
0x1b6: {  	s31 =	simm.s32 $0x1A00;
	[sflag:s15] =	ssyncadd.s32 $0xFFFFC000  }
0x1b7: {  	[spmem:s3] =	stream.indirect.scatter.add.f32 [tilespmem:s13], [sflag:$0x3], $0x80, s31, s12, $0xb8;
	[tilespmem:$0x1F000] =	vst v63  }
0x1b8: {  	_ =	swait.ge [sflag:s15], $0x4000  }
0x1b9: {  	[sflag:s15] =	ssyncset.done $0x0  }
0x1ba: {  	s31 =	simm.s32 $0x1A80;
	[sflag:s15] =	ssyncadd.s32 $0xFFFFC000  }
0x1bb: {  	[spmem:s3] =	stream.indirect.scatter.add.f32 [tilespmem:s14], [sflag:$0x3], $0x80, s31, s12, $0xb8;
	[tilespmem:$0x1F000] =	vst v63  }
0x1bc: {  	_ =	swait.ge [sflag:s17], $0x4000  }
0x1bd: {  	[sflag:s17] =	ssyncset.done $0x0  }
0x1be: {  	[sflag:s17] =	ssyncadd.s32 $0xFFFFC000  }
0x1bf: {  	_ =	swait.ge [sflag:s17], $0x4000  }
0x1c0: {  	[sflag:s17] =	ssyncset.done $0x0  }
0x1c1: {  	s31 =	simm.s32 $0x300;
	[sflag:s17] =	ssyncadd.s32 $0xFFFFC000  }
0x1c2: {  	[tilespmem:s13], [sflag:$0x2] =	stream.indirect.gather [hbm4b:s2+s12], $0x80, s31, s12, $0xb8;
	[tilespmem:$0x1F000] =	vst v63  }
0x1c3: {  	s31 =	simm.s32 $0x380  }
0x1c4: {  	[tilespmem:s14], [sflag:$0x2] =	stream.indirect.gather [hbm4b:s2+s12], $0x80, s31, s12, $0xb8;
	[tilespmem:$0x1F000] =	vst v63  }
0x1c5: {  	_ =	swait.ge [sflag:s15], $0x4000  }
0x1c6: {  	[sflag:s15] =	ssyncset.done $0x0  }
0x1c7: {  	s31 =	simm.s32 $0x1B00;
	[sflag:s15] =	ssyncadd.s32 $0xFFFFC000  }
0x1c8: {  	[spmem:s3] =	stream.indirect.scatter.add.f32 [tilespmem:s13], [sflag:$0x3], $0x80, s31, s12, $0xb8;
	[tilespmem:$0x1F000] =	vst v63  }
0x1c9: {  	_ =	swait.ge [sflag:s15], $0x4000  }
0x1ca: {  	[sflag:s15] =	ssyncset.done $0x0  }
0x1cb: {  	s31 =	simm.s32 $0x1B80;
	[sflag:s15] =	ssyncadd.s32 $0xFFFFC000  }
0x1cc: {  	[spmem:s3] =	stream.indirect.scatter.add.f32 [tilespmem:s14], [sflag:$0x3], $0x80, s31, s12, $0xb8;
	[tilespmem:$0x1F000] =	vst v63  }
0x1cd: {  	_ =	swait.ge [sflag:s17], $0x4000  }
0x1ce: {  	[sflag:s17] =	ssyncset.done $0x0  }
0x1cf: {  	[sflag:s17] =	ssyncadd.s32 $0xFFFFC000  }
0x1d0: {  	_ =	swait.ge [sflag:s17], $0x4000  }
0x1d1: {  	[sflag:s17] =	ssyncset.done $0x0  }
0x1d2: {  	s31 =	simm.s32 $0x400;
	[sflag:s17] =	ssyncadd.s32 $0xFFFFC000  }
0x1d3: {  	[tilespmem:s13], [sflag:$0x2] =	stream.indirect.gather [hbm4b:s2+s12], $0x80, s31, s12, $0xb8;
	[tilespmem:$0x1F000] =	vst v63  }
0x1d4: {  	s31 =	simm.s32 $0x480  }
0x1d5: {  	[tilespmem:s14], [sflag:$0x2] =	stream.indirect.gather [hbm4b:s2+s12], $0x80, s31, s12, $0xb8;
	[tilespmem:$0x1F000] =	vst v63  }
0x1d6: {  	_ =	swait.ge [sflag:s15], $0x4000  }
0x1d7: {  	[sflag:s15] =	ssyncset.done $0x0  }
0x1d8: {  	s31 =	simm.s32 $0x1C00;
	[sflag:s15] =	ssyncadd.s32 $0xFFFFC000  }
0x1d9: {  	[spmem:s3] =	stream.indirect.scatter.add.f32 [tilespmem:s13], [sflag:$0x3], $0x80, s31, s12, $0xb8;
	[tilespmem:$0x1F000] =	vst v63  }
0x1da: {  	_ =	swait.ge [sflag:s15], $0x4000  }
0x1db: {  	[sflag:s15] =	ssyncset.done $0x0  }
0x1dc: {  	s31 =	simm.s32 $0x1C80;
	[sflag:s15] =	ssyncadd.s32 $0xFFFFC000  }
0x1dd: {  	[spmem:s3] =	stream.indirect.scatter.add.f32 [tilespmem:s14], [sflag:$0x3], $0x80, s31, s12, $0xb8;
	[tilespmem:$0x1F000] =	vst v63  }
0x1de: {  	_ =	swait.ge [sflag:s17], $0x4000  }
0x1df: {  	[sflag:s17] =	ssyncset.done $0x0  }
0x1e0: {  	[sflag:s17] =	ssyncadd.s32 $0xFFFFC000  }
0x1e1: {  	_ =	swait.ge [sflag:s17], $0x4000  }
0x1e2: {  	[sflag:s17] =	ssyncset.done $0x0  }
0x1e3: {  	s31 =	simm.s32 $0x500;
	[sflag:s17] =	ssyncadd.s32 $0xFFFFC000  }
0x1e4: {  	[tilespmem:s13], [sflag:$0x2] =	stream.indirect.gather [hbm4b:s2+s12], $0x80, s31, s12, $0xb8;
	[tilespmem:$0x1F000] =	vst v63  }
0x1e5: {  	s31 =	simm.s32 $0x580  }
0x1e6: {  	[tilespmem:s14], [sflag:$0x2] =	stream.indirect.gather [hbm4b:s2+s12], $0x80, s31, s12, $0xb8;
	[tilespmem:$0x1F000] =	vst v63  }
0x1e7: {  	_ =	swait.ge [sflag:s15], $0x4000  }
0x1e8: {  	[sflag:s15] =	ssyncset.done $0x0  }
0x1e9: {  	s31 =	simm.s32 $0x1D00;
	[sflag:s15] =	ssyncadd.s32 $0xFFFFC000  }
0x1ea: {  	[spmem:s3] =	stream.indirect.scatter.add.f32 [tilespmem:s13], [sflag:$0x3], $0x80, s31, s12, $0xb8;
	[tilespmem:$0x1F000] =	vst v63  }
0x1eb: {  	_ =	swait.ge [sflag:s15], $0x4000  }
0x1ec: {  	[sflag:s15] =	ssyncset.done $0x0  }
0x1ed: {  	s31 =	simm.s32 $0x1D80;
	[sflag:s15] =	ssyncadd.s32 $0xFFFFC000  }
0x1ee: {  	[spmem:s3] =	stream.indirect.scatter.add.f32 [tilespmem:s14], [sflag:$0x3], $0x80, s31, s12, $0xb8;
	[tilespmem:$0x1F000] =	vst v63  }
0x1ef: {  	_ =	swait.ge [sflag:s17], $0x4000  }
0x1f0: {  	[sflag:s17] =	ssyncset.done $0x0  }
0x1f1: {  	[sflag:s17] =	ssyncadd.s32 $0xFFFFC000  }
0x1f2: {  	_ =	swait.ge [sflag:s17], $0x4000  }
0x1f3: {  	[sflag:s17] =	ssyncset.done $0x0  }
0x1f4: {  	s31 =	simm.s32 $0x600;
	[sflag:s17] =	ssyncadd.s32 $0xFFFFC000  }
0x1f5: {  	[tilespmem:s13], [sflag:$0x2] =	stream.indirect.gather [hbm4b:s2+s12], $0x80, s31, s12, $0xb8;
	[tilespmem:$0x1F000] =	vst v63  }
0x1f6: {  	s31 =	simm.s32 $0x680  }
0x1f7: {  	[tilespmem:s14], [sflag:$0x2] =	stream.indirect.gather [hbm4b:s2+s12], $0x80, s31, s12, $0xb8;
	[tilespmem:$0x1F000] =	vst v63  }
0x1f8: {  	_ =	swait.ge [sflag:s15], $0x4000  }
0x1f9: {  	[sflag:s15] =	ssyncset.done $0x0  }
0x1fa: {  	s31 =	simm.s32 $0x1E00;
	[sflag:s15] =	ssyncadd.s32 $0xFFFFC000  }
0x1fb: {  	[spmem:s3] =	stream.indirect.scatter.add.f32 [tilespmem:s13], [sflag:$0x3], $0x80, s31, s12, $0xb8;
	[tilespmem:$0x1F000] =	vst v63  }
0x1fc: {  	_ =	swait.ge [sflag:s15], $0x4000  }
0x1fd: {  	[sflag:s15] =	ssyncset.done $0x0  }
0x1fe: {  	s31 =	simm.s32 $0x1E80;
	[sflag:s15] =	ssyncadd.s32 $0xFFFFC000  }
0x1ff: {  	[spmem:s3] =	stream.indirect.scatter.add.f32 [tilespmem:s14], [sflag:$0x3], $0x80, s31, s12, $0xb8;
	[tilespmem:$0x1F000] =	vst v63  }
0x200: {  	_ =	swait.ge [sflag:s17], $0x4000  }
0x201: {  	[sflag:s17] =	ssyncset.done $0x0  }
0x202: {  	[sflag:s17] =	ssyncadd.s32 $0xFFFFC000  }
0x203: {  	_ =	swait.ge [sflag:s17], $0x4000  }
0x204: {  	[sflag:s17] =	ssyncset.done $0x0  }
0x205: {  	s31 =	simm.s32 $0x700;
	[sflag:s17] =	ssyncadd.s32 $0xFFFFC000  }
0x206: {  	[tilespmem:s13], [sflag:$0x2] =	stream.indirect.gather [hbm4b:s2+s12], $0x80, s31, s12, $0xb8;
	[tilespmem:$0x1F000] =	vst v63  }
0x207: {  	s31 =	simm.s32 $0x780  }
0x208: {  	[tilespmem:s14], [sflag:$0x2] =	stream.indirect.gather [hbm4b:s2+s12], $0x80, s31, s12, $0xb8;
	[tilespmem:$0x1F000] =	vst v63  }
0x209: {  	_ =	swait.ge [sflag:s15], $0x4000  }
0x20a: {  	[sflag:s15] =	ssyncset.done $0x0  }
0x20b: {  	s31 =	simm.s32 $0x1F00;
	[sflag:s15] =	ssyncadd.s32 $0xFFFFC000  }
0x20c: {  	[spmem:s3] =	stream.indirect.scatter.add.f32 [tilespmem:s13], [sflag:$0x3], $0x80, s31, s12, $0xb8;
	[tilespmem:$0x1F000] =	vst v63  }
0x20d: {  	_ =	swait.ge [sflag:s15], $0x4000  }
0x20e: {  	[sflag:s15] =	ssyncset.done $0x0  }
0x20f: {  	s31 =	simm.s32 $0x1F80;
	[sflag:s15] =	ssyncadd.s32 $0xFFFFC000  }
0x210: {  	[spmem:s3] =	stream.indirect.scatter.add.f32 [tilespmem:s14], [sflag:$0x3], $0x80, s31, s12, $0xb8;
	[tilespmem:$0x1F000] =	vst v63  }
0x211: {  	_ =	swait.ge [sflag:s17], $0x4000  }
0x212: {  	[sflag:s17] =	ssyncset.done $0x0  }
0x213: {  	[sflag:s17] =	ssyncadd.s32 $0xFFFFC000  }
0x214: {  	_ =	swait.ge [sflag:s17], $0x4000  }
0x215: {  	[sflag:s17] =	ssyncset.done $0x0  }
0x216: {  	s31 =	simm.s32 $0x800;
	[sflag:s17] =	ssyncadd.s32 $0xFFFFC000  }
0x217: {  	[tilespmem:s13], [sflag:$0x2] =	stream.indirect.gather [hbm4b:s2+s12], $0x80, s31, s12, $0xb8;
	[tilespmem:$0x1F000] =	vst v63  }
0x218: {  	s31 =	simm.s32 $0x880  }
0x219: {  	[tilespmem:s14], [sflag:$0x2] =	stream.indirect.gather [hbm4b:s2+s12], $0x80, s31, s12, $0xb8;
	[tilespmem:$0x1F000] =	vst v63  }
0x21a: {  	_ =	swait.ge [sflag:s15], $0x4000  }
0x21b: {  	[sflag:s15] =	ssyncset.done $0x0  }
0x21c: {  	s31 =	simm.s32 $0x2000;
	[sflag:s15] =	ssyncadd.s32 $0xFFFFC000  }
0x21d: {  	[spmem:s3] =	stream.indirect.scatter.add.f32 [tilespmem:s13], [sflag:$0x3], $0x80, s31, s12, $0xb8;
	[tilespmem:$0x1F000] =	vst v63  }
0x21e: {  	_ =	swait.ge [sflag:s15], $0x4000  }
0x21f: {  	[sflag:s15] =	ssyncset.done $0x0  }
0x220: {  	s31 =	simm.s32 $0x2080;
	[sflag:s15] =	ssyncadd.s32 $0xFFFFC000  }
0x221: {  	[spmem:s3] =	stream.indirect.scatter.add.f32 [tilespmem:s14], [sflag:$0x3], $0x80, s31, s12, $0xb8;
	[tilespmem:$0x1F000] =	vst v63  }
0x222: {  	_ =	swait.ge [sflag:s17], $0x4000  }
0x223: {  	[sflag:s17] =	ssyncset.done $0x0  }
0x224: {  	[sflag:s17] =	ssyncadd.s32 $0xFFFFC000  }
0x225: {  	_ =	swait.ge [sflag:s17], $0x4000  }
0x226: {  	[sflag:s17] =	ssyncset.done $0x0  }
0x227: {  	s31 =	simm.s32 $0x900;
	[sflag:s17] =	ssyncadd.s32 $0xFFFFC000  }
0x228: {  	[tilespmem:s13], [sflag:$0x2] =	stream.indirect.gather [hbm4b:s2+s12], $0x80, s31, s12, $0xb8;
	[tilespmem:$0x1F000] =	vst v63  }
0x229: {  	s31 =	simm.s32 $0x980  }
0x22a: {  	[tilespmem:s14], [sflag:$0x2] =	stream.indirect.gather [hbm4b:s2+s12], $0x80, s31, s12, $0xb8;
	[tilespmem:$0x1F000] =	vst v63  }
0x22b: {  	_ =	swait.ge [sflag:s15], $0x4000  }
0x22c: {  	[sflag:s15] =	ssyncset.done $0x0  }
0x22d: {  	s31 =	simm.s32 $0x2100;
	[sflag:s15] =	ssyncadd.s32 $0xFFFFC000  }
0x22e: {  	[spmem:s3] =	stream.indirect.scatter.add.f32 [tilespmem:s13], [sflag:$0x3], $0x80, s31, s12, $0xb8;
	[tilespmem:$0x1F000] =	vst v63  }
0x22f: {  	_ =	swait.ge [sflag:s15], $0x4000  }
0x230: {  	[sflag:s15] =	ssyncset.done $0x0  }
0x231: {  	s31 =	simm.s32 $0x2180;
	[sflag:s15] =	ssyncadd.s32 $0xFFFFC000  }
0x232: {  	[spmem:s3] =	stream.indirect.scatter.add.f32 [tilespmem:s14], [sflag:$0x3], $0x80, s31, s12, $0xb8;
	[tilespmem:$0x1F000] =	vst v63  }
0x233: {  	_ =	swait.ge [sflag:s17], $0x4000  }
0x234: {  	[sflag:s17] =	ssyncset.done $0x0  }
0x235: {  	[sflag:s17] =	ssyncadd.s32 $0xFFFFC000  }
0x236: {  	_ =	swait.ge [sflag:s17], $0x4000  }
0x237: {  	[sflag:s17] =	ssyncset.done $0x0  }
0x238: {  	[sflag:s17] =	ssyncadd.s32 $0xFFFFC000  }
0x239: {  	_ =	swait.ge [sflag:s9], $0xA00  }
0x23a: {  	[sflag:s9] =	ssyncset.done $0x0  }
0x23b: {  	[sflag:s9] =	ssyncadd.s32 $0xFFFFF600  }
0x23c: {  	_ =	swait.ge [sflag:s9], $0xA00  }
0x23d: {  	[sflag:s9] =	ssyncset.done $0x0  }
0x23e: {  	[sflag:s9] =	ssyncadd.s32 $0xFFFFF600  }
0x23f: {  	[tilespmem:s13], [sflag:$0x2] =	stream.indirect.gather [hbm4b:s2+s12], $0x80, s20, s12, $0xb8;
	[tilespmem:$0x1F000] =	vst v63  }
0x240: {  	s20 =	simm.s32 $0xC80  }
0x241: {  	[tilespmem:s14], [sflag:$0x2] =	stream.indirect.gather [hbm4b:s2+s12], $0x80, s20, s12, $0xb8;
	[tilespmem:$0x1F000] =	vst v63  }
0x242: {  	_ =	swait.ge [sflag:s15], $0x4000  }
0x243: {  	[sflag:s15] =	ssyncset.done $0x0  }
0x244: {  	[sflag:s15] =	ssyncadd.s32 $0xFFFFC000  }
0x245: {  	[spmem:s3] =	stream.indirect.scatter.add.f32 [tilespmem:s13], [sflag:$0x3], $0x80, s21, s12, $0xb8;
	[tilespmem:$0x1F000] =	vst v63  }
0x246: {  	_ =	swait.ge [sflag:s15], $0x4000  }
0x247: {  	[sflag:s15] =	ssyncset.done $0x0  }
0x248: {  	s21 =	simm.s32 $0x2480;
	[sflag:s15] =	ssyncadd.s32 $0xFFFFC000  }
0x249: {  	[spmem:s3] =	stream.indirect.scatter.add.f32 [tilespmem:s14], [sflag:$0x3], $0x80, s21, s12, $0xb8;
	[tilespmem:$0x1F000] =	vst v63  }
0x24a: {  	_ =	swait.ge [sflag:s17], $0x4000  }
0x24b: {  	[sflag:s17] =	ssyncset.done $0x0  }
0x24c: {  	[sflag:s17] =	ssyncadd.s32 $0xFFFFC000  }
0x24d: {  	_ =	swait.ge [sflag:s17], $0x4000  }
0x24e: {  	[sflag:s17] =	ssyncset.done $0x0  }
0x24f: {  	s31 =	simm.s32 $0xD00;
	[sflag:s17] =	ssyncadd.s32 $0xFFFFC000  }
0x250: {  	[tilespmem:s13], [sflag:$0x2] =	stream.indirect.gather [hbm4b:s2+s12], $0x80, s31, s12, $0xb8;
	[tilespmem:$0x1F000] =	vst v63  }
0x251: {  	s20 =	simm.s32 $0xD80  }
0x252: {  	[tilespmem:s14], [sflag:$0x2] =	stream.indirect.gather [hbm4b:s2+s12], $0x80, s20, s12, $0xb8;
	[tilespmem:$0x1F000] =	vst v63  }
0x253: {  	_ =	swait.ge [sflag:s15], $0x4000  }
0x254: {  	[sflag:s15] =	ssyncset.done $0x0  }
0x255: {  	s21 =	simm.s32 $0x2500;
	[sflag:s15] =	ssyncadd.s32 $0xFFFFC000  }
0x256: {  	[spmem:s3] =	stream.indirect.scatter.add.f32 [tilespmem:s13], [sflag:$0x3], $0x80, s21, s12, $0xb8;
	[tilespmem:$0x1F000] =	vst v63  }
0x257: {  	_ =	swait.ge [sflag:s15], $0x4000  }
0x258: {  	[sflag:s15] =	ssyncset.done $0x0  }
0x259: {  	s31 =	simm.s32 $0x2580;
	[sflag:s15] =	ssyncadd.s32 $0xFFFFC000  }
0x25a: {  	[spmem:s3] =	stream.indirect.scatter.add.f32 [tilespmem:s14], [sflag:$0x3], $0x80, s31, s12, $0xb8;
	[tilespmem:$0x1F000] =	vst v63  }
0x25b: {  	_ =	swait.ge [sflag:s17], $0x4000  }
0x25c: {  	[sflag:s17] =	ssyncset.done $0x0  }
0x25d: {  	[sflag:s17] =	ssyncadd.s32 $0xFFFFC000  }
0x25e: {  	_ =	swait.ge [sflag:s17], $0x4000  }
0x25f: {  	[sflag:s17] =	ssyncset.done $0x0  }
0x260: {  	s20 =	simm.s32 $0xE00;
	[sflag:s17] =	ssyncadd.s32 $0xFFFFC000  }
0x261: {  	[tilespmem:s13], [sflag:$0x2] =	stream.indirect.gather [hbm4b:s2+s12], $0x80, s20, s12, $0xb8;
	[tilespmem:$0x1F000] =	vst v63  }
0x262: {  	s21 =	simm.s32 $0xE80  }
0x263: {  	[tilespmem:s14], [sflag:$0x2] =	stream.indirect.gather [hbm4b:s2+s12], $0x80, s21, s12, $0xb8;
	[tilespmem:$0x1F000] =	vst v63  }
0x264: {  	_ =	swait.ge [sflag:s15], $0x4000  }
0x265: {  	[sflag:s15] =	ssyncset.done $0x0  }
0x266: {  	s31 =	simm.s32 $0x2600;
	[sflag:s15] =	ssyncadd.s32 $0xFFFFC000  }
0x267: {  	[spmem:s3] =	stream.indirect.scatter.add.f32 [tilespmem:s13], [sflag:$0x3], $0x80, s31, s12, $0xb8;
	[tilespmem:$0x1F000] =	vst v63  }
0x268: {  	_ =	swait.ge [sflag:s15], $0x4000  }
0x269: {  	[sflag:s15] =	ssyncset.done $0x0  }
0x26a: {  	s20 =	simm.s32 $0x2680;
	[sflag:s15] =	ssyncadd.s32 $0xFFFFC000  }
0x26b: {  	[spmem:s3] =	stream.indirect.scatter.add.f32 [tilespmem:s14], [sflag:$0x3], $0x80, s20, s12, $0xb8;
	[tilespmem:$0x1F000] =	vst v63  }
0x26c: {  	_ =	swait.ge [sflag:s17], $0x4000  }
0x26d: {  	[sflag:s17] =	ssyncset.done $0x0  }
0x26e: {  	[sflag:s17] =	ssyncadd.s32 $0xFFFFC000  }
0x26f: {  	_ =	swait.ge [sflag:s17], $0x4000  }
0x270: {  	[sflag:s17] =	ssyncset.done $0x0  }
0x271: {  	s21 =	simm.s32 $0xF00;
	[sflag:s17] =	ssyncadd.s32 $0xFFFFC000  }
0x272: {  	[tilespmem:s13], [sflag:$0x2] =	stream.indirect.gather [hbm4b:s2+s12], $0x80, s21, s12, $0xb8;
	[tilespmem:$0x1F000] =	vst v63  }
0x273: {  	s31 =	simm.s32 $0xF80  }
0x274: {  	[tilespmem:s14], [sflag:$0x2] =	stream.indirect.gather [hbm4b:s2+s12], $0x80, s31, s12, $0xb8;
	[tilespmem:$0x1F000] =	vst v63  }
0x275: {  	_ =	swait.ge [sflag:s15], $0x4000  }
0x276: {  	[sflag:s15] =	ssyncset.done $0x0  }
0x277: {  	s20 =	simm.s32 $0x2700;
	[sflag:s15] =	ssyncadd.s32 $0xFFFFC000  }
0x278: {  	[spmem:s3] =	stream.indirect.scatter.add.f32 [tilespmem:s13], [sflag:$0x3], $0x80, s20, s12, $0xb8;
	[tilespmem:$0x1F000] =	vst v63  }
0x279: {  	_ =	swait.ge [sflag:s15], $0x4000  }
0x27a: {  	[sflag:s15] =	ssyncset.done $0x0  }
0x27b: {  	s21 =	simm.s32 $0x2780;
	[sflag:s15] =	ssyncadd.s32 $0xFFFFC000  }
0x27c: {  	[spmem:s3] =	stream.indirect.scatter.add.f32 [tilespmem:s14], [sflag:$0x3], $0x80, s21, s12, $0xb8;
	[tilespmem:$0x1F000] =	vst v63  }
0x27d: {  	_ =	swait.ge [sflag:s17], $0x4000  }
0x27e: {  	[sflag:s17] =	ssyncset.done $0x0  }
0x27f: {  	[sflag:s17] =	ssyncadd.s32 $0xFFFFC000  }
0x280: {  	_ =	swait.ge [sflag:s17], $0x4000  }
0x281: {  	[sflag:s17] =	ssyncset.done $0x0  }
0x282: {  	s31 =	simm.s32 $0x1000;
	[sflag:s17] =	ssyncadd.s32 $0xFFFFC000  }
0x283: {  	[tilespmem:s13], [sflag:$0x2] =	stream.indirect.gather [hbm4b:s2+s12], $0x80, s31, s12, $0xb8;
	[tilespmem:$0x1F000] =	vst v63  }
0x284: {  	s20 =	simm.s32 $0x1080  }
0x285: {  	[tilespmem:s14], [sflag:$0x2] =	stream.indirect.gather [hbm4b:s2+s12], $0x80, s20, s12, $0xb8;
	[tilespmem:$0x1F000] =	vst v63  }
0x286: {  	_ =	swait.ge [sflag:s15], $0x4000  }
0x287: {  	[sflag:s15] =	ssyncset.done $0x0  }
0x288: {  	s21 =	simm.s32 $0x2800;
	[sflag:s15] =	ssyncadd.s32 $0xFFFFC000  }
0x289: {  	[spmem:s3] =	stream.indirect.scatter.add.f32 [tilespmem:s13], [sflag:$0x3], $0x80, s21, s12, $0xb8;
	[tilespmem:$0x1F000] =	vst v63  }
0x28a: {  	_ =	swait.ge [sflag:s15], $0x4000  }
0x28b: {  	[sflag:s15] =	ssyncset.done $0x0  }
0x28c: {  	s31 =	simm.s32 $0x2880;
	[sflag:s15] =	ssyncadd.s32 $0xFFFFC000  }
0x28d: {  	[spmem:s3] =	stream.indirect.scatter.add.f32 [tilespmem:s14], [sflag:$0x3], $0x80, s31, s12, $0xb8;
	[tilespmem:$0x1F000] =	vst v63  }
0x28e: {  	_ =	swait.ge [sflag:s17], $0x4000  }
0x28f: {  	[sflag:s17] =	ssyncset.done $0x0  }
0x290: {  	[sflag:s17] =	ssyncadd.s32 $0xFFFFC000  }
0x291: {  	_ =	swait.ge [sflag:s17], $0x4000  }
0x292: {  	[sflag:s17] =	ssyncset.done $0x0  }
0x293: {  	s20 =	simm.s32 $0x1100;
	[sflag:s17] =	ssyncadd.s32 $0xFFFFC000  }
0x294: {  	[tilespmem:s13], [sflag:$0x2] =	stream.indirect.gather [hbm4b:s2+s12], $0x80, s20, s12, $0xb8;
	[tilespmem:$0x1F000] =	vst v63  }
0x295: {  	s21 =	simm.s32 $0x1180  }
0x296: {  	[tilespmem:s14], [sflag:$0x2] =	stream.indirect.gather [hbm4b:s2+s12], $0x80, s21, s12, $0xb8;
	[tilespmem:$0x1F000] =	vst v63  }
0x297: {  	_ =	swait.ge [sflag:s15], $0x4000  }
0x298: {  	[sflag:s15] =	ssyncset.done $0x0  }
0x299: {  	s31 =	simm.s32 $0x2900;
	[sflag:s15] =	ssyncadd.s32 $0xFFFFC000  }
0x29a: {  	[spmem:s3] =	stream.indirect.scatter.add.f32 [tilespmem:s13], [sflag:$0x3], $0x80, s31, s12, $0xb8;
	[tilespmem:$0x1F000] =	vst v63  }
0x29b: {  	_ =	swait.ge [sflag:s15], $0x4000  }
0x29c: {  	[sflag:s15] =	ssyncset.done $0x0  }
0x29d: {  	s20 =	simm.s32 $0x2980;
	[sflag:s15] =	ssyncadd.s32 $0xFFFFC000  }
0x29e: {  	[spmem:s3] =	stream.indirect.scatter.add.f32 [tilespmem:s14], [sflag:$0x3], $0x80, s20, s12, $0xb8;
	[tilespmem:$0x1F000] =	vst v63  }
0x29f: {  	_ =	swait.ge [sflag:s17], $0x4000  }
0x2a0: {  	[sflag:s17] =	ssyncset.done $0x0  }
0x2a1: {  	[sflag:s17] =	ssyncadd.s32 $0xFFFFC000  }
0x2a2: {  	_ =	swait.ge [sflag:s17], $0x4000  }
0x2a3: {  	[sflag:s17] =	ssyncset.done $0x0  }
0x2a4: {  	s21 =	simm.s32 $0x1200;
	[sflag:s17] =	ssyncadd.s32 $0xFFFFC000  }
0x2a5: {  	[tilespmem:s13], [sflag:$0x2] =	stream.indirect.gather [hbm4b:s2+s12], $0x80, s21, s12, $0xb8;
	[tilespmem:$0x1F000] =	vst v63  }
0x2a6: {  	_ = 	snop  }
0x2a7: {  	[tilespmem:s14], [sflag:$0x2] =	stream.indirect.gather [hbm4b:s2+s12], $0x80, s28, s12, $0xb8;
	[tilespmem:$0x1F000] =	vst v63  }
0x2a8: {  	_ =	swait.ge [sflag:s15], $0x4000  }
0x2a9: {  	[sflag:s15] =	ssyncset.done $0x0  }
0x2aa: {  	[sflag:s15] =	ssyncadd.s32 $0xFFFFC000  }
0x2ab: {  	[spmem:s3] =	stream.indirect.scatter.add.f32 [tilespmem:s13], [sflag:$0x3], $0x80, s26, s12, $0xb8;
	[tilespmem:$0x1F000] =	vst v63  }
0x2ac: {  	_ =	swait.ge [sflag:s15], $0x4000  }
0x2ad: {  	[sflag:s15] =	ssyncset.done $0x0  }
0x2ae: {  	[sflag:s15] =	ssyncadd.s32 $0xFFFFC000  }
0x2af: {  	[spmem:s3] =	stream.indirect.scatter.add.f32 [tilespmem:s14], [sflag:$0x3], $0x80, s25, s12, $0xb8;
	[tilespmem:$0x1F000] =	vst v63  }
0x2b0: {  	_ =	swait.ge [sflag:s17], $0x4000  }
0x2b1: {  	[sflag:s17] =	ssyncset.done $0x0  }
0x2b2: {  	[sflag:s17] =	ssyncadd.s32 $0xFFFFC000  }
0x2b3: {  	_ =	swait.ge [sflag:s17], $0x4000  }
0x2b4: {  	[sflag:s17] =	ssyncset.done $0x0  }
0x2b5: {  	[sflag:s17] =	ssyncadd.s32 $0xFFFFC000  }
0x2b6: {  	[tilespmem:s13], [sflag:$0x2] =	stream.indirect.gather [hbm4b:s2+s12], $0x80, s24, s12, $0xb8;
	[tilespmem:$0x1F000] =	vst v63  }
0x2b7: {  	_ = 	snop  }
0x2b8: {  	[tilespmem:s14], [sflag:$0x2] =	stream.indirect.gather [hbm4b:s2+s12], $0x80, s23, s12, $0xb8;
	[tilespmem:$0x1F000] =	vst v63  }
0x2b9: {  	_ =	swait.ge [sflag:s15], $0x4000  }
0x2ba: {  	[sflag:s15] =	ssyncset.done $0x0  }
0x2bb: {  	[sflag:s15] =	ssyncadd.s32 $0xFFFFC000  }
0x2bc: {  	[spmem:s3] =	stream.indirect.scatter.add.f32 [tilespmem:s13], [sflag:$0x3], $0x80, s22, s12, $0xb8;
	[tilespmem:$0x1F000] =	vst v63  }
0x2bd: {  	_ =	swait.ge [sflag:s15], $0x4000  }
0x2be: {  	[sflag:s15] =	ssyncset.done $0x0  }
0x2bf: {  	[sflag:s15] =	ssyncadd.s32 $0xFFFFC000  }
0x2c0: {  	[spmem:s3] =	stream.indirect.scatter.add.f32 [tilespmem:s14], [sflag:$0x3], $0x80, s19, s12, $0xb8;
	[tilespmem:$0x1F000] =	vst v63  }
0x2c1: {  	_ =	swait.ge [sflag:s17], $0x4000  }
0x2c2: {  	[sflag:s17] =	ssyncset.done $0x0  }
0x2c3: {  	[sflag:s17] =	ssyncadd.s32 $0xFFFFC000  }
0x2c4: {  	_ =	swait.ge [sflag:s17], $0x4000  }
0x2c5: {  	[sflag:s17] =	ssyncset.done $0x0  }
0x2c6: {  	[sflag:s17] =	ssyncadd.s32 $0xFFFFC000  }
0x2c7: {  	[tilespmem:s13], [sflag:$0x2] =	stream.indirect.gather [hbm4b:s2+s12], $0x80, s18, s12, $0xb8;
	[tilespmem:$0x1F000] =	vst v63  }
0x2c8: {  	_ = 	snop  }
0x2c9: {  	[tilespmem:s14], [sflag:$0x2] =	stream.indirect.gather [hbm4b:s2+s12], $0x80, s16, s12, $0xb8;
	[tilespmem:$0x1F000] =	vst v63  }
0x2ca: {  	_ =	swait.ge [sflag:s15], $0x4000  }
0x2cb: {  	[sflag:s15] =	ssyncset.done $0x0  }
0x2cc: {  	[sflag:s15] =	ssyncadd.s32 $0xFFFFC000  }
0x2cd: {  	[spmem:s3] =	stream.indirect.scatter.add.f32 [tilespmem:s13], [sflag:$0x3], $0x80, s11, s12, $0xb8;
	[tilespmem:$0x1F000] =	vst v63  }
0x2ce: {  	_ =	swait.ge [sflag:s15], $0x4000  }
0x2cf: {  	[sflag:s15] =	ssyncset.done $0x0  }
0x2d0: {  	[sflag:s15] =	ssyncadd.s32 $0xFFFFC000  }
0x2d1: {  	[spmem:s3] =	stream.indirect.scatter.add.f32 [tilespmem:s14], [sflag:$0x3], $0x80, s10, s12, $0xb8;
	[tilespmem:$0x1F000] =	vst v63  }
0x2d2: {  	_ =	swait.ge [sflag:s17], $0x4000  }
0x2d3: {  	[sflag:s17] =	ssyncset.done $0x0  }
0x2d4: {  	[sflag:s17] =	ssyncadd.s32 $0xFFFFC000  }
0x2d5: {  	_ =	swait.ge [sflag:s17], $0x4000  }
0x2d6: {  	[sflag:s17] =	ssyncset.done $0x0  }
0x2d7: {  	[sflag:s17] =	ssyncadd.s32 $0xFFFFC000  }
0x2d8: {  	[tilespmem:s13], [sflag:$0x2] =	stream.indirect.gather [hbm4b:s2+s12], $0x80, s6, s12, $0xb8;
	[tilespmem:$0x1F000] =	vst v63  }
0x2d9: {  	_ = 	snop  }
0x2da: {  	[tilespmem:s14], [sflag:$0x2] =	stream.indirect.gather [hbm4b:s2+s12], $0x80, s5, s12, $0xb8;
	[tilespmem:$0x1F000] =	vst v63  }
0x2db: {  	_ =	swait.ge [sflag:s15], $0x4000  }
0x2dc: {  	[sflag:s15] =	ssyncset.done $0x0  }
0x2dd: {  	[sflag:s15] =	ssyncadd.s32 $0xFFFFC000  }
0x2de: {  	[spmem:s3] =	stream.indirect.scatter.add.f32 [tilespmem:s13], [sflag:$0x3], $0x80, s1, s12, $0xb8;
	[tilespmem:$0x1F000] =	vst v63  }
0x2df: {  	_ =	swait.ge [sflag:s15], $0x4000  }
0x2e0: {  	[sflag:s15] =	ssyncset.done $0x0  }
0x2e1: {  	[sflag:s15] =	ssyncadd.s32 $0xFFFFC000  }
0x2e2: {  	[spmem:s3] =	stream.indirect.scatter.add.f32 [tilespmem:s14], [sflag:$0x3], $0x80, s0, s12, $0xb8;
	[tilespmem:$0x1F000] =	vst v63  }
0x2e3: {  	_ =	swait.ge [sflag:s17], $0x4000  }
0x2e4: {  	[sflag:s17] =	ssyncset.done $0x0  }
0x2e5: {  	[sflag:s17] =	ssyncadd.s32 $0xFFFFC000  }
0x2e6: {  	_ =	swait.ge [sflag:s17], $0x4000  }
0x2e7: {  	[sflag:s17] =	ssyncset.done $0x0  }
0x2e8: {  	[sflag:s17] =	ssyncadd.s32 $0xFFFFC000  }
0x2e9: {  	[bflag:$0x0] =	sbarrier.arrive $0xFFFF  }
0x2ea: {  	s26 =	rddreg [dreg:$0x10]  }
0x2eb: {  	s0 =	ssub.s32 $0x2, s26  }
0x2ec: {  	s29 =	sshrl.u32 s0, $0x1  }
0x2ed: {  	s29 =	ssub.s32 s0, s29  }
0x2ee: {  	s29 =	smax.u32 s29, $0x1  }
0x2ef: {  	p0 =	sne.s32 s29, $0x1  }
.Ltmp0:
0x2f0: {  	s28 =	rddreg [dreg:$0xd];
	(pc) =	sbr.rel @!p0 .LBB2_3-.Ltmp0, $4  }
0x2f1: {  	[dreg:$0xe] =	wrdreg s7  }
0x2f2: {  	s31 =	simm.s32 $0x4;
	[dreg:$0xf] =	wrdreg s30  }
0x2f3: {  	[hbm:s28], [sflag:s7] =	dma.local [spmem:s30], $0x2800  }
0x2f4: {  	_ =	swait.ge [sflag:s31], $0x2800;
	s29 =	sadd.s32 $0xFFFFFFFF, s29  }
0x2f5: {  	s1 =	simm.s32 $0x4  }
0x2f6: {  	s8 =	simm.s32 $0x1800;
	s11 =	simm.s32 $0xC00;
	s6 =	simm.s32 $0x2400  }
0x2f7: {  	s5 =	simm.s32 $0xC80;
	s16 =	simm.s32 $0x2480;
	s18 =	simm.s32 $0xD00  }
0x2f8: {  	s19 =	simm.s32 $0xD80;
	s20 =	simm.s32 $0x2500;
	s21 =	simm.s32 $0x2580  }
0x2f9: {  	s22 =	simm.s32 $0xE00;
	s23 =	simm.s32 $0xE80;
	s24 =	simm.s32 $0x2600  }
0x2fa: {  	s25 =	simm.s32 $0x2680;
	s26 =	simm.s32 $0xF00;
	s28 =	simm.s32 $0xF80  }
.LBB2_2:
0x2fb: {  	s30 =	rddreg [dreg:$0x5]  }
0x2fc: {  	s31 =	rddreg [dreg:$0x4]  }
0x2fd: {  	[sflag:s1] =	ssyncset.done $0x0;
	s0 =	rddreg [dreg:$0x6]  }
0x2fe: {  	s7 =	rddreg [dreg:$0xe];
	[sflag:s1] =	ssyncadd.s32 $0xFFFFD800  }
0x2ff: {  	[tilespmem:s4], [sflag:$0x1] =	stream.linear.gather [hbm4b:s30+s4], $0xA00, $0x38;
	[tilespmem:$0x1F000] =	vst v63  }
0x300: {  	s10 =	rddreg [dreg:$0xf]  }
0x301: {  	[tilespmem:s8], [sflag:$0x1] =	stream.linear.gather [hbm4b:s0+s4], $0xA00, $0x38;
	[tilespmem:$0x1F000] =	vst v63  }
0x302: {  	[spmem:s10], [sflag:s7] =	dma.local [hbm:s31], $0x2800  }
0x303: {  	_ =	swait.ge [sflag:s1], $0x2800  }
0x304: {  	[sflag:s1] =	ssyncset.done $0x0  }
0x305: {  	[sflag:s1] =	ssyncadd.s32 $0xFFFFD800  }
0x306: {  	[bflag:$0x0] =	sbarrier.arrive $0xFFFF  }
0x307: {  	_ =	swait.ge [sflag:s9], $0xA00  }
0x308: {  	[sflag:s9] =	ssyncset.done $0x0  }
0x309: {  	[sflag:s9] =	ssyncadd.s32 $0xFFFFF600  }
0x30a: {  	_ =	swait.ge [sflag:s9], $0xA00  }
0x30b: {  	[sflag:s9] =	ssyncset.done $0x0  }
0x30c: {  	s0 =	rddreg [dreg:$0x7];
	[sflag:s9] =	ssyncadd.s32 $0xFFFFF600  }
0x30d: {  	[tilespmem:s11], [sflag:$0x1] =	stream.linear.gather [hbm4b:s0+s4], $0xA00, $0x38;
	[tilespmem:$0x1F000] =	vst v63  }
0x30e: {  	s31 =	rddreg [dreg:$0x8]  }
0x30f: {  	[tilespmem:s6], [sflag:$0x1] =	stream.linear.gather [hbm4b:s31+s4], $0xA00, $0x38;
	[tilespmem:$0x1F000] =	vst v63  }
0x310: {  	_ = 	snop  }
0x311: {  	[tilespmem:s13], [sflag:$0x2] =	stream.indirect.gather [hbm4b:s2+s12], $0x80, s4, s12, $0xb8;
	[tilespmem:$0x1F000] =	vst v63  }
0x312: {  	_ = 	snop  }
0x313: {  	[tilespmem:s14], [sflag:$0x2] =	stream.indirect.gather [hbm4b:s2+s12], $0x80, s12, s12, $0xb8;
	[tilespmem:$0x1F000] =	vst v63  }
0x314: {  	_ =	swait.ge [sflag:s15], $0x4000  }
0x315: {  	[sflag:s15] =	ssyncset.done $0x0  }
0x316: {  	[sflag:s15] =	ssyncadd.s32 $0xFFFFC000  }
0x317: {  	[spmem:s3] =	stream.indirect.scatter.add.f32 [tilespmem:s13], [sflag:$0x3], $0x80, s8, s12, $0xb8;
	[tilespmem:$0x1F000] =	vst v63  }
0x318: {  	_ =	swait.ge [sflag:s15], $0x4000  }
0x319: {  	[sflag:s15] =	ssyncset.done $0x0  }
0x31a: {  	s30 =	simm.s32 $0x1880;
	[sflag:s15] =	ssyncadd.s32 $0xFFFFC000  }
0x31b: {  	[spmem:s3] =	stream.indirect.scatter.add.f32 [tilespmem:s14], [sflag:$0x3], $0x80, s30, s12, $0xb8;
	[tilespmem:$0x1F000] =	vst v63  }
0x31c: {  	_ =	swait.ge [sflag:s17], $0x4000  }
0x31d: {  	[sflag:s17] =	ssyncset.done $0x0  }
0x31e: {  	[sflag:s17] =	ssyncadd.s32 $0xFFFFC000  }
0x31f: {  	_ =	swait.ge [sflag:s17], $0x4000  }
0x320: {  	[sflag:s17] =	ssyncset.done $0x0  }
0x321: {  	s31 =	simm.s32 $0x100;
	[sflag:s17] =	ssyncadd.s32 $0xFFFFC000  }
0x322: {  	[tilespmem:s13], [sflag:$0x2] =	stream.indirect.gather [hbm4b:s2+s12], $0x80, s31, s12, $0xb8;
	[tilespmem:$0x1F000] =	vst v63  }
0x323: {  	s30 =	simm.s32 $0x180  }
0x324: {  	[tilespmem:s14], [sflag:$0x2] =	stream.indirect.gather [hbm4b:s2+s12], $0x80, s30, s12, $0xb8;
	[tilespmem:$0x1F000] =	vst v63  }
0x325: {  	_ =	swait.ge [sflag:s15], $0x4000  }
0x326: {  	[sflag:s15] =	ssyncset.done $0x0  }
0x327: {  	s31 =	simm.s32 $0x1900;
	[sflag:s15] =	ssyncadd.s32 $0xFFFFC000  }
0x328: {  	[spmem:s3] =	stream.indirect.scatter.add.f32 [tilespmem:s13], [sflag:$0x3], $0x80, s31, s12, $0xb8;
	[tilespmem:$0x1F000] =	vst v63  }
0x329: {  	_ =	swait.ge [sflag:s15], $0x4000  }
0x32a: {  	[sflag:s15] =	ssyncset.done $0x0  }
0x32b: {  	s30 =	simm.s32 $0x1980;
	[sflag:s15] =	ssyncadd.s32 $0xFFFFC000  }
0x32c: {  	[spmem:s3] =	stream.indirect.scatter.add.f32 [tilespmem:s14], [sflag:$0x3], $0x80, s30, s12, $0xb8;
	[tilespmem:$0x1F000] =	vst v63  }
0x32d: {  	_ =	swait.ge [sflag:s17], $0x4000  }
0x32e: {  	[sflag:s17] =	ssyncset.done $0x0  }
0x32f: {  	[sflag:s17] =	ssyncadd.s32 $0xFFFFC000  }
0x330: {  	_ =	swait.ge [sflag:s17], $0x4000  }
0x331: {  	[sflag:s17] =	ssyncset.done $0x0  }
0x332: {  	s31 =	simm.s32 $0x200;
	[sflag:s17] =	ssyncadd.s32 $0xFFFFC000  }
0x333: {  	[tilespmem:s13], [sflag:$0x2] =	stream.indirect.gather [hbm4b:s2+s12], $0x80, s31, s12, $0xb8;
	[tilespmem:$0x1F000] =	vst v63  }
0x334: {  	s30 =	simm.s32 $0x280  }
0x335: {  	[tilespmem:s14], [sflag:$0x2] =	stream.indirect.gather [hbm4b:s2+s12], $0x80, s30, s12, $0xb8;
	[tilespmem:$0x1F000] =	vst v63  }
0x336: {  	_ =	swait.ge [sflag:s15], $0x4000  }
0x337: {  	[sflag:s15] =	ssyncset.done $0x0  }
0x338: {  	s31 =	simm.s32 $0x1A00;
	[sflag:s15] =	ssyncadd.s32 $0xFFFFC000  }
0x339: {  	[spmem:s3] =	stream.indirect.scatter.add.f32 [tilespmem:s13], [sflag:$0x3], $0x80, s31, s12, $0xb8;
	[tilespmem:$0x1F000] =	vst v63  }
0x33a: {  	_ =	swait.ge [sflag:s15], $0x4000  }
0x33b: {  	[sflag:s15] =	ssyncset.done $0x0  }
0x33c: {  	s30 =	simm.s32 $0x1A80;
	[sflag:s15] =	ssyncadd.s32 $0xFFFFC000  }
0x33d: {  	[spmem:s3] =	stream.indirect.scatter.add.f32 [tilespmem:s14], [sflag:$0x3], $0x80, s30, s12, $0xb8;
	[tilespmem:$0x1F000] =	vst v63  }
0x33e: {  	_ =	swait.ge [sflag:s17], $0x4000  }
0x33f: {  	[sflag:s17] =	ssyncset.done $0x0  }
0x340: {  	[sflag:s17] =	ssyncadd.s32 $0xFFFFC000  }
0x341: {  	_ =	swait.ge [sflag:s17], $0x4000  }
0x342: {  	[sflag:s17] =	ssyncset.done $0x0  }
0x343: {  	s31 =	simm.s32 $0x300;
	[sflag:s17] =	ssyncadd.s32 $0xFFFFC000  }
0x344: {  	[tilespmem:s13], [sflag:$0x2] =	stream.indirect.gather [hbm4b:s2+s12], $0x80, s31, s12, $0xb8;
	[tilespmem:$0x1F000] =	vst v63  }
0x345: {  	s30 =	simm.s32 $0x380  }
0x346: {  	[tilespmem:s14], [sflag:$0x2] =	stream.indirect.gather [hbm4b:s2+s12], $0x80, s30, s12, $0xb8;
	[tilespmem:$0x1F000] =	vst v63  }
0x347: {  	_ =	swait.ge [sflag:s15], $0x4000  }
0x348: {  	[sflag:s15] =	ssyncset.done $0x0  }
0x349: {  	s31 =	simm.s32 $0x1B00;
	[sflag:s15] =	ssyncadd.s32 $0xFFFFC000  }
0x34a: {  	[spmem:s3] =	stream.indirect.scatter.add.f32 [tilespmem:s13], [sflag:$0x3], $0x80, s31, s12, $0xb8;
	[tilespmem:$0x1F000] =	vst v63  }
0x34b: {  	_ =	swait.ge [sflag:s15], $0x4000  }
0x34c: {  	[sflag:s15] =	ssyncset.done $0x0  }
0x34d: {  	s30 =	simm.s32 $0x1B80;
	[sflag:s15] =	ssyncadd.s32 $0xFFFFC000  }
0x34e: {  	[spmem:s3] =	stream.indirect.scatter.add.f32 [tilespmem:s14], [sflag:$0x3], $0x80, s30, s12, $0xb8;
	[tilespmem:$0x1F000] =	vst v63  }
0x34f: {  	_ =	swait.ge [sflag:s17], $0x4000  }
0x350: {  	[sflag:s17] =	ssyncset.done $0x0  }
0x351: {  	[sflag:s17] =	ssyncadd.s32 $0xFFFFC000  }
0x352: {  	_ =	swait.ge [sflag:s17], $0x4000  }
0x353: {  	[sflag:s17] =	ssyncset.done $0x0  }
0x354: {  	s31 =	simm.s32 $0x400;
	[sflag:s17] =	ssyncadd.s32 $0xFFFFC000  }
0x355: {  	[tilespmem:s13], [sflag:$0x2] =	stream.indirect.gather [hbm4b:s2+s12], $0x80, s31, s12, $0xb8;
	[tilespmem:$0x1F000] =	vst v63  }
0x356: {  	s30 =	simm.s32 $0x480  }
0x357: {  	[tilespmem:s14], [sflag:$0x2] =	stream.indirect.gather [hbm4b:s2+s12], $0x80, s30, s12, $0xb8;
	[tilespmem:$0x1F000] =	vst v63  }
0x358: {  	_ =	swait.ge [sflag:s15], $0x4000  }
0x359: {  	[sflag:s15] =	ssyncset.done $0x0  }
0x35a: {  	s31 =	simm.s32 $0x1C00;
	[sflag:s15] =	ssyncadd.s32 $0xFFFFC000  }
0x35b: {  	[spmem:s3] =	stream.indirect.scatter.add.f32 [tilespmem:s13], [sflag:$0x3], $0x80, s31, s12, $0xb8;
	[tilespmem:$0x1F000] =	vst v63  }
0x35c: {  	_ =	swait.ge [sflag:s15], $0x4000  }
0x35d: {  	[sflag:s15] =	ssyncset.done $0x0  }
0x35e: {  	s30 =	simm.s32 $0x1C80;
	[sflag:s15] =	ssyncadd.s32 $0xFFFFC000  }
0x35f: {  	[spmem:s3] =	stream.indirect.scatter.add.f32 [tilespmem:s14], [sflag:$0x3], $0x80, s30, s12, $0xb8;
	[tilespmem:$0x1F000] =	vst v63  }
0x360: {  	_ =	swait.ge [sflag:s17], $0x4000  }
0x361: {  	[sflag:s17] =	ssyncset.done $0x0  }
0x362: {  	[sflag:s17] =	ssyncadd.s32 $0xFFFFC000  }
0x363: {  	_ =	swait.ge [sflag:s17], $0x4000  }
0x364: {  	[sflag:s17] =	ssyncset.done $0x0  }
0x365: {  	s31 =	simm.s32 $0x500;
	[sflag:s17] =	ssyncadd.s32 $0xFFFFC000  }
0x366: {  	[tilespmem:s13], [sflag:$0x2] =	stream.indirect.gather [hbm4b:s2+s12], $0x80, s31, s12, $0xb8;
	[tilespmem:$0x1F000] =	vst v63  }
0x367: {  	s30 =	simm.s32 $0x580  }
0x368: {  	[tilespmem:s14], [sflag:$0x2] =	stream.indirect.gather [hbm4b:s2+s12], $0x80, s30, s12, $0xb8;
	[tilespmem:$0x1F000] =	vst v63  }
0x369: {  	_ =	swait.ge [sflag:s15], $0x4000  }
0x36a: {  	[sflag:s15] =	ssyncset.done $0x0  }
0x36b: {  	s31 =	simm.s32 $0x1D00;
	[sflag:s15] =	ssyncadd.s32 $0xFFFFC000  }
0x36c: {  	[spmem:s3] =	stream.indirect.scatter.add.f32 [tilespmem:s13], [sflag:$0x3], $0x80, s31, s12, $0xb8;
	[tilespmem:$0x1F000] =	vst v63  }
0x36d: {  	_ =	swait.ge [sflag:s15], $0x4000  }
0x36e: {  	[sflag:s15] =	ssyncset.done $0x0  }
0x36f: {  	s30 =	simm.s32 $0x1D80;
	[sflag:s15] =	ssyncadd.s32 $0xFFFFC000  }
0x370: {  	[spmem:s3] =	stream.indirect.scatter.add.f32 [tilespmem:s14], [sflag:$0x3], $0x80, s30, s12, $0xb8;
	[tilespmem:$0x1F000] =	vst v63  }
0x371: {  	_ =	swait.ge [sflag:s17], $0x4000  }
0x372: {  	[sflag:s17] =	ssyncset.done $0x0  }
0x373: {  	[sflag:s17] =	ssyncadd.s32 $0xFFFFC000  }
0x374: {  	_ =	swait.ge [sflag:s17], $0x4000  }
0x375: {  	[sflag:s17] =	ssyncset.done $0x0  }
0x376: {  	s31 =	simm.s32 $0x600;
	[sflag:s17] =	ssyncadd.s32 $0xFFFFC000  }
0x377: {  	[tilespmem:s13], [sflag:$0x2] =	stream.indirect.gather [hbm4b:s2+s12], $0x80, s31, s12, $0xb8;
	[tilespmem:$0x1F000] =	vst v63  }
0x378: {  	s30 =	simm.s32 $0x680  }
0x379: {  	[tilespmem:s14], [sflag:$0x2] =	stream.indirect.gather [hbm4b:s2+s12], $0x80, s30, s12, $0xb8;
	[tilespmem:$0x1F000] =	vst v63  }
0x37a: {  	_ =	swait.ge [sflag:s15], $0x4000  }
0x37b: {  	[sflag:s15] =	ssyncset.done $0x0  }
0x37c: {  	s31 =	simm.s32 $0x1E00;
	[sflag:s15] =	ssyncadd.s32 $0xFFFFC000  }
0x37d: {  	[spmem:s3] =	stream.indirect.scatter.add.f32 [tilespmem:s13], [sflag:$0x3], $0x80, s31, s12, $0xb8;
	[tilespmem:$0x1F000] =	vst v63  }
0x37e: {  	_ =	swait.ge [sflag:s15], $0x4000  }
0x37f: {  	[sflag:s15] =	ssyncset.done $0x0  }
0x380: {  	s30 =	simm.s32 $0x1E80;
	[sflag:s15] =	ssyncadd.s32 $0xFFFFC000  }
0x381: {  	[spmem:s3] =	stream.indirect.scatter.add.f32 [tilespmem:s14], [sflag:$0x3], $0x80, s30, s12, $0xb8;
	[tilespmem:$0x1F000] =	vst v63  }
0x382: {  	_ =	swait.ge [sflag:s17], $0x4000  }
0x383: {  	[sflag:s17] =	ssyncset.done $0x0  }
0x384: {  	[sflag:s17] =	ssyncadd.s32 $0xFFFFC000  }
0x385: {  	_ =	swait.ge [sflag:s17], $0x4000  }
0x386: {  	[sflag:s17] =	ssyncset.done $0x0  }
0x387: {  	s31 =	simm.s32 $0x700;
	[sflag:s17] =	ssyncadd.s32 $0xFFFFC000  }
0x388: {  	[tilespmem:s13], [sflag:$0x2] =	stream.indirect.gather [hbm4b:s2+s12], $0x80, s31, s12, $0xb8;
	[tilespmem:$0x1F000] =	vst v63  }
0x389: {  	s30 =	simm.s32 $0x780  }
0x38a: {  	[tilespmem:s14], [sflag:$0x2] =	stream.indirect.gather [hbm4b:s2+s12], $0x80, s30, s12, $0xb8;
	[tilespmem:$0x1F000] =	vst v63  }
0x38b: {  	_ =	swait.ge [sflag:s15], $0x4000  }
0x38c: {  	[sflag:s15] =	ssyncset.done $0x0  }
0x38d: {  	s31 =	simm.s32 $0x1F00;
	[sflag:s15] =	ssyncadd.s32 $0xFFFFC000  }
0x38e: {  	[spmem:s3] =	stream.indirect.scatter.add.f32 [tilespmem:s13], [sflag:$0x3], $0x80, s31, s12, $0xb8;
	[tilespmem:$0x1F000] =	vst v63  }
0x38f: {  	_ =	swait.ge [sflag:s15], $0x4000  }
0x390: {  	[sflag:s15] =	ssyncset.done $0x0  }
0x391: {  	s30 =	simm.s32 $0x1F80;
	[sflag:s15] =	ssyncadd.s32 $0xFFFFC000  }
0x392: {  	[spmem:s3] =	stream.indirect.scatter.add.f32 [tilespmem:s14], [sflag:$0x3], $0x80, s30, s12, $0xb8;
	[tilespmem:$0x1F000] =	vst v63  }
0x393: {  	_ =	swait.ge [sflag:s17], $0x4000  }
0x394: {  	[sflag:s17] =	ssyncset.done $0x0  }
0x395: {  	[sflag:s17] =	ssyncadd.s32 $0xFFFFC000  }
0x396: {  	_ =	swait.ge [sflag:s17], $0x4000  }
0x397: {  	[sflag:s17] =	ssyncset.done $0x0  }
0x398: {  	s31 =	simm.s32 $0x800;
	[sflag:s17] =	ssyncadd.s32 $0xFFFFC000  }
0x399: {  	[tilespmem:s13], [sflag:$0x2] =	stream.indirect.gather [hbm4b:s2+s12], $0x80, s31, s12, $0xb8;
	[tilespmem:$0x1F000] =	vst v63  }
0x39a: {  	s30 =	simm.s32 $0x880  }
0x39b: {  	[tilespmem:s14], [sflag:$0x2] =	stream.indirect.gather [hbm4b:s2+s12], $0x80, s30, s12, $0xb8;
	[tilespmem:$0x1F000] =	vst v63  }
0x39c: {  	_ =	swait.ge [sflag:s15], $0x4000  }
0x39d: {  	[sflag:s15] =	ssyncset.done $0x0  }
0x39e: {  	s31 =	simm.s32 $0x2000;
	[sflag:s15] =	ssyncadd.s32 $0xFFFFC000  }
0x39f: {  	[spmem:s3] =	stream.indirect.scatter.add.f32 [tilespmem:s13], [sflag:$0x3], $0x80, s31, s12, $0xb8;
	[tilespmem:$0x1F000] =	vst v63  }
0x3a0: {  	_ =	swait.ge [sflag:s15], $0x4000  }
0x3a1: {  	[sflag:s15] =	ssyncset.done $0x0  }
0x3a2: {  	s30 =	simm.s32 $0x2080;
	[sflag:s15] =	ssyncadd.s32 $0xFFFFC000  }
0x3a3: {  	[spmem:s3] =	stream.indirect.scatter.add.f32 [tilespmem:s14], [sflag:$0x3], $0x80, s30, s12, $0xb8;
	[tilespmem:$0x1F000] =	vst v63  }
0x3a4: {  	_ =	swait.ge [sflag:s17], $0x4000  }
0x3a5: {  	[sflag:s17] =	ssyncset.done $0x0  }
0x3a6: {  	[sflag:s17] =	ssyncadd.s32 $0xFFFFC000  }
0x3a7: {  	_ =	swait.ge [sflag:s17], $0x4000  }
0x3a8: {  	[sflag:s17] =	ssyncset.done $0x0  }
0x3a9: {  	s31 =	simm.s32 $0x900;
	[sflag:s17] =	ssyncadd.s32 $0xFFFFC000  }
0x3aa: {  	[tilespmem:s13], [sflag:$0x2] =	stream.indirect.gather [hbm4b:s2+s12], $0x80, s31, s12, $0xb8;
	[tilespmem:$0x1F000] =	vst v63  }
0x3ab: {  	s30 =	simm.s32 $0x980  }
0x3ac: {  	[tilespmem:s14], [sflag:$0x2] =	stream.indirect.gather [hbm4b:s2+s12], $0x80, s30, s12, $0xb8;
	[tilespmem:$0x1F000] =	vst v63  }
0x3ad: {  	_ =	swait.ge [sflag:s15], $0x4000  }
0x3ae: {  	[sflag:s15] =	ssyncset.done $0x0  }
0x3af: {  	s31 =	simm.s32 $0x2100;
	[sflag:s15] =	ssyncadd.s32 $0xFFFFC000  }
0x3b0: {  	[spmem:s3] =	stream.indirect.scatter.add.f32 [tilespmem:s13], [sflag:$0x3], $0x80, s31, s12, $0xb8;
	[tilespmem:$0x1F000] =	vst v63  }
0x3b1: {  	_ =	swait.ge [sflag:s15], $0x4000  }
0x3b2: {  	[sflag:s15] =	ssyncset.done $0x0  }
0x3b3: {  	s30 =	simm.s32 $0x2180;
	[sflag:s15] =	ssyncadd.s32 $0xFFFFC000  }
0x3b4: {  	[spmem:s3] =	stream.indirect.scatter.add.f32 [tilespmem:s14], [sflag:$0x3], $0x80, s30, s12, $0xb8;
	[tilespmem:$0x1F000] =	vst v63  }
0x3b5: {  	_ =	swait.ge [sflag:s17], $0x4000  }
0x3b6: {  	[sflag:s17] =	ssyncset.done $0x0  }
0x3b7: {  	[sflag:s17] =	ssyncadd.s32 $0xFFFFC000  }
0x3b8: {  	_ =	swait.ge [sflag:s17], $0x4000  }
0x3b9: {  	[sflag:s17] =	ssyncset.done $0x0  }
0x3ba: {  	[sflag:s17] =	ssyncadd.s32 $0xFFFFC000  }
0x3bb: {  	_ =	swait.ge [sflag:s9], $0xA00  }
0x3bc: {  	[sflag:s9] =	ssyncset.done $0x0  }
0x3bd: {  	[sflag:s9] =	ssyncadd.s32 $0xFFFFF600  }
0x3be: {  	_ =	swait.ge [sflag:s9], $0xA00  }
0x3bf: {  	[sflag:s9] =	ssyncset.done $0x0  }
0x3c0: {  	s0 =	rddreg [dreg:$0x9];
	[sflag:s9] =	ssyncadd.s32 $0xFFFFF600  }
0x3c1: {  	[tilespmem:s4], [sflag:$0x1] =	stream.linear.gather [hbm4b:s0+s4], $0xA00, $0x38;
	[tilespmem:$0x1F000] =	vst v63  }
0x3c2: {  	s31 =	rddreg [dreg:$0xa]  }
0x3c3: {  	[tilespmem:s8], [sflag:$0x1] =	stream.linear.gather [hbm4b:s31+s4], $0xA00, $0x38;
	[tilespmem:$0x1F000] =	vst v63  }
0x3c4: {  	_ = 	snop  }
0x3c5: {  	[tilespmem:s13], [sflag:$0x2] =	stream.indirect.gather [hbm4b:s2+s12], $0x80, s11, s12, $0xb8;
	[tilespmem:$0x1F000] =	vst v63  }
0x3c6: {  	_ = 	snop  }
0x3c7: {  	[tilespmem:s14], [sflag:$0x2] =	stream.indirect.gather [hbm4b:s2+s12], $0x80, s5, s12, $0xb8;
	[tilespmem:$0x1F000] =	vst v63  }
0x3c8: {  	_ =	swait.ge [sflag:s15], $0x4000  }
0x3c9: {  	[sflag:s15] =	ssyncset.done $0x0  }
0x3ca: {  	[sflag:s15] =	ssyncadd.s32 $0xFFFFC000  }
0x3cb: {  	[spmem:s3] =	stream.indirect.scatter.add.f32 [tilespmem:s13], [sflag:$0x3], $0x80, s6, s12, $0xb8;
	[tilespmem:$0x1F000] =	vst v63  }
0x3cc: {  	_ =	swait.ge [sflag:s15], $0x4000  }
0x3cd: {  	[sflag:s15] =	ssyncset.done $0x0  }
0x3ce: {  	[sflag:s15] =	ssyncadd.s32 $0xFFFFC000  }
0x3cf: {  	[spmem:s3] =	stream.indirect.scatter.add.f32 [tilespmem:s14], [sflag:$0x3], $0x80, s16, s12, $0xb8;
	[tilespmem:$0x1F000] =	vst v63  }
0x3d0: {  	_ =	swait.ge [sflag:s17], $0x4000  }
0x3d1: {  	[sflag:s17] =	ssyncset.done $0x0  }
0x3d2: {  	[sflag:s17] =	ssyncadd.s32 $0xFFFFC000  }
0x3d3: {  	_ =	swait.ge [sflag:s17], $0x4000  }
0x3d4: {  	[sflag:s17] =	ssyncset.done $0x0  }
0x3d5: {  	[sflag:s17] =	ssyncadd.s32 $0xFFFFC000  }
0x3d6: {  	[tilespmem:s13], [sflag:$0x2] =	stream.indirect.gather [hbm4b:s2+s12], $0x80, s18, s12, $0xb8;
	[tilespmem:$0x1F000] =	vst v63  }
0x3d7: {  	_ = 	snop  }
0x3d8: {  	[tilespmem:s14], [sflag:$0x2] =	stream.indirect.gather [hbm4b:s2+s12], $0x80, s19, s12, $0xb8;
	[tilespmem:$0x1F000] =	vst v63  }
0x3d9: {  	_ =	swait.ge [sflag:s15], $0x4000  }
0x3da: {  	[sflag:s15] =	ssyncset.done $0x0  }
0x3db: {  	[sflag:s15] =	ssyncadd.s32 $0xFFFFC000  }
0x3dc: {  	[spmem:s3] =	stream.indirect.scatter.add.f32 [tilespmem:s13], [sflag:$0x3], $0x80, s20, s12, $0xb8;
	[tilespmem:$0x1F000] =	vst v63  }
0x3dd: {  	_ =	swait.ge [sflag:s15], $0x4000  }
0x3de: {  	[sflag:s15] =	ssyncset.done $0x0  }
0x3df: {  	[sflag:s15] =	ssyncadd.s32 $0xFFFFC000  }
0x3e0: {  	[spmem:s3] =	stream.indirect.scatter.add.f32 [tilespmem:s14], [sflag:$0x3], $0x80, s21, s12, $0xb8;
	[tilespmem:$0x1F000] =	vst v63  }
0x3e1: {  	_ =	swait.ge [sflag:s17], $0x4000  }
0x3e2: {  	[sflag:s17] =	ssyncset.done $0x0  }
0x3e3: {  	[sflag:s17] =	ssyncadd.s32 $0xFFFFC000  }
0x3e4: {  	_ =	swait.ge [sflag:s17], $0x4000  }
0x3e5: {  	[sflag:s17] =	ssyncset.done $0x0  }
0x3e6: {  	[sflag:s17] =	ssyncadd.s32 $0xFFFFC000  }
0x3e7: {  	[tilespmem:s13], [sflag:$0x2] =	stream.indirect.gather [hbm4b:s2+s12], $0x80, s22, s12, $0xb8;
	[tilespmem:$0x1F000] =	vst v63  }
0x3e8: {  	_ = 	snop  }
0x3e9: {  	[tilespmem:s14], [sflag:$0x2] =	stream.indirect.gather [hbm4b:s2+s12], $0x80, s23, s12, $0xb8;
	[tilespmem:$0x1F000] =	vst v63  }
0x3ea: {  	_ =	swait.ge [sflag:s15], $0x4000  }
0x3eb: {  	[sflag:s15] =	ssyncset.done $0x0  }
0x3ec: {  	[sflag:s15] =	ssyncadd.s32 $0xFFFFC000  }
0x3ed: {  	[spmem:s3] =	stream.indirect.scatter.add.f32 [tilespmem:s13], [sflag:$0x3], $0x80, s24, s12, $0xb8;
	[tilespmem:$0x1F000] =	vst v63  }
0x3ee: {  	_ =	swait.ge [sflag:s15], $0x4000  }
0x3ef: {  	[sflag:s15] =	ssyncset.done $0x0  }
0x3f0: {  	[sflag:s15] =	ssyncadd.s32 $0xFFFFC000  }
0x3f1: {  	[spmem:s3] =	stream.indirect.scatter.add.f32 [tilespmem:s14], [sflag:$0x3], $0x80, s25, s12, $0xb8;
	[tilespmem:$0x1F000] =	vst v63  }
0x3f2: {  	_ =	swait.ge [sflag:s17], $0x4000  }
0x3f3: {  	[sflag:s17] =	ssyncset.done $0x0  }
0x3f4: {  	[sflag:s17] =	ssyncadd.s32 $0xFFFFC000  }
0x3f5: {  	_ =	swait.ge [sflag:s17], $0x4000  }
0x3f6: {  	[sflag:s17] =	ssyncset.done $0x0  }
0x3f7: {  	[sflag:s17] =	ssyncadd.s32 $0xFFFFC000  }
0x3f8: {  	[tilespmem:s13], [sflag:$0x2] =	stream.indirect.gather [hbm4b:s2+s12], $0x80, s26, s12, $0xb8;
	[tilespmem:$0x1F000] =	vst v63  }
0x3f9: {  	_ = 	snop  }
0x3fa: {  	[tilespmem:s14], [sflag:$0x2] =	stream.indirect.gather [hbm4b:s2+s12], $0x80, s28, s12, $0xb8;
	[tilespmem:$0x1F000] =	vst v63  }
0x3fb: {  	_ =	swait.ge [sflag:s15], $0x4000  }
0x3fc: {  	[sflag:s15] =	ssyncset.done $0x0  }
0x3fd: {  	s31 =	simm.s32 $0x2700;
	[sflag:s15] =	ssyncadd.s32 $0xFFFFC000  }
0x3fe: {  	[spmem:s3] =	stream.indirect.scatter.add.f32 [tilespmem:s13], [sflag:$0x3], $0x80, s31, s12, $0xb8;
	[tilespmem:$0x1F000] =	vst v63  }
0x3ff: {  	_ =	swait.ge [sflag:s15], $0x4000  }
0x400: {  	[sflag:s15] =	ssyncset.done $0x0  }
0x401: {  	s30 =	simm.s32 $0x2780;
	[sflag:s15] =	ssyncadd.s32 $0xFFFFC000  }
0x402: {  	[spmem:s3] =	stream.indirect.scatter.add.f32 [tilespmem:s14], [sflag:$0x3], $0x80, s30, s12, $0xb8;
	[tilespmem:$0x1F000] =	vst v63  }
0x403: {  	_ =	swait.ge [sflag:s17], $0x4000  }
0x404: {  	[sflag:s17] =	ssyncset.done $0x0  }
0x405: {  	[sflag:s17] =	ssyncadd.s32 $0xFFFFC000  }
0x406: {  	_ =	swait.ge [sflag:s17], $0x4000  }
0x407: {  	[sflag:s17] =	ssyncset.done $0x0  }
0x408: {  	s30 =	simm.s32 $0x1000;
	[sflag:s17] =	ssyncadd.s32 $0xFFFFC000  }
0x409: {  	[tilespmem:s13], [sflag:$0x2] =	stream.indirect.gather [hbm4b:s2+s12], $0x80, s30, s12, $0xb8;
	[tilespmem:$0x1F000] =	vst v63  }
0x40a: {  	s30 =	simm.s32 $0x1080  }
0x40b: {  	[tilespmem:s14], [sflag:$0x2] =	stream.indirect.gather [hbm4b:s2+s12], $0x80, s30, s12, $0xb8;
	[tilespmem:$0x1F000] =	vst v63  }
0x40c: {  	_ =	swait.ge [sflag:s15], $0x4000  }
0x40d: {  	[sflag:s15] =	ssyncset.done $0x0  }
0x40e: {  	s30 =	simm.s32 $0x2800;
	[sflag:s15] =	ssyncadd.s32 $0xFFFFC000  }
0x40f: {  	[spmem:s3] =	stream.indirect.scatter.add.f32 [tilespmem:s13], [sflag:$0x3], $0x80, s30, s12, $0xb8;
	[tilespmem:$0x1F000] =	vst v63  }
0x410: {  	_ =	swait.ge [sflag:s15], $0x4000  }
0x411: {  	[sflag:s15] =	ssyncset.done $0x0  }
0x412: {  	s30 =	simm.s32 $0x2880;
	[sflag:s15] =	ssyncadd.s32 $0xFFFFC000  }
0x413: {  	[spmem:s3] =	stream.indirect.scatter.add.f32 [tilespmem:s14], [sflag:$0x3], $0x80, s30, s12, $0xb8;
	[tilespmem:$0x1F000] =	vst v63  }
0x414: {  	_ =	swait.ge [sflag:s17], $0x4000  }
0x415: {  	[sflag:s17] =	ssyncset.done $0x0  }
0x416: {  	[sflag:s17] =	ssyncadd.s32 $0xFFFFC000  }
0x417: {  	_ =	swait.ge [sflag:s17], $0x4000  }
0x418: {  	[sflag:s17] =	ssyncset.done $0x0  }
0x419: {  	s30 =	simm.s32 $0x1100;
	[sflag:s17] =	ssyncadd.s32 $0xFFFFC000  }
0x41a: {  	[tilespmem:s13], [sflag:$0x2] =	stream.indirect.gather [hbm4b:s2+s12], $0x80, s30, s12, $0xb8;
	[tilespmem:$0x1F000] =	vst v63  }
0x41b: {  	s30 =	simm.s32 $0x1180  }
0x41c: {  	[tilespmem:s14], [sflag:$0x2] =	stream.indirect.gather [hbm4b:s2+s12], $0x80, s30, s12, $0xb8;
	[tilespmem:$0x1F000] =	vst v63  }
0x41d: {  	_ =	swait.ge [sflag:s15], $0x4000  }
0x41e: {  	[sflag:s15] =	ssyncset.done $0x0  }
0x41f: {  	s30 =	simm.s32 $0x2900;
	[sflag:s15] =	ssyncadd.s32 $0xFFFFC000  }
0x420: {  	[spmem:s3] =	stream.indirect.scatter.add.f32 [tilespmem:s13], [sflag:$0x3], $0x80, s30, s12, $0xb8;
	[tilespmem:$0x1F000] =	vst v63  }
0x421: {  	_ =	swait.ge [sflag:s15], $0x4000  }
0x422: {  	[sflag:s15] =	ssyncset.done $0x0  }
0x423: {  	s30 =	simm.s32 $0x2980;
	[sflag:s15] =	ssyncadd.s32 $0xFFFFC000  }
0x424: {  	[spmem:s3] =	stream.indirect.scatter.add.f32 [tilespmem:s14], [sflag:$0x3], $0x80, s30, s12, $0xb8;
	[tilespmem:$0x1F000] =	vst v63  }
0x425: {  	_ =	swait.ge [sflag:s17], $0x4000  }
0x426: {  	[sflag:s17] =	ssyncset.done $0x0  }
0x427: {  	[sflag:s17] =	ssyncadd.s32 $0xFFFFC000  }
0x428: {  	_ =	swait.ge [sflag:s17], $0x4000  }
0x429: {  	[sflag:s17] =	ssyncset.done $0x0  }
0x42a: {  	s30 =	simm.s32 $0x1200;
	[sflag:s17] =	ssyncadd.s32 $0xFFFFC000  }
0x42b: {  	[tilespmem:s13], [sflag:$0x2] =	stream.indirect.gather [hbm4b:s2+s12], $0x80, s30, s12, $0xb8;
	[tilespmem:$0x1F000] =	vst v63  }
0x42c: {  	s30 =	simm.s32 $0x1280  }
0x42d: {  	[tilespmem:s14], [sflag:$0x2] =	stream.indirect.gather [hbm4b:s2+s12], $0x80, s30, s12, $0xb8;
	[tilespmem:$0x1F000] =	vst v63  }
0x42e: {  	_ =	swait.ge [sflag:s15], $0x4000  }
0x42f: {  	[sflag:s15] =	ssyncset.done $0x0  }
0x430: {  	s30 =	simm.s32 $0x2A00;
	[sflag:s15] =	ssyncadd.s32 $0xFFFFC000  }
0x431: {  	[spmem:s3] =	stream.indirect.scatter.add.f32 [tilespmem:s13], [sflag:$0x3], $0x80, s30, s12, $0xb8;
	[tilespmem:$0x1F000] =	vst v63  }
0x432: {  	_ =	swait.ge [sflag:s15], $0x4000  }
0x433: {  	[sflag:s15] =	ssyncset.done $0x0  }
0x434: {  	s30 =	simm.s32 $0x2A80;
	[sflag:s15] =	ssyncadd.s32 $0xFFFFC000  }
0x435: {  	[spmem:s3] =	stream.indirect.scatter.add.f32 [tilespmem:s14], [sflag:$0x3], $0x80, s30, s12, $0xb8;
	[tilespmem:$0x1F000] =	vst v63  }
0x436: {  	_ =	swait.ge [sflag:s17], $0x4000  }
0x437: {  	[sflag:s17] =	ssyncset.done $0x0  }
0x438: {  	[sflag:s17] =	ssyncadd.s32 $0xFFFFC000  }
0x439: {  	_ =	swait.ge [sflag:s17], $0x4000  }
0x43a: {  	[sflag:s17] =	ssyncset.done $0x0  }
0x43b: {  	s30 =	simm.s32 $0x1300;
	[sflag:s17] =	ssyncadd.s32 $0xFFFFC000  }
0x43c: {  	[tilespmem:s13], [sflag:$0x2] =	stream.indirect.gather [hbm4b:s2+s12], $0x80, s30, s12, $0xb8;
	[tilespmem:$0x1F000] =	vst v63  }
0x43d: {  	s30 =	simm.s32 $0x1380  }
0x43e: {  	[tilespmem:s14], [sflag:$0x2] =	stream.indirect.gather [hbm4b:s2+s12], $0x80, s30, s12, $0xb8;
	[tilespmem:$0x1F000] =	vst v63  }
0x43f: {  	_ =	swait.ge [sflag:s15], $0x4000  }
0x440: {  	[sflag:s15] =	ssyncset.done $0x0  }
0x441: {  	s30 =	simm.s32 $0x2B00;
	[sflag:s15] =	ssyncadd.s32 $0xFFFFC000  }
0x442: {  	[spmem:s3] =	stream.indirect.scatter.add.f32 [tilespmem:s13], [sflag:$0x3], $0x80, s30, s12, $0xb8;
	[tilespmem:$0x1F000] =	vst v63  }
0x443: {  	_ =	swait.ge [sflag:s15], $0x4000  }
0x444: {  	[sflag:s15] =	ssyncset.done $0x0  }
0x445: {  	s30 =	simm.s32 $0x2B80;
	[sflag:s15] =	ssyncadd.s32 $0xFFFFC000  }
0x446: {  	[spmem:s3] =	stream.indirect.scatter.add.f32 [tilespmem:s14], [sflag:$0x3], $0x80, s30, s12, $0xb8;
	[tilespmem:$0x1F000] =	vst v63  }
0x447: {  	_ =	swait.ge [sflag:s17], $0x4000  }
0x448: {  	[sflag:s17] =	ssyncset.done $0x0  }
0x449: {  	[sflag:s17] =	ssyncadd.s32 $0xFFFFC000  }
0x44a: {  	_ =	swait.ge [sflag:s17], $0x4000  }
0x44b: {  	[sflag:s17] =	ssyncset.done $0x0  }
0x44c: {  	s30 =	simm.s32 $0x1400;
	[sflag:s17] =	ssyncadd.s32 $0xFFFFC000  }
0x44d: {  	[tilespmem:s13], [sflag:$0x2] =	stream.indirect.gather [hbm4b:s2+s12], $0x80, s30, s12, $0xb8;
	[tilespmem:$0x1F000] =	vst v63  }
0x44e: {  	s30 =	simm.s32 $0x1480  }
0x44f: {  	[tilespmem:s14], [sflag:$0x2] =	stream.indirect.gather [hbm4b:s2+s12], $0x80, s30, s12, $0xb8;
	[tilespmem:$0x1F000] =	vst v63  }
0x450: {  	_ =	swait.ge [sflag:s15], $0x4000  }
0x451: {  	[sflag:s15] =	ssyncset.done $0x0  }
0x452: {  	s30 =	simm.s32 $0x2C00;
	[sflag:s15] =	ssyncadd.s32 $0xFFFFC000  }
0x453: {  	[spmem:s3] =	stream.indirect.scatter.add.f32 [tilespmem:s13], [sflag:$0x3], $0x80, s30, s12, $0xb8;
	[tilespmem:$0x1F000] =	vst v63  }
0x454: {  	_ =	swait.ge [sflag:s15], $0x4000  }
0x455: {  	[sflag:s15] =	ssyncset.done $0x0  }
0x456: {  	s30 =	simm.s32 $0x2C80;
	[sflag:s15] =	ssyncadd.s32 $0xFFFFC000  }
0x457: {  	[spmem:s3] =	stream.indirect.scatter.add.f32 [tilespmem:s14], [sflag:$0x3], $0x80, s30, s12, $0xb8;
	[tilespmem:$0x1F000] =	vst v63  }
0x458: {  	_ =	swait.ge [sflag:s17], $0x4000  }
0x459: {  	[sflag:s17] =	ssyncset.done $0x0  }
0x45a: {  	[sflag:s17] =	ssyncadd.s32 $0xFFFFC000  }
0x45b: {  	_ =	swait.ge [sflag:s17], $0x4000  }
0x45c: {  	[sflag:s17] =	ssyncset.done $0x0  }
0x45d: {  	s30 =	simm.s32 $0x1500;
	[sflag:s17] =	ssyncadd.s32 $0xFFFFC000  }
0x45e: {  	[tilespmem:s13], [sflag:$0x2] =	stream.indirect.gather [hbm4b:s2+s12], $0x80, s30, s12, $0xb8;
	[tilespmem:$0x1F000] =	vst v63  }
0x45f: {  	s30 =	simm.s32 $0x1580  }
0x460: {  	[tilespmem:s14], [sflag:$0x2] =	stream.indirect.gather [hbm4b:s2+s12], $0x80, s30, s12, $0xb8;
	[tilespmem:$0x1F000] =	vst v63  }
0x461: {  	_ =	swait.ge [sflag:s15], $0x4000  }
0x462: {  	[sflag:s15] =	ssyncset.done $0x0  }
0x463: {  	s30 =	simm.s32 $0x2D00;
	[sflag:s15] =	ssyncadd.s32 $0xFFFFC000  }
0x464: {  	[spmem:s3] =	stream.indirect.scatter.add.f32 [tilespmem:s13], [sflag:$0x3], $0x80, s30, s12, $0xb8;
	[tilespmem:$0x1F000] =	vst v63  }
0x465: {  	_ =	swait.ge [sflag:s15], $0x4000  }
0x466: {  	[sflag:s15] =	ssyncset.done $0x0  }
0x467: {  	s30 =	simm.s32 $0x2D80;
	[sflag:s15] =	ssyncadd.s32 $0xFFFFC000  }
0x468: {  	[spmem:s3] =	stream.indirect.scatter.add.f32 [tilespmem:s14], [sflag:$0x3], $0x80, s30, s12, $0xb8;
	[tilespmem:$0x1F000] =	vst v63  }
0x469: {  	_ =	swait.ge [sflag:s17], $0x4000  }
0x46a: {  	[sflag:s17] =	ssyncset.done $0x0  }
0x46b: {  	[sflag:s17] =	ssyncadd.s32 $0xFFFFC000  }
0x46c: {  	_ =	swait.ge [sflag:s17], $0x4000  }
0x46d: {  	[sflag:s17] =	ssyncset.done $0x0  }
0x46e: {  	[sflag:s17] =	ssyncadd.s32 $0xFFFFC000  }
0x46f: {  	_ =	swait.ge [sflag:s9], $0xA00  }
0x470: {  	[sflag:s9] =	ssyncset.done $0x0  }
0x471: {  	[sflag:s9] =	ssyncadd.s32 $0xFFFFF600  }
0x472: {  	_ =	swait.ge [sflag:s9], $0xA00  }
0x473: {  	[sflag:s9] =	ssyncset.done $0x0  }
0x474: {  	s0 =	rddreg [dreg:$0xb];
	[sflag:s9] =	ssyncadd.s32 $0xFFFFF600  }
0x475: {  	[tilespmem:s11], [sflag:$0x1] =	stream.linear.gather [hbm4b:s0+s4], $0xA00, $0x38;
	[tilespmem:$0x1F000] =	vst v63  }
0x476: {  	s30 =	rddreg [dreg:$0xc]  }
0x477: {  	[tilespmem:s6], [sflag:$0x1] =	stream.linear.gather [hbm4b:s30+s4], $0xA00, $0x38;
	[tilespmem:$0x1F000] =	vst v63  }
0x478: {  	_ = 	snop  }
0x479: {  	[tilespmem:s13], [sflag:$0x2] =	stream.indirect.gather [hbm4b:s2+s12], $0x80, s4, s12, $0xb8;
	[tilespmem:$0x1F000] =	vst v63  }
0x47a: {  	_ = 	snop  }
0x47b: {  	[tilespmem:s14], [sflag:$0x2] =	stream.indirect.gather [hbm4b:s2+s12], $0x80, s12, s12, $0xb8;
	[tilespmem:$0x1F000] =	vst v63  }
0x47c: {  	_ =	swait.ge [sflag:s15], $0x4000  }
0x47d: {  	[sflag:s15] =	ssyncset.done $0x0  }
0x47e: {  	[sflag:s15] =	ssyncadd.s32 $0xFFFFC000  }
0x47f: {  	[spmem:s3] =	stream.indirect.scatter.add.f32 [tilespmem:s13], [sflag:$0x3], $0x80, s8, s12, $0xb8;
	[tilespmem:$0x1F000] =	vst v63  }
0x480: {  	_ =	swait.ge [sflag:s15], $0x4000  }
0x481: {  	[sflag:s15] =	ssyncset.done $0x0  }
0x482: {  	s30 =	simm.s32 $0x1880;
	[sflag:s15] =	ssyncadd.s32 $0xFFFFC000  }
0x483: {  	[spmem:s3] =	stream.indirect.scatter.add.f32 [tilespmem:s14], [sflag:$0x3], $0x80, s30, s12, $0xb8;
	[tilespmem:$0x1F000] =	vst v63  }
0x484: {  	_ =	swait.ge [sflag:s17], $0x4000  }
0x485: {  	[sflag:s17] =	ssyncset.done $0x0  }
0x486: {  	[sflag:s17] =	ssyncadd.s32 $0xFFFFC000  }
0x487: {  	_ =	swait.ge [sflag:s17], $0x4000  }
0x488: {  	[sflag:s17] =	ssyncset.done $0x0  }
0x489: {  	s30 =	simm.s32 $0x100;
	[sflag:s17] =	ssyncadd.s32 $0xFFFFC000  }
0x48a: {  	[tilespmem:s13], [sflag:$0x2] =	stream.indirect.gather [hbm4b:s2+s12], $0x80, s30, s12, $0xb8;
	[tilespmem:$0x1F000] =	vst v63  }
0x48b: {  	s30 =	simm.s32 $0x180  }
0x48c: {  	[tilespmem:s14], [sflag:$0x2] =	stream.indirect.gather [hbm4b:s2+s12], $0x80, s30, s12, $0xb8;
	[tilespmem:$0x1F000] =	vst v63  }
0x48d: {  	_ =	swait.ge [sflag:s15], $0x4000  }
0x48e: {  	[sflag:s15] =	ssyncset.done $0x0  }
0x48f: {  	s30 =	simm.s32 $0x1900;
	[sflag:s15] =	ssyncadd.s32 $0xFFFFC000  }
0x490: {  	[spmem:s3] =	stream.indirect.scatter.add.f32 [tilespmem:s13], [sflag:$0x3], $0x80, s30, s12, $0xb8;
	[tilespmem:$0x1F000] =	vst v63  }
0x491: {  	_ =	swait.ge [sflag:s15], $0x4000  }
0x492: {  	[sflag:s15] =	ssyncset.done $0x0  }
0x493: {  	s30 =	simm.s32 $0x1980;
	[sflag:s15] =	ssyncadd.s32 $0xFFFFC000  }
0x494: {  	[spmem:s3] =	stream.indirect.scatter.add.f32 [tilespmem:s14], [sflag:$0x3], $0x80, s30, s12, $0xb8;
	[tilespmem:$0x1F000] =	vst v63  }
0x495: {  	_ =	swait.ge [sflag:s17], $0x4000  }
0x496: {  	[sflag:s17] =	ssyncset.done $0x0  }
0x497: {  	[sflag:s17] =	ssyncadd.s32 $0xFFFFC000  }
0x498: {  	_ =	swait.ge [sflag:s17], $0x4000  }
0x499: {  	[sflag:s17] =	ssyncset.done $0x0  }
0x49a: {  	s30 =	simm.s32 $0x200;
	[sflag:s17] =	ssyncadd.s32 $0xFFFFC000  }
0x49b: {  	[tilespmem:s13], [sflag:$0x2] =	stream.indirect.gather [hbm4b:s2+s12], $0x80, s30, s12, $0xb8;
	[tilespmem:$0x1F000] =	vst v63  }
0x49c: {  	s30 =	simm.s32 $0x280  }
0x49d: {  	[tilespmem:s14], [sflag:$0x2] =	stream.indirect.gather [hbm4b:s2+s12], $0x80, s30, s12, $0xb8;
	[tilespmem:$0x1F000] =	vst v63  }
0x49e: {  	_ =	swait.ge [sflag:s15], $0x4000  }
0x49f: {  	[sflag:s15] =	ssyncset.done $0x0  }
0x4a0: {  	s30 =	simm.s32 $0x1A00;
	[sflag:s15] =	ssyncadd.s32 $0xFFFFC000  }
0x4a1: {  	[spmem:s3] =	stream.indirect.scatter.add.f32 [tilespmem:s13], [sflag:$0x3], $0x80, s30, s12, $0xb8;
	[tilespmem:$0x1F000] =	vst v63  }
0x4a2: {  	_ =	swait.ge [sflag:s15], $0x4000  }
0x4a3: {  	[sflag:s15] =	ssyncset.done $0x0  }
0x4a4: {  	s30 =	simm.s32 $0x1A80;
	[sflag:s15] =	ssyncadd.s32 $0xFFFFC000  }
0x4a5: {  	[spmem:s3] =	stream.indirect.scatter.add.f32 [tilespmem:s14], [sflag:$0x3], $0x80, s30, s12, $0xb8;
	[tilespmem:$0x1F000] =	vst v63  }
0x4a6: {  	_ =	swait.ge [sflag:s17], $0x4000  }
0x4a7: {  	[sflag:s17] =	ssyncset.done $0x0  }
0x4a8: {  	[sflag:s17] =	ssyncadd.s32 $0xFFFFC000  }
0x4a9: {  	_ =	swait.ge [sflag:s17], $0x4000  }
0x4aa: {  	[sflag:s17] =	ssyncset.done $0x0  }
0x4ab: {  	s30 =	simm.s32 $0x300;
	[sflag:s17] =	ssyncadd.s32 $0xFFFFC000  }
0x4ac: {  	[tilespmem:s13], [sflag:$0x2] =	stream.indirect.gather [hbm4b:s2+s12], $0x80, s30, s12, $0xb8;
	[tilespmem:$0x1F000] =	vst v63  }
0x4ad: {  	s30 =	simm.s32 $0x380  }
0x4ae: {  	[tilespmem:s14], [sflag:$0x2] =	stream.indirect.gather [hbm4b:s2+s12], $0x80, s30, s12, $0xb8;
	[tilespmem:$0x1F000] =	vst v63  }
0x4af: {  	_ =	swait.ge [sflag:s15], $0x4000  }
0x4b0: {  	[sflag:s15] =	ssyncset.done $0x0  }
0x4b1: {  	s30 =	simm.s32 $0x1B00;
	[sflag:s15] =	ssyncadd.s32 $0xFFFFC000  }
0x4b2: {  	[spmem:s3] =	stream.indirect.scatter.add.f32 [tilespmem:s13], [sflag:$0x3], $0x80, s30, s12, $0xb8;
	[tilespmem:$0x1F000] =	vst v63  }
0x4b3: {  	_ =	swait.ge [sflag:s15], $0x4000  }
0x4b4: {  	[sflag:s15] =	ssyncset.done $0x0  }
0x4b5: {  	s30 =	simm.s32 $0x1B80;
	[sflag:s15] =	ssyncadd.s32 $0xFFFFC000  }
0x4b6: {  	[spmem:s3] =	stream.indirect.scatter.add.f32 [tilespmem:s14], [sflag:$0x3], $0x80, s30, s12, $0xb8;
	[tilespmem:$0x1F000] =	vst v63  }
0x4b7: {  	_ =	swait.ge [sflag:s17], $0x4000  }
0x4b8: {  	[sflag:s17] =	ssyncset.done $0x0  }
0x4b9: {  	[sflag:s17] =	ssyncadd.s32 $0xFFFFC000  }
0x4ba: {  	_ =	swait.ge [sflag:s17], $0x4000  }
0x4bb: {  	[sflag:s17] =	ssyncset.done $0x0  }
0x4bc: {  	s30 =	simm.s32 $0x400;
	[sflag:s17] =	ssyncadd.s32 $0xFFFFC000  }
0x4bd: {  	[tilespmem:s13], [sflag:$0x2] =	stream.indirect.gather [hbm4b:s2+s12], $0x80, s30, s12, $0xb8;
	[tilespmem:$0x1F000] =	vst v63  }
0x4be: {  	s30 =	simm.s32 $0x480  }
0x4bf: {  	[tilespmem:s14], [sflag:$0x2] =	stream.indirect.gather [hbm4b:s2+s12], $0x80, s30, s12, $0xb8;
	[tilespmem:$0x1F000] =	vst v63  }
0x4c0: {  	_ =	swait.ge [sflag:s15], $0x4000  }
0x4c1: {  	[sflag:s15] =	ssyncset.done $0x0  }
0x4c2: {  	s30 =	simm.s32 $0x1C00;
	[sflag:s15] =	ssyncadd.s32 $0xFFFFC000  }
0x4c3: {  	[spmem:s3] =	stream.indirect.scatter.add.f32 [tilespmem:s13], [sflag:$0x3], $0x80, s30, s12, $0xb8;
	[tilespmem:$0x1F000] =	vst v63  }
0x4c4: {  	_ =	swait.ge [sflag:s15], $0x4000  }
0x4c5: {  	[sflag:s15] =	ssyncset.done $0x0  }
0x4c6: {  	s30 =	simm.s32 $0x1C80;
	[sflag:s15] =	ssyncadd.s32 $0xFFFFC000  }
0x4c7: {  	[spmem:s3] =	stream.indirect.scatter.add.f32 [tilespmem:s14], [sflag:$0x3], $0x80, s30, s12, $0xb8;
	[tilespmem:$0x1F000] =	vst v63  }
0x4c8: {  	_ =	swait.ge [sflag:s17], $0x4000  }
0x4c9: {  	[sflag:s17] =	ssyncset.done $0x0  }
0x4ca: {  	[sflag:s17] =	ssyncadd.s32 $0xFFFFC000  }
0x4cb: {  	_ =	swait.ge [sflag:s17], $0x4000  }
0x4cc: {  	[sflag:s17] =	ssyncset.done $0x0  }
0x4cd: {  	s30 =	simm.s32 $0x500;
	[sflag:s17] =	ssyncadd.s32 $0xFFFFC000  }
0x4ce: {  	[tilespmem:s13], [sflag:$0x2] =	stream.indirect.gather [hbm4b:s2+s12], $0x80, s30, s12, $0xb8;
	[tilespmem:$0x1F000] =	vst v63  }
0x4cf: {  	s30 =	simm.s32 $0x580  }
0x4d0: {  	[tilespmem:s14], [sflag:$0x2] =	stream.indirect.gather [hbm4b:s2+s12], $0x80, s30, s12, $0xb8;
	[tilespmem:$0x1F000] =	vst v63  }
0x4d1: {  	_ =	swait.ge [sflag:s15], $0x4000  }
0x4d2: {  	[sflag:s15] =	ssyncset.done $0x0  }
0x4d3: {  	s30 =	simm.s32 $0x1D00;
	[sflag:s15] =	ssyncadd.s32 $0xFFFFC000  }
0x4d4: {  	[spmem:s3] =	stream.indirect.scatter.add.f32 [tilespmem:s13], [sflag:$0x3], $0x80, s30, s12, $0xb8;
	[tilespmem:$0x1F000] =	vst v63  }
0x4d5: {  	_ =	swait.ge [sflag:s15], $0x4000  }
0x4d6: {  	[sflag:s15] =	ssyncset.done $0x0  }
0x4d7: {  	s30 =	simm.s32 $0x1D80;
	[sflag:s15] =	ssyncadd.s32 $0xFFFFC000  }
0x4d8: {  	[spmem:s3] =	stream.indirect.scatter.add.f32 [tilespmem:s14], [sflag:$0x3], $0x80, s30, s12, $0xb8;
	[tilespmem:$0x1F000] =	vst v63  }
0x4d9: {  	_ =	swait.ge [sflag:s17], $0x4000  }
0x4da: {  	[sflag:s17] =	ssyncset.done $0x0  }
0x4db: {  	[sflag:s17] =	ssyncadd.s32 $0xFFFFC000  }
0x4dc: {  	_ =	swait.ge [sflag:s17], $0x4000  }
0x4dd: {  	[sflag:s17] =	ssyncset.done $0x0  }
0x4de: {  	s30 =	simm.s32 $0x600;
	[sflag:s17] =	ssyncadd.s32 $0xFFFFC000  }
0x4df: {  	[tilespmem:s13], [sflag:$0x2] =	stream.indirect.gather [hbm4b:s2+s12], $0x80, s30, s12, $0xb8;
	[tilespmem:$0x1F000] =	vst v63  }
0x4e0: {  	s30 =	simm.s32 $0x680  }
0x4e1: {  	[tilespmem:s14], [sflag:$0x2] =	stream.indirect.gather [hbm4b:s2+s12], $0x80, s30, s12, $0xb8;
	[tilespmem:$0x1F000] =	vst v63  }
0x4e2: {  	_ =	swait.ge [sflag:s15], $0x4000  }
0x4e3: {  	[sflag:s15] =	ssyncset.done $0x0  }
0x4e4: {  	s30 =	simm.s32 $0x1E00;
	[sflag:s15] =	ssyncadd.s32 $0xFFFFC000  }
0x4e5: {  	[spmem:s3] =	stream.indirect.scatter.add.f32 [tilespmem:s13], [sflag:$0x3], $0x80, s30, s12, $0xb8;
	[tilespmem:$0x1F000] =	vst v63  }
0x4e6: {  	_ =	swait.ge [sflag:s15], $0x4000  }
0x4e7: {  	[sflag:s15] =	ssyncset.done $0x0  }
0x4e8: {  	s30 =	simm.s32 $0x1E80;
	[sflag:s15] =	ssyncadd.s32 $0xFFFFC000  }
0x4e9: {  	[spmem:s3] =	stream.indirect.scatter.add.f32 [tilespmem:s14], [sflag:$0x3], $0x80, s30, s12, $0xb8;
	[tilespmem:$0x1F000] =	vst v63  }
0x4ea: {  	_ =	swait.ge [sflag:s17], $0x4000  }
0x4eb: {  	[sflag:s17] =	ssyncset.done $0x0  }
0x4ec: {  	[sflag:s17] =	ssyncadd.s32 $0xFFFFC000  }
0x4ed: {  	_ =	swait.ge [sflag:s17], $0x4000  }
0x4ee: {  	[sflag:s17] =	ssyncset.done $0x0  }
0x4ef: {  	s30 =	simm.s32 $0x700;
	[sflag:s17] =	ssyncadd.s32 $0xFFFFC000  }
0x4f0: {  	[tilespmem:s13], [sflag:$0x2] =	stream.indirect.gather [hbm4b:s2+s12], $0x80, s30, s12, $0xb8;
	[tilespmem:$0x1F000] =	vst v63  }
0x4f1: {  	s30 =	simm.s32 $0x780  }
0x4f2: {  	[tilespmem:s14], [sflag:$0x2] =	stream.indirect.gather [hbm4b:s2+s12], $0x80, s30, s12, $0xb8;
	[tilespmem:$0x1F000] =	vst v63  }
0x4f3: {  	_ =	swait.ge [sflag:s15], $0x4000  }
0x4f4: {  	[sflag:s15] =	ssyncset.done $0x0  }
0x4f5: {  	s30 =	simm.s32 $0x1F00;
	[sflag:s15] =	ssyncadd.s32 $0xFFFFC000  }
0x4f6: {  	[spmem:s3] =	stream.indirect.scatter.add.f32 [tilespmem:s13], [sflag:$0x3], $0x80, s30, s12, $0xb8;
	[tilespmem:$0x1F000] =	vst v63  }
0x4f7: {  	_ =	swait.ge [sflag:s15], $0x4000  }
0x4f8: {  	[sflag:s15] =	ssyncset.done $0x0  }
0x4f9: {  	s30 =	simm.s32 $0x1F80;
	[sflag:s15] =	ssyncadd.s32 $0xFFFFC000  }
0x4fa: {  	[spmem:s3] =	stream.indirect.scatter.add.f32 [tilespmem:s14], [sflag:$0x3], $0x80, s30, s12, $0xb8;
	[tilespmem:$0x1F000] =	vst v63  }
0x4fb: {  	_ =	swait.ge [sflag:s17], $0x4000  }
0x4fc: {  	[sflag:s17] =	ssyncset.done $0x0  }
0x4fd: {  	[sflag:s17] =	ssyncadd.s32 $0xFFFFC000  }
0x4fe: {  	_ =	swait.ge [sflag:s17], $0x4000  }
0x4ff: {  	[sflag:s17] =	ssyncset.done $0x0  }
0x500: {  	s30 =	simm.s32 $0x800;
	[sflag:s17] =	ssyncadd.s32 $0xFFFFC000  }
0x501: {  	[tilespmem:s13], [sflag:$0x2] =	stream.indirect.gather [hbm4b:s2+s12], $0x80, s30, s12, $0xb8;
	[tilespmem:$0x1F000] =	vst v63  }
0x502: {  	s30 =	simm.s32 $0x880  }
0x503: {  	[tilespmem:s14], [sflag:$0x2] =	stream.indirect.gather [hbm4b:s2+s12], $0x80, s30, s12, $0xb8;
	[tilespmem:$0x1F000] =	vst v63  }
0x504: {  	_ =	swait.ge [sflag:s15], $0x4000  }
0x505: {  	[sflag:s15] =	ssyncset.done $0x0  }
0x506: {  	s30 =	simm.s32 $0x2000;
	[sflag:s15] =	ssyncadd.s32 $0xFFFFC000  }
0x507: {  	[spmem:s3] =	stream.indirect.scatter.add.f32 [tilespmem:s13], [sflag:$0x3], $0x80, s30, s12, $0xb8;
	[tilespmem:$0x1F000] =	vst v63  }
0x508: {  	_ =	swait.ge [sflag:s15], $0x4000  }
0x509: {  	[sflag:s15] =	ssyncset.done $0x0  }
0x50a: {  	s30 =	simm.s32 $0x2080;
	[sflag:s15] =	ssyncadd.s32 $0xFFFFC000  }
0x50b: {  	[spmem:s3] =	stream.indirect.scatter.add.f32 [tilespmem:s14], [sflag:$0x3], $0x80, s30, s12, $0xb8;
	[tilespmem:$0x1F000] =	vst v63  }
0x50c: {  	_ =	swait.ge [sflag:s17], $0x4000  }
0x50d: {  	[sflag:s17] =	ssyncset.done $0x0  }
0x50e: {  	[sflag:s17] =	ssyncadd.s32 $0xFFFFC000  }
0x50f: {  	_ =	swait.ge [sflag:s17], $0x4000  }
0x510: {  	[sflag:s17] =	ssyncset.done $0x0  }
0x511: {  	s30 =	simm.s32 $0x900;
	[sflag:s17] =	ssyncadd.s32 $0xFFFFC000  }
0x512: {  	[tilespmem:s13], [sflag:$0x2] =	stream.indirect.gather [hbm4b:s2+s12], $0x80, s30, s12, $0xb8;
	[tilespmem:$0x1F000] =	vst v63  }
0x513: {  	s30 =	simm.s32 $0x980  }
0x514: {  	[tilespmem:s14], [sflag:$0x2] =	stream.indirect.gather [hbm4b:s2+s12], $0x80, s30, s12, $0xb8;
	[tilespmem:$0x1F000] =	vst v63  }
0x515: {  	_ =	swait.ge [sflag:s15], $0x4000  }
0x516: {  	[sflag:s15] =	ssyncset.done $0x0  }
0x517: {  	s30 =	simm.s32 $0x2100;
	[sflag:s15] =	ssyncadd.s32 $0xFFFFC000  }
0x518: {  	[spmem:s3] =	stream.indirect.scatter.add.f32 [tilespmem:s13], [sflag:$0x3], $0x80, s30, s12, $0xb8;
	[tilespmem:$0x1F000] =	vst v63  }
0x519: {  	_ =	swait.ge [sflag:s15], $0x4000  }
0x51a: {  	[sflag:s15] =	ssyncset.done $0x0  }
0x51b: {  	s30 =	simm.s32 $0x2180;
	[sflag:s15] =	ssyncadd.s32 $0xFFFFC000  }
0x51c: {  	[spmem:s3] =	stream.indirect.scatter.add.f32 [tilespmem:s14], [sflag:$0x3], $0x80, s30, s12, $0xb8;
	[tilespmem:$0x1F000] =	vst v63  }
0x51d: {  	_ =	swait.ge [sflag:s17], $0x4000  }
0x51e: {  	[sflag:s17] =	ssyncset.done $0x0  }
0x51f: {  	[sflag:s17] =	ssyncadd.s32 $0xFFFFC000  }
0x520: {  	_ =	swait.ge [sflag:s17], $0x4000  }
0x521: {  	[sflag:s17] =	ssyncset.done $0x0  }
0x522: {  	[sflag:s17] =	ssyncadd.s32 $0xFFFFC000  }
0x523: {  	_ =	swait.ge [sflag:s9], $0xA00  }
0x524: {  	[sflag:s9] =	ssyncset.done $0x0  }
0x525: {  	[sflag:s9] =	ssyncadd.s32 $0xFFFFF600  }
0x526: {  	_ =	swait.ge [sflag:s9], $0xA00  }
0x527: {  	[sflag:s9] =	ssyncset.done $0x0  }
0x528: {  	[sflag:s9] =	ssyncadd.s32 $0xFFFFF600  }
0x529: {  	[tilespmem:s13], [sflag:$0x2] =	stream.indirect.gather [hbm4b:s2+s12], $0x80, s11, s12, $0xb8;
	[tilespmem:$0x1F000] =	vst v63  }
0x52a: {  	_ = 	snop  }
0x52b: {  	[tilespmem:s14], [sflag:$0x2] =	stream.indirect.gather [hbm4b:s2+s12], $0x80, s5, s12, $0xb8;
	[tilespmem:$0x1F000] =	vst v63  }
0x52c: {  	_ =	swait.ge [sflag:s15], $0x4000  }
0x52d: {  	[sflag:s15] =	ssyncset.done $0x0  }
0x52e: {  	[sflag:s15] =	ssyncadd.s32 $0xFFFFC000  }
0x52f: {  	[spmem:s3] =	stream.indirect.scatter.add.f32 [tilespmem:s13], [sflag:$0x3], $0x80, s6, s12, $0xb8;
	[tilespmem:$0x1F000] =	vst v63  }
0x530: {  	_ =	swait.ge [sflag:s15], $0x4000  }
0x531: {  	[sflag:s15] =	ssyncset.done $0x0  }
0x532: {  	[sflag:s15] =	ssyncadd.s32 $0xFFFFC000  }
0x533: {  	[spmem:s3] =	stream.indirect.scatter.add.f32 [tilespmem:s14], [sflag:$0x3], $0x80, s16, s12, $0xb8;
	[tilespmem:$0x1F000] =	vst v63  }
0x534: {  	_ =	swait.ge [sflag:s17], $0x4000  }
0x535: {  	[sflag:s17] =	ssyncset.done $0x0  }
0x536: {  	[sflag:s17] =	ssyncadd.s32 $0xFFFFC000  }
0x537: {  	_ =	swait.ge [sflag:s17], $0x4000  }
0x538: {  	[sflag:s17] =	ssyncset.done $0x0  }
0x539: {  	[sflag:s17] =	ssyncadd.s32 $0xFFFFC000  }
0x53a: {  	[tilespmem:s13], [sflag:$0x2] =	stream.indirect.gather [hbm4b:s2+s12], $0x80, s18, s12, $0xb8;
	[tilespmem:$0x1F000] =	vst v63  }
0x53b: {  	_ = 	snop  }
0x53c: {  	[tilespmem:s14], [sflag:$0x2] =	stream.indirect.gather [hbm4b:s2+s12], $0x80, s19, s12, $0xb8;
	[tilespmem:$0x1F000] =	vst v63  }
0x53d: {  	_ =	swait.ge [sflag:s15], $0x4000  }
0x53e: {  	[sflag:s15] =	ssyncset.done $0x0  }
0x53f: {  	[sflag:s15] =	ssyncadd.s32 $0xFFFFC000  }
0x540: {  	[spmem:s3] =	stream.indirect.scatter.add.f32 [tilespmem:s13], [sflag:$0x3], $0x80, s20, s12, $0xb8;
	[tilespmem:$0x1F000] =	vst v63  }
0x541: {  	_ =	swait.ge [sflag:s15], $0x4000  }
0x542: {  	[sflag:s15] =	ssyncset.done $0x0  }
0x543: {  	[sflag:s15] =	ssyncadd.s32 $0xFFFFC000  }
0x544: {  	[spmem:s3] =	stream.indirect.scatter.add.f32 [tilespmem:s14], [sflag:$0x3], $0x80, s21, s12, $0xb8;
	[tilespmem:$0x1F000] =	vst v63  }
0x545: {  	_ =	swait.ge [sflag:s17], $0x4000  }
0x546: {  	[sflag:s17] =	ssyncset.done $0x0  }
0x547: {  	[sflag:s17] =	ssyncadd.s32 $0xFFFFC000  }
0x548: {  	_ =	swait.ge [sflag:s17], $0x4000  }
0x549: {  	[sflag:s17] =	ssyncset.done $0x0  }
0x54a: {  	[sflag:s17] =	ssyncadd.s32 $0xFFFFC000  }
0x54b: {  	[tilespmem:s13], [sflag:$0x2] =	stream.indirect.gather [hbm4b:s2+s12], $0x80, s22, s12, $0xb8;
	[tilespmem:$0x1F000] =	vst v63  }
0x54c: {  	_ = 	snop  }
0x54d: {  	[tilespmem:s14], [sflag:$0x2] =	stream.indirect.gather [hbm4b:s2+s12], $0x80, s23, s12, $0xb8;
	[tilespmem:$0x1F000] =	vst v63  }
0x54e: {  	_ =	swait.ge [sflag:s15], $0x4000  }
0x54f: {  	[sflag:s15] =	ssyncset.done $0x0  }
0x550: {  	[sflag:s15] =	ssyncadd.s32 $0xFFFFC000  }
0x551: {  	[spmem:s3] =	stream.indirect.scatter.add.f32 [tilespmem:s13], [sflag:$0x3], $0x80, s24, s12, $0xb8;
	[tilespmem:$0x1F000] =	vst v63  }
0x552: {  	_ =	swait.ge [sflag:s15], $0x4000  }
0x553: {  	[sflag:s15] =	ssyncset.done $0x0  }
0x554: {  	[sflag:s15] =	ssyncadd.s32 $0xFFFFC000  }
0x555: {  	[spmem:s3] =	stream.indirect.scatter.add.f32 [tilespmem:s14], [sflag:$0x3], $0x80, s25, s12, $0xb8;
	[tilespmem:$0x1F000] =	vst v63  }
0x556: {  	_ =	swait.ge [sflag:s17], $0x4000  }
0x557: {  	[sflag:s17] =	ssyncset.done $0x0  }
0x558: {  	[sflag:s17] =	ssyncadd.s32 $0xFFFFC000  }
0x559: {  	_ =	swait.ge [sflag:s17], $0x4000  }
0x55a: {  	[sflag:s17] =	ssyncset.done $0x0  }
0x55b: {  	[sflag:s17] =	ssyncadd.s32 $0xFFFFC000  }
0x55c: {  	[tilespmem:s13], [sflag:$0x2] =	stream.indirect.gather [hbm4b:s2+s12], $0x80, s26, s12, $0xb8;
	[tilespmem:$0x1F000] =	vst v63  }
0x55d: {  	_ = 	snop  }
0x55e: {  	[tilespmem:s14], [sflag:$0x2] =	stream.indirect.gather [hbm4b:s2+s12], $0x80, s28, s12, $0xb8;
	[tilespmem:$0x1F000] =	vst v63  }
0x55f: {  	_ =	swait.ge [sflag:s15], $0x4000  }
0x560: {  	[sflag:s15] =	ssyncset.done $0x0  }
0x561: {  	[sflag:s15] =	ssyncadd.s32 $0xFFFFC000  }
0x562: {  	[spmem:s3] =	stream.indirect.scatter.add.f32 [tilespmem:s13], [sflag:$0x3], $0x80, s31, s12, $0xb8;
	[tilespmem:$0x1F000] =	vst v63  }
0x563: {  	_ =	swait.ge [sflag:s15], $0x4000  }
0x564: {  	[sflag:s15] =	ssyncset.done $0x0  }
0x565: {  	s30 =	simm.s32 $0x2780;
	[sflag:s15] =	ssyncadd.s32 $0xFFFFC000  }
0x566: {  	[spmem:s3] =	stream.indirect.scatter.add.f32 [tilespmem:s14], [sflag:$0x3], $0x80, s30, s12, $0xb8;
	[tilespmem:$0x1F000] =	vst v63  }
0x567: {  	_ =	swait.ge [sflag:s17], $0x4000  }
0x568: {  	[sflag:s17] =	ssyncset.done $0x0  }
0x569: {  	[sflag:s17] =	ssyncadd.s32 $0xFFFFC000  }
0x56a: {  	_ =	swait.ge [sflag:s17], $0x4000  }
0x56b: {  	[sflag:s17] =	ssyncset.done $0x0  }
0x56c: {  	s31 =	simm.s32 $0x1000;
	[sflag:s17] =	ssyncadd.s32 $0xFFFFC000  }
0x56d: {  	[tilespmem:s13], [sflag:$0x2] =	stream.indirect.gather [hbm4b:s2+s12], $0x80, s31, s12, $0xb8;
	[tilespmem:$0x1F000] =	vst v63  }
0x56e: {  	s30 =	simm.s32 $0x1080  }
0x56f: {  	[tilespmem:s14], [sflag:$0x2] =	stream.indirect.gather [hbm4b:s2+s12], $0x80, s30, s12, $0xb8;
	[tilespmem:$0x1F000] =	vst v63  }
0x570: {  	_ =	swait.ge [sflag:s15], $0x4000  }
0x571: {  	[sflag:s15] =	ssyncset.done $0x0  }
0x572: {  	s31 =	simm.s32 $0x2800;
	[sflag:s15] =	ssyncadd.s32 $0xFFFFC000  }
0x573: {  	[spmem:s3] =	stream.indirect.scatter.add.f32 [tilespmem:s13], [sflag:$0x3], $0x80, s31, s12, $0xb8;
	[tilespmem:$0x1F000] =	vst v63  }
0x574: {  	_ =	swait.ge [sflag:s15], $0x4000  }
0x575: {  	[sflag:s15] =	ssyncset.done $0x0  }
0x576: {  	s30 =	simm.s32 $0x2880;
	[sflag:s15] =	ssyncadd.s32 $0xFFFFC000  }
0x577: {  	[spmem:s3] =	stream.indirect.scatter.add.f32 [tilespmem:s14], [sflag:$0x3], $0x80, s30, s12, $0xb8;
	[tilespmem:$0x1F000] =	vst v63  }
0x578: {  	_ =	swait.ge [sflag:s17], $0x4000  }
0x579: {  	[sflag:s17] =	ssyncset.done $0x0  }
0x57a: {  	[sflag:s17] =	ssyncadd.s32 $0xFFFFC000  }
0x57b: {  	_ =	swait.ge [sflag:s17], $0x4000  }
0x57c: {  	[sflag:s17] =	ssyncset.done $0x0  }
0x57d: {  	s31 =	simm.s32 $0x1100;
	[sflag:s17] =	ssyncadd.s32 $0xFFFFC000  }
0x57e: {  	[tilespmem:s13], [sflag:$0x2] =	stream.indirect.gather [hbm4b:s2+s12], $0x80, s31, s12, $0xb8;
	[tilespmem:$0x1F000] =	vst v63  }
0x57f: {  	s30 =	simm.s32 $0x1180  }
0x580: {  	[tilespmem:s14], [sflag:$0x2] =	stream.indirect.gather [hbm4b:s2+s12], $0x80, s30, s12, $0xb8;
	[tilespmem:$0x1F000] =	vst v63  }
0x581: {  	_ =	swait.ge [sflag:s15], $0x4000  }
0x582: {  	[sflag:s15] =	ssyncset.done $0x0  }
0x583: {  	s31 =	simm.s32 $0x2900;
	[sflag:s15] =	ssyncadd.s32 $0xFFFFC000  }
0x584: {  	[spmem:s3] =	stream.indirect.scatter.add.f32 [tilespmem:s13], [sflag:$0x3], $0x80, s31, s12, $0xb8;
	[tilespmem:$0x1F000] =	vst v63  }
0x585: {  	_ =	swait.ge [sflag:s15], $0x4000  }
0x586: {  	[sflag:s15] =	ssyncset.done $0x0  }
0x587: {  	s30 =	simm.s32 $0x2980;
	[sflag:s15] =	ssyncadd.s32 $0xFFFFC000  }
0x588: {  	[spmem:s3] =	stream.indirect.scatter.add.f32 [tilespmem:s14], [sflag:$0x3], $0x80, s30, s12, $0xb8;
	[tilespmem:$0x1F000] =	vst v63  }
0x589: {  	_ =	swait.ge [sflag:s17], $0x4000  }
0x58a: {  	[sflag:s17] =	ssyncset.done $0x0  }
0x58b: {  	[sflag:s17] =	ssyncadd.s32 $0xFFFFC000  }
0x58c: {  	_ =	swait.ge [sflag:s17], $0x4000  }
0x58d: {  	[sflag:s17] =	ssyncset.done $0x0  }
0x58e: {  	s31 =	simm.s32 $0x1200;
	[sflag:s17] =	ssyncadd.s32 $0xFFFFC000  }
0x58f: {  	[tilespmem:s13], [sflag:$0x2] =	stream.indirect.gather [hbm4b:s2+s12], $0x80, s31, s12, $0xb8;
	[tilespmem:$0x1F000] =	vst v63  }
0x590: {  	s30 =	simm.s32 $0x1280  }
0x591: {  	[tilespmem:s14], [sflag:$0x2] =	stream.indirect.gather [hbm4b:s2+s12], $0x80, s30, s12, $0xb8;
	[tilespmem:$0x1F000] =	vst v63  }
0x592: {  	_ =	swait.ge [sflag:s15], $0x4000  }
0x593: {  	[sflag:s15] =	ssyncset.done $0x0  }
0x594: {  	s31 =	simm.s32 $0x2A00;
	[sflag:s15] =	ssyncadd.s32 $0xFFFFC000  }
0x595: {  	[spmem:s3] =	stream.indirect.scatter.add.f32 [tilespmem:s13], [sflag:$0x3], $0x80, s31, s12, $0xb8;
	[tilespmem:$0x1F000] =	vst v63  }
0x596: {  	_ =	swait.ge [sflag:s15], $0x4000  }
0x597: {  	[sflag:s15] =	ssyncset.done $0x0  }
0x598: {  	s30 =	simm.s32 $0x2A80;
	[sflag:s15] =	ssyncadd.s32 $0xFFFFC000  }
0x599: {  	[spmem:s3] =	stream.indirect.scatter.add.f32 [tilespmem:s14], [sflag:$0x3], $0x80, s30, s12, $0xb8;
	[tilespmem:$0x1F000] =	vst v63  }
0x59a: {  	_ =	swait.ge [sflag:s17], $0x4000  }
0x59b: {  	[sflag:s17] =	ssyncset.done $0x0  }
0x59c: {  	[sflag:s17] =	ssyncadd.s32 $0xFFFFC000  }
0x59d: {  	_ =	swait.ge [sflag:s17], $0x4000  }
0x59e: {  	[sflag:s17] =	ssyncset.done $0x0  }
0x59f: {  	s31 =	simm.s32 $0x1300;
	[sflag:s17] =	ssyncadd.s32 $0xFFFFC000  }
0x5a0: {  	[tilespmem:s13], [sflag:$0x2] =	stream.indirect.gather [hbm4b:s2+s12], $0x80, s31, s12, $0xb8;
	[tilespmem:$0x1F000] =	vst v63  }
0x5a1: {  	s30 =	simm.s32 $0x1380  }
0x5a2: {  	[tilespmem:s14], [sflag:$0x2] =	stream.indirect.gather [hbm4b:s2+s12], $0x80, s30, s12, $0xb8;
	[tilespmem:$0x1F000] =	vst v63  }
0x5a3: {  	_ =	swait.ge [sflag:s15], $0x4000  }
0x5a4: {  	[sflag:s15] =	ssyncset.done $0x0  }
0x5a5: {  	s31 =	simm.s32 $0x2B00;
	[sflag:s15] =	ssyncadd.s32 $0xFFFFC000  }
0x5a6: {  	[spmem:s3] =	stream.indirect.scatter.add.f32 [tilespmem:s13], [sflag:$0x3], $0x80, s31, s12, $0xb8;
	[tilespmem:$0x1F000] =	vst v63  }
0x5a7: {  	_ =	swait.ge [sflag:s15], $0x4000  }
0x5a8: {  	[sflag:s15] =	ssyncset.done $0x0  }
0x5a9: {  	s30 =	simm.s32 $0x2B80;
	[sflag:s15] =	ssyncadd.s32 $0xFFFFC000  }
0x5aa: {  	[spmem:s3] =	stream.indirect.scatter.add.f32 [tilespmem:s14], [sflag:$0x3], $0x80, s30, s12, $0xb8;
	[tilespmem:$0x1F000] =	vst v63  }
0x5ab: {  	_ =	swait.ge [sflag:s17], $0x4000  }
0x5ac: {  	[sflag:s17] =	ssyncset.done $0x0  }
0x5ad: {  	[sflag:s17] =	ssyncadd.s32 $0xFFFFC000  }
0x5ae: {  	_ =	swait.ge [sflag:s17], $0x4000  }
0x5af: {  	[sflag:s17] =	ssyncset.done $0x0  }
0x5b0: {  	s31 =	simm.s32 $0x1400;
	[sflag:s17] =	ssyncadd.s32 $0xFFFFC000  }
0x5b1: {  	[tilespmem:s13], [sflag:$0x2] =	stream.indirect.gather [hbm4b:s2+s12], $0x80, s31, s12, $0xb8;
	[tilespmem:$0x1F000] =	vst v63  }
0x5b2: {  	s30 =	simm.s32 $0x1480  }
0x5b3: {  	[tilespmem:s14], [sflag:$0x2] =	stream.indirect.gather [hbm4b:s2+s12], $0x80, s30, s12, $0xb8;
	[tilespmem:$0x1F000] =	vst v63  }
0x5b4: {  	_ =	swait.ge [sflag:s15], $0x4000  }
0x5b5: {  	[sflag:s15] =	ssyncset.done $0x0  }
0x5b6: {  	s31 =	simm.s32 $0x2C00;
	[sflag:s15] =	ssyncadd.s32 $0xFFFFC000  }
0x5b7: {  	[spmem:s3] =	stream.indirect.scatter.add.f32 [tilespmem:s13], [sflag:$0x3], $0x80, s31, s12, $0xb8;
	[tilespmem:$0x1F000] =	vst v63  }
0x5b8: {  	_ =	swait.ge [sflag:s15], $0x4000  }
0x5b9: {  	[sflag:s15] =	ssyncset.done $0x0  }
0x5ba: {  	s30 =	simm.s32 $0x2C80;
	[sflag:s15] =	ssyncadd.s32 $0xFFFFC000  }
0x5bb: {  	[spmem:s3] =	stream.indirect.scatter.add.f32 [tilespmem:s14], [sflag:$0x3], $0x80, s30, s12, $0xb8;
	[tilespmem:$0x1F000] =	vst v63  }
0x5bc: {  	_ =	swait.ge [sflag:s17], $0x4000  }
0x5bd: {  	[sflag:s17] =	ssyncset.done $0x0  }
0x5be: {  	[sflag:s17] =	ssyncadd.s32 $0xFFFFC000  }
0x5bf: {  	_ =	swait.ge [sflag:s17], $0x4000  }
0x5c0: {  	[sflag:s17] =	ssyncset.done $0x0  }
0x5c1: {  	s31 =	simm.s32 $0x1500;
	[sflag:s17] =	ssyncadd.s32 $0xFFFFC000  }
0x5c2: {  	[tilespmem:s13], [sflag:$0x2] =	stream.indirect.gather [hbm4b:s2+s12], $0x80, s31, s12, $0xb8;
	[tilespmem:$0x1F000] =	vst v63  }
0x5c3: {  	s30 =	simm.s32 $0x1580  }
0x5c4: {  	[tilespmem:s14], [sflag:$0x2] =	stream.indirect.gather [hbm4b:s2+s12], $0x80, s30, s12, $0xb8;
	[tilespmem:$0x1F000] =	vst v63  }
0x5c5: {  	_ =	swait.ge [sflag:s15], $0x4000  }
0x5c6: {  	[sflag:s15] =	ssyncset.done $0x0  }
0x5c7: {  	s31 =	simm.s32 $0x2D00;
	[sflag:s15] =	ssyncadd.s32 $0xFFFFC000  }
0x5c8: {  	[spmem:s3] =	stream.indirect.scatter.add.f32 [tilespmem:s13], [sflag:$0x3], $0x80, s31, s12, $0xb8;
	[tilespmem:$0x1F000] =	vst v63  }
0x5c9: {  	_ =	swait.ge [sflag:s15], $0x4000  }
0x5ca: {  	[sflag:s15] =	ssyncset.done $0x0  }
0x5cb: {  	s30 =	simm.s32 $0x2D80;
	[sflag:s15] =	ssyncadd.s32 $0xFFFFC000  }
0x5cc: {  	[spmem:s3] =	stream.indirect.scatter.add.f32 [tilespmem:s14], [sflag:$0x3], $0x80, s30, s12, $0xb8;
	[tilespmem:$0x1F000] =	vst v63  }
0x5cd: {  	_ =	swait.ge [sflag:s17], $0x4000  }
0x5ce: {  	[sflag:s17] =	ssyncset.done $0x0  }
0x5cf: {  	[sflag:s17] =	ssyncadd.s32 $0xFFFFC000  }
0x5d0: {  	_ =	swait.ge [sflag:s17], $0x4000  }
0x5d1: {  	p0 =	sne.s32 s29, $0x1;
	[sflag:s17] =	ssyncset.done $0x0  }
.Ltmp1:
0x5d2: {  	[sflag:s17] =	ssyncadd.s32 $0xFFFFC000;
	(pc) =	sbr.rel @p0 .LBB2_2-.Ltmp1, $4  }
0x5d3: {  	[bflag:$0x0] =	sbarrier.arrive $0xFFFF  }
0x5d4: {  	s31 =	rddreg [dreg:$0xd]  }
0x5d5: {  	[hbm:s31], [sflag:s7] =	dma.local [spmem:s10], $0x2800  }
0x5d6: {  	s29 =	sadd.s32 $0xFFFFFFFF, s29;
	_ =	swait.ge [sflag:s1], $0x2800  }
.LBB2_3:
0x5d7: {  	s0 =	simm.s32 $0x4  }
0x5d8: {  	[sflag:s0] =	ssyncset.done $0x0  }
0x5d9: {  	[sflag:s0] =	ssyncadd.s32 $0xFFFFD800  }
0x5da: {  	_ =	sfence.sel $0x180000  }
0x5db: {  	[bflag:$0x0] =	sbarrier.arrive $0xFFFF  }
0x5dc: {  	_ =	strace $0x90000047  }
0x5dd: {  	s31 =	stileid.u32;
	[bflag:$0x2] =	sbarrier.arrive $0xFFFF  }
0x5de: {  	p0 =	sne.s32 s31, $0x0;
	s0 =	rddreg [dreg:$0x3]  }
0x5df: {  	s0 =	sadd.s32 @!p0 $0x100000, s0  }
0x5e0: {  	[sflag:s0] =	ssyncadd.tile.s32 @!p0 $0x1;
	_ =	shalt  }
.Lfunc_end2:
_tile_overlayer_lowered:
.L_overlay_start_2:
0x5e1: {  	(tag) =	ssettag $0x2  }
0x5e2: {  	s0 =	rddreg [dreg:$0x0];
	s2 =	stileid.u32  }
0x5e3: {  	s1 =	rddreg [dreg:$0x1];
	p0 =	sne.s32 s2, $0x0  }
0x5e4: {  	s3 =	rddreg [dreg:$0x2];
	[bflag:$0x3] =	sbarrier.arrive $0xFFFF;
	s2 =	simm.s32 @!p0 $0x1C04  }
0x5e5: {  	[timem:s3], [sflag:s2] =	dma.local @!p0 [hbm:s0], s1  }
0x5e6: {  	s0 =	simm.s32 @!p0 $0x4  }
0x5e7: {  	_ =	swait.ge @!p0 [sflag:s0], s1  }
0x5e8: {  	s1 =	ssub.s32 @!p0 $0x0, s1;
	[sflag:s0] =	ssyncset.done @!p0 $0x0  }
0x5e9: {  	[sflag:s0] =	ssyncadd.s32 @!p0 s1  }
0x5ea: {  	[bflag:$0x3] =	sbarrier.arrive $0xFFFF  }
0x5eb: {  	_ =	shalt  }

</sc_bundles>
